<compile_context>
chip_gen: v7x
topology: tpu7x:2x2x1
jax: 0.10.2.dev20260603
libtpu: 0.0.44.dev20260713+nightly
codegen_flags: <defaults>
</compile_context>

<pallas_src>
import functools

import jax
import jax.numpy as jnp
from jax import lax
from jax.experimental import pallas as pl
from jax.experimental.pallas import tpu as pltpu
from jax.experimental.pallas import tpu_sc as plsc

K = 50
CLUSTER_TEMP = 30.0
N = 10000
NFEAT = 256
NHID = 512
NOUT = 128

NC, NS, L = 2, 16, 16
CHUNK = 128
NACC = 10240
ROWS_PER_TILE = NACC // NS


def _sc_mesh():
    return plsc.VectorSubcoreMesh(
        core_axis_name="c", subcore_axis_name="s", num_cores=NC, num_subcores=NS)


def _sc_degree(dst3):
    nch = dst3.shape[1]

    @functools.partial(
        pl.kernel,
        out_type=jax.ShapeDtypeStruct((NC, NACC), jnp.float32),
        mesh=_sc_mesh(),
        scratch_types=[
            pltpu.VMEM((nch, CHUNK), jnp.int32),
            pltpu.VMEM((CHUNK,), jnp.float32),
            pltpu.VMEM((ROWS_PER_TILE,), jnp.float32),
            pltpu.VMEM_SHARED((NACC,), jnp.float32),
        ],
    )
    def deg_kernel(dst_hbm, out_hbm, dst_v, ones_v, zer_v, hist_sh):
        c = lax.axis_index("c")
        s = lax.axis_index("s")
        tid = c * NS + s
        pltpu.sync_copy(dst_hbm.at[tid], dst_v)
        ones16 = jnp.ones((L,), jnp.float32)
        for i in range(CHUNK // L):
            ones_v[pl.ds(i * L, L)] = ones16
        z16 = jnp.zeros((L,), jnp.float32)
        for i in range(ROWS_PER_TILE // L):
            zer_v[pl.ds(i * L, L)] = z16
        pltpu.sync_copy(zer_v, hist_sh.at[pl.ds(s * ROWS_PER_TILE, ROWS_PER_TILE)])
        plsc.subcore_barrier()

        def body(j, carry):
            pltpu.sync_copy(ones_v, hist_sh.at[dst_v.at[j]], add=True)
            return carry

        lax.fori_loop(0, nch, body, 0)
        plsc.subcore_barrier()
        pltpu.sync_copy(
            hist_sh.at[pl.ds(s * ROWS_PER_TILE, ROWS_PER_TILE)],
            out_hbm.at[c].at[pl.ds(s * ROWS_PER_TILE, ROWS_PER_TILE)])

    return deg_kernel(dst3)


_GRP = 8


def _sc_aggregate(table2, src3, dst3, edge_split=False, nblk=None):
    cb = table2.shape[-1]
    nch = src3.shape[1]
    if nblk is None:
        nblk = NC
    npass = 1 if edge_split else nblk // NC
    ngrp = nch // _GRP
    zrows = ROWS_PER_TILE // CHUNK

    @functools.partial(
        pl.kernel,
        out_type=jax.ShapeDtypeStruct((nblk, NACC, cb), jnp.float32),
        mesh=_sc_mesh(),
        scratch_types=[
            pltpu.VMEM((_GRP, CHUNK), jnp.int32),
            pltpu.VMEM((_GRP, CHUNK), jnp.int32),
            pltpu.VMEM((2, CHUNK, cb), jnp.float32),
            pltpu.VMEM_SHARED((NACC, cb), jnp.float32),
            pltpu.SemaphoreType.DMA((2,)),
        ],
    )
    def agg_kernel(tab_hbm, src_hbm, dst_hbm, out_hbm, src_v, dst_v, rows_v,
                   acc_sh, sems):
        c = lax.axis_index("c")
        s = lax.axis_index("s")

        if edge_split:
            my_src = src_hbm.at[c * NS + s]
            my_dst = dst_hbm.at[c * NS + s]
        else:
            my_src = src_hbm.at[s]
            my_dst = dst_hbm.at[s]

        z16 = jnp.zeros((L,), jnp.float32)

        for p in range(npass):
            blk = c if npass == 1 else c * npass + p
            tab = tab_hbm if edge_split else tab_hbm.at[blk]

            def zbody(i, carry):
                for u in range(cb // L):
                    rows_v[0, i, pl.ds(u * L, L)] = z16
                return carry

            lax.fori_loop(0, CHUNK, zbody, 0)
            for z in range(zrows):
                pltpu.sync_copy(
                    rows_v.at[0],
                    acc_sh.at[pl.ds((s * zrows + z) * CHUNK, CHUNK)])
            plsc.subcore_barrier()

            def grp(g, carry):
                pltpu.sync_copy(my_src.at[pl.ds(g * _GRP, _GRP)], src_v)
                pltpu.sync_copy(my_dst.at[pl.ds(g * _GRP, _GRP)], dst_v)
                pltpu.async_copy(tab.at[src_v.at[0]], rows_v.at[0], sems.at[0])

                def body(j, carry2):
                    for b in (0, 1):
                        @pl.when(j % 2 == b)
                        def _():
                            pltpu.make_async_copy(
                                tab.at[src_v.at[j]], rows_v.at[b],
                                sems.at[b]).wait()

                            @pl.when(j + 1 < _GRP)
                            def _():
                                pltpu.async_copy(
                                    tab.at[src_v.at[j + 1]], rows_v.at[1 - b],
                                    sems.at[1 - b])

                            pltpu.sync_copy(rows_v.at[b],
                                            acc_sh.at[dst_v.at[j]], add=True)
                    return carry2

                lax.fori_loop(0, _GRP, body, 0)
                return carry

            lax.fori_loop(0, ngrp, grp, 0)
            plsc.subcore_barrier()
            pltpu.sync_copy(
                acc_sh.at[pl.ds(s * ROWS_PER_TILE, ROWS_PER_TILE)],
                out_hbm.at[blk].at[pl.ds(s * ROWS_PER_TILE, ROWS_PER_TILE)])

    return agg_kernel(table2, src3, dst3)


_ROWB = 1024
_NBLK1 = NHID // CHUNK


def _tca_body(degp_ref, x_ref, w1_ref, dinv_ref, xw_ref, xws_ref):
    deg = degp_ref[:, 0:1] + degp_ref[:, 1:2] + 1.0
    dinv = lax.rsqrt(deg)
    dinv_ref[...] = dinv
    xw = jnp.dot(x_ref[...], w1_ref[...], preferred_element_type=jnp.float32)
    xw_ref[...] = xw
    xws = dinv * xw
    for p in range(_NBLK1):
        xws_ref[p] = xws[:, p * CHUNK:(p + 1) * CHUNK]


def _tc_prescale(degp_t, x_pad, W1):
    ng = NACC // _ROWB
    return pl.pallas_call(
        _tca_body,
        grid=(ng,),
        in_specs=[
            pl.BlockSpec((_ROWB, NC), lambda i: (i, 0)),
            pl.BlockSpec((_ROWB, NFEAT), lambda i: (i, 0)),
            pl.BlockSpec((NFEAT, NHID), lambda i: (0, 0)),
        ],
        out_specs=(
            pl.BlockSpec((_ROWB, 1), lambda i: (i, 0)),
            pl.BlockSpec((_ROWB, NHID), lambda i: (i, 0)),
            pl.BlockSpec((_NBLK1, _ROWB, CHUNK), lambda i: (0, i, 0)),
        ),
        out_shape=(
            jax.ShapeDtypeStruct((NACC, 1), jnp.float32),
            jax.ShapeDtypeStruct((NACC, NHID), jnp.float32),
            jax.ShapeDtypeStruct((_NBLK1, NACC, CHUNK), jnp.float32),
        ),
    )(degp_t, x_pad, W1)


def _tcb_body(a1_ref, xw_ref, dinv_ref, b1_ref, w2_ref, hs_ref, hw_ref):
    dinv = dinv_ref[...]
    a1 = jnp.concatenate([a1_ref[p] for p in range(_NBLK1)], axis=1)
    t = dinv * a1 + (dinv * dinv) * xw_ref[...] + b1_ref[...]
    h = jax.nn.relu(t)
    hw = jnp.dot(h, w2_ref[...], preferred_element_type=jnp.float32)
    hw_ref[...] = hw
    hs_ref[...] = dinv * hw


def _tc_dense(a1, xw, dinv, b1, W2):
    ng = NACC // _ROWB
    return pl.pallas_call(
        _tcb_body,
        grid=(ng,),
        in_specs=[
            pl.BlockSpec((_NBLK1, _ROWB, CHUNK), lambda i: (0, i, 0)),
            pl.BlockSpec((_ROWB, NHID), lambda i: (i, 0)),
            pl.BlockSpec((_ROWB, 1), lambda i: (i, 0)),
            pl.BlockSpec((1, NHID), lambda i: (0, 0)),
            pl.BlockSpec((NHID, NOUT), lambda i: (0, 0)),
        ],
        out_specs=(
            pl.BlockSpec((_ROWB, NOUT), lambda i: (i, 0)),
            pl.BlockSpec((_ROWB, NOUT), lambda i: (i, 0)),
        ),
        out_shape=(
            jax.ShapeDtypeStruct((NACC, NOUT), jnp.float32),
            jax.ShapeDtypeStruct((NACC, NOUT), jnp.float32),
        ),
    )(a1, xw, dinv, b1, W2)


def _tcc0_body(a2_ref, hw_ref, dinv_ref, b2_ref, emb_ref):
    dinv = dinv_ref[...]
    a2 = a2_ref[0] + a2_ref[1]
    emb_ref[...] = dinv * a2 + (dinv * dinv) * hw_ref[...] + b2_ref[...]


def _tc_embeds(a2p, hw, dinv, b2):
    blk = 2000
    return pl.pallas_call(
        _tcc0_body,
        grid=(N // blk,),
        in_specs=[
            pl.BlockSpec((NC, blk, NOUT), lambda i: (0, i, 0)),
            pl.BlockSpec((blk, NOUT), lambda i: (i, 0)),
            pl.BlockSpec((blk, 1), lambda i: (i, 0)),
            pl.BlockSpec((1, NOUT), lambda i: (0, 0)),
        ],
        out_specs=pl.BlockSpec((blk, NOUT), lambda i: (i, 0)),
        out_shape=jax.ShapeDtypeStruct((N, NOUT), jnp.float32),
    )(a2p, hw, dinv, b2)


def _tcc_body(nit_ref, emb_in_ref, mu_ref, r_ref, dist_ref):
    embeds = emb_in_ref[...]

    norm = jnp.sqrt(jnp.sum(embeds * embeds, axis=1, keepdims=True))
    data = embeds / norm

    rows_iota = lax.broadcasted_iota(jnp.int32, (N, 1), 0)
    k_iota = lax.broadcasted_iota(jnp.int32, (K, 1), 0)
    c0 = data[0:1, :]
    diff = data - c0
    min_d0 = jnp.sum(diff * diff, axis=1, keepdims=True)
    mu0 = jnp.where(k_iota == 0, c0, jnp.zeros((K, NOUT), jnp.float32))

    def init_body(i, carry):
        mu, min_d = carry
        m = jnp.max(min_d)
        idx = jnp.min(jnp.where(min_d == m, rows_iota, N))
        sel = (rows_iota == idx).astype(jnp.float32)
        ci = jnp.sum(sel * data, axis=0, keepdims=True)
        mu = jnp.where(k_iota == i, ci, mu)
        d = data - ci
        min_d = jnp.minimum(min_d, jnp.sum(d * d, axis=1, keepdims=True))
        return mu, min_d

    mu, _ = lax.fori_loop(1, K, init_body, (mu0, min_d0))

    def body(_, mu):
        dist = lax.dot_general(data, mu, (((1,), (1,)), ((), ())),
                               preferred_element_type=jnp.float32)
        zmax = jnp.max(CLUSTER_TEMP * dist, axis=1, keepdims=True)
        e = jnp.exp(CLUSTER_TEMP * dist - zmax)
        r = e / jnp.sum(e, axis=1, keepdims=True)
        cluster_r = jnp.sum(r, axis=0, keepdims=True)
        cluster_mean = lax.dot_general(r, data, (((0,), (0,)), ((), ())),
                                       preferred_element_type=jnp.float32)
        return cluster_mean / cluster_r.T

    mu = lax.fori_loop(0, nit_ref[0], body, mu)
    dist = lax.dot_general(data, mu, (((1,), (1,)), ((), ())),
                           preferred_element_type=jnp.float32)
    zmax = jnp.max(CLUSTER_TEMP * dist, axis=1, keepdims=True)
    e = jnp.exp(CLUSTER_TEMP * dist - zmax)
    r = e / jnp.sum(e, axis=1, keepdims=True)
    mu_ref[...] = mu
    r_ref[...] = r
    dist_ref[...] = dist


def _tc_cluster(num_iter, embeds):
    return pl.pallas_call(
        _tcc_body,
        in_specs=[
            pl.BlockSpec(memory_space=pltpu.SMEM),
            pl.BlockSpec(),
        ],
        out_shape=(
            jax.ShapeDtypeStruct((K, NOUT), jnp.float32),
            jax.ShapeDtypeStruct((N, K), jnp.float32),
            jax.ShapeDtypeStruct((N, K), jnp.float32),
        ),
    )(num_iter, embeds)


def kernel(x, edge_index, num_iter, W1, b1, W2, b2):
    src = edge_index[0].astype(jnp.int32)
    dst = edge_index[1].astype(jnp.int32)
    e = src.shape[0]
    ep = NC * NS * ((e + NC * NS * CHUNK - 1) // (NC * NS * CHUNK)) * CHUNK
    pad = ep - e
    src_p = jnp.concatenate([src, jnp.zeros((pad,), jnp.int32)])
    dst_p = jnp.concatenate([dst, jnp.full((pad,), N, jnp.int32)])
    dst_deg = dst_p.reshape(NC * NS, -1, CHUNK)
    src_agg = src_p.reshape(NS, -1, CHUNK)
    dst_agg = dst_p.reshape(NS, -1, CHUNK)
    src_half = src_p.reshape(NC * NS, -1, CHUNK)
    dst_half = dst_p.reshape(NC * NS, -1, CHUNK)

    x_pad = jnp.concatenate(
        [x, jnp.zeros((NACC - N, x.shape[1]), x.dtype)], axis=0)

    degp = _sc_degree(dst_deg)
    dinv, xw, xws4 = _tc_prescale(degp.T, x_pad, W1)
    a1 = _sc_aggregate(xws4, src_agg, dst_agg,
                       nblk=_NBLK1)
    hs, hw = _tc_dense(a1, xw, dinv,
                       b1.reshape(1, NHID), W2)
    a2p = _sc_aggregate(hs, src_half, dst_half,
                        edge_split=True)

    embeds = _tc_embeds(a2p[:, :N, :], hw[:N], dinv[:N], b2.reshape(1, NOUT))
    nit = jnp.asarray(num_iter, jnp.int32).reshape(1)
    mu, r, dist = _tc_cluster(nit, embeds)
    return mu, r, embeds, dist

# --- scband reference (transcript-rebuilt; emitter-appended) ---
"""Pipeline reference for scband-gcncluster-net-23192823399151 (READ-ONLY COPY).

The authoritative reference and input builder live on the scoring server;
editing this copy changes nothing except your own understanding.
"""

import jax, jax.numpy as jnp
import numpy as np

K = 50
CLUSTER_TEMP = 30.0
N_NODES = 10000
NFEAT = 256
NHID = 512
NOUT = 128
N_EDGES = 160000


def gcn_conv(x, edge_index, W, b, n):
    # PyG-style GCNConv: D^{-1/2}(A+I)D^{-1/2} X W + b
    src = jnp.concatenate([edge_index[0], jnp.arange(n, dtype=edge_index.dtype)])
    dst = jnp.concatenate([edge_index[1], jnp.arange(n, dtype=edge_index.dtype)])
    deg = jax.ops.segment_sum(jnp.ones_like(src, dtype=x.dtype), dst, num_segments=n)
    dinv = jnp.where(deg > 0, deg ** -0.5, 0.0)
    norm = dinv[src] * dinv[dst]
    h = x @ W
    msgs = h[src] * norm[:, None]
    out = jax.ops.segment_sum(msgs, dst, num_segments=n)
    return out + b


def kmeans_pp_init(data, k):
    # deterministic greedy kmeans++ (farthest-point) init; sklearn kmeans_plusplus
    # with random_state=None is nondeterministic, so we use the deterministic
    # greedy variant for a reproducible reference.
    centers = jnp.zeros((k, data.shape[1]), dtype=data.dtype)
    centers = centers.at[0].set(data[0])
    min_d = jnp.sum((data - data[0]) ** 2, axis=1)
    for i in range(1, k):
        idx = jnp.argmax(min_d)
        c = data[idx]
        centers = centers.at[i].set(c)
        min_d = jnp.minimum(min_d, jnp.sum((data - c) ** 2, axis=1))
    return centers


def soft_kmeans(data, k, num_iter, init, cluster_temp):
    data = data / jnp.linalg.norm(data, axis=1, keepdims=True)
    mu = init

    def body(_, mu):
        dist = data @ mu.T
        r = jax.nn.softmax(cluster_temp * dist, axis=1)
        cluster_r = r.sum(axis=0)
        cluster_mean = r.T @ data
        return cluster_mean / cluster_r[:, None]

    mu = jax.lax.fori_loop(0, num_iter, body, mu)
    dist = data @ mu.T
    r = jax.nn.softmax(cluster_temp * dist, axis=1)
    return mu, r, dist


def setup_inputs(seed: int = 0) -> dict:
    key = jax.random.key(seed)
    k1, k2, k3, k4, k5, k6 = jax.random.split(key, 6)
    x = jax.random.normal(k1, (N_NODES, NFEAT), dtype=jnp.float32)
    edge_index = jax.random.randint(k2, (2, N_EDGES), 0, N_NODES, dtype=jnp.int64)
    W1 = jax.random.normal(k3, (NFEAT, NHID), dtype=jnp.float32) * (1.0 / np.sqrt(NFEAT))
    b1 = jnp.zeros((NHID,), dtype=jnp.float32)
    W2 = jax.random.normal(k4, (NHID, NOUT), dtype=jnp.float32) * (1.0 / np.sqrt(NHID))
    b2 = jnp.zeros((NOUT,), dtype=jnp.float32)
    return {"x": x, "edge_index": edge_index, "num_iter": 10, "W1": W1, "b1": b1, "W2": W2, "b2": b2}


def reference(x, edge_index, num_iter, W1, b1, W2, b2):
    n = x.shape[0]
    h = jax.nn.relu(gcn_conv(x, edge_index, W1, b1, n))
    # F.dropout omitted (deterministic eval-mode reference)
    embeds = gcn_conv(h, edge_index, W2, b2, n)
    emb_n = embeds / jnp.linalg.norm(embeds, axis=1, keepdims=True)
    mu_init = jax.lax.stop_gradient(kmeans_pp_init(emb_n, K))
    mu, r, dist = soft_kmeans(embeds, K, num_iter, mu_init, CLUSTER_TEMP)
    return mu, r, embeds, dist

if __name__ == "__main__":
    import jax
    _d = setup_inputs()
    print(jax.jit(kernel)(*tuple(_d.values())))

</pallas_src>

<mosaic_0001>
#map = affine_map<(d0, d1) -> (0, 0)>
#map1 = affine_map<(d0, d1) -> (0, 0, 0)>
module attributes {stable_mosaic.version = 14 : i64} {
  func.func @agg_kernel(%arg0: i32, %arg1: i32, %arg2: memref<10240x128xf32, #tpu.memory_space<hbm>>, %arg3: memref<32x40x128xi32, #tpu.memory_space<hbm>>, %arg4: memref<32x40x128xi32, #tpu.memory_space<hbm>>, %arg5: memref<2x10240x128xf32, #tpu.memory_space<hbm>>, %arg6: memref<8x128xi32, #tpu.memory_space<vmem>>, %arg7: memref<8x128xi32, #tpu.memory_space<vmem>>, %arg8: memref<2x128x128xf32, #tpu.memory_space<vmem>>, %arg9: memref<10240x128xf32, #tpu.memory_space<vmem_shared>>, %arg10: memref<2x!tpu.dma_semaphore, #tpu.memory_space<semaphore_mem>>) attributes {dimension_semantics = [#tpu.dimension_semantics<core_parallel>, #tpu.dimension_semantics<subcore_parallel>], iteration_bounds = array<i64: 2, 16>, scalar_prefetch = 0 : i64, scratch_operands = 5 : i64, tpu.core_type = #tpu.core_type<sc_vector_subcore>, window_params = [{transform_indices = #map}, {transform_indices = #map1}, {transform_indices = #map1}, {transform_indices = #map1}]} {
    %mul3A = arith.constant 16 : i32
    %mul3A_0 = arith.muli %arg0, %mul3A : i32
    %add3A = arith.addi %mul3A_0, %arg1 : i32
    %mul3A_1 = arith.constant 16 : i32
    %mul3A_2 = arith.muli %arg0, %mul3A_1 : i32
    %add3A_3 = arith.addi %mul3A_2, %arg1 : i32
    %broadcast_in_dim3A = arith.constant 0.000000e+00 : f32
    %broadcast_in_dim3A_4 = vector.broadcast %broadcast_in_dim3A : f32 to vector<16xf32>
    %scan3A = arith.constant 0 : i32
    %scan3A_5 = arith.constant 0 : i32
    %scan3A_6 = arith.constant 128 : i32
    %scan3A_7 = arith.addi %scan3A_5, %scan3A_6 : i32
    %scan3A_8 = arith.constant 1 : i32
    scf.for %scan3A_55 = %scan3A_5 to %scan3A_7 step %scan3A_8  : i32 {
      %swap3A = arith.constant 0 : i32
      %swap3A_56 = arith.index_cast %swap3A : i32 to index
      %swap3A_57 = arith.index_cast %scan3A_55 : i32 to index
      %swap3A_58 = arith.constant 0 : index
      %swap3A_59 = tpu.vector_load %arg8[%swap3A_56, %swap3A_57, %swap3A_58] {strides = array<i32>} : memref<2x128x128xf32, #tpu.memory_space<vmem>>, vector<1x1x16xf32>,
      %swap3A_60 = vector.shape_cast %swap3A_59 : vector<1x1x16xf32> to vector<16xf32>
      %swap3A_61 = vector.shape_cast %broadcast_in_dim3A_4 : vector<16xf32> to vector<1x1x16xf32>
      tpu.vector_store %arg8[%swap3A_56, %swap3A_57, %swap3A_58], %swap3A_61 {strides = array<i32>} : memref<2x128x128xf32, #tpu.memory_space<vmem>>, vector<1x1x16xf32>,
      %swap3A_62 = arith.constant 0 : i32
      %swap3A_63 = arith.index_cast %swap3A_62 : i32 to index
      %swap3A_64 = arith.index_cast %scan3A_55 : i32 to index
      %swap3A_65 = arith.constant 16 : index
      %swap3A_66 = tpu.vector_load %arg8[%swap3A_63, %swap3A_64, %swap3A_65] {strides = array<i32>} : memref<2x128x128xf32, #tpu.memory_space<vmem>>, vector<1x1x16xf32>,
      %swap3A_67 = vector.shape_cast %swap3A_66 : vector<1x1x16xf32> to vector<16xf32>
      %swap3A_68 = vector.shape_cast %broadcast_in_dim3A_4 : vector<16xf32> to vector<1x1x16xf32>
      tpu.vector_store %arg8[%swap3A_63, %swap3A_64, %swap3A_65], %swap3A_68 {strides = array<i32>} : memref<2x128x128xf32, #tpu.memory_space<vmem>>, vector<1x1x16xf32>,
      %swap3A_69 = arith.constant 0 : i32
      %swap3A_70 = arith.index_cast %swap3A_69 : i32 to index
      %swap3A_71 = arith.index_cast %scan3A_55 : i32 to index
      %swap3A_72 = arith.constant 32 : index
      %swap3A_73 = tpu.vector_load %arg8[%swap3A_70, %swap3A_71, %swap3A_72] {strides = array<i32>} : memref<2x128x128xf32, #tpu.memory_space<vmem>>, vector<1x1x16xf32>,
      %swap3A_74 = vector.shape_cast %swap3A_73 : vector<1x1x16xf32> to vector<16xf32>
      %swap3A_75 = vector.shape_cast %broadcast_in_dim3A_4 : vector<16xf32> to vector<1x1x16xf32>
      tpu.vector_store %arg8[%swap3A_70, %swap3A_71, %swap3A_72], %swap3A_75 {strides = array<i32>} : memref<2x128x128xf32, #tpu.memory_space<vmem>>, vector<1x1x16xf32>,
      %swap3A_76 = arith.constant 0 : i32
      %swap3A_77 = arith.index_cast %swap3A_76 : i32 to index
      %swap3A_78 = arith.index_cast %scan3A_55 : i32 to index
      %swap3A_79 = arith.constant 48 : index
      %swap3A_80 = tpu.vector_load %arg8[%swap3A_77, %swap3A_78, %swap3A_79] {strides = array<i32>} : memref<2x128x128xf32, #tpu.memory_space<vmem>>, vector<1x1x16xf32>,
      %swap3A_81 = vector.shape_cast %swap3A_80 : vector<1x1x16xf32> to vector<16xf32>
      %swap3A_82 = vector.shape_cast %broadcast_in_dim3A_4 : vector<16xf32> to vector<1x1x16xf32>
      tpu.vector_store %arg8[%swap3A_77, %swap3A_78, %swap3A_79], %swap3A_82 {strides = array<i32>} : memref<2x128x128xf32, #tpu.memory_space<vmem>>, vector<1x1x16xf32>,
      %swap3A_83 = arith.constant 0 : i32
      %swap3A_84 = arith.index_cast %swap3A_83 : i32 to index
      %swap3A_85 = arith.index_cast %scan3A_55 : i32 to index
      %swap3A_86 = arith.constant 64 : index
      %swap3A_87 = tpu.vector_load %arg8[%swap3A_84, %swap3A_85, %swap3A_86] {strides = array<i32>} : memref<2x128x128xf32, #tpu.memory_space<vmem>>, vector<1x1x16xf32>,
      %swap3A_88 = vector.shape_cast %swap3A_87 : vector<1x1x16xf32> to vector<16xf32>
      %swap3A_89 = vector.shape_cast %broadcast_in_dim3A_4 : vector<16xf32> to vector<1x1x16xf32>
      tpu.vector_store %arg8[%swap3A_84, %swap3A_85, %swap3A_86], %swap3A_89 {strides = array<i32>} : memref<2x128x128xf32, #tpu.memory_space<vmem>>, vector<1x1x16xf32>,
      %swap3A_90 = arith.constant 0 : i32
      %swap3A_91 = arith.index_cast %swap3A_90 : i32 to index
      %swap3A_92 = arith.index_cast %scan3A_55 : i32 to index
      %swap3A_93 = arith.constant 80 : index
      %swap3A_94 = tpu.vector_load %arg8[%swap3A_91, %swap3A_92, %swap3A_93] {strides = array<i32>} : memref<2x128x128xf32, #tpu.memory_space<vmem>>, vector<1x1x16xf32>,
      %swap3A_95 = vector.shape_cast %swap3A_94 : vector<1x1x16xf32> to vector<16xf32>
      %swap3A_96 = vector.shape_cast %broadcast_in_dim3A_4 : vector<16xf32> to vector<1x1x16xf32>
      tpu.vector_store %arg8[%swap3A_91, %swap3A_92, %swap3A_93], %swap3A_96 {strides = array<i32>} : memref<2x128x128xf32, #tpu.memory_space<vmem>>, vector<1x1x16xf32>,
      %swap3A_97 = arith.constant 0 : i32
      %swap3A_98 = arith.index_cast %swap3A_97 : i32 to index
      %swap3A_99 = arith.index_cast %scan3A_55 : i32 to index
      %swap3A_100 = arith.constant 96 : index
      %swap3A_101 = tpu.vector_load %arg8[%swap3A_98, %swap3A_99, %swap3A_100] {strides = array<i32>} : memref<2x128x128xf32, #tpu.memory_space<vmem>>, vector<1x1x16xf32>,
      %swap3A_102 = vector.shape_cast %swap3A_101 : vector<1x1x16xf32> to vector<16xf32>
      %swap3A_103 = vector.shape_cast %broadcast_in_dim3A_4 : vector<16xf32> to vector<1x1x16xf32>
      tpu.vector_store %arg8[%swap3A_98, %swap3A_99, %swap3A_100], %swap3A_103 {strides = array<i32>} : memref<2x128x128xf32, #tpu.memory_space<vmem>>, vector<1x1x16xf32>,
      %swap3A_104 = arith.constant 0 : i32
      %swap3A_105 = arith.index_cast %swap3A_104 : i32 to index
      %swap3A_106 = arith.index_cast %scan3A_55 : i32 to index
      %swap3A_107 = arith.constant 112 : index
      %swap3A_108 = tpu.vector_load %arg8[%swap3A_105, %swap3A_106, %swap3A_107] {strides = array<i32>} : memref<2x128x128xf32, #tpu.memory_space<vmem>>, vector<1x1x16xf32>,
      %swap3A_109 = vector.shape_cast %swap3A_108 : vector<1x1x16xf32> to vector<16xf32>
      %swap3A_110 = vector.shape_cast %broadcast_in_dim3A_4 : vector<16xf32> to vector<1x1x16xf32>
      tpu.vector_store %arg8[%swap3A_105, %swap3A_106, %swap3A_107], %swap3A_110 {strides = array<i32>} : memref<2x128x128xf32, #tpu.memory_space<vmem>>, vector<1x1x16xf32>,
    }
    %scan3A_9 = arith.constant 128 : i32
    %mul3A_10 = arith.constant 5 : i32
    %mul3A_11 = arith.muli %arg1, %mul3A_10 : i32
    %add3A_12 = arith.constant 0 : i32
    %add3A_13 = arith.addi %mul3A_11, %add3A_12 : i32
    %mul3A_14 = arith.constant 128 : i32
    %mul3A_15 = arith.muli %add3A_13, %mul3A_14 : i32
    %run_scoped3A = arith.constant 0 : i32
    "tpu.region"() ({
      %run_scoped3A_55 = tpu.sem_alloc : memref<!tpu.dma_semaphore, #tpu.memory_space<semaphore_mem>>
      %dma_start3A = arith.constant 0 : i32
      %dma_start3A_56 = arith.constant 0 : i32
      %dma_start3A_57 = tpu.memref_slice %arg8[%run_scoped3A, %dma_start3A, %dma_start3A_56] : memref<2x128x128xf32, #tpu.memory_space<vmem>> -> memref<1x128x128xf32, #tpu.memory_space<vmem>>
      %dma_start3A_58 = tpu.memref_squeeze %dma_start3A_57 : memref<1x128x128xf32, #tpu.memory_space<vmem>> -> memref<128x128xf32, #tpu.memory_space<vmem>>
      %dma_start3A_59 = arith.constant 0 : i32
      %dma_start3A_60 = tpu.memref_slice %arg9[%mul3A_15, %dma_start3A_59] : memref<10240x128xf32, #tpu.memory_space<vmem_shared>> -> memref<128x128xf32, #tpu.memory_space<vmem_shared>>
      %dma_start3A_61 = arith.constant 0 : i32
      %dma_start3A_62 = tpu.memref_slice %arg9[%mul3A_15, %dma_start3A_61] : memref<10240x128xf32, #tpu.memory_space<vmem_shared>> -> memref<128x128xf32, #tpu.memory_space<vmem_shared>>
      %dma_start3A_63 = arith.constant 0 : i32
      %dma_start3A_64 = arith.constant 0 : i32
      %dma_start3A_65 = tpu.memref_slice %arg8[%run_scoped3A, %dma_start3A_63, %dma_start3A_64] : memref<2x128x128xf32, #tpu.memory_space<vmem>> -> memref<1x128x128xf32, #tpu.memory_space<vmem>>
      %dma_start3A_66 = tpu.memref_squeeze %dma_start3A_65 : memref<1x128x128xf32, #tpu.memory_space<vmem>> -> memref<128x128xf32, #tpu.memory_space<vmem>>
      tpu.enqueue_dma source(%dma_start3A_66 : memref<128x128xf32, #tpu.memory_space<vmem>>) target(%dma_start3A_62 : memref<128x128xf32, #tpu.memory_space<vmem_shared>>) target_semaphore(%run_scoped3A_55 : memref<!tpu.dma_semaphore, #tpu.memory_space<semaphore_mem>>)
      %dma_wait3A = arith.constant 0 : i32
      %dma_wait3A_67 = arith.constant 0 : i32
      %dma_wait3A_68 = tpu.memref_slice %arg8[%run_scoped3A, %dma_wait3A, %dma_wait3A_67] : memref<2x128x128xf32, #tpu.memory_space<vmem>> -> memref<1x128x128xf32, #tpu.memory_space<vmem>>
      %dma_wait3A_69 = tpu.memref_squeeze %dma_wait3A_68 : memref<1x128x128xf32, #tpu.memory_space<vmem>> -> memref<128x128xf32, #tpu.memory_space<vmem>>
      %dma_wait3A_70 = arith.constant 0 : i32
      %dma_wait3A_71 = tpu.memref_slice %arg9[%mul3A_15, %dma_wait3A_70] : memref<10240x128xf32, #tpu.memory_space<vmem_shared>> -> memref<128x128xf32, #tpu.memory_space<vmem_shared>>
      %dma_wait3A_72 = arith.constant 0 : i32
      %dma_wait3A_73 = tpu.memref_slice %arg9[%mul3A_15, %dma_wait3A_72] : memref<10240x128xf32, #tpu.memory_space<vmem_shared>> -> memref<128x128xf32, #tpu.memory_space<vmem_shared>>
      %dma_wait3A_74 = arith.constant 0 : i32
      %dma_wait3A_75 = arith.constant 0 : i32
      %dma_wait3A_76 = tpu.memref_slice %arg8[%run_scoped3A, %dma_wait3A_74, %dma_wait3A_75] : memref<2x128x128xf32, #tpu.memory_space<vmem>> -> memref<1x128x128xf32, #tpu.memory_space<vmem>>
      %dma_wait3A_77 = tpu.memref_squeeze %dma_wait3A_76 : memref<1x128x128xf32, #tpu.memory_space<vmem>> -> memref<128x128xf32, #tpu.memory_space<vmem>>
      tpu.wait_dma2 semaphore(%run_scoped3A_55 : memref<!tpu.dma_semaphore, #tpu.memory_space<semaphore_mem>>) src(%dma_wait3A_77 : memref<128x128xf32, #tpu.memory_space<vmem>>) dst(%dma_wait3A_73 : memref<128x128xf32, #tpu.memory_space<vmem_shared>>)
      tpu.yield
    }) : () -> ()
    %mul3A_16 = arith.constant 5 : i32
    %mul3A_17 = arith.muli %arg1, %mul3A_16 : i32
    %add3A_18 = arith.constant 1 : i32
    %add3A_19 = arith.addi %mul3A_17, %add3A_18 : i32
    %mul3A_20 = arith.constant 128 : i32
    %mul3A_21 = arith.muli %add3A_19, %mul3A_20 : i32
    %run_scoped3A_22 = arith.constant 0 : i32
    "tpu.region"() ({
      %run_scoped3A_55 = tpu.sem_alloc : memref<!tpu.dma_semaphore, #tpu.memory_space<semaphore_mem>>
      %dma_start3A = arith.constant 0 : i32
      %dma_start3A_56 = arith.constant 0 : i32
      %dma_start3A_57 = tpu.memref_slice %arg8[%run_scoped3A_22, %dma_start3A, %dma_start3A_56] : memref<2x128x128xf32, #tpu.memory_space<vmem>> -> memref<1x128x128xf32, #tpu.memory_space<vmem>>
      %dma_start3A_58 = tpu.memref_squeeze %dma_start3A_57 : memref<1x128x128xf32, #tpu.memory_space<vmem>> -> memref<128x128xf32, #tpu.memory_space<vmem>>
      %dma_start3A_59 = arith.constant 0 : i32
      %dma_start3A_60 = tpu.memref_slice %arg9[%mul3A_21, %dma_start3A_59] : memref<10240x128xf32, #tpu.memory_space<vmem_shared>> -> memref<128x128xf32, #tpu.memory_space<vmem_shared>>
      %dma_start3A_61 = arith.constant 0 : i32
      %dma_start3A_62 = tpu.memref_slice %arg9[%mul3A_21, %dma_start3A_61] : memref<10240x128xf32, #tpu.memory_space<vmem_shared>> -> memref<128x128xf32, #tpu.memory_space<vmem_shared>>
      %dma_start3A_63 = arith.constant 0 : i32
      %dma_start3A_64 = arith.constant 0 : i32
      %dma_start3A_65 = tpu.memref_slice %arg8[%run_scoped3A_22, %dma_start3A_63, %dma_start3A_64] : memref<2x128x128xf32, #tpu.memory_space<vmem>> -> memref<1x128x128xf32, #tpu.memory_space<vmem>>
      %dma_start3A_66 = tpu.memref_squeeze %dma_start3A_65 : memref<1x128x128xf32, #tpu.memory_space<vmem>> -> memref<128x128xf32, #tpu.memory_space<vmem>>
      tpu.enqueue_dma source(%dma_start3A_66 : memref<128x128xf32, #tpu.memory_space<vmem>>) target(%dma_start3A_62 : memref<128x128xf32, #tpu.memory_space<vmem_shared>>) target_semaphore(%run_scoped3A_55 : memref<!tpu.dma_semaphore, #tpu.memory_space<semaphore_mem>>)
      %dma_wait3A = arith.constant 0 : i32
      %dma_wait3A_67 = arith.constant 0 : i32
      %dma_wait3A_68 = tpu.memref_slice %arg8[%run_scoped3A_22, %dma_wait3A, %dma_wait3A_67] : memref<2x128x128xf32, #tpu.memory_space<vmem>> -> memref<1x128x128xf32, #tpu.memory_space<vmem>>
      %dma_wait3A_69 = tpu.memref_squeeze %dma_wait3A_68 : memref<1x128x128xf32, #tpu.memory_space<vmem>> -> memref<128x128xf32, #tpu.memory_space<vmem>>
      %dma_wait3A_70 = arith.constant 0 : i32
      %dma_wait3A_71 = tpu.memref_slice %arg9[%mul3A_21, %dma_wait3A_70] : memref<10240x128xf32, #tpu.memory_space<vmem_shared>> -> memref<128x128xf32, #tpu.memory_space<vmem_shared>>
      %dma_wait3A_72 = arith.constant 0 : i32
      %dma_wait3A_73 = tpu.memref_slice %arg9[%mul3A_21, %dma_wait3A_72] : memref<10240x128xf32, #tpu.memory_space<vmem_shared>> -> memref<128x128xf32, #tpu.memory_space<vmem_shared>>
      %dma_wait3A_74 = arith.constant 0 : i32
      %dma_wait3A_75 = arith.constant 0 : i32
      %dma_wait3A_76 = tpu.memref_slice %arg8[%run_scoped3A_22, %dma_wait3A_74, %dma_wait3A_75] : memref<2x128x128xf32, #tpu.memory_space<vmem>> -> memref<1x128x128xf32, #tpu.memory_space<vmem>>
      %dma_wait3A_77 = tpu.memref_squeeze %dma_wait3A_76 : memref<1x128x128xf32, #tpu.memory_space<vmem>> -> memref<128x128xf32, #tpu.memory_space<vmem>>
      tpu.wait_dma2 semaphore(%run_scoped3A_55 : memref<!tpu.dma_semaphore, #tpu.memory_space<semaphore_mem>>) src(%dma_wait3A_77 : memref<128x128xf32, #tpu.memory_space<vmem>>) dst(%dma_wait3A_73 : memref<128x128xf32, #tpu.memory_space<vmem_shared>>)
      tpu.yield
    }) : () -> ()
    %mul3A_23 = arith.constant 5 : i32
    %mul3A_24 = arith.muli %arg1, %mul3A_23 : i32
    %add3A_25 = arith.constant 2 : i32
    %add3A_26 = arith.addi %mul3A_24, %add3A_25 : i32
    %mul3A_27 = arith.constant 128 : i32
    %mul3A_28 = arith.muli %add3A_26, %mul3A_27 : i32
    %run_scoped3A_29 = arith.constant 0 : i32
    "tpu.region"() ({
      %run_scoped3A_55 = tpu.sem_alloc : memref<!tpu.dma_semaphore, #tpu.memory_space<semaphore_mem>>
      %dma_start3A = arith.constant 0 : i32
      %dma_start3A_56 = arith.constant 0 : i32
      %dma_start3A_57 = tpu.memref_slice %arg8[%run_scoped3A_29, %dma_start3A, %dma_start3A_56] : memref<2x128x128xf32, #tpu.memory_space<vmem>> -> memref<1x128x128xf32, #tpu.memory_space<vmem>>
      %dma_start3A_58 = tpu.memref_squeeze %dma_start3A_57 : memref<1x128x128xf32, #tpu.memory_space<vmem>> -> memref<128x128xf32, #tpu.memory_space<vmem>>
      %dma_start3A_59 = arith.constant 0 : i32
      %dma_start3A_60 = tpu.memref_slice %arg9[%mul3A_28, %dma_start3A_59] : memref<10240x128xf32, #tpu.memory_space<vmem_shared>> -> memref<128x128xf32, #tpu.memory_space<vmem_shared>>
      %dma_start3A_61 = arith.constant 0 : i32
      %dma_start3A_62 = tpu.memref_slice %arg9[%mul3A_28, %dma_start3A_61] : memref<10240x128xf32, #tpu.memory_space<vmem_shared>> -> memref<128x128xf32, #tpu.memory_space<vmem_shared>>
      %dma_start3A_63 = arith.constant 0 : i32
      %dma_start3A_64 = arith.constant 0 : i32
      %dma_start3A_65 = tpu.memref_slice %arg8[%run_scoped3A_29, %dma_start3A_63, %dma_start3A_64] : memref<2x128x128xf32, #tpu.memory_space<vmem>> -> memref<1x128x128xf32, #tpu.memory_space<vmem>>
      %dma_start3A_66 = tpu.memref_squeeze %dma_start3A_65 : memref<1x128x128xf32, #tpu.memory_space<vmem>> -> memref<128x128xf32, #tpu.memory_space<vmem>>
      tpu.enqueue_dma source(%dma_start3A_66 : memref<128x128xf32, #tpu.memory_space<vmem>>) target(%dma_start3A_62 : memref<128x128xf32, #tpu.memory_space<vmem_shared>>) target_semaphore(%run_scoped3A_55 : memref<!tpu.dma_semaphore, #tpu.memory_space<semaphore_mem>>)
      %dma_wait3A = arith.constant 0 : i32
      %dma_wait3A_67 = arith.constant 0 : i32
      %dma_wait3A_68 = tpu.memref_slice %arg8[%run_scoped3A_29, %dma_wait3A, %dma_wait3A_67] : memref<2x128x128xf32, #tpu.memory_space<vmem>> -> memref<1x128x128xf32, #tpu.memory_space<vmem>>
      %dma_wait3A_69 = tpu.memref_squeeze %dma_wait3A_68 : memref<1x128x128xf32, #tpu.memory_space<vmem>> -> memref<128x128xf32, #tpu.memory_space<vmem>>
      %dma_wait3A_70 = arith.constant 0 : i32
      %dma_wait3A_71 = tpu.memref_slice %arg9[%mul3A_28, %dma_wait3A_70] : memref<10240x128xf32, #tpu.memory_space<vmem_shared>> -> memref<128x128xf32, #tpu.memory_space<vmem_shared>>
      %dma_wait3A_72 = arith.constant 0 : i32
      %dma_wait3A_73 = tpu.memref_slice %arg9[%mul3A_28, %dma_wait3A_72] : memref<10240x128xf32, #tpu.memory_space<vmem_shared>> -> memref<128x128xf32, #tpu.memory_space<vmem_shared>>
      %dma_wait3A_74 = arith.constant 0 : i32
      %dma_wait3A_75 = arith.constant 0 : i32
      %dma_wait3A_76 = tpu.memref_slice %arg8[%run_scoped3A_29, %dma_wait3A_74, %dma_wait3A_75] : memref<2x128x128xf32, #tpu.memory_space<vmem>> -> memref<1x128x128xf32, #tpu.memory_space<vmem>>
      %dma_wait3A_77 = tpu.memref_squeeze %dma_wait3A_76 : memref<1x128x128xf32, #tpu.memory_space<vmem>> -> memref<128x128xf32, #tpu.memory_space<vmem>>
      tpu.wait_dma2 semaphore(%run_scoped3A_55 : memref<!tpu.dma_semaphore, #tpu.memory_space<semaphore_mem>>) src(%dma_wait3A_77 : memref<128x128xf32, #tpu.memory_space<vmem>>) dst(%dma_wait3A_73 : memref<128x128xf32, #tpu.memory_space<vmem_shared>>)
      tpu.yield
    }) : () -> ()
    %mul3A_30 = arith.constant 5 : i32
    %mul3A_31 = arith.muli %arg1, %mul3A_30 : i32
    %add3A_32 = arith.constant 3 : i32
    %add3A_33 = arith.addi %mul3A_31, %add3A_32 : i32
    %mul3A_34 = arith.constant 128 : i32
    %mul3A_35 = arith.muli %add3A_33, %mul3A_34 : i32
    %run_scoped3A_36 = arith.constant 0 : i32
    "tpu.region"() ({
      %run_scoped3A_55 = tpu.sem_alloc : memref<!tpu.dma_semaphore, #tpu.memory_space<semaphore_mem>>
      %dma_start3A = arith.constant 0 : i32
      %dma_start3A_56 = arith.constant 0 : i32
      %dma_start3A_57 = tpu.memref_slice %arg8[%run_scoped3A_36, %dma_start3A, %dma_start3A_56] : memref<2x128x128xf32, #tpu.memory_space<vmem>> -> memref<1x128x128xf32, #tpu.memory_space<vmem>>
      %dma_start3A_58 = tpu.memref_squeeze %dma_start3A_57 : memref<1x128x128xf32, #tpu.memory_space<vmem>> -> memref<128x128xf32, #tpu.memory_space<vmem>>
      %dma_start3A_59 = arith.constant 0 : i32
      %dma_start3A_60 = tpu.memref_slice %arg9[%mul3A_35, %dma_start3A_59] : memref<10240x128xf32, #tpu.memory_space<vmem_shared>> -> memref<128x128xf32, #tpu.memory_space<vmem_shared>>
      %dma_start3A_61 = arith.constant 0 : i32
      %dma_start3A_62 = tpu.memref_slice %arg9[%mul3A_35, %dma_start3A_61] : memref<10240x128xf32, #tpu.memory_space<vmem_shared>> -> memref<128x128xf32, #tpu.memory_space<vmem_shared>>
      %dma_start3A_63 = arith.constant 0 : i32
      %dma_start3A_64 = arith.constant 0 : i32
      %dma_start3A_65 = tpu.memref_slice %arg8[%run_scoped3A_36, %dma_start3A_63, %dma_start3A_64] : memref<2x128x128xf32, #tpu.memory_space<vmem>> -> memref<1x128x128xf32, #tpu.memory_space<vmem>>
      %dma_start3A_66 = tpu.memref_squeeze %dma_start3A_65 : memref<1x128x128xf32, #tpu.memory_space<vmem>> -> memref<128x128xf32, #tpu.memory_space<vmem>>
      tpu.enqueue_dma source(%dma_start3A_66 : memref<128x128xf32, #tpu.memory_space<vmem>>) target(%dma_start3A_62 : memref<128x128xf32, #tpu.memory_space<vmem_shared>>) target_semaphore(%run_scoped3A_55 : memref<!tpu.dma_semaphore, #tpu.memory_space<semaphore_mem>>)
      %dma_wait3A = arith.constant 0 : i32
      %dma_wait3A_67 = arith.constant 0 : i32
      %dma_wait3A_68 = tpu.memref_slice %arg8[%run_scoped3A_36, %dma_wait3A, %dma_wait3A_67] : memref<2x128x128xf32, #tpu.memory_space<vmem>> -> memref<1x128x128xf32, #tpu.memory_space<vmem>>
      %dma_wait3A_69 = tpu.memref_squeeze %dma_wait3A_68 : memref<1x128x128xf32, #tpu.memory_space<vmem>> -> memref<128x128xf32, #tpu.memory_space<vmem>>
      %dma_wait3A_70 = arith.constant 0 : i32
      %dma_wait3A_71 = tpu.memref_slice %arg9[%mul3A_35, %dma_wait3A_70] : memref<10240x128xf32, #tpu.memory_space<vmem_shared>> -> memref<128x128xf32, #tpu.memory_space<vmem_shared>>
      %dma_wait3A_72 = arith.constant 0 : i32
      %dma_wait3A_73 = tpu.memref_slice %arg9[%mul3A_35, %dma_wait3A_72] : memref<10240x128xf32, #tpu.memory_space<vmem_shared>> -> memref<128x128xf32, #tpu.memory_space<vmem_shared>>
      %dma_wait3A_74 = arith.constant 0 : i32
      %dma_wait3A_75 = arith.constant 0 : i32
      %dma_wait3A_76 = tpu.memref_slice %arg8[%run_scoped3A_36, %dma_wait3A_74, %dma_wait3A_75] : memref<2x128x128xf32, #tpu.memory_space<vmem>> -> memref<1x128x128xf32, #tpu.memory_space<vmem>>
      %dma_wait3A_77 = tpu.memref_squeeze %dma_wait3A_76 : memref<1x128x128xf32, #tpu.memory_space<vmem>> -> memref<128x128xf32, #tpu.memory_space<vmem>>
      tpu.wait_dma2 semaphore(%run_scoped3A_55 : memref<!tpu.dma_semaphore, #tpu.memory_space<semaphore_mem>>) src(%dma_wait3A_77 : memref<128x128xf32, #tpu.memory_space<vmem>>) dst(%dma_wait3A_73 : memref<128x128xf32, #tpu.memory_space<vmem_shared>>)
      tpu.yield
    }) : () -> ()
    %mul3A_37 = arith.constant 5 : i32
    %mul3A_38 = arith.muli %arg1, %mul3A_37 : i32
    %add3A_39 = arith.constant 4 : i32
    %add3A_40 = arith.addi %mul3A_38, %add3A_39 : i32
    %mul3A_41 = arith.constant 128 : i32
    %mul3A_42 = arith.muli %add3A_40, %mul3A_41 : i32
    %run_scoped3A_43 = arith.constant 0 : i32
    "tpu.region"() ({
      %run_scoped3A_55 = tpu.sem_alloc : memref<!tpu.dma_semaphore, #tpu.memory_space<semaphore_mem>>
      %dma_start3A = arith.constant 0 : i32
      %dma_start3A_56 = arith.constant 0 : i32
      %dma_start3A_57 = tpu.memref_slice %arg8[%run_scoped3A_43, %dma_start3A, %dma_start3A_56] : memref<2x128x128xf32, #tpu.memory_space<vmem>> -> memref<1x128x128xf32, #tpu.memory_space<vmem>>
      %dma_start3A_58 = tpu.memref_squeeze %dma_start3A_57 : memref<1x128x128xf32, #tpu.memory_space<vmem>> -> memref<128x128xf32, #tpu.memory_space<vmem>>
      %dma_start3A_59 = arith.constant 0 : i32
      %dma_start3A_60 = tpu.memref_slice %arg9[%mul3A_42, %dma_start3A_59] : memref<10240x128xf32, #tpu.memory_space<vmem_shared>> -> memref<128x128xf32, #tpu.memory_space<vmem_shared>>
      %dma_start3A_61 = arith.constant 0 : i32
      %dma_start3A_62 = tpu.memref_slice %arg9[%mul3A_42, %dma_start3A_61] : memref<10240x128xf32, #tpu.memory_space<vmem_shared>> -> memref<128x128xf32, #tpu.memory_space<vmem_shared>>
      %dma_start3A_63 = arith.constant 0 : i32
      %dma_start3A_64 = arith.constant 0 : i32
      %dma_start3A_65 = tpu.memref_slice %arg8[%run_scoped3A_43, %dma_start3A_63, %dma_start3A_64] : memref<2x128x128xf32, #tpu.memory_space<vmem>> -> memref<1x128x128xf32, #tpu.memory_space<vmem>>
      %dma_start3A_66 = tpu.memref_squeeze %dma_start3A_65 : memref<1x128x128xf32, #tpu.memory_space<vmem>> -> memref<128x128xf32, #tpu.memory_space<vmem>>
      tpu.enqueue_dma source(%dma_start3A_66 : memref<128x128xf32, #tpu.memory_space<vmem>>) target(%dma_start3A_62 : memref<128x128xf32, #tpu.memory_space<vmem_shared>>) target_semaphore(%run_scoped3A_55 : memref<!tpu.dma_semaphore, #tpu.memory_space<semaphore_mem>>)
      %dma_wait3A = arith.constant 0 : i32
      %dma_wait3A_67 = arith.constant 0 : i32
      %dma_wait3A_68 = tpu.memref_slice %arg8[%run_scoped3A_43, %dma_wait3A, %dma_wait3A_67] : memref<2x128x128xf32, #tpu.memory_space<vmem>> -> memref<1x128x128xf32, #tpu.memory_space<vmem>>
      %dma_wait3A_69 = tpu.memref_squeeze %dma_wait3A_68 : memref<1x128x128xf32, #tpu.memory_space<vmem>> -> memref<128x128xf32, #tpu.memory_space<vmem>>
      %dma_wait3A_70 = arith.constant 0 : i32
      %dma_wait3A_71 = tpu.memref_slice %arg9[%mul3A_42, %dma_wait3A_70] : memref<10240x128xf32, #tpu.memory_space<vmem_shared>> -> memref<128x128xf32, #tpu.memory_space<vmem_shared>>
      %dma_wait3A_72 = arith.constant 0 : i32
      %dma_wait3A_73 = tpu.memref_slice %arg9[%mul3A_42, %dma_wait3A_72] : memref<10240x128xf32, #tpu.memory_space<vmem_shared>> -> memref<128x128xf32, #tpu.memory_space<vmem_shared>>
      %dma_wait3A_74 = arith.constant 0 : i32
      %dma_wait3A_75 = arith.constant 0 : i32
      %dma_wait3A_76 = tpu.memref_slice %arg8[%run_scoped3A_43, %dma_wait3A_74, %dma_wait3A_75] : memref<2x128x128xf32, #tpu.memory_space<vmem>> -> memref<1x128x128xf32, #tpu.memory_space<vmem>>
      %dma_wait3A_77 = tpu.memref_squeeze %dma_wait3A_76 : memref<1x128x128xf32, #tpu.memory_space<vmem>> -> memref<128x128xf32, #tpu.memory_space<vmem>>
      tpu.wait_dma2 semaphore(%run_scoped3A_55 : memref<!tpu.dma_semaphore, #tpu.memory_space<semaphore_mem>>) src(%dma_wait3A_77 : memref<128x128xf32, #tpu.memory_space<vmem>>) dst(%dma_wait3A_73 : memref<128x128xf32, #tpu.memory_space<vmem_shared>>)
      tpu.yield
    }) : () -> ()
    %barrier3A = arith.constant 0 : index
    tpu.barrier barrier_id(%barrier3A)
    %scan3A_44 = arith.constant 0 : i32
    %scan3A_45 = arith.constant 0 : i32
    %scan3A_46 = arith.constant 5 : i32
    %scan3A_47 = arith.addi %scan3A_45, %scan3A_46 : i32
    %scan3A_48 = arith.constant 1 : i32
    scf.for %scan3A_55 = %scan3A_45 to %scan3A_47 step %scan3A_48  : i32 {
      %mul3A_56 = arith.constant 8 : i32
      %mul3A_57 = arith.muli %scan3A_55, %mul3A_56 : i32
      "tpu.region"() ({
        %run_scoped3A_80 = tpu.sem_alloc : memref<!tpu.dma_semaphore, #tpu.memory_space<semaphore_mem>>
        %dma_start3A_81 = arith.constant 0 : i32
        %dma_start3A_82 = arith.constant 0 : i32
        %dma_start3A_83 = tpu.memref_slice %arg3[%add3A, %dma_start3A_81, %dma_start3A_82] : memref<32x40x128xi32, #tpu.memory_space<hbm>> -> memref<1x40x128xi32, #tpu.memory_space<hbm>>
        %dma_start3A_84 = tpu.memref_squeeze %dma_start3A_83 : memref<1x40x128xi32, #tpu.memory_space<hbm>> -> memref<40x128xi32, #tpu.memory_space<hbm>>
        %dma_start3A_85 = arith.constant 0 : i32
        %dma_start3A_86 = tpu.memref_slice %dma_start3A_84[%mul3A_57, %dma_start3A_85] : memref<40x128xi32, #tpu.memory_space<hbm>> -> memref<8x128xi32, #tpu.memory_space<hbm>>
        %dma_start3A_87 = arith.constant 0 : i32
        %dma_start3A_88 = arith.constant 0 : i32
        %dma_start3A_89 = tpu.memref_slice %arg3[%add3A, %dma_start3A_87, %dma_start3A_88] : memref<32x40x128xi32, #tpu.memory_space<hbm>> -> memref<1x40x128xi32, #tpu.memory_space<hbm>>
        %dma_start3A_90 = tpu.memref_squeeze %dma_start3A_89 : memref<1x40x128xi32, #tpu.memory_space<hbm>> -> memref<40x128xi32, #tpu.memory_space<hbm>>
        %dma_start3A_91 = arith.constant 0 : i32
        %dma_start3A_92 = tpu.memref_slice %dma_start3A_90[%mul3A_57, %dma_start3A_91] : memref<40x128xi32, #tpu.memory_space<hbm>> -> memref<8x128xi32, #tpu.memory_space<hbm>>
        tpu.enqueue_dma source(%dma_start3A_92 : memref<8x128xi32, #tpu.memory_space<hbm>>) target(%arg6 : memref<8x128xi32, #tpu.memory_space<vmem>>) target_semaphore(%run_scoped3A_80 : memref<!tpu.dma_semaphore, #tpu.memory_space<semaphore_mem>>)
        %dma_wait3A = arith.constant 0 : i32
        %dma_wait3A_93 = arith.constant 0 : i32
        %dma_wait3A_94 = tpu.memref_slice %arg3[%add3A, %dma_wait3A, %dma_wait3A_93] : memref<32x40x128xi32, #tpu.memory_space<hbm>> -> memref<1x40x128xi32, #tpu.memory_space<hbm>>
        %dma_wait3A_95 = tpu.memref_squeeze %dma_wait3A_94 : memref<1x40x128xi32, #tpu.memory_space<hbm>> -> memref<40x128xi32, #tpu.memory_space<hbm>>
        %dma_wait3A_96 = arith.constant 0 : i32
        %dma_wait3A_97 = tpu.memref_slice %dma_wait3A_95[%mul3A_57, %dma_wait3A_96] : memref<40x128xi32, #tpu.memory_space<hbm>> -> memref<8x128xi32, #tpu.memory_space<hbm>>
        %dma_wait3A_98 = arith.constant 0 : i32
        %dma_wait3A_99 = arith.constant 0 : i32
        %dma_wait3A_100 = tpu.memref_slice %arg3[%add3A, %dma_wait3A_98, %dma_wait3A_99] : memref<32x40x128xi32, #tpu.memory_space<hbm>> -> memref<1x40x128xi32, #tpu.memory_space<hbm>>
        %dma_wait3A_101 = tpu.memref_squeeze %dma_wait3A_100 : memref<1x40x128xi32, #tpu.memory_space<hbm>> -> memref<40x128xi32, #tpu.memory_space<hbm>>
        %dma_wait3A_102 = arith.constant 0 : i32
        %dma_wait3A_103 = tpu.memref_slice %dma_wait3A_101[%mul3A_57, %dma_wait3A_102] : memref<40x128xi32, #tpu.memory_space<hbm>> -> memref<8x128xi32, #tpu.memory_space<hbm>>
        tpu.wait_dma2 semaphore(%run_scoped3A_80 : memref<!tpu.dma_semaphore, #tpu.memory_space<semaphore_mem>>) src(%dma_wait3A_103 : memref<8x128xi32, #tpu.memory_space<hbm>>) dst(%arg6 : memref<8x128xi32, #tpu.memory_space<vmem>>)
        tpu.yield
      }) : () -> ()
      %mul3A_58 = arith.constant 8 : i32
      %mul3A_59 = arith.muli %scan3A_55, %mul3A_58 : i32
      "tpu.region"() ({
        %run_scoped3A_80 = tpu.sem_alloc : memref<!tpu.dma_semaphore, #tpu.memory_space<semaphore_mem>>
        %dma_start3A_81 = arith.constant 0 : i32
        %dma_start3A_82 = arith.constant 0 : i32
        %dma_start3A_83 = tpu.memref_slice %arg4[%add3A_3, %dma_start3A_81, %dma_start3A_82] : memref<32x40x128xi32, #tpu.memory_space<hbm>> -> memref<1x40x128xi32, #tpu.memory_space<hbm>>
        %dma_start3A_84 = tpu.memref_squeeze %dma_start3A_83 : memref<1x40x128xi32, #tpu.memory_space<hbm>> -> memref<40x128xi32, #tpu.memory_space<hbm>>
        %dma_start3A_85 = arith.constant 0 : i32
        %dma_start3A_86 = tpu.memref_slice %dma_start3A_84[%mul3A_59, %dma_start3A_85] : memref<40x128xi32, #tpu.memory_space<hbm>> -> memref<8x128xi32, #tpu.memory_space<hbm>>
        %dma_start3A_87 = arith.constant 0 : i32
        %dma_start3A_88 = arith.constant 0 : i32
        %dma_start3A_89 = tpu.memref_slice %arg4[%add3A_3, %dma_start3A_87, %dma_start3A_88] : memref<32x40x128xi32, #tpu.memory_space<hbm>> -> memref<1x40x128xi32, #tpu.memory_space<hbm>>
        %dma_start3A_90 = tpu.memref_squeeze %dma_start3A_89 : memref<1x40x128xi32, #tpu.memory_space<hbm>> -> memref<40x128xi32, #tpu.memory_space<hbm>>
        %dma_start3A_91 = arith.constant 0 : i32
        %dma_start3A_92 = tpu.memref_slice %dma_start3A_90[%mul3A_59, %dma_start3A_91] : memref<40x128xi32, #tpu.memory_space<hbm>> -> memref<8x128xi32, #tpu.memory_space<hbm>>
        tpu.enqueue_dma source(%dma_start3A_92 : memref<8x128xi32, #tpu.memory_space<hbm>>) target(%arg7 : memref<8x128xi32, #tpu.memory_space<vmem>>) target_semaphore(%run_scoped3A_80 : memref<!tpu.dma_semaphore, #tpu.memory_space<semaphore_mem>>)
        %dma_wait3A = arith.constant 0 : i32
        %dma_wait3A_93 = arith.constant 0 : i32
        %dma_wait3A_94 = tpu.memref_slice %arg4[%add3A_3, %dma_wait3A, %dma_wait3A_93] : memref<32x40x128xi32, #tpu.memory_space<hbm>> -> memref<1x40x128xi32, #tpu.memory_space<hbm>>
        %dma_wait3A_95 = tpu.memref_squeeze %dma_wait3A_94 : memref<1x40x128xi32, #tpu.memory_space<hbm>> -> memref<40x128xi32, #tpu.memory_space<hbm>>
        %dma_wait3A_96 = arith.constant 0 : i32
        %dma_wait3A_97 = tpu.memref_slice %dma_wait3A_95[%mul3A_59, %dma_wait3A_96] : memref<40x128xi32, #tpu.memory_space<hbm>> -> memref<8x128xi32, #tpu.memory_space<hbm>>
        %dma_wait3A_98 = arith.constant 0 : i32
        %dma_wait3A_99 = arith.constant 0 : i32
        %dma_wait3A_100 = tpu.memref_slice %arg4[%add3A_3, %dma_wait3A_98, %dma_wait3A_99] : memref<32x40x128xi32, #tpu.memory_space<hbm>> -> memref<1x40x128xi32, #tpu.memory_space<hbm>>
        %dma_wait3A_101 = tpu.memref_squeeze %dma_wait3A_100 : memref<1x40x128xi32, #tpu.memory_space<hbm>> -> memref<40x128xi32, #tpu.memory_space<hbm>>
        %dma_wait3A_102 = arith.constant 0 : i32
        %dma_wait3A_103 = tpu.memref_slice %dma_wait3A_101[%mul3A_59, %dma_wait3A_102] : memref<40x128xi32, #tpu.memory_space<hbm>> -> memref<8x128xi32, #tpu.memory_space<hbm>>
        tpu.wait_dma2 semaphore(%run_scoped3A_80 : memref<!tpu.dma_semaphore, #tpu.memory_space<semaphore_mem>>) src(%dma_wait3A_103 : memref<8x128xi32, #tpu.memory_space<hbm>>) dst(%arg7 : memref<8x128xi32, #tpu.memory_space<vmem>>)
        tpu.yield
      }) : () -> ()
      %dma_start3A = arith.constant 0 : i32
      %dma_start3A_60 = arith.constant 0 : i32
      %dma_start3A_61 = arith.constant 0 : i32
      %dma_start3A_62 = arith.constant 0 : i32
      %dma_start3A_63 = arith.constant 0 : i32
      %dma_start3A_64 = tpu.memref_slice %arg8[%dma_start3A_60, %dma_start3A_62, %dma_start3A_63] : memref<2x128x128xf32, #tpu.memory_space<vmem>> -> memref<1x128x128xf32, #tpu.memory_space<vmem>>
      %dma_start3A_65 = tpu.memref_squeeze %dma_start3A_64 : memref<1x128x128xf32, #tpu.memory_space<vmem>> -> memref<128x128xf32, #tpu.memory_space<vmem>>
      %dma_start3A_66 = arith.constant 0 : i32
      %dma_start3A_67 = tpu.memref_slice %arg6[%dma_start3A, %dma_start3A_66] : memref<8x128xi32, #tpu.memory_space<vmem>> -> memref<1x128xi32, #tpu.memory_space<vmem>>
      %dma_start3A_68 = tpu.memref_squeeze %dma_start3A_67 : memref<1x128xi32, #tpu.memory_space<vmem>> -> memref<128xi32, #tpu.memory_space<vmem>>
      %dma_start3A_69 = arith.constant 0 : i32
      %dma_start3A_70 = arith.constant 0 : i32
      %dma_start3A_71 = tpu.memref_slice %arg2[%dma_start3A_69, %dma_start3A_70] : memref<10240x128xf32, #tpu.memory_space<hbm>> -> memref<10240x128xf32, #tpu.memory_space<hbm>>
      %dma_start3A_72 = tpu.memref_slice %arg10[%dma_start3A_61] : memref<2x!tpu.dma_semaphore, #tpu.memory_space<semaphore_mem>> -> memref<1x!tpu.dma_semaphore, #tpu.memory_space<semaphore_mem>>
      %dma_start3A_73 = tpu.memref_squeeze %dma_start3A_72 : memref<1x!tpu.dma_semaphore, #tpu.memory_space<semaphore_mem>> -> memref<!tpu.dma_semaphore, #tpu.memory_space<semaphore_mem>>
      tpu.enqueue_indirect_dma source(%dma_start3A_71 : memref<10240x128xf32, #tpu.memory_space<hbm>>) target(%dma_start3A_65 : memref<128x128xf32, #tpu.memory_space<vmem>>) offsets(%dma_start3A_68 : memref<128xi32, #tpu.memory_space<vmem>>) semaphore(%dma_start3A_73 : memref<!tpu.dma_semaphore, #tpu.memory_space<semaphore_mem>>)
      %scan3A_74 = arith.constant 0 : i32
      %scan3A_75 = arith.constant 0 : i32
      %scan3A_76 = arith.constant 8 : i32
      %scan3A_77 = arith.addi %scan3A_75, %scan3A_76 : i32
      %scan3A_78 = arith.constant 1 : i32
      scf.for %scan3A_80 = %scan3A_75 to %scan3A_77 step %scan3A_78  : i32 {
        %jit3A = arith.constant 2 : i32
        %eq3A = arith.constant 0 : i32
        %eq3A_81 = arith.cmpi eq, %jit3A, %eq3A : i32
        %jit3A_82 = arith.constant 1 : i32
        %select_n3A = arith.select %eq3A_81, %jit3A_82, %jit3A : i32
        %rem3A = arith.remsi %scan3A_80, %select_n3A : i32
        %ne3A = arith.constant 0 : i32
        %ne3A_83 = arith.cmpi ne, %rem3A, %ne3A : i32
        %lt3A = arith.constant 0 : i32
        %lt3A_84 = arith.cmpi slt, %rem3A, %lt3A : i32
        %lt3A_85 = arith.constant 0 : i32
        %lt3A_86 = arith.cmpi slt, %select_n3A, %lt3A_85 : i32
        %ne3A_87 = arith.xori %lt3A_84, %lt3A_86 : i1
        %and3A = arith.andi %ne3A_87, %ne3A_83 : i1
        %add3A_88 = arith.addi %rem3A, %select_n3A : i32
        %select_n3A_89 = arith.select %and3A, %add3A_88, %rem3A : i32
        %eq3A_90 = arith.constant 0 : i32
        %eq3A_91 = arith.cmpi eq, %select_n3A_89, %eq3A_90 : i32
        %convert_element_type3A = arith.extui %eq3A_91 : i1 to i32
        %cond3A = arith.constant 0 : i32
        %cond3A_92 = arith.cmpi ne, %convert_element_type3A, %cond3A : i32
        scf.if %cond3A_92 {
          %dma_wait3A = arith.constant 0 : i32
          %dma_wait3A_114 = arith.constant 0 : i32
          %dma_wait3A_115 = arith.constant 0 : i32
          %dma_wait3A_116 = arith.constant 0 : i32
          %dma_wait3A_117 = tpu.memref_slice %arg8[%dma_wait3A, %dma_wait3A_115, %dma_wait3A_116] : memref<2x128x128xf32, #tpu.memory_space<vmem>> -> memref<1x128x128xf32, #tpu.memory_space<vmem>>
          %dma_wait3A_118 = tpu.memref_squeeze %dma_wait3A_117 : memref<1x128x128xf32, #tpu.memory_space<vmem>> -> memref<128x128xf32, #tpu.memory_space<vmem>>
          %dma_wait3A_119 = arith.constant 0 : i32
          %dma_wait3A_120 = tpu.memref_slice %arg6[%scan3A_80, %dma_wait3A_119] : memref<8x128xi32, #tpu.memory_space<vmem>> -> memref<1x128xi32, #tpu.memory_space<vmem>>
          %dma_wait3A_121 = tpu.memref_squeeze %dma_wait3A_120 : memref<1x128xi32, #tpu.memory_space<vmem>> -> memref<128xi32, #tpu.memory_space<vmem>>
          %dma_wait3A_122 = arith.constant 0 : i32
          %dma_wait3A_123 = arith.constant 0 : i32
          %dma_wait3A_124 = tpu.memref_slice %arg2[%dma_wait3A_122, %dma_wait3A_123] : memref<10240x128xf32, #tpu.memory_space<hbm>> -> memref<10240x128xf32, #tpu.memory_space<hbm>>
          %dma_wait3A_125 = tpu.memref_slice %arg10[%dma_wait3A_114] : memref<2x!tpu.dma_semaphore, #tpu.memory_space<semaphore_mem>> -> memref<1x!tpu.dma_semaphore, #tpu.memory_space<semaphore_mem>>
          %dma_wait3A_126 = tpu.memref_squeeze %dma_wait3A_125 : memref<1x!tpu.dma_semaphore, #tpu.memory_space<semaphore_mem>> -> memref<!tpu.dma_semaphore, #tpu.memory_space<semaphore_mem>>
          tpu.wait_indirect_dma semaphore(%dma_wait3A_126 : memref<!tpu.dma_semaphore, #tpu.memory_space<semaphore_mem>>) src(%dma_wait3A_124 : memref<10240x128xf32, #tpu.memory_space<hbm>>) dst(%dma_wait3A_118 : memref<128x128xf32, #tpu.memory_space<vmem>>)
          %add3A_127 = arith.constant 1 : i32
          %add3A_128 = arith.addi %scan3A_80, %add3A_127 : i32
          %lt3A_129 = arith.constant 8 : i32
          %lt3A_130 = arith.cmpi slt, %add3A_128, %lt3A_129 : i32
          %convert_element_type3A_131 = arith.extui %lt3A_130 : i1 to i32
          %cond3A_132 = arith.constant 0 : i32
          %cond3A_133 = arith.cmpi ne, %convert_element_type3A_131, %cond3A_132 : i32
          scf.if %cond3A_133 {
            %add3A_135 = arith.constant 1 : i32
            %add3A_136 = arith.addi %scan3A_80, %add3A_135 : i32
            %dma_start3A_137 = arith.constant 1 : i32
            %dma_start3A_138 = arith.constant 1 : i32
            %dma_start3A_139 = arith.constant 0 : i32
            %dma_start3A_140 = arith.constant 0 : i32
            %dma_start3A_141 = tpu.memref_slice %arg8[%dma_start3A_137, %dma_start3A_139, %dma_start3A_140] : memref<2x128x128xf32, #tpu.memory_space<vmem>> -> memref<1x128x128xf32, #tpu.memory_space<vmem>>
            %dma_start3A_142 = tpu.memref_squeeze %dma_start3A_141 : memref<1x128x128xf32, #tpu.memory_space<vmem>> -> memref<128x128xf32, #tpu.memory_space<vmem>>
            %dma_start3A_143 = arith.constant 0 : i32
            %dma_start3A_144 = tpu.memref_slice %arg6[%add3A_136, %dma_start3A_143] : memref<8x128xi32, #tpu.memory_space<vmem>> -> memref<1x128xi32, #tpu.memory_space<vmem>>
            %dma_start3A_145 = tpu.memref_squeeze %dma_start3A_144 : memref<1x128xi32, #tpu.memory_space<vmem>> -> memref<128xi32, #tpu.memory_space<vmem>>
            %dma_start3A_146 = arith.constant 0 : i32
            %dma_start3A_147 = arith.constant 0 : i32
            %dma_start3A_148 = tpu.memref_slice %arg2[%dma_start3A_146, %dma_start3A_147] : memref<10240x128xf32, #tpu.memory_space<hbm>> -> memref<10240x128xf32, #tpu.memory_space<hbm>>
            %dma_start3A_149 = tpu.memref_slice %arg10[%dma_start3A_138] : memref<2x!tpu.dma_semaphore, #tpu.memory_space<semaphore_mem>> -> memref<1x!tpu.dma_semaphore, #tpu.memory_space<semaphore_mem>>
            %dma_start3A_150 = tpu.memref_squeeze %dma_start3A_149 : memref<1x!tpu.dma_semaphore, #tpu.memory_space<semaphore_mem>> -> memref<!tpu.dma_semaphore, #tpu.memory_space<semaphore_mem>>
            tpu.enqueue_indirect_dma source(%dma_start3A_148 : memref<10240x128xf32, #tpu.memory_space<hbm>>) target(%dma_start3A_142 : memref<128x128xf32, #tpu.memory_space<vmem>>) offsets(%dma_start3A_145 : memref<128xi32, #tpu.memory_space<vmem>>) semaphore(%dma_start3A_150 : memref<!tpu.dma_semaphore, #tpu.memory_space<semaphore_mem>>)
          } else {
          }
          %run_scoped3A_134 = arith.constant 0 : i32
          "tpu.region"() ({
            %run_scoped3A_135 = tpu.sem_alloc : memref<!tpu.dma_semaphore, #tpu.memory_space<semaphore_mem>>
            %dma_start3A_136 = arith.constant 0 : i32
            %dma_start3A_137 = arith.constant 0 : i32
            %dma_start3A_138 = tpu.memref_slice %arg8[%run_scoped3A_134, %dma_start3A_136, %dma_start3A_137] : memref<2x128x128xf32, #tpu.memory_space<vmem>> -> memref<1x128x128xf32, #tpu.memory_space<vmem>>
            %dma_start3A_139 = tpu.memref_squeeze %dma_start3A_138 : memref<1x128x128xf32, #tpu.memory_space<vmem>> -> memref<128x128xf32, #tpu.memory_space<vmem>>
            %dma_start3A_140 = arith.constant 0 : i32
            %dma_start3A_141 = tpu.memref_slice %arg7[%scan3A_80, %dma_start3A_140] : memref<8x128xi32, #tpu.memory_space<vmem>> -> memref<1x128xi32, #tpu.memory_space<vmem>>
            %dma_start3A_142 = tpu.memref_squeeze %dma_start3A_141 : memref<1x128xi32, #tpu.memory_space<vmem>> -> memref<128xi32, #tpu.memory_space<vmem>>
            %dma_start3A_143 = arith.constant 0 : i32
            %dma_start3A_144 = arith.constant 0 : i32
            %dma_start3A_145 = tpu.memref_slice %arg9[%dma_start3A_143, %dma_start3A_144] : memref<10240x128xf32, #tpu.memory_space<vmem_shared>> -> memref<10240x128xf32, #tpu.memory_space<vmem_shared>>
            tpu.enqueue_indirect_dma source(%dma_start3A_139 : memref<128x128xf32, #tpu.memory_space<vmem>>) target(%dma_start3A_145 : memref<10240x128xf32, #tpu.memory_space<vmem_shared>>) offsets(%dma_start3A_142 : memref<128xi32, #tpu.memory_space<vmem>>) semaphore(%run_scoped3A_135 : memref<!tpu.dma_semaphore, #tpu.memory_space<semaphore_mem>>) {add = true}
            %dma_wait3A_146 = arith.constant 0 : i32
            %dma_wait3A_147 = arith.constant 0 : i32
            %dma_wait3A_148 = tpu.memref_slice %arg8[%run_scoped3A_134, %dma_wait3A_146, %dma_wait3A_147] : memref<2x128x128xf32, #tpu.memory_space<vmem>> -> memref<1x128x128xf32, #tpu.memory_space<vmem>>
            %dma_wait3A_149 = tpu.memref_squeeze %dma_wait3A_148 : memref<1x128x128xf32, #tpu.memory_space<vmem>> -> memref<128x128xf32, #tpu.memory_space<vmem>>
            %dma_wait3A_150 = arith.constant 0 : i32
            %dma_wait3A_151 = tpu.memref_slice %arg7[%scan3A_80, %dma_wait3A_150] : memref<8x128xi32, #tpu.memory_space<vmem>> -> memref<1x128xi32, #tpu.memory_space<vmem>>
            %dma_wait3A_152 = tpu.memref_squeeze %dma_wait3A_151 : memref<1x128xi32, #tpu.memory_space<vmem>> -> memref<128xi32, #tpu.memory_space<vmem>>
            %dma_wait3A_153 = arith.constant 0 : i32
            %dma_wait3A_154 = arith.constant 0 : i32
            %dma_wait3A_155 = tpu.memref_slice %arg9[%dma_wait3A_153, %dma_wait3A_154] : memref<10240x128xf32, #tpu.memory_space<vmem_shared>> -> memref<10240x128xf32, #tpu.memory_space<vmem_shared>>
            tpu.wait_indirect_dma semaphore(%run_scoped3A_135 : memref<!tpu.dma_semaphore, #tpu.memory_space<semaphore_mem>>) src(%dma_wait3A_149 : memref<128x128xf32, #tpu.memory_space<vmem>>) dst(%dma_wait3A_155 : memref<10240x128xf32, #tpu.memory_space<vmem_shared>>)
            tpu.yield
          }) : () -> ()
        } else {
        }
        %jit3A_93 = arith.constant 2 : i32
        %eq3A_94 = arith.constant 0 : i32
        %eq3A_95 = arith.cmpi eq, %jit3A_93, %eq3A_94 : i32
        %jit3A_96 = arith.constant 1 : i32
        %select_n3A_97 = arith.select %eq3A_95, %jit3A_96, %jit3A_93 : i32
        %rem3A_98 = arith.remsi %scan3A_80, %select_n3A_97 : i32
        %ne3A_99 = arith.constant 0 : i32
        %ne3A_100 = arith.cmpi ne, %rem3A_98, %ne3A_99 : i32
        %lt3A_101 = arith.constant 0 : i32
        %lt3A_102 = arith.cmpi slt, %rem3A_98, %lt3A_101 : i32
        %lt3A_103 = arith.constant 0 : i32
        %lt3A_104 = arith.cmpi slt, %select_n3A_97, %lt3A_103 : i32
        %ne3A_105 = arith.xori %lt3A_102, %lt3A_104 : i1
        %and3A_106 = arith.andi %ne3A_105, %ne3A_100 : i1
        %add3A_107 = arith.addi %rem3A_98, %select_n3A_97 : i32
        %select_n3A_108 = arith.select %and3A_106, %add3A_107, %rem3A_98 : i32
        %eq3A_109 = arith.constant 1 : i32
        %eq3A_110 = arith.cmpi eq, %select_n3A_108, %eq3A_109 : i32
        %convert_element_type3A_111 = arith.extui %eq3A_110 : i1 to i32
        %cond3A_112 = arith.constant 0 : i32
        %cond3A_113 = arith.cmpi ne, %convert_element_type3A_111, %cond3A_112 : i32
        scf.if %cond3A_113 {
          %dma_wait3A = arith.constant 1 : i32
          %dma_wait3A_114 = arith.constant 1 : i32
          %dma_wait3A_115 = arith.constant 0 : i32
          %dma_wait3A_116 = arith.constant 0 : i32
          %dma_wait3A_117 = tpu.memref_slice %arg8[%dma_wait3A, %dma_wait3A_115, %dma_wait3A_116] : memref<2x128x128xf32, #tpu.memory_space<vmem>> -> memref<1x128x128xf32, #tpu.memory_space<vmem>>
          %dma_wait3A_118 = tpu.memref_squeeze %dma_wait3A_117 : memref<1x128x128xf32, #tpu.memory_space<vmem>> -> memref<128x128xf32, #tpu.memory_space<vmem>>
          %dma_wait3A_119 = arith.constant 0 : i32
          %dma_wait3A_120 = tpu.memref_slice %arg6[%scan3A_80, %dma_wait3A_119] : memref<8x128xi32, #tpu.memory_space<vmem>> -> memref<1x128xi32, #tpu.memory_space<vmem>>
          %dma_wait3A_121 = tpu.memref_squeeze %dma_wait3A_120 : memref<1x128xi32, #tpu.memory_space<vmem>> -> memref<128xi32, #tpu.memory_space<vmem>>
          %dma_wait3A_122 = arith.constant 0 : i32
          %dma_wait3A_123 = arith.constant 0 : i32
          %dma_wait3A_124 = tpu.memref_slice %arg2[%dma_wait3A_122, %dma_wait3A_123] : memref<10240x128xf32, #tpu.memory_space<hbm>> -> memref<10240x128xf32, #tpu.memory_space<hbm>>
          %dma_wait3A_125 = tpu.memref_slice %arg10[%dma_wait3A_114] : memref<2x!tpu.dma_semaphore, #tpu.memory_space<semaphore_mem>> -> memref<1x!tpu.dma_semaphore, #tpu.memory_space<semaphore_mem>>
          %dma_wait3A_126 = tpu.memref_squeeze %dma_wait3A_125 : memref<1x!tpu.dma_semaphore, #tpu.memory_space<semaphore_mem>> -> memref<!tpu.dma_semaphore, #tpu.memory_space<semaphore_mem>>
          tpu.wait_indirect_dma semaphore(%dma_wait3A_126 : memref<!tpu.dma_semaphore, #tpu.memory_space<semaphore_mem>>) src(%dma_wait3A_124 : memref<10240x128xf32, #tpu.memory_space<hbm>>) dst(%dma_wait3A_118 : memref<128x128xf32, #tpu.memory_space<vmem>>)
          %add3A_127 = arith.constant 1 : i32
          %add3A_128 = arith.addi %scan3A_80, %add3A_127 : i32
          %lt3A_129 = arith.constant 8 : i32
          %lt3A_130 = arith.cmpi slt, %add3A_128, %lt3A_129 : i32
          %convert_element_type3A_131 = arith.extui %lt3A_130 : i1 to i32
          %cond3A_132 = arith.constant 0 : i32
          %cond3A_133 = arith.cmpi ne, %convert_element_type3A_131, %cond3A_132 : i32
          scf.if %cond3A_133 {
            %add3A_135 = arith.constant 1 : i32
            %add3A_136 = arith.addi %scan3A_80, %add3A_135 : i32
            %dma_start3A_137 = arith.constant 0 : i32
            %dma_start3A_138 = arith.constant 0 : i32
            %dma_start3A_139 = arith.constant 0 : i32
            %dma_start3A_140 = arith.constant 0 : i32
            %dma_start3A_141 = tpu.memref_slice %arg8[%dma_start3A_137, %dma_start3A_139, %dma_start3A_140] : memref<2x128x128xf32, #tpu.memory_space<vmem>> -> memref<1x128x128xf32, #tpu.memory_space<vmem>>
            %dma_start3A_142 = tpu.memref_squeeze %dma_start3A_141 : memref<1x128x128xf32, #tpu.memory_space<vmem>> -> memref<128x128xf32, #tpu.memory_space<vmem>>
            %dma_start3A_143 = arith.constant 0 : i32
            %dma_start3A_144 = tpu.memref_slice %arg6[%add3A_136, %dma_start3A_143] : memref<8x128xi32, #tpu.memory_space<vmem>> -> memref<1x128xi32, #tpu.memory_space<vmem>>
            %dma_start3A_145 = tpu.memref_squeeze %dma_start3A_144 : memref<1x128xi32, #tpu.memory_space<vmem>> -> memref<128xi32, #tpu.memory_space<vmem>>
            %dma_start3A_146 = arith.constant 0 : i32
            %dma_start3A_147 = arith.constant 0 : i32
            %dma_start3A_148 = tpu.memref_slice %arg2[%dma_start3A_146, %dma_start3A_147] : memref<10240x128xf32, #tpu.memory_space<hbm>> -> memref<10240x128xf32, #tpu.memory_space<hbm>>
            %dma_start3A_149 = tpu.memref_slice %arg10[%dma_start3A_138] : memref<2x!tpu.dma_semaphore, #tpu.memory_space<semaphore_mem>> -> memref<1x!tpu.dma_semaphore, #tpu.memory_space<semaphore_mem>>
            %dma_start3A_150 = tpu.memref_squeeze %dma_start3A_149 : memref<1x!tpu.dma_semaphore, #tpu.memory_space<semaphore_mem>> -> memref<!tpu.dma_semaphore, #tpu.memory_space<semaphore_mem>>
            tpu.enqueue_indirect_dma source(%dma_start3A_148 : memref<10240x128xf32, #tpu.memory_space<hbm>>) target(%dma_start3A_142 : memref<128x128xf32, #tpu.memory_space<vmem>>) offsets(%dma_start3A_145 : memref<128xi32, #tpu.memory_space<vmem>>) semaphore(%dma_start3A_150 : memref<!tpu.dma_semaphore, #tpu.memory_space<semaphore_mem>>)
          } else {
          }
          %run_scoped3A_134 = arith.constant 1 : i32
          "tpu.region"() ({
            %run_scoped3A_135 = tpu.sem_alloc : memref<!tpu.dma_semaphore, #tpu.memory_space<semaphore_mem>>
            %dma_start3A_136 = arith.constant 0 : i32
            %dma_start3A_137 = arith.constant 0 : i32
            %dma_start3A_138 = tpu.memref_slice %arg8[%run_scoped3A_134, %dma_start3A_136, %dma_start3A_137] : memref<2x128x128xf32, #tpu.memory_space<vmem>> -> memref<1x128x128xf32, #tpu.memory_space<vmem>>
            %dma_start3A_139 = tpu.memref_squeeze %dma_start3A_138 : memref<1x128x128xf32, #tpu.memory_space<vmem>> -> memref<128x128xf32, #tpu.memory_space<vmem>>
            %dma_start3A_140 = arith.constant 0 : i32
            %dma_start3A_141 = tpu.memref_slice %arg7[%scan3A_80, %dma_start3A_140] : memref<8x128xi32, #tpu.memory_space<vmem>> -> memref<1x128xi32, #tpu.memory_space<vmem>>
            %dma_start3A_142 = tpu.memref_squeeze %dma_start3A_141 : memref<1x128xi32, #tpu.memory_space<vmem>> -> memref<128xi32, #tpu.memory_space<vmem>>
            %dma_start3A_143 = arith.constant 0 : i32
            %dma_start3A_144 = arith.constant 0 : i32
            %dma_start3A_145 = tpu.memref_slice %arg9[%dma_start3A_143, %dma_start3A_144] : memref<10240x128xf32, #tpu.memory_space<vmem_shared>> -> memref<10240x128xf32, #tpu.memory_space<vmem_shared>>
            tpu.enqueue_indirect_dma source(%dma_start3A_139 : memref<128x128xf32, #tpu.memory_space<vmem>>) target(%dma_start3A_145 : memref<10240x128xf32, #tpu.memory_space<vmem_shared>>) offsets(%dma_start3A_142 : memref<128xi32, #tpu.memory_space<vmem>>) semaphore(%run_scoped3A_135 : memref<!tpu.dma_semaphore, #tpu.memory_space<semaphore_mem>>) {add = true}
            %dma_wait3A_146 = arith.constant 0 : i32
            %dma_wait3A_147 = arith.constant 0 : i32
            %dma_wait3A_148 = tpu.memref_slice %arg8[%run_scoped3A_134, %dma_wait3A_146, %dma_wait3A_147] : memref<2x128x128xf32, #tpu.memory_space<vmem>> -> memref<1x128x128xf32, #tpu.memory_space<vmem>>
            %dma_wait3A_149 = tpu.memref_squeeze %dma_wait3A_148 : memref<1x128x128xf32, #tpu.memory_space<vmem>> -> memref<128x128xf32, #tpu.memory_space<vmem>>
            %dma_wait3A_150 = arith.constant 0 : i32
            %dma_wait3A_151 = tpu.memref_slice %arg7[%scan3A_80, %dma_wait3A_150] : memref<8x128xi32, #tpu.memory_space<vmem>> -> memref<1x128xi32, #tpu.memory_space<vmem>>
            %dma_wait3A_152 = tpu.memref_squeeze %dma_wait3A_151 : memref<1x128xi32, #tpu.memory_space<vmem>> -> memref<128xi32, #tpu.memory_space<vmem>>
            %dma_wait3A_153 = arith.constant 0 : i32
            %dma_wait3A_154 = arith.constant 0 : i32
            %dma_wait3A_155 = tpu.memref_slice %arg9[%dma_wait3A_153, %dma_wait3A_154] : memref<10240x128xf32, #tpu.memory_space<vmem_shared>> -> memref<10240x128xf32, #tpu.memory_space<vmem_shared>>
            tpu.wait_indirect_dma semaphore(%run_scoped3A_135 : memref<!tpu.dma_semaphore, #tpu.memory_space<semaphore_mem>>) src(%dma_wait3A_149 : memref<128x128xf32, #tpu.memory_space<vmem>>) dst(%dma_wait3A_155 : memref<10240x128xf32, #tpu.memory_space<vmem_shared>>)
            tpu.yield
          }) : () -> ()
        } else {
        }
      }
      %scan3A_79 = arith.constant 8 : i32
    }
    %scan3A_49 = arith.constant 5 : i32
    %barrier3A_50 = arith.constant 0 : index
    tpu.barrier barrier_id(%barrier3A_50)
    %mul3A_51 = arith.constant 640 : i32
    %mul3A_52 = arith.muli %arg1, %mul3A_51 : i32
    %mul3A_53 = arith.constant 640 : i32
    %mul3A_54 = arith.muli %arg1, %mul3A_53 : i32
    "tpu.region"() ({
      %run_scoped3A_55 = tpu.sem_alloc : memref<!tpu.dma_semaphore, #tpu.memory_space<semaphore_mem>>
      %dma_start3A = arith.constant 0 : i32
      %dma_start3A_56 = arith.constant 0 : i32
      %dma_start3A_57 = tpu.memref_slice %arg5[%arg0, %dma_start3A, %dma_start3A_56] : memref<2x10240x128xf32, #tpu.memory_space<hbm>> -> memref<1x10240x128xf32, #tpu.memory_space<hbm>>
      %dma_start3A_58 = tpu.memref_squeeze %dma_start3A_57 : memref<1x10240x128xf32, #tpu.memory_space<hbm>> -> memref<10240x128xf32, #tpu.memory_space<hbm>>
      %dma_start3A_59 = arith.constant 0 : i32
      %dma_start3A_60 = tpu.memref_slice %dma_start3A_58[%mul3A_54, %dma_start3A_59] : memref<10240x128xf32, #tpu.memory_space<hbm>> -> memref<640x128xf32, #tpu.memory_space<hbm>>
      %dma_start3A_61 = arith.constant 0 : i32
      %dma_start3A_62 = tpu.memref_slice %arg9[%mul3A_52, %dma_start3A_61] : memref<10240x128xf32, #tpu.memory_space<vmem_shared>> -> memref<640x128xf32, #tpu.memory_space<vmem_shared>>
      tpu.enqueue_dma source(%dma_start3A_62 : memref<640x128xf32, #tpu.memory_space<vmem_shared>>) target(%dma_start3A_60 : memref<640x128xf32, #tpu.memory_space<hbm>>) target_semaphore(%run_scoped3A_55 : memref<!tpu.dma_semaphore, #tpu.memory_space<semaphore_mem>>)
      %dma_wait3A = arith.constant 0 : i32
      %dma_wait3A_63 = arith.constant 0 : i32
      %dma_wait3A_64 = tpu.memref_slice %arg5[%arg0, %dma_wait3A, %dma_wait3A_63] : memref<2x10240x128xf32, #tpu.memory_space<hbm>> -> memref<1x10240x128xf32, #tpu.memory_space<hbm>>
      %dma_wait3A_65 = tpu.memref_squeeze %dma_wait3A_64 : memref<1x10240x128xf32, #tpu.memory_space<hbm>> -> memref<10240x128xf32, #tpu.memory_space<hbm>>
      %dma_wait3A_66 = arith.constant 0 : i32
      %dma_wait3A_67 = tpu.memref_slice %dma_wait3A_65[%mul3A_54, %dma_wait3A_66] : memref<10240x128xf32, #tpu.memory_space<hbm>> -> memref<640x128xf32, #tpu.memory_space<hbm>>
      %dma_wait3A_68 = arith.constant 0 : i32
      %dma_wait3A_69 = tpu.memref_slice %arg9[%mul3A_52, %dma_wait3A_68] : memref<10240x128xf32, #tpu.memory_space<vmem_shared>> -> memref<640x128xf32, #tpu.memory_space<vmem_shared>>
      tpu.wait_dma2 semaphore(%run_scoped3A_55 : memref<!tpu.dma_semaphore, #tpu.memory_space<semaphore_mem>>) src(%dma_wait3A_69 : memref<640x128xf32, #tpu.memory_space<vmem_shared>>) dst(%dma_wait3A_67 : memref<640x128xf32, #tpu.memory_space<hbm>>)
      tpu.yield
    }) : () -> ()
    return
  }
}

#map = affine_map<(d0, d1) -> (0, 0, 0)>
#map1 = affine_map<(d0, d1) -> (0, 0)>
module attributes {stable_mosaic.version = 14 : i64} {
  func.func @deg_kernel(%arg0: i32, %arg1: i32, %arg2: memref<32x40x128xi32, #tpu.memory_space<hbm>>, %arg3: memref<2x10240xf32, #tpu.memory_space<hbm>>, %arg4: memref<40x128xi32, #tpu.memory_space<vmem>>, %arg5: memref<128xf32, #tpu.memory_space<vmem>>, %arg6: memref<640xf32, #tpu.memory_space<vmem>>, %arg7: memref<10240xf32, #tpu.memory_space<vmem_shared>>) attributes {dimension_semantics = [#tpu.dimension_semantics<core_parallel>, #tpu.dimension_semantics<subcore_parallel>], iteration_bounds = array<i64: 2, 16>, scalar_prefetch = 0 : i64, scratch_operands = 4 : i64, tpu.core_type = #tpu.core_type<sc_vector_subcore>, window_params = [{transform_indices = #map}, {transform_indices = #map1}]} {
    %mul3A = arith.constant 16 : i32
    %mul3A_0 = arith.muli %arg0, %mul3A : i32
    %add3A = arith.addi %mul3A_0, %arg1 : i32
    "tpu.region"() ({
      %run_scoped3A = tpu.sem_alloc : memref<!tpu.dma_semaphore, #tpu.memory_space<semaphore_mem>>
      %dma_start3A = arith.constant 0 : i32
      %dma_start3A_207 = arith.constant 0 : i32
      %dma_start3A_208 = tpu.memref_slice %arg2[%add3A, %dma_start3A, %dma_start3A_207] : memref<32x40x128xi32, #tpu.memory_space<hbm>> -> memref<1x40x128xi32, #tpu.memory_space<hbm>>
      %dma_start3A_209 = tpu.memref_squeeze %dma_start3A_208 : memref<1x40x128xi32, #tpu.memory_space<hbm>> -> memref<40x128xi32, #tpu.memory_space<hbm>>
      %dma_start3A_210 = arith.constant 0 : i32
      %dma_start3A_211 = arith.constant 0 : i32
      %dma_start3A_212 = tpu.memref_slice %arg2[%add3A, %dma_start3A_210, %dma_start3A_211] : memref<32x40x128xi32, #tpu.memory_space<hbm>> -> memref<1x40x128xi32, #tpu.memory_space<hbm>>
      %dma_start3A_213 = tpu.memref_squeeze %dma_start3A_212 : memref<1x40x128xi32, #tpu.memory_space<hbm>> -> memref<40x128xi32, #tpu.memory_space<hbm>>
      tpu.enqueue_dma source(%dma_start3A_213 : memref<40x128xi32, #tpu.memory_space<hbm>>) target(%arg4 : memref<40x128xi32, #tpu.memory_space<vmem>>) target_semaphore(%run_scoped3A : memref<!tpu.dma_semaphore, #tpu.memory_space<semaphore_mem>>)
      %dma_wait3A = arith.constant 0 : i32
      %dma_wait3A_214 = arith.constant 0 : i32
      %dma_wait3A_215 = tpu.memref_slice %arg2[%add3A, %dma_wait3A, %dma_wait3A_214] : memref<32x40x128xi32, #tpu.memory_space<hbm>> -> memref<1x40x128xi32, #tpu.memory_space<hbm>>
      %dma_wait3A_216 = tpu.memref_squeeze %dma_wait3A_215 : memref<1x40x128xi32, #tpu.memory_space<hbm>> -> memref<40x128xi32, #tpu.memory_space<hbm>>
      %dma_wait3A_217 = arith.constant 0 : i32
      %dma_wait3A_218 = arith.constant 0 : i32
      %dma_wait3A_219 = tpu.memref_slice %arg2[%add3A, %dma_wait3A_217, %dma_wait3A_218] : memref<32x40x128xi32, #tpu.memory_space<hbm>> -> memref<1x40x128xi32, #tpu.memory_space<hbm>>
      %dma_wait3A_220 = tpu.memref_squeeze %dma_wait3A_219 : memref<1x40x128xi32, #tpu.memory_space<hbm>> -> memref<40x128xi32, #tpu.memory_space<hbm>>
      tpu.wait_dma2 semaphore(%run_scoped3A : memref<!tpu.dma_semaphore, #tpu.memory_space<semaphore_mem>>) src(%dma_wait3A_220 : memref<40x128xi32, #tpu.memory_space<hbm>>) dst(%arg4 : memref<40x128xi32, #tpu.memory_space<vmem>>)
      tpu.yield
    }) : () -> ()
    %broadcast_in_dim3A = arith.constant 1.000000e+00 : f32
    %broadcast_in_dim3A_1 = vector.broadcast %broadcast_in_dim3A : f32 to vector<16xf32>
    %swap3A = arith.constant 0 : index
    %swap3A_2 = tpu.vector_load %arg5[%swap3A] {strides = array<i32>} : memref<128xf32, #tpu.memory_space<vmem>>, vector<16xf32>,
    %swap3A_3 = vector.shape_cast %swap3A_2 : vector<16xf32> to vector<16xf32>
    %swap3A_4 = vector.shape_cast %broadcast_in_dim3A_1 : vector<16xf32> to vector<16xf32>
    tpu.vector_store %arg5[%swap3A], %swap3A_4 {strides = array<i32>} : memref<128xf32, #tpu.memory_space<vmem>>, vector<16xf32>,
    %swap3A_5 = arith.constant 16 : index
    %swap3A_6 = tpu.vector_load %arg5[%swap3A_5] {strides = array<i32>} : memref<128xf32, #tpu.memory_space<vmem>>, vector<16xf32>,
    %swap3A_7 = vector.shape_cast %swap3A_6 : vector<16xf32> to vector<16xf32>
    %swap3A_8 = vector.shape_cast %broadcast_in_dim3A_1 : vector<16xf32> to vector<16xf32>
    tpu.vector_store %arg5[%swap3A_5], %swap3A_8 {strides = array<i32>} : memref<128xf32, #tpu.memory_space<vmem>>, vector<16xf32>,
    %swap3A_9 = arith.constant 32 : index
    %swap3A_10 = tpu.vector_load %arg5[%swap3A_9] {strides = array<i32>} : memref<128xf32, #tpu.memory_space<vmem>>, vector<16xf32>,
    %swap3A_11 = vector.shape_cast %swap3A_10 : vector<16xf32> to vector<16xf32>
    %swap3A_12 = vector.shape_cast %broadcast_in_dim3A_1 : vector<16xf32> to vector<16xf32>
    tpu.vector_store %arg5[%swap3A_9], %swap3A_12 {strides = array<i32>} : memref<128xf32, #tpu.memory_space<vmem>>, vector<16xf32>,
    %swap3A_13 = arith.constant 48 : index
    %swap3A_14 = tpu.vector_load %arg5[%swap3A_13] {strides = array<i32>} : memref<128xf32, #tpu.memory_space<vmem>>, vector<16xf32>,
    %swap3A_15 = vector.shape_cast %swap3A_14 : vector<16xf32> to vector<16xf32>
    %swap3A_16 = vector.shape_cast %broadcast_in_dim3A_1 : vector<16xf32> to vector<16xf32>
    tpu.vector_store %arg5[%swap3A_13], %swap3A_16 {strides = array<i32>} : memref<128xf32, #tpu.memory_space<vmem>>, vector<16xf32>,
    %swap3A_17 = arith.constant 64 : index
    %swap3A_18 = tpu.vector_load %arg5[%swap3A_17] {strides = array<i32>} : memref<128xf32, #tpu.memory_space<vmem>>, vector<16xf32>,
    %swap3A_19 = vector.shape_cast %swap3A_18 : vector<16xf32> to vector<16xf32>
    %swap3A_20 = vector.shape_cast %broadcast_in_dim3A_1 : vector<16xf32> to vector<16xf32>
    tpu.vector_store %arg5[%swap3A_17], %swap3A_20 {strides = array<i32>} : memref<128xf32, #tpu.memory_space<vmem>>, vector<16xf32>,
    %swap3A_21 = arith.constant 80 : index
    %swap3A_22 = tpu.vector_load %arg5[%swap3A_21] {strides = array<i32>} : memref<128xf32, #tpu.memory_space<vmem>>, vector<16xf32>,
    %swap3A_23 = vector.shape_cast %swap3A_22 : vector<16xf32> to vector<16xf32>
    %swap3A_24 = vector.shape_cast %broadcast_in_dim3A_1 : vector<16xf32> to vector<16xf32>
    tpu.vector_store %arg5[%swap3A_21], %swap3A_24 {strides = array<i32>} : memref<128xf32, #tpu.memory_space<vmem>>, vector<16xf32>,
    %swap3A_25 = arith.constant 96 : index
    %swap3A_26 = tpu.vector_load %arg5[%swap3A_25] {strides = array<i32>} : memref<128xf32, #tpu.memory_space<vmem>>, vector<16xf32>,
    %swap3A_27 = vector.shape_cast %swap3A_26 : vector<16xf32> to vector<16xf32>
    %swap3A_28 = vector.shape_cast %broadcast_in_dim3A_1 : vector<16xf32> to vector<16xf32>
    tpu.vector_store %arg5[%swap3A_25], %swap3A_28 {strides = array<i32>} : memref<128xf32, #tpu.memory_space<vmem>>, vector<16xf32>,
    %swap3A_29 = arith.constant 112 : index
    %swap3A_30 = tpu.vector_load %arg5[%swap3A_29] {strides = array<i32>} : memref<128xf32, #tpu.memory_space<vmem>>, vector<16xf32>,
    %swap3A_31 = vector.shape_cast %swap3A_30 : vector<16xf32> to vector<16xf32>
    %swap3A_32 = vector.shape_cast %broadcast_in_dim3A_1 : vector<16xf32> to vector<16xf32>
    tpu.vector_store %arg5[%swap3A_29], %swap3A_32 {strides = array<i32>} : memref<128xf32, #tpu.memory_space<vmem>>, vector<16xf32>,
    %broadcast_in_dim3A_33 = arith.constant 0.000000e+00 : f32
    %broadcast_in_dim3A_34 = vector.broadcast %broadcast_in_dim3A_33 : f32 to vector<16xf32>
    %swap3A_35 = arith.constant 0 : index
    %swap3A_36 = tpu.vector_load %arg6[%swap3A_35] {strides = array<i32>} : memref<640xf32, #tpu.memory_space<vmem>>, vector<16xf32>,
    %swap3A_37 = vector.shape_cast %swap3A_36 : vector<16xf32> to vector<16xf32>
    %swap3A_38 = vector.shape_cast %broadcast_in_dim3A_34 : vector<16xf32> to vector<16xf32>
    tpu.vector_store %arg6[%swap3A_35], %swap3A_38 {strides = array<i32>} : memref<640xf32, #tpu.memory_space<vmem>>, vector<16xf32>,
    %swap3A_39 = arith.constant 16 : index
    %swap3A_40 = tpu.vector_load %arg6[%swap3A_39] {strides = array<i32>} : memref<640xf32, #tpu.memory_space<vmem>>, vector<16xf32>,
    %swap3A_41 = vector.shape_cast %swap3A_40 : vector<16xf32> to vector<16xf32>
    %swap3A_42 = vector.shape_cast %broadcast_in_dim3A_34 : vector<16xf32> to vector<16xf32>
    tpu.vector_store %arg6[%swap3A_39], %swap3A_42 {strides = array<i32>} : memref<640xf32, #tpu.memory_space<vmem>>, vector<16xf32>,
    %swap3A_43 = arith.constant 32 : index
    %swap3A_44 = tpu.vector_load %arg6[%swap3A_43] {strides = array<i32>} : memref<640xf32, #tpu.memory_space<vmem>>, vector<16xf32>,
    %swap3A_45 = vector.shape_cast %swap3A_44 : vector<16xf32> to vector<16xf32>
    %swap3A_46 = vector.shape_cast %broadcast_in_dim3A_34 : vector<16xf32> to vector<16xf32>
    tpu.vector_store %arg6[%swap3A_43], %swap3A_46 {strides = array<i32>} : memref<640xf32, #tpu.memory_space<vmem>>, vector<16xf32>,
    %swap3A_47 = arith.constant 48 : index
    %swap3A_48 = tpu.vector_load %arg6[%swap3A_47] {strides = array<i32>} : memref<640xf32, #tpu.memory_space<vmem>>, vector<16xf32>,
    %swap3A_49 = vector.shape_cast %swap3A_48 : vector<16xf32> to vector<16xf32>
    %swap3A_50 = vector.shape_cast %broadcast_in_dim3A_34 : vector<16xf32> to vector<16xf32>
    tpu.vector_store %arg6[%swap3A_47], %swap3A_50 {strides = array<i32>} : memref<640xf32, #tpu.memory_space<vmem>>, vector<16xf32>,
    %swap3A_51 = arith.constant 64 : index
    %swap3A_52 = tpu.vector_load %arg6[%swap3A_51] {strides = array<i32>} : memref<640xf32, #tpu.memory_space<vmem>>, vector<16xf32>,
    %swap3A_53 = vector.shape_cast %swap3A_52 : vector<16xf32> to vector<16xf32>
    %swap3A_54 = vector.shape_cast %broadcast_in_dim3A_34 : vector<16xf32> to vector<16xf32>
    tpu.vector_store %arg6[%swap3A_51], %swap3A_54 {strides = array<i32>} : memref<640xf32, #tpu.memory_space<vmem>>, vector<16xf32>,
    %swap3A_55 = arith.constant 80 : index
    %swap3A_56 = tpu.vector_load %arg6[%swap3A_55] {strides = array<i32>} : memref<640xf32, #tpu.memory_space<vmem>>, vector<16xf32>,
    %swap3A_57 = vector.shape_cast %swap3A_56 : vector<16xf32> to vector<16xf32>
    %swap3A_58 = vector.shape_cast %broadcast_in_dim3A_34 : vector<16xf32> to vector<16xf32>
    tpu.vector_store %arg6[%swap3A_55], %swap3A_58 {strides = array<i32>} : memref<640xf32, #tpu.memory_space<vmem>>, vector<16xf32>,
    %swap3A_59 = arith.constant 96 : index
    %swap3A_60 = tpu.vector_load %arg6[%swap3A_59] {strides = array<i32>} : memref<640xf32, #tpu.memory_space<vmem>>, vector<16xf32>,
    %swap3A_61 = vector.shape_cast %swap3A_60 : vector<16xf32> to vector<16xf32>
    %swap3A_62 = vector.shape_cast %broadcast_in_dim3A_34 : vector<16xf32> to vector<16xf32>
    tpu.vector_store %arg6[%swap3A_59], %swap3A_62 {strides = array<i32>} : memref<640xf32, #tpu.memory_space<vmem>>, vector<16xf32>,
    %swap3A_63 = arith.constant 112 : index
    %swap3A_64 = tpu.vector_load %arg6[%swap3A_63] {strides = array<i32>} : memref<640xf32, #tpu.memory_space<vmem>>, vector<16xf32>,
    %swap3A_65 = vector.shape_cast %swap3A_64 : vector<16xf32> to vector<16xf32>
    %swap3A_66 = vector.shape_cast %broadcast_in_dim3A_34 : vector<16xf32> to vector<16xf32>
    tpu.vector_store %arg6[%swap3A_63], %swap3A_66 {strides = array<i32>} : memref<640xf32, #tpu.memory_space<vmem>>, vector<16xf32>,
    %swap3A_67 = arith.constant 128 : index
    %swap3A_68 = tpu.vector_load %arg6[%swap3A_67] {strides = array<i32>} : memref<640xf32, #tpu.memory_space<vmem>>, vector<16xf32>,
    %swap3A_69 = vector.shape_cast %swap3A_68 : vector<16xf32> to vector<16xf32>
    %swap3A_70 = vector.shape_cast %broadcast_in_dim3A_34 : vector<16xf32> to vector<16xf32>
    tpu.vector_store %arg6[%swap3A_67], %swap3A_70 {strides = array<i32>} : memref<640xf32, #tpu.memory_space<vmem>>, vector<16xf32>,
    %swap3A_71 = arith.constant 144 : index
    %swap3A_72 = tpu.vector_load %arg6[%swap3A_71] {strides = array<i32>} : memref<640xf32, #tpu.memory_space<vmem>>, vector<16xf32>,
    %swap3A_73 = vector.shape_cast %swap3A_72 : vector<16xf32> to vector<16xf32>
    %swap3A_74 = vector.shape_cast %broadcast_in_dim3A_34 : vector<16xf32> to vector<16xf32>
    tpu.vector_store %arg6[%swap3A_71], %swap3A_74 {strides = array<i32>} : memref<640xf32, #tpu.memory_space<vmem>>, vector<16xf32>,
    %swap3A_75 = arith.constant 160 : index
    %swap3A_76 = tpu.vector_load %arg6[%swap3A_75] {strides = array<i32>} : memref<640xf32, #tpu.memory_space<vmem>>, vector<16xf32>,
    %swap3A_77 = vector.shape_cast %swap3A_76 : vector<16xf32> to vector<16xf32>
    %swap3A_78 = vector.shape_cast %broadcast_in_dim3A_34 : vector<16xf32> to vector<16xf32>
    tpu.vector_store %arg6[%swap3A_75], %swap3A_78 {strides = array<i32>} : memref<640xf32, #tpu.memory_space<vmem>>, vector<16xf32>,
    %swap3A_79 = arith.constant 176 : index
    %swap3A_80 = tpu.vector_load %arg6[%swap3A_79] {strides = array<i32>} : memref<640xf32, #tpu.memory_space<vmem>>, vector<16xf32>,
    %swap3A_81 = vector.shape_cast %swap3A_80 : vector<16xf32> to vector<16xf32>
    %swap3A_82 = vector.shape_cast %broadcast_in_dim3A_34 : vector<16xf32> to vector<16xf32>
    tpu.vector_store %arg6[%swap3A_79], %swap3A_82 {strides = array<i32>} : memref<640xf32, #tpu.memory_space<vmem>>, vector<16xf32>,
    %swap3A_83 = arith.constant 192 : index
    %swap3A_84 = tpu.vector_load %arg6[%swap3A_83] {strides = array<i32>} : memref<640xf32, #tpu.memory_space<vmem>>, vector<16xf32>,
    %swap3A_85 = vector.shape_cast %swap3A_84 : vector<16xf32> to vector<16xf32>
    %swap3A_86 = vector.shape_cast %broadcast_in_dim3A_34 : vector<16xf32> to vector<16xf32>
    tpu.vector_store %arg6[%swap3A_83], %swap3A_86 {strides = array<i32>} : memref<640xf32, #tpu.memory_space<vmem>>, vector<16xf32>,
    %swap3A_87 = arith.constant 208 : index
    %swap3A_88 = tpu.vector_load %arg6[%swap3A_87] {strides = array<i32>} : memref<640xf32, #tpu.memory_space<vmem>>, vector<16xf32>,
    %swap3A_89 = vector.shape_cast %swap3A_88 : vector<16xf32> to vector<16xf32>
    %swap3A_90 = vector.shape_cast %broadcast_in_dim3A_34 : vector<16xf32> to vector<16xf32>
    tpu.vector_store %arg6[%swap3A_87], %swap3A_90 {strides = array<i32>} : memref<640xf32, #tpu.memory_space<vmem>>, vector<16xf32>,
    %swap3A_91 = arith.constant 224 : index
    %swap3A_92 = tpu.vector_load %arg6[%swap3A_91] {strides = array<i32>} : memref<640xf32, #tpu.memory_space<vmem>>, vector<16xf32>,
    %swap3A_93 = vector.shape_cast %swap3A_92 : vector<16xf32> to vector<16xf32>
    %swap3A_94 = vector.shape_cast %broadcast_in_dim3A_34 : vector<16xf32> to vector<16xf32>
    tpu.vector_store %arg6[%swap3A_91], %swap3A_94 {strides = array<i32>} : memref<640xf32, #tpu.memory_space<vmem>>, vector<16xf32>,
    %swap3A_95 = arith.constant 240 : index
    %swap3A_96 = tpu.vector_load %arg6[%swap3A_95] {strides = array<i32>} : memref<640xf32, #tpu.memory_space<vmem>>, vector<16xf32>,
    %swap3A_97 = vector.shape_cast %swap3A_96 : vector<16xf32> to vector<16xf32>
    %swap3A_98 = vector.shape_cast %broadcast_in_dim3A_34 : vector<16xf32> to vector<16xf32>
    tpu.vector_store %arg6[%swap3A_95], %swap3A_98 {strides = array<i32>} : memref<640xf32, #tpu.memory_space<vmem>>, vector<16xf32>,
    %swap3A_99 = arith.constant 256 : index
    %swap3A_100 = tpu.vector_load %arg6[%swap3A_99] {strides = array<i32>} : memref<640xf32, #tpu.memory_space<vmem>>, vector<16xf32>,
    %swap3A_101 = vector.shape_cast %swap3A_100 : vector<16xf32> to vector<16xf32>
    %swap3A_102 = vector.shape_cast %broadcast_in_dim3A_34 : vector<16xf32> to vector<16xf32>
    tpu.vector_store %arg6[%swap3A_99], %swap3A_102 {strides = array<i32>} : memref<640xf32, #tpu.memory_space<vmem>>, vector<16xf32>,
    %swap3A_103 = arith.constant 272 : index
    %swap3A_104 = tpu.vector_load %arg6[%swap3A_103] {strides = array<i32>} : memref<640xf32, #tpu.memory_space<vmem>>, vector<16xf32>,
    %swap3A_105 = vector.shape_cast %swap3A_104 : vector<16xf32> to vector<16xf32>
    %swap3A_106 = vector.shape_cast %broadcast_in_dim3A_34 : vector<16xf32> to vector<16xf32>
    tpu.vector_store %arg6[%swap3A_103], %swap3A_106 {strides = array<i32>} : memref<640xf32, #tpu.memory_space<vmem>>, vector<16xf32>,
    %swap3A_107 = arith.constant 288 : index
    %swap3A_108 = tpu.vector_load %arg6[%swap3A_107] {strides = array<i32>} : memref<640xf32, #tpu.memory_space<vmem>>, vector<16xf32>,
    %swap3A_109 = vector.shape_cast %swap3A_108 : vector<16xf32> to vector<16xf32>
    %swap3A_110 = vector.shape_cast %broadcast_in_dim3A_34 : vector<16xf32> to vector<16xf32>
    tpu.vector_store %arg6[%swap3A_107], %swap3A_110 {strides = array<i32>} : memref<640xf32, #tpu.memory_space<vmem>>, vector<16xf32>,
    %swap3A_111 = arith.constant 304 : index
    %swap3A_112 = tpu.vector_load %arg6[%swap3A_111] {strides = array<i32>} : memref<640xf32, #tpu.memory_space<vmem>>, vector<16xf32>,
    %swap3A_113 = vector.shape_cast %swap3A_112 : vector<16xf32> to vector<16xf32>
    %swap3A_114 = vector.shape_cast %broadcast_in_dim3A_34 : vector<16xf32> to vector<16xf32>
    tpu.vector_store %arg6[%swap3A_111], %swap3A_114 {strides = array<i32>} : memref<640xf32, #tpu.memory_space<vmem>>, vector<16xf32>,
    %swap3A_115 = arith.constant 320 : index
    %swap3A_116 = tpu.vector_load %arg6[%swap3A_115] {strides = array<i32>} : memref<640xf32, #tpu.memory_space<vmem>>, vector<16xf32>,
    %swap3A_117 = vector.shape_cast %swap3A_116 : vector<16xf32> to vector<16xf32>
    %swap3A_118 = vector.shape_cast %broadcast_in_dim3A_34 : vector<16xf32> to vector<16xf32>
    tpu.vector_store %arg6[%swap3A_115], %swap3A_118 {strides = array<i32>} : memref<640xf32, #tpu.memory_space<vmem>>, vector<16xf32>,
    %swap3A_119 = arith.constant 336 : index
    %swap3A_120 = tpu.vector_load %arg6[%swap3A_119] {strides = array<i32>} : memref<640xf32, #tpu.memory_space<vmem>>, vector<16xf32>,
    %swap3A_121 = vector.shape_cast %swap3A_120 : vector<16xf32> to vector<16xf32>
    %swap3A_122 = vector.shape_cast %broadcast_in_dim3A_34 : vector<16xf32> to vector<16xf32>
    tpu.vector_store %arg6[%swap3A_119], %swap3A_122 {strides = array<i32>} : memref<640xf32, #tpu.memory_space<vmem>>, vector<16xf32>,
    %swap3A_123 = arith.constant 352 : index
    %swap3A_124 = tpu.vector_load %arg6[%swap3A_123] {strides = array<i32>} : memref<640xf32, #tpu.memory_space<vmem>>, vector<16xf32>,
    %swap3A_125 = vector.shape_cast %swap3A_124 : vector<16xf32> to vector<16xf32>
    %swap3A_126 = vector.shape_cast %broadcast_in_dim3A_34 : vector<16xf32> to vector<16xf32>
    tpu.vector_store %arg6[%swap3A_123], %swap3A_126 {strides = array<i32>} : memref<640xf32, #tpu.memory_space<vmem>>, vector<16xf32>,
    %swap3A_127 = arith.constant 368 : index
    %swap3A_128 = tpu.vector_load %arg6[%swap3A_127] {strides = array<i32>} : memref<640xf32, #tpu.memory_space<vmem>>, vector<16xf32>,
    %swap3A_129 = vector.shape_cast %swap3A_128 : vector<16xf32> to vector<16xf32>
    %swap3A_130 = vector.shape_cast %broadcast_in_dim3A_34 : vector<16xf32> to vector<16xf32>
    tpu.vector_store %arg6[%swap3A_127], %swap3A_130 {strides = array<i32>} : memref<640xf32, #tpu.memory_space<vmem>>, vector<16xf32>,
    %swap3A_131 = arith.constant 384 : index
    %swap3A_132 = tpu.vector_load %arg6[%swap3A_131] {strides = array<i32>} : memref<640xf32, #tpu.memory_space<vmem>>, vector<16xf32>,
    %swap3A_133 = vector.shape_cast %swap3A_132 : vector<16xf32> to vector<16xf32>
    %swap3A_134 = vector.shape_cast %broadcast_in_dim3A_34 : vector<16xf32> to vector<16xf32>
    tpu.vector_store %arg6[%swap3A_131], %swap3A_134 {strides = array<i32>} : memref<640xf32, #tpu.memory_space<vmem>>, vector<16xf32>,
    %swap3A_135 = arith.constant 400 : index
    %swap3A_136 = tpu.vector_load %arg6[%swap3A_135] {strides = array<i32>} : memref<640xf32, #tpu.memory_space<vmem>>, vector<16xf32>,
    %swap3A_137 = vector.shape_cast %swap3A_136 : vector<16xf32> to vector<16xf32>
    %swap3A_138 = vector.shape_cast %broadcast_in_dim3A_34 : vector<16xf32> to vector<16xf32>
    tpu.vector_store %arg6[%swap3A_135], %swap3A_138 {strides = array<i32>} : memref<640xf32, #tpu.memory_space<vmem>>, vector<16xf32>,
    %swap3A_139 = arith.constant 416 : index
    %swap3A_140 = tpu.vector_load %arg6[%swap3A_139] {strides = array<i32>} : memref<640xf32, #tpu.memory_space<vmem>>, vector<16xf32>,
    %swap3A_141 = vector.shape_cast %swap3A_140 : vector<16xf32> to vector<16xf32>
    %swap3A_142 = vector.shape_cast %broadcast_in_dim3A_34 : vector<16xf32> to vector<16xf32>
    tpu.vector_store %arg6[%swap3A_139], %swap3A_142 {strides = array<i32>} : memref<640xf32, #tpu.memory_space<vmem>>, vector<16xf32>,
    %swap3A_143 = arith.constant 432 : index
    %swap3A_144 = tpu.vector_load %arg6[%swap3A_143] {strides = array<i32>} : memref<640xf32, #tpu.memory_space<vmem>>, vector<16xf32>,
    %swap3A_145 = vector.shape_cast %swap3A_144 : vector<16xf32> to vector<16xf32>
    %swap3A_146 = vector.shape_cast %broadcast_in_dim3A_34 : vector<16xf32> to vector<16xf32>
    tpu.vector_store %arg6[%swap3A_143], %swap3A_146 {strides = array<i32>} : memref<640xf32, #tpu.memory_space<vmem>>, vector<16xf32>,
    %swap3A_147 = arith.constant 448 : index
    %swap3A_148 = tpu.vector_load %arg6[%swap3A_147] {strides = array<i32>} : memref<640xf32, #tpu.memory_space<vmem>>, vector<16xf32>,
    %swap3A_149 = vector.shape_cast %swap3A_148 : vector<16xf32> to vector<16xf32>
    %swap3A_150 = vector.shape_cast %broadcast_in_dim3A_34 : vector<16xf32> to vector<16xf32>
    tpu.vector_store %arg6[%swap3A_147], %swap3A_150 {strides = array<i32>} : memref<640xf32, #tpu.memory_space<vmem>>, vector<16xf32>,
    %swap3A_151 = arith.constant 464 : index
    %swap3A_152 = tpu.vector_load %arg6[%swap3A_151] {strides = array<i32>} : memref<640xf32, #tpu.memory_space<vmem>>, vector<16xf32>,
    %swap3A_153 = vector.shape_cast %swap3A_152 : vector<16xf32> to vector<16xf32>
    %swap3A_154 = vector.shape_cast %broadcast_in_dim3A_34 : vector<16xf32> to vector<16xf32>
    tpu.vector_store %arg6[%swap3A_151], %swap3A_154 {strides = array<i32>} : memref<640xf32, #tpu.memory_space<vmem>>, vector<16xf32>,
    %swap3A_155 = arith.constant 480 : index
    %swap3A_156 = tpu.vector_load %arg6[%swap3A_155] {strides = array<i32>} : memref<640xf32, #tpu.memory_space<vmem>>, vector<16xf32>,
    %swap3A_157 = vector.shape_cast %swap3A_156 : vector<16xf32> to vector<16xf32>
    %swap3A_158 = vector.shape_cast %broadcast_in_dim3A_34 : vector<16xf32> to vector<16xf32>
    tpu.vector_store %arg6[%swap3A_155], %swap3A_158 {strides = array<i32>} : memref<640xf32, #tpu.memory_space<vmem>>, vector<16xf32>,
    %swap3A_159 = arith.constant 496 : index
    %swap3A_160 = tpu.vector_load %arg6[%swap3A_159] {strides = array<i32>} : memref<640xf32, #tpu.memory_space<vmem>>, vector<16xf32>,
    %swap3A_161 = vector.shape_cast %swap3A_160 : vector<16xf32> to vector<16xf32>
    %swap3A_162 = vector.shape_cast %broadcast_in_dim3A_34 : vector<16xf32> to vector<16xf32>
    tpu.vector_store %arg6[%swap3A_159], %swap3A_162 {strides = array<i32>} : memref<640xf32, #tpu.memory_space<vmem>>, vector<16xf32>,
    %swap3A_163 = arith.constant 512 : index
    %swap3A_164 = tpu.vector_load %arg6[%swap3A_163] {strides = array<i32>} : memref<640xf32, #tpu.memory_space<vmem>>, vector<16xf32>,
    %swap3A_165 = vector.shape_cast %swap3A_164 : vector<16xf32> to vector<16xf32>
    %swap3A_166 = vector.shape_cast %broadcast_in_dim3A_34 : vector<16xf32> to vector<16xf32>
    tpu.vector_store %arg6[%swap3A_163], %swap3A_166 {strides = array<i32>} : memref<640xf32, #tpu.memory_space<vmem>>, vector<16xf32>,
    %swap3A_167 = arith.constant 528 : index
    %swap3A_168 = tpu.vector_load %arg6[%swap3A_167] {strides = array<i32>} : memref<640xf32, #tpu.memory_space<vmem>>, vector<16xf32>,
    %swap3A_169 = vector.shape_cast %swap3A_168 : vector<16xf32> to vector<16xf32>
    %swap3A_170 = vector.shape_cast %broadcast_in_dim3A_34 : vector<16xf32> to vector<16xf32>
    tpu.vector_store %arg6[%swap3A_167], %swap3A_170 {strides = array<i32>} : memref<640xf32, #tpu.memory_space<vmem>>, vector<16xf32>,
    %swap3A_171 = arith.constant 544 : index
    %swap3A_172 = tpu.vector_load %arg6[%swap3A_171] {strides = array<i32>} : memref<640xf32, #tpu.memory_space<vmem>>, vector<16xf32>,
    %swap3A_173 = vector.shape_cast %swap3A_172 : vector<16xf32> to vector<16xf32>
    %swap3A_174 = vector.shape_cast %broadcast_in_dim3A_34 : vector<16xf32> to vector<16xf32>
    tpu.vector_store %arg6[%swap3A_171], %swap3A_174 {strides = array<i32>} : memref<640xf32, #tpu.memory_space<vmem>>, vector<16xf32>,
    %swap3A_175 = arith.constant 560 : index
    %swap3A_176 = tpu.vector_load %arg6[%swap3A_175] {strides = array<i32>} : memref<640xf32, #tpu.memory_space<vmem>>, vector<16xf32>,
    %swap3A_177 = vector.shape_cast %swap3A_176 : vector<16xf32> to vector<16xf32>
    %swap3A_178 = vector.shape_cast %broadcast_in_dim3A_34 : vector<16xf32> to vector<16xf32>
    tpu.vector_store %arg6[%swap3A_175], %swap3A_178 {strides = array<i32>} : memref<640xf32, #tpu.memory_space<vmem>>, vector<16xf32>,
    %swap3A_179 = arith.constant 576 : index
    %swap3A_180 = tpu.vector_load %arg6[%swap3A_179] {strides = array<i32>} : memref<640xf32, #tpu.memory_space<vmem>>, vector<16xf32>,
    %swap3A_181 = vector.shape_cast %swap3A_180 : vector<16xf32> to vector<16xf32>
    %swap3A_182 = vector.shape_cast %broadcast_in_dim3A_34 : vector<16xf32> to vector<16xf32>
    tpu.vector_store %arg6[%swap3A_179], %swap3A_182 {strides = array<i32>} : memref<640xf32, #tpu.memory_space<vmem>>, vector<16xf32>,
    %swap3A_183 = arith.constant 592 : index
    %swap3A_184 = tpu.vector_load %arg6[%swap3A_183] {strides = array<i32>} : memref<640xf32, #tpu.memory_space<vmem>>, vector<16xf32>,
    %swap3A_185 = vector.shape_cast %swap3A_184 : vector<16xf32> to vector<16xf32>
    %swap3A_186 = vector.shape_cast %broadcast_in_dim3A_34 : vector<16xf32> to vector<16xf32>
    tpu.vector_store %arg6[%swap3A_183], %swap3A_186 {strides = array<i32>} : memref<640xf32, #tpu.memory_space<vmem>>, vector<16xf32>,
    %swap3A_187 = arith.constant 608 : index
    %swap3A_188 = tpu.vector_load %arg6[%swap3A_187] {strides = array<i32>} : memref<640xf32, #tpu.memory_space<vmem>>, vector<16xf32>,
    %swap3A_189 = vector.shape_cast %swap3A_188 : vector<16xf32> to vector<16xf32>
    %swap3A_190 = vector.shape_cast %broadcast_in_dim3A_34 : vector<16xf32> to vector<16xf32>
    tpu.vector_store %arg6[%swap3A_187], %swap3A_190 {strides = array<i32>} : memref<640xf32, #tpu.memory_space<vmem>>, vector<16xf32>,
    %swap3A_191 = arith.constant 624 : index
    %swap3A_192 = tpu.vector_load %arg6[%swap3A_191] {strides = array<i32>} : memref<640xf32, #tpu.memory_space<vmem>>, vector<16xf32>,
    %swap3A_193 = vector.shape_cast %swap3A_192 : vector<16xf32> to vector<16xf32>
    %swap3A_194 = vector.shape_cast %broadcast_in_dim3A_34 : vector<16xf32> to vector<16xf32>
    tpu.vector_store %arg6[%swap3A_191], %swap3A_194 {strides = array<i32>} : memref<640xf32, #tpu.memory_space<vmem>>, vector<16xf32>,
    %mul3A_195 = arith.constant 640 : i32
    %mul3A_196 = arith.muli %arg1, %mul3A_195 : i32
    "tpu.region"() ({
      %run_scoped3A = tpu.sem_alloc : memref<!tpu.dma_semaphore, #tpu.memory_space<semaphore_mem>>
      %dma_start3A = tpu.memref_slice %arg7[%mul3A_196] : memref<10240xf32, #tpu.memory_space<vmem_shared>> -> memref<640xf32, #tpu.memory_space<vmem_shared>>
      %dma_start3A_207 = tpu.memref_slice %arg7[%mul3A_196] : memref<10240xf32, #tpu.memory_space<vmem_shared>> -> memref<640xf32, #tpu.memory_space<vmem_shared>>
      tpu.enqueue_dma source(%arg6 : memref<640xf32, #tpu.memory_space<vmem>>) target(%dma_start3A_207 : memref<640xf32, #tpu.memory_space<vmem_shared>>) target_semaphore(%run_scoped3A : memref<!tpu.dma_semaphore, #tpu.memory_space<semaphore_mem>>)
      %dma_wait3A = tpu.memref_slice %arg7[%mul3A_196] : memref<10240xf32, #tpu.memory_space<vmem_shared>> -> memref<640xf32, #tpu.memory_space<vmem_shared>>
      %dma_wait3A_208 = tpu.memref_slice %arg7[%mul3A_196] : memref<10240xf32, #tpu.memory_space<vmem_shared>> -> memref<640xf32, #tpu.memory_space<vmem_shared>>
      tpu.wait_dma2 semaphore(%run_scoped3A : memref<!tpu.dma_semaphore, #tpu.memory_space<semaphore_mem>>) src(%arg6 : memref<640xf32, #tpu.memory_space<vmem>>) dst(%dma_wait3A_208 : memref<640xf32, #tpu.memory_space<vmem_shared>>)
      tpu.yield
    }) : () -> ()
    %barrier3A = arith.constant 0 : index
    tpu.barrier barrier_id(%barrier3A)
    %scan3A = arith.constant 0 : i32
    %scan3A_197 = arith.constant 0 : i32
    %scan3A_198 = arith.constant 40 : i32
    %scan3A_199 = arith.addi %scan3A_197, %scan3A_198 : i32
    %scan3A_200 = arith.constant 1 : i32
    scf.for %scan3A_207 = %scan3A_197 to %scan3A_199 step %scan3A_200  : i32 {
      "tpu.region"() ({
        %run_scoped3A = tpu.sem_alloc : memref<!tpu.dma_semaphore, #tpu.memory_space<semaphore_mem>>
        %dma_start3A = arith.constant 0 : i32
        %dma_start3A_208 = tpu.memref_slice %arg4[%scan3A_207, %dma_start3A] : memref<40x128xi32, #tpu.memory_space<vmem>> -> memref<1x128xi32, #tpu.memory_space<vmem>>
        %dma_start3A_209 = tpu.memref_squeeze %dma_start3A_208 : memref<1x128xi32, #tpu.memory_space<vmem>> -> memref<128xi32, #tpu.memory_space<vmem>>
        %dma_start3A_210 = arith.constant 0 : i32
        %dma_start3A_211 = tpu.memref_slice %arg7[%dma_start3A_210] : memref<10240xf32, #tpu.memory_space<vmem_shared>> -> memref<10240xf32, #tpu.memory_space<vmem_shared>>
        tpu.enqueue_indirect_dma source(%arg5 : memref<128xf32, #tpu.memory_space<vmem>>) target(%dma_start3A_211 : memref<10240xf32, #tpu.memory_space<vmem_shared>>) offsets(%dma_start3A_209 : memref<128xi32, #tpu.memory_space<vmem>>) semaphore(%run_scoped3A : memref<!tpu.dma_semaphore, #tpu.memory_space<semaphore_mem>>) {add = true}
        %dma_wait3A = arith.constant 0 : i32
        %dma_wait3A_212 = tpu.memref_slice %arg4[%scan3A_207, %dma_wait3A] : memref<40x128xi32, #tpu.memory_space<vmem>> -> memref<1x128xi32, #tpu.memory_space<vmem>>
        %dma_wait3A_213 = tpu.memref_squeeze %dma_wait3A_212 : memref<1x128xi32, #tpu.memory_space<vmem>> -> memref<128xi32, #tpu.memory_space<vmem>>
        %dma_wait3A_214 = arith.constant 0 : i32
        %dma_wait3A_215 = tpu.memref_slice %arg7[%dma_wait3A_214] : memref<10240xf32, #tpu.memory_space<vmem_shared>> -> memref<10240xf32, #tpu.memory_space<vmem_shared>>
        tpu.wait_indirect_dma semaphore(%run_scoped3A : memref<!tpu.dma_semaphore, #tpu.memory_space<semaphore_mem>>) src(%arg5 : memref<128xf32, #tpu.memory_space<vmem>>) dst(%dma_wait3A_215 : memref<10240xf32, #tpu.memory_space<vmem_shared>>)
        tpu.yield
      }) : () -> ()
    }
    %scan3A_201 = arith.constant 40 : i32
    %barrier3A_202 = arith.constant 0 : index
    tpu.barrier barrier_id(%barrier3A_202)
    %mul3A_203 = arith.constant 640 : i32
    %mul3A_204 = arith.muli %arg1, %mul3A_203 : i32
    %mul3A_205 = arith.constant 640 : i32
    %mul3A_206 = arith.muli %arg1, %mul3A_205 : i32
    "tpu.region"() ({
      %run_scoped3A = tpu.sem_alloc : memref<!tpu.dma_semaphore, #tpu.memory_space<semaphore_mem>>
      %dma_start3A = arith.constant 0 : i32
      %dma_start3A_207 = tpu.memref_slice %arg3[%arg0, %dma_start3A] : memref<2x10240xf32, #tpu.memory_space<hbm>> -> memref<1x10240xf32, #tpu.memory_space<hbm>>
      %dma_start3A_208 = tpu.memref_squeeze %dma_start3A_207 : memref<1x10240xf32, #tpu.memory_space<hbm>> -> memref<10240xf32, #tpu.memory_space<hbm>>
      %dma_start3A_209 = tpu.memref_slice %dma_start3A_208[%mul3A_206] : memref<10240xf32, #tpu.memory_space<hbm>> -> memref<640xf32, #tpu.memory_space<hbm>>
      %dma_start3A_210 = tpu.memref_slice %arg7[%mul3A_204] : memref<10240xf32, #tpu.memory_space<vmem_shared>> -> memref<640xf32, #tpu.memory_space<vmem_shared>>
      tpu.enqueue_dma source(%dma_start3A_210 : memref<640xf32, #tpu.memory_space<vmem_shared>>) target(%dma_start3A_209 : memref<640xf32, #tpu.memory_space<hbm>>) target_semaphore(%run_scoped3A : memref<!tpu.dma_semaphore, #tpu.memory_space<semaphore_mem>>)
      %dma_wait3A = arith.constant 0 : i32
      %dma_wait3A_211 = tpu.memref_slice %arg3[%arg0, %dma_wait3A] : memref<2x10240xf32, #tpu.memory_space<hbm>> -> memref<1x10240xf32, #tpu.memory_space<hbm>>
      %dma_wait3A_212 = tpu.memref_squeeze %dma_wait3A_211 : memref<1x10240xf32, #tpu.memory_space<hbm>> -> memref<10240xf32, #tpu.memory_space<hbm>>
      %dma_wait3A_213 = tpu.memref_slice %dma_wait3A_212[%mul3A_206] : memref<10240xf32, #tpu.memory_space<hbm>> -> memref<640xf32, #tpu.memory_space<hbm>>
      %dma_wait3A_214 = tpu.memref_slice %arg7[%mul3A_204] : memref<10240xf32, #tpu.memory_space<vmem_shared>> -> memref<640xf32, #tpu.memory_space<vmem_shared>>
      tpu.wait_dma2 semaphore(%run_scoped3A : memref<!tpu.dma_semaphore, #tpu.memory_space<semaphore_mem>>) src(%dma_wait3A_214 : memref<640xf32, #tpu.memory_space<vmem_shared>>) dst(%dma_wait3A_213 : memref<640xf32, #tpu.memory_space<hbm>>)
      tpu.yield
    }) : () -> ()
    return
  }
}

#map = affine_map<(d0, d1) -> (0, 0, 0)>
module attributes {stable_mosaic.version = 14 : i64} {
  func.func @agg_kernel(%arg0: i32, %arg1: i32, %arg2: memref<4x10240x128xf32, #tpu.memory_space<hbm>>, %arg3: memref<16x80x128xi32, #tpu.memory_space<hbm>>, %arg4: memref<16x80x128xi32, #tpu.memory_space<hbm>>, %arg5: memref<4x10240x128xf32, #tpu.memory_space<hbm>>, %arg6: memref<8x128xi32, #tpu.memory_space<vmem>>, %arg7: memref<8x128xi32, #tpu.memory_space<vmem>>, %arg8: memref<2x128x128xf32, #tpu.memory_space<vmem>>, %arg9: memref<10240x128xf32, #tpu.memory_space<vmem_shared>>, %arg10: memref<2x!tpu.dma_semaphore, #tpu.memory_space<semaphore_mem>>) attributes {dimension_semantics = [#tpu.dimension_semantics<core_parallel>, #tpu.dimension_semantics<subcore_parallel>], iteration_bounds = array<i64: 2, 16>, scalar_prefetch = 0 : i64, scratch_operands = 5 : i64, tpu.core_type = #tpu.core_type<sc_vector_subcore>, window_params = [{transform_indices = #map}, {transform_indices = #map}, {transform_indices = #map}, {transform_indices = #map}]} {
    %broadcast_in_dim3A = arith.constant 0.000000e+00 : f32
    %broadcast_in_dim3A_0 = vector.broadcast %broadcast_in_dim3A : f32 to vector<16xf32>
    %mul3A = arith.constant 2 : i32
    %mul3A_1 = arith.muli %arg0, %mul3A : i32
    %add3A = arith.constant 0 : i32
    %add3A_2 = arith.addi %mul3A_1, %add3A : i32
    %scan3A = arith.constant 0 : i32
    %scan3A_3 = arith.constant 0 : i32
    %scan3A_4 = arith.constant 128 : i32
    %scan3A_5 = arith.addi %scan3A_3, %scan3A_4 : i32
    %scan3A_6 = arith.constant 1 : i32
    scf.for %scan3A_110 = %scan3A_3 to %scan3A_5 step %scan3A_6  : i32 {
      %swap3A = arith.constant 0 : i32
      %swap3A_111 = arith.index_cast %swap3A : i32 to index
      %swap3A_112 = arith.index_cast %scan3A_110 : i32 to index
      %swap3A_113 = arith.constant 0 : index
      %swap3A_114 = tpu.vector_load %arg8[%swap3A_111, %swap3A_112, %swap3A_113] {strides = array<i32>} : memref<2x128x128xf32, #tpu.memory_space<vmem>>, vector<1x1x16xf32>,
      %swap3A_115 = vector.shape_cast %swap3A_114 : vector<1x1x16xf32> to vector<16xf32>
      %swap3A_116 = vector.shape_cast %broadcast_in_dim3A_0 : vector<16xf32> to vector<1x1x16xf32>
      tpu.vector_store %arg8[%swap3A_111, %swap3A_112, %swap3A_113], %swap3A_116 {strides = array<i32>} : memref<2x128x128xf32, #tpu.memory_space<vmem>>, vector<1x1x16xf32>,
      %swap3A_117 = arith.constant 0 : i32
      %swap3A_118 = arith.index_cast %swap3A_117 : i32 to index
      %swap3A_119 = arith.index_cast %scan3A_110 : i32 to index
      %swap3A_120 = arith.constant 16 : index
      %swap3A_121 = tpu.vector_load %arg8[%swap3A_118, %swap3A_119, %swap3A_120] {strides = array<i32>} : memref<2x128x128xf32, #tpu.memory_space<vmem>>, vector<1x1x16xf32>,
      %swap3A_122 = vector.shape_cast %swap3A_121 : vector<1x1x16xf32> to vector<16xf32>
      %swap3A_123 = vector.shape_cast %broadcast_in_dim3A_0 : vector<16xf32> to vector<1x1x16xf32>
      tpu.vector_store %arg8[%swap3A_118, %swap3A_119, %swap3A_120], %swap3A_123 {strides = array<i32>} : memref<2x128x128xf32, #tpu.memory_space<vmem>>, vector<1x1x16xf32>,
      %swap3A_124 = arith.constant 0 : i32
      %swap3A_125 = arith.index_cast %swap3A_124 : i32 to index
      %swap3A_126 = arith.index_cast %scan3A_110 : i32 to index
      %swap3A_127 = arith.constant 32 : index
      %swap3A_128 = tpu.vector_load %arg8[%swap3A_125, %swap3A_126, %swap3A_127] {strides = array<i32>} : memref<2x128x128xf32, #tpu.memory_space<vmem>>, vector<1x1x16xf32>,
      %swap3A_129 = vector.shape_cast %swap3A_128 : vector<1x1x16xf32> to vector<16xf32>
      %swap3A_130 = vector.shape_cast %broadcast_in_dim3A_0 : vector<16xf32> to vector<1x1x16xf32>
      tpu.vector_store %arg8[%swap3A_125, %swap3A_126, %swap3A_127], %swap3A_130 {strides = array<i32>} : memref<2x128x128xf32, #tpu.memory_space<vmem>>, vector<1x1x16xf32>,
      %swap3A_131 = arith.constant 0 : i32
      %swap3A_132 = arith.index_cast %swap3A_131 : i32 to index
      %swap3A_133 = arith.index_cast %scan3A_110 : i32 to index
      %swap3A_134 = arith.constant 48 : index
      %swap3A_135 = tpu.vector_load %arg8[%swap3A_132, %swap3A_133, %swap3A_134] {strides = array<i32>} : memref<2x128x128xf32, #tpu.memory_space<vmem>>, vector<1x1x16xf32>,
      %swap3A_136 = vector.shape_cast %swap3A_135 : vector<1x1x16xf32> to vector<16xf32>
      %swap3A_137 = vector.shape_cast %broadcast_in_dim3A_0 : vector<16xf32> to vector<1x1x16xf32>
      tpu.vector_store %arg8[%swap3A_132, %swap3A_133, %swap3A_134], %swap3A_137 {strides = array<i32>} : memref<2x128x128xf32, #tpu.memory_space<vmem>>, vector<1x1x16xf32>,
      %swap3A_138 = arith.constant 0 : i32
      %swap3A_139 = arith.index_cast %swap3A_138 : i32 to index
      %swap3A_140 = arith.index_cast %scan3A_110 : i32 to index
      %swap3A_141 = arith.constant 64 : index
      %swap3A_142 = tpu.vector_load %arg8[%swap3A_139, %swap3A_140, %swap3A_141] {strides = array<i32>} : memref<2x128x128xf32, #tpu.memory_space<vmem>>, vector<1x1x16xf32>,
      %swap3A_143 = vector.shape_cast %swap3A_142 : vector<1x1x16xf32> to vector<16xf32>
      %swap3A_144 = vector.shape_cast %broadcast_in_dim3A_0 : vector<16xf32> to vector<1x1x16xf32>
      tpu.vector_store %arg8[%swap3A_139, %swap3A_140, %swap3A_141], %swap3A_144 {strides = array<i32>} : memref<2x128x128xf32, #tpu.memory_space<vmem>>, vector<1x1x16xf32>,
      %swap3A_145 = arith.constant 0 : i32
      %swap3A_146 = arith.index_cast %swap3A_145 : i32 to index
      %swap3A_147 = arith.index_cast %scan3A_110 : i32 to index
      %swap3A_148 = arith.constant 80 : index
      %swap3A_149 = tpu.vector_load %arg8[%swap3A_146, %swap3A_147, %swap3A_148] {strides = array<i32>} : memref<2x128x128xf32, #tpu.memory_space<vmem>>, vector<1x1x16xf32>,
      %swap3A_150 = vector.shape_cast %swap3A_149 : vector<1x1x16xf32> to vector<16xf32>
      %swap3A_151 = vector.shape_cast %broadcast_in_dim3A_0 : vector<16xf32> to vector<1x1x16xf32>
      tpu.vector_store %arg8[%swap3A_146, %swap3A_147, %swap3A_148], %swap3A_151 {strides = array<i32>} : memref<2x128x128xf32, #tpu.memory_space<vmem>>, vector<1x1x16xf32>,
      %swap3A_152 = arith.constant 0 : i32
      %swap3A_153 = arith.index_cast %swap3A_152 : i32 to index
      %swap3A_154 = arith.index_cast %scan3A_110 : i32 to index
      %swap3A_155 = arith.constant 96 : index
      %swap3A_156 = tpu.vector_load %arg8[%swap3A_153, %swap3A_154, %swap3A_155] {strides = array<i32>} : memref<2x128x128xf32, #tpu.memory_space<vmem>>, vector<1x1x16xf32>,
      %swap3A_157 = vector.shape_cast %swap3A_156 : vector<1x1x16xf32> to vector<16xf32>
      %swap3A_158 = vector.shape_cast %broadcast_in_dim3A_0 : vector<16xf32> to vector<1x1x16xf32>
      tpu.vector_store %arg8[%swap3A_153, %swap3A_154, %swap3A_155], %swap3A_158 {strides = array<i32>} : memref<2x128x128xf32, #tpu.memory_space<vmem>>, vector<1x1x16xf32>,
      %swap3A_159 = arith.constant 0 : i32
      %swap3A_160 = arith.index_cast %swap3A_159 : i32 to index
      %swap3A_161 = arith.index_cast %scan3A_110 : i32 to index
      %swap3A_162 = arith.constant 112 : index
      %swap3A_163 = tpu.vector_load %arg8[%swap3A_160, %swap3A_161, %swap3A_162] {strides = array<i32>} : memref<2x128x128xf32, #tpu.memory_space<vmem>>, vector<1x1x16xf32>,
      %swap3A_164 = vector.shape_cast %swap3A_163 : vector<1x1x16xf32> to vector<16xf32>
      %swap3A_165 = vector.shape_cast %broadcast_in_dim3A_0 : vector<16xf32> to vector<1x1x16xf32>
      tpu.vector_store %arg8[%swap3A_160, %swap3A_161, %swap3A_162], %swap3A_165 {strides = array<i32>} : memref<2x128x128xf32, #tpu.memory_space<vmem>>, vector<1x1x16xf32>,
    }
    %scan3A_7 = arith.constant 128 : i32
    %mul3A_8 = arith.constant 5 : i32
    %mul3A_9 = arith.muli %arg1, %mul3A_8 : i32
    %add3A_10 = arith.constant 0 : i32
    %add3A_11 = arith.addi %mul3A_9, %add3A_10 : i32
    %mul3A_12 = arith.constant 128 : i32
    %mul3A_13 = arith.muli %add3A_11, %mul3A_12 : i32
    %run_scoped3A = arith.constant 0 : i32
    "tpu.region"() ({
      %run_scoped3A_110 = tpu.sem_alloc : memref<!tpu.dma_semaphore, #tpu.memory_space<semaphore_mem>>
      %dma_start3A = arith.constant 0 : i32
      %dma_start3A_111 = arith.constant 0 : i32
      %dma_start3A_112 = tpu.memref_slice %arg8[%run_scoped3A, %dma_start3A, %dma_start3A_111] : memref<2x128x128xf32, #tpu.memory_space<vmem>> -> memref<1x128x128xf32, #tpu.memory_space<vmem>>
      %dma_start3A_113 = tpu.memref_squeeze %dma_start3A_112 : memref<1x128x128xf32, #tpu.memory_space<vmem>> -> memref<128x128xf32, #tpu.memory_space<vmem>>
      %dma_start3A_114 = arith.constant 0 : i32
      %dma_start3A_115 = tpu.memref_slice %arg9[%mul3A_13, %dma_start3A_114] : memref<10240x128xf32, #tpu.memory_space<vmem_shared>> -> memref<128x128xf32, #tpu.memory_space<vmem_shared>>
      %dma_start3A_116 = arith.constant 0 : i32
      %dma_start3A_117 = tpu.memref_slice %arg9[%mul3A_13, %dma_start3A_116] : memref<10240x128xf32, #tpu.memory_space<vmem_shared>> -> memref<128x128xf32, #tpu.memory_space<vmem_shared>>
      %dma_start3A_118 = arith.constant 0 : i32
      %dma_start3A_119 = arith.constant 0 : i32
      %dma_start3A_120 = tpu.memref_slice %arg8[%run_scoped3A, %dma_start3A_118, %dma_start3A_119] : memref<2x128x128xf32, #tpu.memory_space<vmem>> -> memref<1x128x128xf32, #tpu.memory_space<vmem>>
      %dma_start3A_121 = tpu.memref_squeeze %dma_start3A_120 : memref<1x128x128xf32, #tpu.memory_space<vmem>> -> memref<128x128xf32, #tpu.memory_space<vmem>>
      tpu.enqueue_dma source(%dma_start3A_121 : memref<128x128xf32, #tpu.memory_space<vmem>>) target(%dma_start3A_117 : memref<128x128xf32, #tpu.memory_space<vmem_shared>>) target_semaphore(%run_scoped3A_110 : memref<!tpu.dma_semaphore, #tpu.memory_space<semaphore_mem>>)
      %dma_wait3A = arith.constant 0 : i32
      %dma_wait3A_122 = arith.constant 0 : i32
      %dma_wait3A_123 = tpu.memref_slice %arg8[%run_scoped3A, %dma_wait3A, %dma_wait3A_122] : memref<2x128x128xf32, #tpu.memory_space<vmem>> -> memref<1x128x128xf32, #tpu.memory_space<vmem>>
      %dma_wait3A_124 = tpu.memref_squeeze %dma_wait3A_123 : memref<1x128x128xf32, #tpu.memory_space<vmem>> -> memref<128x128xf32, #tpu.memory_space<vmem>>
      %dma_wait3A_125 = arith.constant 0 : i32
      %dma_wait3A_126 = tpu.memref_slice %arg9[%mul3A_13, %dma_wait3A_125] : memref<10240x128xf32, #tpu.memory_space<vmem_shared>> -> memref<128x128xf32, #tpu.memory_space<vmem_shared>>
      %dma_wait3A_127 = arith.constant 0 : i32
      %dma_wait3A_128 = tpu.memref_slice %arg9[%mul3A_13, %dma_wait3A_127] : memref<10240x128xf32, #tpu.memory_space<vmem_shared>> -> memref<128x128xf32, #tpu.memory_space<vmem_shared>>
      %dma_wait3A_129 = arith.constant 0 : i32
      %dma_wait3A_130 = arith.constant 0 : i32
      %dma_wait3A_131 = tpu.memref_slice %arg8[%run_scoped3A, %dma_wait3A_129, %dma_wait3A_130] : memref<2x128x128xf32, #tpu.memory_space<vmem>> -> memref<1x128x128xf32, #tpu.memory_space<vmem>>
      %dma_wait3A_132 = tpu.memref_squeeze %dma_wait3A_131 : memref<1x128x128xf32, #tpu.memory_space<vmem>> -> memref<128x128xf32, #tpu.memory_space<vmem>>
      tpu.wait_dma2 semaphore(%run_scoped3A_110 : memref<!tpu.dma_semaphore, #tpu.memory_space<semaphore_mem>>) src(%dma_wait3A_132 : memref<128x128xf32, #tpu.memory_space<vmem>>) dst(%dma_wait3A_128 : memref<128x128xf32, #tpu.memory_space<vmem_shared>>)
      tpu.yield
    }) : () -> ()
    %mul3A_14 = arith.constant 5 : i32
    %mul3A_15 = arith.muli %arg1, %mul3A_14 : i32
    %add3A_16 = arith.constant 1 : i32
    %add3A_17 = arith.addi %mul3A_15, %add3A_16 : i32
    %mul3A_18 = arith.constant 128 : i32
    %mul3A_19 = arith.muli %add3A_17, %mul3A_18 : i32
    %run_scoped3A_20 = arith.constant 0 : i32
    "tpu.region"() ({
      %run_scoped3A_110 = tpu.sem_alloc : memref<!tpu.dma_semaphore, #tpu.memory_space<semaphore_mem>>
      %dma_start3A = arith.constant 0 : i32
      %dma_start3A_111 = arith.constant 0 : i32
      %dma_start3A_112 = tpu.memref_slice %arg8[%run_scoped3A_20, %dma_start3A, %dma_start3A_111] : memref<2x128x128xf32, #tpu.memory_space<vmem>> -> memref<1x128x128xf32, #tpu.memory_space<vmem>>
      %dma_start3A_113 = tpu.memref_squeeze %dma_start3A_112 : memref<1x128x128xf32, #tpu.memory_space<vmem>> -> memref<128x128xf32, #tpu.memory_space<vmem>>
      %dma_start3A_114 = arith.constant 0 : i32
      %dma_start3A_115 = tpu.memref_slice %arg9[%mul3A_19, %dma_start3A_114] : memref<10240x128xf32, #tpu.memory_space<vmem_shared>> -> memref<128x128xf32, #tpu.memory_space<vmem_shared>>
      %dma_start3A_116 = arith.constant 0 : i32
      %dma_start3A_117 = tpu.memref_slice %arg9[%mul3A_19, %dma_start3A_116] : memref<10240x128xf32, #tpu.memory_space<vmem_shared>> -> memref<128x128xf32, #tpu.memory_space<vmem_shared>>
      %dma_start3A_118 = arith.constant 0 : i32
      %dma_start3A_119 = arith.constant 0 : i32
      %dma_start3A_120 = tpu.memref_slice %arg8[%run_scoped3A_20, %dma_start3A_118, %dma_start3A_119] : memref<2x128x128xf32, #tpu.memory_space<vmem>> -> memref<1x128x128xf32, #tpu.memory_space<vmem>>
      %dma_start3A_121 = tpu.memref_squeeze %dma_start3A_120 : memref<1x128x128xf32, #tpu.memory_space<vmem>> -> memref<128x128xf32, #tpu.memory_space<vmem>>
      tpu.enqueue_dma source(%dma_start3A_121 : memref<128x128xf32, #tpu.memory_space<vmem>>) target(%dma_start3A_117 : memref<128x128xf32, #tpu.memory_space<vmem_shared>>) target_semaphore(%run_scoped3A_110 : memref<!tpu.dma_semaphore, #tpu.memory_space<semaphore_mem>>)
      %dma_wait3A = arith.constant 0 : i32
      %dma_wait3A_122 = arith.constant 0 : i32
      %dma_wait3A_123 = tpu.memref_slice %arg8[%run_scoped3A_20, %dma_wait3A, %dma_wait3A_122] : memref<2x128x128xf32, #tpu.memory_space<vmem>> -> memref<1x128x128xf32, #tpu.memory_space<vmem>>
      %dma_wait3A_124 = tpu.memref_squeeze %dma_wait3A_123 : memref<1x128x128xf32, #tpu.memory_space<vmem>> -> memref<128x128xf32, #tpu.memory_space<vmem>>
      %dma_wait3A_125 = arith.constant 0 : i32
      %dma_wait3A_126 = tpu.memref_slice %arg9[%mul3A_19, %dma_wait3A_125] : memref<10240x128xf32, #tpu.memory_space<vmem_shared>> -> memref<128x128xf32, #tpu.memory_space<vmem_shared>>
      %dma_wait3A_127 = arith.constant 0 : i32
      %dma_wait3A_128 = tpu.memref_slice %arg9[%mul3A_19, %dma_wait3A_127] : memref<10240x128xf32, #tpu.memory_space<vmem_shared>> -> memref<128x128xf32, #tpu.memory_space<vmem_shared>>
      %dma_wait3A_129 = arith.constant 0 : i32
      %dma_wait3A_130 = arith.constant 0 : i32
      %dma_wait3A_131 = tpu.memref_slice %arg8[%run_scoped3A_20, %dma_wait3A_129, %dma_wait3A_130] : memref<2x128x128xf32, #tpu.memory_space<vmem>> -> memref<1x128x128xf32, #tpu.memory_space<vmem>>
      %dma_wait3A_132 = tpu.memref_squeeze %dma_wait3A_131 : memref<1x128x128xf32, #tpu.memory_space<vmem>> -> memref<128x128xf32, #tpu.memory_space<vmem>>
      tpu.wait_dma2 semaphore(%run_scoped3A_110 : memref<!tpu.dma_semaphore, #tpu.memory_space<semaphore_mem>>) src(%dma_wait3A_132 : memref<128x128xf32, #tpu.memory_space<vmem>>) dst(%dma_wait3A_128 : memref<128x128xf32, #tpu.memory_space<vmem_shared>>)
      tpu.yield
    }) : () -> ()
    %mul3A_21 = arith.constant 5 : i32
    %mul3A_22 = arith.muli %arg1, %mul3A_21 : i32
    %add3A_23 = arith.constant 2 : i32
    %add3A_24 = arith.addi %mul3A_22, %add3A_23 : i32
    %mul3A_25 = arith.constant 128 : i32
    %mul3A_26 = arith.muli %add3A_24, %mul3A_25 : i32
    %run_scoped3A_27 = arith.constant 0 : i32
    "tpu.region"() ({
      %run_scoped3A_110 = tpu.sem_alloc : memref<!tpu.dma_semaphore, #tpu.memory_space<semaphore_mem>>
      %dma_start3A = arith.constant 0 : i32
      %dma_start3A_111 = arith.constant 0 : i32
      %dma_start3A_112 = tpu.memref_slice %arg8[%run_scoped3A_27, %dma_start3A, %dma_start3A_111] : memref<2x128x128xf32, #tpu.memory_space<vmem>> -> memref<1x128x128xf32, #tpu.memory_space<vmem>>
      %dma_start3A_113 = tpu.memref_squeeze %dma_start3A_112 : memref<1x128x128xf32, #tpu.memory_space<vmem>> -> memref<128x128xf32, #tpu.memory_space<vmem>>
      %dma_start3A_114 = arith.constant 0 : i32
      %dma_start3A_115 = tpu.memref_slice %arg9[%mul3A_26, %dma_start3A_114] : memref<10240x128xf32, #tpu.memory_space<vmem_shared>> -> memref<128x128xf32, #tpu.memory_space<vmem_shared>>
      %dma_start3A_116 = arith.constant 0 : i32
      %dma_start3A_117 = tpu.memref_slice %arg9[%mul3A_26, %dma_start3A_116] : memref<10240x128xf32, #tpu.memory_space<vmem_shared>> -> memref<128x128xf32, #tpu.memory_space<vmem_shared>>
      %dma_start3A_118 = arith.constant 0 : i32
      %dma_start3A_119 = arith.constant 0 : i32
      %dma_start3A_120 = tpu.memref_slice %arg8[%run_scoped3A_27, %dma_start3A_118, %dma_start3A_119] : memref<2x128x128xf32, #tpu.memory_space<vmem>> -> memref<1x128x128xf32, #tpu.memory_space<vmem>>
      %dma_start3A_121 = tpu.memref_squeeze %dma_start3A_120 : memref<1x128x128xf32, #tpu.memory_space<vmem>> -> memref<128x128xf32, #tpu.memory_space<vmem>>
      tpu.enqueue_dma source(%dma_start3A_121 : memref<128x128xf32, #tpu.memory_space<vmem>>) target(%dma_start3A_117 : memref<128x128xf32, #tpu.memory_space<vmem_shared>>) target_semaphore(%run_scoped3A_110 : memref<!tpu.dma_semaphore, #tpu.memory_space<semaphore_mem>>)
      %dma_wait3A = arith.constant 0 : i32
      %dma_wait3A_122 = arith.constant 0 : i32
      %dma_wait3A_123 = tpu.memref_slice %arg8[%run_scoped3A_27, %dma_wait3A, %dma_wait3A_122] : memref<2x128x128xf32, #tpu.memory_space<vmem>> -> memref<1x128x128xf32, #tpu.memory_space<vmem>>
      %dma_wait3A_124 = tpu.memref_squeeze %dma_wait3A_123 : memref<1x128x128xf32, #tpu.memory_space<vmem>> -> memref<128x128xf32, #tpu.memory_space<vmem>>
      %dma_wait3A_125 = arith.constant 0 : i32
      %dma_wait3A_126 = tpu.memref_slice %arg9[%mul3A_26, %dma_wait3A_125] : memref<10240x128xf32, #tpu.memory_space<vmem_shared>> -> memref<128x128xf32, #tpu.memory_space<vmem_shared>>
      %dma_wait3A_127 = arith.constant 0 : i32
      %dma_wait3A_128 = tpu.memref_slice %arg9[%mul3A_26, %dma_wait3A_127] : memref<10240x128xf32, #tpu.memory_space<vmem_shared>> -> memref<128x128xf32, #tpu.memory_space<vmem_shared>>
      %dma_wait3A_129 = arith.constant 0 : i32
      %dma_wait3A_130 = arith.constant 0 : i32
      %dma_wait3A_131 = tpu.memref_slice %arg8[%run_scoped3A_27, %dma_wait3A_129, %dma_wait3A_130] : memref<2x128x128xf32, #tpu.memory_space<vmem>> -> memref<1x128x128xf32, #tpu.memory_space<vmem>>
      %dma_wait3A_132 = tpu.memref_squeeze %dma_wait3A_131 : memref<1x128x128xf32, #tpu.memory_space<vmem>> -> memref<128x128xf32, #tpu.memory_space<vmem>>
      tpu.wait_dma2 semaphore(%run_scoped3A_110 : memref<!tpu.dma_semaphore, #tpu.memory_space<semaphore_mem>>) src(%dma_wait3A_132 : memref<128x128xf32, #tpu.memory_space<vmem>>) dst(%dma_wait3A_128 : memref<128x128xf32, #tpu.memory_space<vmem_shared>>)
      tpu.yield
    }) : () -> ()
    %mul3A_28 = arith.constant 5 : i32
    %mul3A_29 = arith.muli %arg1, %mul3A_28 : i32
    %add3A_30 = arith.constant 3 : i32
    %add3A_31 = arith.addi %mul3A_29, %add3A_30 : i32
    %mul3A_32 = arith.constant 128 : i32
    %mul3A_33 = arith.muli %add3A_31, %mul3A_32 : i32
    %run_scoped3A_34 = arith.constant 0 : i32
    "tpu.region"() ({
      %run_scoped3A_110 = tpu.sem_alloc : memref<!tpu.dma_semaphore, #tpu.memory_space<semaphore_mem>>
      %dma_start3A = arith.constant 0 : i32
      %dma_start3A_111 = arith.constant 0 : i32
      %dma_start3A_112 = tpu.memref_slice %arg8[%run_scoped3A_34, %dma_start3A, %dma_start3A_111] : memref<2x128x128xf32, #tpu.memory_space<vmem>> -> memref<1x128x128xf32, #tpu.memory_space<vmem>>
      %dma_start3A_113 = tpu.memref_squeeze %dma_start3A_112 : memref<1x128x128xf32, #tpu.memory_space<vmem>> -> memref<128x128xf32, #tpu.memory_space<vmem>>
      %dma_start3A_114 = arith.constant 0 : i32
      %dma_start3A_115 = tpu.memref_slice %arg9[%mul3A_33, %dma_start3A_114] : memref<10240x128xf32, #tpu.memory_space<vmem_shared>> -> memref<128x128xf32, #tpu.memory_space<vmem_shared>>
      %dma_start3A_116 = arith.constant 0 : i32
      %dma_start3A_117 = tpu.memref_slice %arg9[%mul3A_33, %dma_start3A_116] : memref<10240x128xf32, #tpu.memory_space<vmem_shared>> -> memref<128x128xf32, #tpu.memory_space<vmem_shared>>
      %dma_start3A_118 = arith.constant 0 : i32
      %dma_start3A_119 = arith.constant 0 : i32
      %dma_start3A_120 = tpu.memref_slice %arg8[%run_scoped3A_34, %dma_start3A_118, %dma_start3A_119] : memref<2x128x128xf32, #tpu.memory_space<vmem>> -> memref<1x128x128xf32, #tpu.memory_space<vmem>>
      %dma_start3A_121 = tpu.memref_squeeze %dma_start3A_120 : memref<1x128x128xf32, #tpu.memory_space<vmem>> -> memref<128x128xf32, #tpu.memory_space<vmem>>
      tpu.enqueue_dma source(%dma_start3A_121 : memref<128x128xf32, #tpu.memory_space<vmem>>) target(%dma_start3A_117 : memref<128x128xf32, #tpu.memory_space<vmem_shared>>) target_semaphore(%run_scoped3A_110 : memref<!tpu.dma_semaphore, #tpu.memory_space<semaphore_mem>>)
      %dma_wait3A = arith.constant 0 : i32
      %dma_wait3A_122 = arith.constant 0 : i32
      %dma_wait3A_123 = tpu.memref_slice %arg8[%run_scoped3A_34, %dma_wait3A, %dma_wait3A_122] : memref<2x128x128xf32, #tpu.memory_space<vmem>> -> memref<1x128x128xf32, #tpu.memory_space<vmem>>
      %dma_wait3A_124 = tpu.memref_squeeze %dma_wait3A_123 : memref<1x128x128xf32, #tpu.memory_space<vmem>> -> memref<128x128xf32, #tpu.memory_space<vmem>>
      %dma_wait3A_125 = arith.constant 0 : i32
      %dma_wait3A_126 = tpu.memref_slice %arg9[%mul3A_33, %dma_wait3A_125] : memref<10240x128xf32, #tpu.memory_space<vmem_shared>> -> memref<128x128xf32, #tpu.memory_space<vmem_shared>>
      %dma_wait3A_127 = arith.constant 0 : i32
      %dma_wait3A_128 = tpu.memref_slice %arg9[%mul3A_33, %dma_wait3A_127] : memref<10240x128xf32, #tpu.memory_space<vmem_shared>> -> memref<128x128xf32, #tpu.memory_space<vmem_shared>>
      %dma_wait3A_129 = arith.constant 0 : i32
      %dma_wait3A_130 = arith.constant 0 : i32
      %dma_wait3A_131 = tpu.memref_slice %arg8[%run_scoped3A_34, %dma_wait3A_129, %dma_wait3A_130] : memref<2x128x128xf32, #tpu.memory_space<vmem>> -> memref<1x128x128xf32, #tpu.memory_space<vmem>>
      %dma_wait3A_132 = tpu.memref_squeeze %dma_wait3A_131 : memref<1x128x128xf32, #tpu.memory_space<vmem>> -> memref<128x128xf32, #tpu.memory_space<vmem>>
      tpu.wait_dma2 semaphore(%run_scoped3A_110 : memref<!tpu.dma_semaphore, #tpu.memory_space<semaphore_mem>>) src(%dma_wait3A_132 : memref<128x128xf32, #tpu.memory_space<vmem>>) dst(%dma_wait3A_128 : memref<128x128xf32, #tpu.memory_space<vmem_shared>>)
      tpu.yield
    }) : () -> ()
    %mul3A_35 = arith.constant 5 : i32
    %mul3A_36 = arith.muli %arg1, %mul3A_35 : i32
    %add3A_37 = arith.constant 4 : i32
    %add3A_38 = arith.addi %mul3A_36, %add3A_37 : i32
    %mul3A_39 = arith.constant 128 : i32
    %mul3A_40 = arith.muli %add3A_38, %mul3A_39 : i32
    %run_scoped3A_41 = arith.constant 0 : i32
    "tpu.region"() ({
      %run_scoped3A_110 = tpu.sem_alloc : memref<!tpu.dma_semaphore, #tpu.memory_space<semaphore_mem>>
      %dma_start3A = arith.constant 0 : i32
      %dma_start3A_111 = arith.constant 0 : i32
      %dma_start3A_112 = tpu.memref_slice %arg8[%run_scoped3A_41, %dma_start3A, %dma_start3A_111] : memref<2x128x128xf32, #tpu.memory_space<vmem>> -> memref<1x128x128xf32, #tpu.memory_space<vmem>>
      %dma_start3A_113 = tpu.memref_squeeze %dma_start3A_112 : memref<1x128x128xf32, #tpu.memory_space<vmem>> -> memref<128x128xf32, #tpu.memory_space<vmem>>
      %dma_start3A_114 = arith.constant 0 : i32
      %dma_start3A_115 = tpu.memref_slice %arg9[%mul3A_40, %dma_start3A_114] : memref<10240x128xf32, #tpu.memory_space<vmem_shared>> -> memref<128x128xf32, #tpu.memory_space<vmem_shared>>
      %dma_start3A_116 = arith.constant 0 : i32
      %dma_start3A_117 = tpu.memref_slice %arg9[%mul3A_40, %dma_start3A_116] : memref<10240x128xf32, #tpu.memory_space<vmem_shared>> -> memref<128x128xf32, #tpu.memory_space<vmem_shared>>
      %dma_start3A_118 = arith.constant 0 : i32
      %dma_start3A_119 = arith.constant 0 : i32
      %dma_start3A_120 = tpu.memref_slice %arg8[%run_scoped3A_41, %dma_start3A_118, %dma_start3A_119] : memref<2x128x128xf32, #tpu.memory_space<vmem>> -> memref<1x128x128xf32, #tpu.memory_space<vmem>>
      %dma_start3A_121 = tpu.memref_squeeze %dma_start3A_120 : memref<1x128x128xf32, #tpu.memory_space<vmem>> -> memref<128x128xf32, #tpu.memory_space<vmem>>
      tpu.enqueue_dma source(%dma_start3A_121 : memref<128x128xf32, #tpu.memory_space<vmem>>) target(%dma_start3A_117 : memref<128x128xf32, #tpu.memory_space<vmem_shared>>) target_semaphore(%run_scoped3A_110 : memref<!tpu.dma_semaphore, #tpu.memory_space<semaphore_mem>>)
      %dma_wait3A = arith.constant 0 : i32
      %dma_wait3A_122 = arith.constant 0 : i32
      %dma_wait3A_123 = tpu.memref_slice %arg8[%run_scoped3A_41, %dma_wait3A, %dma_wait3A_122] : memref<2x128x128xf32, #tpu.memory_space<vmem>> -> memref<1x128x128xf32, #tpu.memory_space<vmem>>
      %dma_wait3A_124 = tpu.memref_squeeze %dma_wait3A_123 : memref<1x128x128xf32, #tpu.memory_space<vmem>> -> memref<128x128xf32, #tpu.memory_space<vmem>>
      %dma_wait3A_125 = arith.constant 0 : i32
      %dma_wait3A_126 = tpu.memref_slice %arg9[%mul3A_40, %dma_wait3A_125] : memref<10240x128xf32, #tpu.memory_space<vmem_shared>> -> memref<128x128xf32, #tpu.memory_space<vmem_shared>>
      %dma_wait3A_127 = arith.constant 0 : i32
      %dma_wait3A_128 = tpu.memref_slice %arg9[%mul3A_40, %dma_wait3A_127] : memref<10240x128xf32, #tpu.memory_space<vmem_shared>> -> memref<128x128xf32, #tpu.memory_space<vmem_shared>>
      %dma_wait3A_129 = arith.constant 0 : i32
      %dma_wait3A_130 = arith.constant 0 : i32
      %dma_wait3A_131 = tpu.memref_slice %arg8[%run_scoped3A_41, %dma_wait3A_129, %dma_wait3A_130] : memref<2x128x128xf32, #tpu.memory_space<vmem>> -> memref<1x128x128xf32, #tpu.memory_space<vmem>>
      %dma_wait3A_132 = tpu.memref_squeeze %dma_wait3A_131 : memref<1x128x128xf32, #tpu.memory_space<vmem>> -> memref<128x128xf32, #tpu.memory_space<vmem>>
      tpu.wait_dma2 semaphore(%run_scoped3A_110 : memref<!tpu.dma_semaphore, #tpu.memory_space<semaphore_mem>>) src(%dma_wait3A_132 : memref<128x128xf32, #tpu.memory_space<vmem>>) dst(%dma_wait3A_128 : memref<128x128xf32, #tpu.memory_space<vmem_shared>>)
      tpu.yield
    }) : () -> ()
    %barrier3A = arith.constant 0 : index
    tpu.barrier barrier_id(%barrier3A)
    %scan3A_42 = arith.constant 0 : i32
    %scan3A_43 = arith.constant 0 : i32
    %scan3A_44 = arith.constant 10 : i32
    %scan3A_45 = arith.addi %scan3A_43, %scan3A_44 : i32
    %scan3A_46 = arith.constant 1 : i32
    scf.for %scan3A_110 = %scan3A_43 to %scan3A_45 step %scan3A_46  : i32 {
      %mul3A_111 = arith.constant 8 : i32
      %mul3A_112 = arith.muli %scan3A_110, %mul3A_111 : i32
      "tpu.region"() ({
        %run_scoped3A_139 = tpu.sem_alloc : memref<!tpu.dma_semaphore, #tpu.memory_space<semaphore_mem>>
        %dma_start3A_140 = arith.constant 0 : i32
        %dma_start3A_141 = arith.constant 0 : i32
        %dma_start3A_142 = tpu.memref_slice %arg3[%arg1, %dma_start3A_140, %dma_start3A_141] : memref<16x80x128xi32, #tpu.memory_space<hbm>> -> memref<1x80x128xi32, #tpu.memory_space<hbm>>
        %dma_start3A_143 = tpu.memref_squeeze %dma_start3A_142 : memref<1x80x128xi32, #tpu.memory_space<hbm>> -> memref<80x128xi32, #tpu.memory_space<hbm>>
        %dma_start3A_144 = arith.constant 0 : i32
        %dma_start3A_145 = tpu.memref_slice %dma_start3A_143[%mul3A_112, %dma_start3A_144] : memref<80x128xi32, #tpu.memory_space<hbm>> -> memref<8x128xi32, #tpu.memory_space<hbm>>
        %dma_start3A_146 = arith.constant 0 : i32
        %dma_start3A_147 = arith.constant 0 : i32
        %dma_start3A_148 = tpu.memref_slice %arg3[%arg1, %dma_start3A_146, %dma_start3A_147] : memref<16x80x128xi32, #tpu.memory_space<hbm>> -> memref<1x80x128xi32, #tpu.memory_space<hbm>>
        %dma_start3A_149 = tpu.memref_squeeze %dma_start3A_148 : memref<1x80x128xi32, #tpu.memory_space<hbm>> -> memref<80x128xi32, #tpu.memory_space<hbm>>
        %dma_start3A_150 = arith.constant 0 : i32
        %dma_start3A_151 = tpu.memref_slice %dma_start3A_149[%mul3A_112, %dma_start3A_150] : memref<80x128xi32, #tpu.memory_space<hbm>> -> memref<8x128xi32, #tpu.memory_space<hbm>>
        tpu.enqueue_dma source(%dma_start3A_151 : memref<8x128xi32, #tpu.memory_space<hbm>>) target(%arg6 : memref<8x128xi32, #tpu.memory_space<vmem>>) target_semaphore(%run_scoped3A_139 : memref<!tpu.dma_semaphore, #tpu.memory_space<semaphore_mem>>)
        %dma_wait3A = arith.constant 0 : i32
        %dma_wait3A_152 = arith.constant 0 : i32
        %dma_wait3A_153 = tpu.memref_slice %arg3[%arg1, %dma_wait3A, %dma_wait3A_152] : memref<16x80x128xi32, #tpu.memory_space<hbm>> -> memref<1x80x128xi32, #tpu.memory_space<hbm>>
        %dma_wait3A_154 = tpu.memref_squeeze %dma_wait3A_153 : memref<1x80x128xi32, #tpu.memory_space<hbm>> -> memref<80x128xi32, #tpu.memory_space<hbm>>
        %dma_wait3A_155 = arith.constant 0 : i32
        %dma_wait3A_156 = tpu.memref_slice %dma_wait3A_154[%mul3A_112, %dma_wait3A_155] : memref<80x128xi32, #tpu.memory_space<hbm>> -> memref<8x128xi32, #tpu.memory_space<hbm>>
        %dma_wait3A_157 = arith.constant 0 : i32
        %dma_wait3A_158 = arith.constant 0 : i32
        %dma_wait3A_159 = tpu.memref_slice %arg3[%arg1, %dma_wait3A_157, %dma_wait3A_158] : memref<16x80x128xi32, #tpu.memory_space<hbm>> -> memref<1x80x128xi32, #tpu.memory_space<hbm>>
        %dma_wait3A_160 = tpu.memref_squeeze %dma_wait3A_159 : memref<1x80x128xi32, #tpu.memory_space<hbm>> -> memref<80x128xi32, #tpu.memory_space<hbm>>
        %dma_wait3A_161 = arith.constant 0 : i32
        %dma_wait3A_162 = tpu.memref_slice %dma_wait3A_160[%mul3A_112, %dma_wait3A_161] : memref<80x128xi32, #tpu.memory_space<hbm>> -> memref<8x128xi32, #tpu.memory_space<hbm>>
        tpu.wait_dma2 semaphore(%run_scoped3A_139 : memref<!tpu.dma_semaphore, #tpu.memory_space<semaphore_mem>>) src(%dma_wait3A_162 : memref<8x128xi32, #tpu.memory_space<hbm>>) dst(%arg6 : memref<8x128xi32, #tpu.memory_space<vmem>>)
        tpu.yield
      }) : () -> ()
      %mul3A_113 = arith.constant 8 : i32
      %mul3A_114 = arith.muli %scan3A_110, %mul3A_113 : i32
      "tpu.region"() ({
        %run_scoped3A_139 = tpu.sem_alloc : memref<!tpu.dma_semaphore, #tpu.memory_space<semaphore_mem>>
        %dma_start3A_140 = arith.constant 0 : i32
        %dma_start3A_141 = arith.constant 0 : i32
        %dma_start3A_142 = tpu.memref_slice %arg4[%arg1, %dma_start3A_140, %dma_start3A_141] : memref<16x80x128xi32, #tpu.memory_space<hbm>> -> memref<1x80x128xi32, #tpu.memory_space<hbm>>
        %dma_start3A_143 = tpu.memref_squeeze %dma_start3A_142 : memref<1x80x128xi32, #tpu.memory_space<hbm>> -> memref<80x128xi32, #tpu.memory_space<hbm>>
        %dma_start3A_144 = arith.constant 0 : i32
        %dma_start3A_145 = tpu.memref_slice %dma_start3A_143[%mul3A_114, %dma_start3A_144] : memref<80x128xi32, #tpu.memory_space<hbm>> -> memref<8x128xi32, #tpu.memory_space<hbm>>
        %dma_start3A_146 = arith.constant 0 : i32
        %dma_start3A_147 = arith.constant 0 : i32
        %dma_start3A_148 = tpu.memref_slice %arg4[%arg1, %dma_start3A_146, %dma_start3A_147] : memref<16x80x128xi32, #tpu.memory_space<hbm>> -> memref<1x80x128xi32, #tpu.memory_space<hbm>>
        %dma_start3A_149 = tpu.memref_squeeze %dma_start3A_148 : memref<1x80x128xi32, #tpu.memory_space<hbm>> -> memref<80x128xi32, #tpu.memory_space<hbm>>
        %dma_start3A_150 = arith.constant 0 : i32
        %dma_start3A_151 = tpu.memref_slice %dma_start3A_149[%mul3A_114, %dma_start3A_150] : memref<80x128xi32, #tpu.memory_space<hbm>> -> memref<8x128xi32, #tpu.memory_space<hbm>>
        tpu.enqueue_dma source(%dma_start3A_151 : memref<8x128xi32, #tpu.memory_space<hbm>>) target(%arg7 : memref<8x128xi32, #tpu.memory_space<vmem>>) target_semaphore(%run_scoped3A_139 : memref<!tpu.dma_semaphore, #tpu.memory_space<semaphore_mem>>)
        %dma_wait3A = arith.constant 0 : i32
        %dma_wait3A_152 = arith.constant 0 : i32
        %dma_wait3A_153 = tpu.memref_slice %arg4[%arg1, %dma_wait3A, %dma_wait3A_152] : memref<16x80x128xi32, #tpu.memory_space<hbm>> -> memref<1x80x128xi32, #tpu.memory_space<hbm>>
        %dma_wait3A_154 = tpu.memref_squeeze %dma_wait3A_153 : memref<1x80x128xi32, #tpu.memory_space<hbm>> -> memref<80x128xi32, #tpu.memory_space<hbm>>
        %dma_wait3A_155 = arith.constant 0 : i32
        %dma_wait3A_156 = tpu.memref_slice %dma_wait3A_154[%mul3A_114, %dma_wait3A_155] : memref<80x128xi32, #tpu.memory_space<hbm>> -> memref<8x128xi32, #tpu.memory_space<hbm>>
        %dma_wait3A_157 = arith.constant 0 : i32
        %dma_wait3A_158 = arith.constant 0 : i32
        %dma_wait3A_159 = tpu.memref_slice %arg4[%arg1, %dma_wait3A_157, %dma_wait3A_158] : memref<16x80x128xi32, #tpu.memory_space<hbm>> -> memref<1x80x128xi32, #tpu.memory_space<hbm>>
        %dma_wait3A_160 = tpu.memref_squeeze %dma_wait3A_159 : memref<1x80x128xi32, #tpu.memory_space<hbm>> -> memref<80x128xi32, #tpu.memory_space<hbm>>
        %dma_wait3A_161 = arith.constant 0 : i32
        %dma_wait3A_162 = tpu.memref_slice %dma_wait3A_160[%mul3A_114, %dma_wait3A_161] : memref<80x128xi32, #tpu.memory_space<hbm>> -> memref<8x128xi32, #tpu.memory_space<hbm>>
        tpu.wait_dma2 semaphore(%run_scoped3A_139 : memref<!tpu.dma_semaphore, #tpu.memory_space<semaphore_mem>>) src(%dma_wait3A_162 : memref<8x128xi32, #tpu.memory_space<hbm>>) dst(%arg7 : memref<8x128xi32, #tpu.memory_space<vmem>>)
        tpu.yield
      }) : () -> ()
      %dma_start3A = arith.constant 0 : i32
      %dma_start3A_115 = arith.constant 0 : i32
      %dma_start3A_116 = arith.constant 0 : i32
      %dma_start3A_117 = arith.constant 0 : i32
      %dma_start3A_118 = arith.constant 0 : i32
      %dma_start3A_119 = tpu.memref_slice %arg8[%dma_start3A_115, %dma_start3A_117, %dma_start3A_118] : memref<2x128x128xf32, #tpu.memory_space<vmem>> -> memref<1x128x128xf32, #tpu.memory_space<vmem>>
      %dma_start3A_120 = tpu.memref_squeeze %dma_start3A_119 : memref<1x128x128xf32, #tpu.memory_space<vmem>> -> memref<128x128xf32, #tpu.memory_space<vmem>>
      %dma_start3A_121 = arith.constant 0 : i32
      %dma_start3A_122 = tpu.memref_slice %arg6[%dma_start3A, %dma_start3A_121] : memref<8x128xi32, #tpu.memory_space<vmem>> -> memref<1x128xi32, #tpu.memory_space<vmem>>
      %dma_start3A_123 = tpu.memref_squeeze %dma_start3A_122 : memref<1x128xi32, #tpu.memory_space<vmem>> -> memref<128xi32, #tpu.memory_space<vmem>>
      %dma_start3A_124 = arith.constant 0 : i32
      %dma_start3A_125 = arith.constant 0 : i32
      %dma_start3A_126 = tpu.memref_slice %arg2[%add3A_2, %dma_start3A_124, %dma_start3A_125] : memref<4x10240x128xf32, #tpu.memory_space<hbm>> -> memref<1x10240x128xf32, #tpu.memory_space<hbm>>
      %dma_start3A_127 = tpu.memref_squeeze %dma_start3A_126 : memref<1x10240x128xf32, #tpu.memory_space<hbm>> -> memref<10240x128xf32, #tpu.memory_space<hbm>>
      %dma_start3A_128 = arith.constant 0 : i32
      %dma_start3A_129 = arith.constant 0 : i32
      %dma_start3A_130 = tpu.memref_slice %dma_start3A_127[%dma_start3A_128, %dma_start3A_129] : memref<10240x128xf32, #tpu.memory_space<hbm>> -> memref<10240x128xf32, #tpu.memory_space<hbm>>
      %dma_start3A_131 = tpu.memref_slice %arg10[%dma_start3A_116] : memref<2x!tpu.dma_semaphore, #tpu.memory_space<semaphore_mem>> -> memref<1x!tpu.dma_semaphore, #tpu.memory_space<semaphore_mem>>
      %dma_start3A_132 = tpu.memref_squeeze %dma_start3A_131 : memref<1x!tpu.dma_semaphore, #tpu.memory_space<semaphore_mem>> -> memref<!tpu.dma_semaphore, #tpu.memory_space<semaphore_mem>>
      tpu.enqueue_indirect_dma source(%dma_start3A_130 : memref<10240x128xf32, #tpu.memory_space<hbm>>) target(%dma_start3A_120 : memref<128x128xf32, #tpu.memory_space<vmem>>) offsets(%dma_start3A_123 : memref<128xi32, #tpu.memory_space<vmem>>) semaphore(%dma_start3A_132 : memref<!tpu.dma_semaphore, #tpu.memory_space<semaphore_mem>>)
      %scan3A_133 = arith.constant 0 : i32
      %scan3A_134 = arith.constant 0 : i32
      %scan3A_135 = arith.constant 8 : i32
      %scan3A_136 = arith.addi %scan3A_134, %scan3A_135 : i32
      %scan3A_137 = arith.constant 1 : i32
      scf.for %scan3A_139 = %scan3A_134 to %scan3A_136 step %scan3A_137  : i32 {
        %jit3A = arith.constant 2 : i32
        %eq3A = arith.constant 0 : i32
        %eq3A_140 = arith.cmpi eq, %jit3A, %eq3A : i32
        %jit3A_141 = arith.constant 1 : i32
        %select_n3A = arith.select %eq3A_140, %jit3A_141, %jit3A : i32
        %rem3A = arith.remsi %scan3A_139, %select_n3A : i32
        %ne3A = arith.constant 0 : i32
        %ne3A_142 = arith.cmpi ne, %rem3A, %ne3A : i32
        %lt3A = arith.constant 0 : i32
        %lt3A_143 = arith.cmpi slt, %rem3A, %lt3A : i32
        %lt3A_144 = arith.constant 0 : i32
        %lt3A_145 = arith.cmpi slt, %select_n3A, %lt3A_144 : i32
        %ne3A_146 = arith.xori %lt3A_143, %lt3A_145 : i1
        %and3A = arith.andi %ne3A_146, %ne3A_142 : i1
        %add3A_147 = arith.addi %rem3A, %select_n3A : i32
        %select_n3A_148 = arith.select %and3A, %add3A_147, %rem3A : i32
        %eq3A_149 = arith.constant 0 : i32
        %eq3A_150 = arith.cmpi eq, %select_n3A_148, %eq3A_149 : i32
        %convert_element_type3A = arith.extui %eq3A_150 : i1 to i32
        %cond3A = arith.constant 0 : i32
        %cond3A_151 = arith.cmpi ne, %convert_element_type3A, %cond3A : i32
        scf.if %cond3A_151 {
          %dma_wait3A = arith.constant 0 : i32
          %dma_wait3A_173 = arith.constant 0 : i32
          %dma_wait3A_174 = arith.constant 0 : i32
          %dma_wait3A_175 = arith.constant 0 : i32
          %dma_wait3A_176 = tpu.memref_slice %arg8[%dma_wait3A, %dma_wait3A_174, %dma_wait3A_175] : memref<2x128x128xf32, #tpu.memory_space<vmem>> -> memref<1x128x128xf32, #tpu.memory_space<vmem>>
          %dma_wait3A_177 = tpu.memref_squeeze %dma_wait3A_176 : memref<1x128x128xf32, #tpu.memory_space<vmem>> -> memref<128x128xf32, #tpu.memory_space<vmem>>
          %dma_wait3A_178 = arith.constant 0 : i32
          %dma_wait3A_179 = tpu.memref_slice %arg6[%scan3A_139, %dma_wait3A_178] : memref<8x128xi32, #tpu.memory_space<vmem>> -> memref<1x128xi32, #tpu.memory_space<vmem>>
          %dma_wait3A_180 = tpu.memref_squeeze %dma_wait3A_179 : memref<1x128xi32, #tpu.memory_space<vmem>> -> memref<128xi32, #tpu.memory_space<vmem>>
          %dma_wait3A_181 = arith.constant 0 : i32
          %dma_wait3A_182 = arith.constant 0 : i32
          %dma_wait3A_183 = tpu.memref_slice %arg2[%add3A_2, %dma_wait3A_181, %dma_wait3A_182] : memref<4x10240x128xf32, #tpu.memory_space<hbm>> -> memref<1x10240x128xf32, #tpu.memory_space<hbm>>
          %dma_wait3A_184 = tpu.memref_squeeze %dma_wait3A_183 : memref<1x10240x128xf32, #tpu.memory_space<hbm>> -> memref<10240x128xf32, #tpu.memory_space<hbm>>
          %dma_wait3A_185 = arith.constant 0 : i32
          %dma_wait3A_186 = arith.constant 0 : i32
          %dma_wait3A_187 = tpu.memref_slice %dma_wait3A_184[%dma_wait3A_185, %dma_wait3A_186] : memref<10240x128xf32, #tpu.memory_space<hbm>> -> memref<10240x128xf32, #tpu.memory_space<hbm>>
          %dma_wait3A_188 = tpu.memref_slice %arg10[%dma_wait3A_173] : memref<2x!tpu.dma_semaphore, #tpu.memory_space<semaphore_mem>> -> memref<1x!tpu.dma_semaphore, #tpu.memory_space<semaphore_mem>>
          %dma_wait3A_189 = tpu.memref_squeeze %dma_wait3A_188 : memref<1x!tpu.dma_semaphore, #tpu.memory_space<semaphore_mem>> -> memref<!tpu.dma_semaphore, #tpu.memory_space<semaphore_mem>>
          tpu.wait_indirect_dma semaphore(%dma_wait3A_189 : memref<!tpu.dma_semaphore, #tpu.memory_space<semaphore_mem>>) src(%dma_wait3A_187 : memref<10240x128xf32, #tpu.memory_space<hbm>>) dst(%dma_wait3A_177 : memref<128x128xf32, #tpu.memory_space<vmem>>)
          %add3A_190 = arith.constant 1 : i32
          %add3A_191 = arith.addi %scan3A_139, %add3A_190 : i32
          %lt3A_192 = arith.constant 8 : i32
          %lt3A_193 = arith.cmpi slt, %add3A_191, %lt3A_192 : i32
          %convert_element_type3A_194 = arith.extui %lt3A_193 : i1 to i32
          %cond3A_195 = arith.constant 0 : i32
          %cond3A_196 = arith.cmpi ne, %convert_element_type3A_194, %cond3A_195 : i32
          scf.if %cond3A_196 {
            %add3A_198 = arith.constant 1 : i32
            %add3A_199 = arith.addi %scan3A_139, %add3A_198 : i32
            %dma_start3A_200 = arith.constant 1 : i32
            %dma_start3A_201 = arith.constant 1 : i32
            %dma_start3A_202 = arith.constant 0 : i32
            %dma_start3A_203 = arith.constant 0 : i32
            %dma_start3A_204 = tpu.memref_slice %arg8[%dma_start3A_200, %dma_start3A_202, %dma_start3A_203] : memref<2x128x128xf32, #tpu.memory_space<vmem>> -> memref<1x128x128xf32, #tpu.memory_space<vmem>>
            %dma_start3A_205 = tpu.memref_squeeze %dma_start3A_204 : memref<1x128x128xf32, #tpu.memory_space<vmem>> -> memref<128x128xf32, #tpu.memory_space<vmem>>
            %dma_start3A_206 = arith.constant 0 : i32
            %dma_start3A_207 = tpu.memref_slice %arg6[%add3A_199, %dma_start3A_206] : memref<8x128xi32, #tpu.memory_space<vmem>> -> memref<1x128xi32, #tpu.memory_space<vmem>>
            %dma_start3A_208 = tpu.memref_squeeze %dma_start3A_207 : memref<1x128xi32, #tpu.memory_space<vmem>> -> memref<128xi32, #tpu.memory_space<vmem>>
            %dma_start3A_209 = arith.constant 0 : i32
            %dma_start3A_210 = arith.constant 0 : i32
            %dma_start3A_211 = tpu.memref_slice %arg2[%add3A_2, %dma_start3A_209, %dma_start3A_210] : memref<4x10240x128xf32, #tpu.memory_space<hbm>> -> memref<1x10240x128xf32, #tpu.memory_space<hbm>>
            %dma_start3A_212 = tpu.memref_squeeze %dma_start3A_211 : memref<1x10240x128xf32, #tpu.memory_space<hbm>> -> memref<10240x128xf32, #tpu.memory_space<hbm>>
            %dma_start3A_213 = arith.constant 0 : i32
            %dma_start3A_214 = arith.constant 0 : i32
            %dma_start3A_215 = tpu.memref_slice %dma_start3A_212[%dma_start3A_213, %dma_start3A_214] : memref<10240x128xf32, #tpu.memory_space<hbm>> -> memref<10240x128xf32, #tpu.memory_space<hbm>>
            %dma_start3A_216 = tpu.memref_slice %arg10[%dma_start3A_201] : memref<2x!tpu.dma_semaphore, #tpu.memory_space<semaphore_mem>> -> memref<1x!tpu.dma_semaphore, #tpu.memory_space<semaphore_mem>>
            %dma_start3A_217 = tpu.memref_squeeze %dma_start3A_216 : memref<1x!tpu.dma_semaphore, #tpu.memory_space<semaphore_mem>> -> memref<!tpu.dma_semaphore, #tpu.memory_space<semaphore_mem>>
            tpu.enqueue_indirect_dma source(%dma_start3A_215 : memref<10240x128xf32, #tpu.memory_space<hbm>>) target(%dma_start3A_205 : memref<128x128xf32, #tpu.memory_space<vmem>>) offsets(%dma_start3A_208 : memref<128xi32, #tpu.memory_space<vmem>>) semaphore(%dma_start3A_217 : memref<!tpu.dma_semaphore, #tpu.memory_space<semaphore_mem>>)
          } else {
          }
          %run_scoped3A_197 = arith.constant 0 : i32
          "tpu.region"() ({
            %run_scoped3A_198 = tpu.sem_alloc : memref<!tpu.dma_semaphore, #tpu.memory_space<semaphore_mem>>
            %dma_start3A_199 = arith.constant 0 : i32
            %dma_start3A_200 = arith.constant 0 : i32
            %dma_start3A_201 = tpu.memref_slice %arg8[%run_scoped3A_197, %dma_start3A_199, %dma_start3A_200] : memref<2x128x128xf32, #tpu.memory_space<vmem>> -> memref<1x128x128xf32, #tpu.memory_space<vmem>>
            %dma_start3A_202 = tpu.memref_squeeze %dma_start3A_201 : memref<1x128x128xf32, #tpu.memory_space<vmem>> -> memref<128x128xf32, #tpu.memory_space<vmem>>
            %dma_start3A_203 = arith.constant 0 : i32
            %dma_start3A_204 = tpu.memref_slice %arg7[%scan3A_139, %dma_start3A_203] : memref<8x128xi32, #tpu.memory_space<vmem>> -> memref<1x128xi32, #tpu.memory_space<vmem>>
            %dma_start3A_205 = tpu.memref_squeeze %dma_start3A_204 : memref<1x128xi32, #tpu.memory_space<vmem>> -> memref<128xi32, #tpu.memory_space<vmem>>
            %dma_start3A_206 = arith.constant 0 : i32
            %dma_start3A_207 = arith.constant 0 : i32
            %dma_start3A_208 = tpu.memref_slice %arg9[%dma_start3A_206, %dma_start3A_207] : memref<10240x128xf32, #tpu.memory_space<vmem_shared>> -> memref<10240x128xf32, #tpu.memory_space<vmem_shared>>
            tpu.enqueue_indirect_dma source(%dma_start3A_202 : memref<128x128xf32, #tpu.memory_space<vmem>>) target(%dma_start3A_208 : memref<10240x128xf32, #tpu.memory_space<vmem_shared>>) offsets(%dma_start3A_205 : memref<128xi32, #tpu.memory_space<vmem>>) semaphore(%run_scoped3A_198 : memref<!tpu.dma_semaphore, #tpu.memory_space<semaphore_mem>>) {add = true}
            %dma_wait3A_209 = arith.constant 0 : i32
            %dma_wait3A_210 = arith.constant 0 : i32
            %dma_wait3A_211 = tpu.memref_slice %arg8[%run_scoped3A_197, %dma_wait3A_209, %dma_wait3A_210] : memref<2x128x128xf32, #tpu.memory_space<vmem>> -> memref<1x128x128xf32, #tpu.memory_space<vmem>>
            %dma_wait3A_212 = tpu.memref_squeeze %dma_wait3A_211 : memref<1x128x128xf32, #tpu.memory_space<vmem>> -> memref<128x128xf32, #tpu.memory_space<vmem>>
            %dma_wait3A_213 = arith.constant 0 : i32
            %dma_wait3A_214 = tpu.memref_slice %arg7[%scan3A_139, %dma_wait3A_213] : memref<8x128xi32, #tpu.memory_space<vmem>> -> memref<1x128xi32, #tpu.memory_space<vmem>>
            %dma_wait3A_215 = tpu.memref_squeeze %dma_wait3A_214 : memref<1x128xi32, #tpu.memory_space<vmem>> -> memref<128xi32, #tpu.memory_space<vmem>>
            %dma_wait3A_216 = arith.constant 0 : i32
            %dma_wait3A_217 = arith.constant 0 : i32
            %dma_wait3A_218 = tpu.memref_slice %arg9[%dma_wait3A_216, %dma_wait3A_217] : memref<10240x128xf32, #tpu.memory_space<vmem_shared>> -> memref<10240x128xf32, #tpu.memory_space<vmem_shared>>
            tpu.wait_indirect_dma semaphore(%run_scoped3A_198 : memref<!tpu.dma_semaphore, #tpu.memory_space<semaphore_mem>>) src(%dma_wait3A_212 : memref<128x128xf32, #tpu.memory_space<vmem>>) dst(%dma_wait3A_218 : memref<10240x128xf32, #tpu.memory_space<vmem_shared>>)
            tpu.yield
          }) : () -> ()
        } else {
        }
        %jit3A_152 = arith.constant 2 : i32
        %eq3A_153 = arith.constant 0 : i32
        %eq3A_154 = arith.cmpi eq, %jit3A_152, %eq3A_153 : i32
        %jit3A_155 = arith.constant 1 : i32
        %select_n3A_156 = arith.select %eq3A_154, %jit3A_155, %jit3A_152 : i32
        %rem3A_157 = arith.remsi %scan3A_139, %select_n3A_156 : i32
        %ne3A_158 = arith.constant 0 : i32
        %ne3A_159 = arith.cmpi ne, %rem3A_157, %ne3A_158 : i32
        %lt3A_160 = arith.constant 0 : i32
        %lt3A_161 = arith.cmpi slt, %rem3A_157, %lt3A_160 : i32
        %lt3A_162 = arith.constant 0 : i32
        %lt3A_163 = arith.cmpi slt, %select_n3A_156, %lt3A_162 : i32
        %ne3A_164 = arith.xori %lt3A_161, %lt3A_163 : i1
        %and3A_165 = arith.andi %ne3A_164, %ne3A_159 : i1
        %add3A_166 = arith.addi %rem3A_157, %select_n3A_156 : i32
        %select_n3A_167 = arith.select %and3A_165, %add3A_166, %rem3A_157 : i32
        %eq3A_168 = arith.constant 1 : i32
        %eq3A_169 = arith.cmpi eq, %select_n3A_167, %eq3A_168 : i32
        %convert_element_type3A_170 = arith.extui %eq3A_169 : i1 to i32
        %cond3A_171 = arith.constant 0 : i32
        %cond3A_172 = arith.cmpi ne, %convert_element_type3A_170, %cond3A_171 : i32
        scf.if %cond3A_172 {
          %dma_wait3A = arith.constant 1 : i32
          %dma_wait3A_173 = arith.constant 1 : i32
          %dma_wait3A_174 = arith.constant 0 : i32
          %dma_wait3A_175 = arith.constant 0 : i32
          %dma_wait3A_176 = tpu.memref_slice %arg8[%dma_wait3A, %dma_wait3A_174, %dma_wait3A_175] : memref<2x128x128xf32, #tpu.memory_space<vmem>> -> memref<1x128x128xf32, #tpu.memory_space<vmem>>
          %dma_wait3A_177 = tpu.memref_squeeze %dma_wait3A_176 : memref<1x128x128xf32, #tpu.memory_space<vmem>> -> memref<128x128xf32, #tpu.memory_space<vmem>>
          %dma_wait3A_178 = arith.constant 0 : i32
          %dma_wait3A_179 = tpu.memref_slice %arg6[%scan3A_139, %dma_wait3A_178] : memref<8x128xi32, #tpu.memory_space<vmem>> -> memref<1x128xi32, #tpu.memory_space<vmem>>
          %dma_wait3A_180 = tpu.memref_squeeze %dma_wait3A_179 : memref<1x128xi32, #tpu.memory_space<vmem>> -> memref<128xi32, #tpu.memory_space<vmem>>
          %dma_wait3A_181 = arith.constant 0 : i32
          %dma_wait3A_182 = arith.constant 0 : i32
          %dma_wait3A_183 = tpu.memref_slice %arg2[%add3A_2, %dma_wait3A_181, %dma_wait3A_182] : memref<4x10240x128xf32, #tpu.memory_space<hbm>> -> memref<1x10240x128xf32, #tpu.memory_space<hbm>>
          %dma_wait3A_184 = tpu.memref_squeeze %dma_wait3A_183 : memref<1x10240x128xf32, #tpu.memory_space<hbm>> -> memref<10240x128xf32, #tpu.memory_space<hbm>>
          %dma_wait3A_185 = arith.constant 0 : i32
          %dma_wait3A_186 = arith.constant 0 : i32
          %dma_wait3A_187 = tpu.memref_slice %dma_wait3A_184[%dma_wait3A_185, %dma_wait3A_186] : memref<10240x128xf32, #tpu.memory_space<hbm>> -> memref<10240x128xf32, #tpu.memory_space<hbm>>
          %dma_wait3A_188 = tpu.memref_slice %arg10[%dma_wait3A_173] : memref<2x!tpu.dma_semaphore, #tpu.memory_space<semaphore_mem>> -> memref<1x!tpu.dma_semaphore, #tpu.memory_space<semaphore_mem>>
          %dma_wait3A_189 = tpu.memref_squeeze %dma_wait3A_188 : memref<1x!tpu.dma_semaphore, #tpu.memory_space<semaphore_mem>> -> memref<!tpu.dma_semaphore, #tpu.memory_space<semaphore_mem>>
          tpu.wait_indirect_dma semaphore(%dma_wait3A_189 : memref<!tpu.dma_semaphore, #tpu.memory_space<semaphore_mem>>) src(%dma_wait3A_187 : memref<10240x128xf32, #tpu.memory_space<hbm>>) dst(%dma_wait3A_177 : memref<128x128xf32, #tpu.memory_space<vmem>>)
          %add3A_190 = arith.constant 1 : i32
          %add3A_191 = arith.addi %scan3A_139, %add3A_190 : i32
          %lt3A_192 = arith.constant 8 : i32
          %lt3A_193 = arith.cmpi slt, %add3A_191, %lt3A_192 : i32
          %convert_element_type3A_194 = arith.extui %lt3A_193 : i1 to i32
          %cond3A_195 = arith.constant 0 : i32
          %cond3A_196 = arith.cmpi ne, %convert_element_type3A_194, %cond3A_195 : i32
          scf.if %cond3A_196 {
            %add3A_198 = arith.constant 1 : i32
            %add3A_199 = arith.addi %scan3A_139, %add3A_198 : i32
            %dma_start3A_200 = arith.constant 0 : i32
            %dma_start3A_201 = arith.constant 0 : i32
            %dma_start3A_202 = arith.constant 0 : i32
            %dma_start3A_203 = arith.constant 0 : i32
            %dma_start3A_204 = tpu.memref_slice %arg8[%dma_start3A_200, %dma_start3A_202, %dma_start3A_203] : memref<2x128x128xf32, #tpu.memory_space<vmem>> -> memref<1x128x128xf32, #tpu.memory_space<vmem>>
            %dma_start3A_205 = tpu.memref_squeeze %dma_start3A_204 : memref<1x128x128xf32, #tpu.memory_space<vmem>> -> memref<128x128xf32, #tpu.memory_space<vmem>>
            %dma_start3A_206 = arith.constant 0 : i32
            %dma_start3A_207 = tpu.memref_slice %arg6[%add3A_199, %dma_start3A_206] : memref<8x128xi32, #tpu.memory_space<vmem>> -> memref<1x128xi32, #tpu.memory_space<vmem>>
            %dma_start3A_208 = tpu.memref_squeeze %dma_start3A_207 : memref<1x128xi32, #tpu.memory_space<vmem>> -> memref<128xi32, #tpu.memory_space<vmem>>
            %dma_start3A_209 = arith.constant 0 : i32
            %dma_start3A_210 = arith.constant 0 : i32
            %dma_start3A_211 = tpu.memref_slice %arg2[%add3A_2, %dma_start3A_209, %dma_start3A_210] : memref<4x10240x128xf32, #tpu.memory_space<hbm>> -> memref<1x10240x128xf32, #tpu.memory_space<hbm>>
            %dma_start3A_212 = tpu.memref_squeeze %dma_start3A_211 : memref<1x10240x128xf32, #tpu.memory_space<hbm>> -> memref<10240x128xf32, #tpu.memory_space<hbm>>
            %dma_start3A_213 = arith.constant 0 : i32
            %dma_start3A_214 = arith.constant 0 : i32
            %dma_start3A_215 = tpu.memref_slice %dma_start3A_212[%dma_start3A_213, %dma_start3A_214] : memref<10240x128xf32, #tpu.memory_space<hbm>> -> memref<10240x128xf32, #tpu.memory_space<hbm>>
            %dma_start3A_216 = tpu.memref_slice %arg10[%dma_start3A_201] : memref<2x!tpu.dma_semaphore, #tpu.memory_space<semaphore_mem>> -> memref<1x!tpu.dma_semaphore, #tpu.memory_space<semaphore_mem>>
            %dma_start3A_217 = tpu.memref_squeeze %dma_start3A_216 : memref<1x!tpu.dma_semaphore, #tpu.memory_space<semaphore_mem>> -> memref<!tpu.dma_semaphore, #tpu.memory_space<semaphore_mem>>
            tpu.enqueue_indirect_dma source(%dma_start3A_215 : memref<10240x128xf32, #tpu.memory_space<hbm>>) target(%dma_start3A_205 : memref<128x128xf32, #tpu.memory_space<vmem>>) offsets(%dma_start3A_208 : memref<128xi32, #tpu.memory_space<vmem>>) semaphore(%dma_start3A_217 : memref<!tpu.dma_semaphore, #tpu.memory_space<semaphore_mem>>)
          } else {
          }
          %run_scoped3A_197 = arith.constant 1 : i32
          "tpu.region"() ({
            %run_scoped3A_198 = tpu.sem_alloc : memref<!tpu.dma_semaphore, #tpu.memory_space<semaphore_mem>>
            %dma_start3A_199 = arith.constant 0 : i32
            %dma_start3A_200 = arith.constant 0 : i32
            %dma_start3A_201 = tpu.memref_slice %arg8[%run_scoped3A_197, %dma_start3A_199, %dma_start3A_200] : memref<2x128x128xf32, #tpu.memory_space<vmem>> -> memref<1x128x128xf32, #tpu.memory_space<vmem>>
            %dma_start3A_202 = tpu.memref_squeeze %dma_start3A_201 : memref<1x128x128xf32, #tpu.memory_space<vmem>> -> memref<128x128xf32, #tpu.memory_space<vmem>>
            %dma_start3A_203 = arith.constant 0 : i32
            %dma_start3A_204 = tpu.memref_slice %arg7[%scan3A_139, %dma_start3A_203] : memref<8x128xi32, #tpu.memory_space<vmem>> -> memref<1x128xi32, #tpu.memory_space<vmem>>
            %dma_start3A_205 = tpu.memref_squeeze %dma_start3A_204 : memref<1x128xi32, #tpu.memory_space<vmem>> -> memref<128xi32, #tpu.memory_space<vmem>>
            %dma_start3A_206 = arith.constant 0 : i32
            %dma_start3A_207 = arith.constant 0 : i32
            %dma_start3A_208 = tpu.memref_slice %arg9[%dma_start3A_206, %dma_start3A_207] : memref<10240x128xf32, #tpu.memory_space<vmem_shared>> -> memref<10240x128xf32, #tpu.memory_space<vmem_shared>>
            tpu.enqueue_indirect_dma source(%dma_start3A_202 : memref<128x128xf32, #tpu.memory_space<vmem>>) target(%dma_start3A_208 : memref<10240x128xf32, #tpu.memory_space<vmem_shared>>) offsets(%dma_start3A_205 : memref<128xi32, #tpu.memory_space<vmem>>) semaphore(%run_scoped3A_198 : memref<!tpu.dma_semaphore, #tpu.memory_space<semaphore_mem>>) {add = true}
            %dma_wait3A_209 = arith.constant 0 : i32
            %dma_wait3A_210 = arith.constant 0 : i32
            %dma_wait3A_211 = tpu.memref_slice %arg8[%run_scoped3A_197, %dma_wait3A_209, %dma_wait3A_210] : memref<2x128x128xf32, #tpu.memory_space<vmem>> -> memref<1x128x128xf32, #tpu.memory_space<vmem>>
            %dma_wait3A_212 = tpu.memref_squeeze %dma_wait3A_211 : memref<1x128x128xf32, #tpu.memory_space<vmem>> -> memref<128x128xf32, #tpu.memory_space<vmem>>
            %dma_wait3A_213 = arith.constant 0 : i32
            %dma_wait3A_214 = tpu.memref_slice %arg7[%scan3A_139, %dma_wait3A_213] : memref<8x128xi32, #tpu.memory_space<vmem>> -> memref<1x128xi32, #tpu.memory_space<vmem>>
            %dma_wait3A_215 = tpu.memref_squeeze %dma_wait3A_214 : memref<1x128xi32, #tpu.memory_space<vmem>> -> memref<128xi32, #tpu.memory_space<vmem>>
            %dma_wait3A_216 = arith.constant 0 : i32
            %dma_wait3A_217 = arith.constant 0 : i32
            %dma_wait3A_218 = tpu.memref_slice %arg9[%dma_wait3A_216, %dma_wait3A_217] : memref<10240x128xf32, #tpu.memory_space<vmem_shared>> -> memref<10240x128xf32, #tpu.memory_space<vmem_shared>>
            tpu.wait_indirect_dma semaphore(%run_scoped3A_198 : memref<!tpu.dma_semaphore, #tpu.memory_space<semaphore_mem>>) src(%dma_wait3A_212 : memref<128x128xf32, #tpu.memory_space<vmem>>) dst(%dma_wait3A_218 : memref<10240x128xf32, #tpu.memory_space<vmem_shared>>)
            tpu.yield
          }) : () -> ()
        } else {
        }
      }
      %scan3A_138 = arith.constant 8 : i32
    }
    %scan3A_47 = arith.constant 10 : i32
    %barrier3A_48 = arith.constant 0 : index
    tpu.barrier barrier_id(%barrier3A_48)
    %mul3A_49 = arith.constant 640 : i32
    %mul3A_50 = arith.muli %arg1, %mul3A_49 : i32
    %mul3A_51 = arith.constant 640 : i32
    %mul3A_52 = arith.muli %arg1, %mul3A_51 : i32
    "tpu.region"() ({
      %run_scoped3A_110 = tpu.sem_alloc : memref<!tpu.dma_semaphore, #tpu.memory_space<semaphore_mem>>
      %dma_start3A = arith.constant 0 : i32
      %dma_start3A_111 = arith.constant 0 : i32
      %dma_start3A_112 = tpu.memref_slice %arg5[%add3A_2, %dma_start3A, %dma_start3A_111] : memref<4x10240x128xf32, #tpu.memory_space<hbm>> -> memref<1x10240x128xf32, #tpu.memory_space<hbm>>
      %dma_start3A_113 = tpu.memref_squeeze %dma_start3A_112 : memref<1x10240x128xf32, #tpu.memory_space<hbm>> -> memref<10240x128xf32, #tpu.memory_space<hbm>>
      %dma_start3A_114 = arith.constant 0 : i32
      %dma_start3A_115 = tpu.memref_slice %dma_start3A_113[%mul3A_52, %dma_start3A_114] : memref<10240x128xf32, #tpu.memory_space<hbm>> -> memref<640x128xf32, #tpu.memory_space<hbm>>
      %dma_start3A_116 = arith.constant 0 : i32
      %dma_start3A_117 = tpu.memref_slice %arg9[%mul3A_50, %dma_start3A_116] : memref<10240x128xf32, #tpu.memory_space<vmem_shared>> -> memref<640x128xf32, #tpu.memory_space<vmem_shared>>
      tpu.enqueue_dma source(%dma_start3A_117 : memref<640x128xf32, #tpu.memory_space<vmem_shared>>) target(%dma_start3A_115 : memref<640x128xf32, #tpu.memory_space<hbm>>) target_semaphore(%run_scoped3A_110 : memref<!tpu.dma_semaphore, #tpu.memory_space<semaphore_mem>>)
      %dma_wait3A = arith.constant 0 : i32
      %dma_wait3A_118 = arith.constant 0 : i32
      %dma_wait3A_119 = tpu.memref_slice %arg5[%add3A_2, %dma_wait3A, %dma_wait3A_118] : memref<4x10240x128xf32, #tpu.memory_space<hbm>> -> memref<1x10240x128xf32, #tpu.memory_space<hbm>>
      %dma_wait3A_120 = tpu.memref_squeeze %dma_wait3A_119 : memref<1x10240x128xf32, #tpu.memory_space<hbm>> -> memref<10240x128xf32, #tpu.memory_space<hbm>>
      %dma_wait3A_121 = arith.constant 0 : i32
      %dma_wait3A_122 = tpu.memref_slice %dma_wait3A_120[%mul3A_52, %dma_wait3A_121] : memref<10240x128xf32, #tpu.memory_space<hbm>> -> memref<640x128xf32, #tpu.memory_space<hbm>>
      %dma_wait3A_123 = arith.constant 0 : i32
      %dma_wait3A_124 = tpu.memref_slice %arg9[%mul3A_50, %dma_wait3A_123] : memref<10240x128xf32, #tpu.memory_space<vmem_shared>> -> memref<640x128xf32, #tpu.memory_space<vmem_shared>>
      tpu.wait_dma2 semaphore(%run_scoped3A_110 : memref<!tpu.dma_semaphore, #tpu.memory_space<semaphore_mem>>) src(%dma_wait3A_124 : memref<640x128xf32, #tpu.memory_space<vmem_shared>>) dst(%dma_wait3A_122 : memref<640x128xf32, #tpu.memory_space<hbm>>)
      tpu.yield
    }) : () -> ()
    %mul3A_53 = arith.constant 2 : i32
    %mul3A_54 = arith.muli %arg0, %mul3A_53 : i32
    %add3A_55 = arith.constant 1 : i32
    %add3A_56 = arith.addi %mul3A_54, %add3A_55 : i32
    %scan3A_57 = arith.constant 0 : i32
    %scan3A_58 = arith.constant 0 : i32
    %scan3A_59 = arith.constant 128 : i32
    %scan3A_60 = arith.addi %scan3A_58, %scan3A_59 : i32
    %scan3A_61 = arith.constant 1 : i32
    scf.for %scan3A_110 = %scan3A_58 to %scan3A_60 step %scan3A_61  : i32 {
      %swap3A = arith.constant 0 : i32
      %swap3A_111 = arith.index_cast %swap3A : i32 to index
      %swap3A_112 = arith.index_cast %scan3A_110 : i32 to index
      %swap3A_113 = arith.constant 0 : index
      %swap3A_114 = tpu.vector_load %arg8[%swap3A_111, %swap3A_112, %swap3A_113] {strides = array<i32>} : memref<2x128x128xf32, #tpu.memory_space<vmem>>, vector<1x1x16xf32>,
      %swap3A_115 = vector.shape_cast %swap3A_114 : vector<1x1x16xf32> to vector<16xf32>
      %swap3A_116 = vector.shape_cast %broadcast_in_dim3A_0 : vector<16xf32> to vector<1x1x16xf32>
      tpu.vector_store %arg8[%swap3A_111, %swap3A_112, %swap3A_113], %swap3A_116 {strides = array<i32>} : memref<2x128x128xf32, #tpu.memory_space<vmem>>, vector<1x1x16xf32>,
      %swap3A_117 = arith.constant 0 : i32
      %swap3A_118 = arith.index_cast %swap3A_117 : i32 to index
      %swap3A_119 = arith.index_cast %scan3A_110 : i32 to index
      %swap3A_120 = arith.constant 16 : index
      %swap3A_121 = tpu.vector_load %arg8[%swap3A_118, %swap3A_119, %swap3A_120] {strides = array<i32>} : memref<2x128x128xf32, #tpu.memory_space<vmem>>, vector<1x1x16xf32>,
      %swap3A_122 = vector.shape_cast %swap3A_121 : vector<1x1x16xf32> to vector<16xf32>
      %swap3A_123 = vector.shape_cast %broadcast_in_dim3A_0 : vector<16xf32> to vector<1x1x16xf32>
      tpu.vector_store %arg8[%swap3A_118, %swap3A_119, %swap3A_120], %swap3A_123 {strides = array<i32>} : memref<2x128x128xf32, #tpu.memory_space<vmem>>, vector<1x1x16xf32>,
      %swap3A_124 = arith.constant 0 : i32
      %swap3A_125 = arith.index_cast %swap3A_124 : i32 to index
      %swap3A_126 = arith.index_cast %scan3A_110 : i32 to index
      %swap3A_127 = arith.constant 32 : index
      %swap3A_128 = tpu.vector_load %arg8[%swap3A_125, %swap3A_126, %swap3A_127] {strides = array<i32>} : memref<2x128x128xf32, #tpu.memory_space<vmem>>, vector<1x1x16xf32>,
      %swap3A_129 = vector.shape_cast %swap3A_128 : vector<1x1x16xf32> to vector<16xf32>
      %swap3A_130 = vector.shape_cast %broadcast_in_dim3A_0 : vector<16xf32> to vector<1x1x16xf32>
      tpu.vector_store %arg8[%swap3A_125, %swap3A_126, %swap3A_127], %swap3A_130 {strides = array<i32>} : memref<2x128x128xf32, #tpu.memory_space<vmem>>, vector<1x1x16xf32>,
      %swap3A_131 = arith.constant 0 : i32
      %swap3A_132 = arith.index_cast %swap3A_131 : i32 to index
      %swap3A_133 = arith.index_cast %scan3A_110 : i32 to index
      %swap3A_134 = arith.constant 48 : index
      %swap3A_135 = tpu.vector_load %arg8[%swap3A_132, %swap3A_133, %swap3A_134] {strides = array<i32>} : memref<2x128x128xf32, #tpu.memory_space<vmem>>, vector<1x1x16xf32>,
      %swap3A_136 = vector.shape_cast %swap3A_135 : vector<1x1x16xf32> to vector<16xf32>
      %swap3A_137 = vector.shape_cast %broadcast_in_dim3A_0 : vector<16xf32> to vector<1x1x16xf32>
      tpu.vector_store %arg8[%swap3A_132, %swap3A_133, %swap3A_134], %swap3A_137 {strides = array<i32>} : memref<2x128x128xf32, #tpu.memory_space<vmem>>, vector<1x1x16xf32>,
      %swap3A_138 = arith.constant 0 : i32
      %swap3A_139 = arith.index_cast %swap3A_138 : i32 to index
      %swap3A_140 = arith.index_cast %scan3A_110 : i32 to index
      %swap3A_141 = arith.constant 64 : index
      %swap3A_142 = tpu.vector_load %arg8[%swap3A_139, %swap3A_140, %swap3A_141] {strides = array<i32>} : memref<2x128x128xf32, #tpu.memory_space<vmem>>, vector<1x1x16xf32>,
      %swap3A_143 = vector.shape_cast %swap3A_142 : vector<1x1x16xf32> to vector<16xf32>
      %swap3A_144 = vector.shape_cast %broadcast_in_dim3A_0 : vector<16xf32> to vector<1x1x16xf32>
      tpu.vector_store %arg8[%swap3A_139, %swap3A_140, %swap3A_141], %swap3A_144 {strides = array<i32>} : memref<2x128x128xf32, #tpu.memory_space<vmem>>, vector<1x1x16xf32>,
      %swap3A_145 = arith.constant 0 : i32
      %swap3A_146 = arith.index_cast %swap3A_145 : i32 to index
      %swap3A_147 = arith.index_cast %scan3A_110 : i32 to index
      %swap3A_148 = arith.constant 80 : index
      %swap3A_149 = tpu.vector_load %arg8[%swap3A_146, %swap3A_147, %swap3A_148] {strides = array<i32>} : memref<2x128x128xf32, #tpu.memory_space<vmem>>, vector<1x1x16xf32>,
      %swap3A_150 = vector.shape_cast %swap3A_149 : vector<1x1x16xf32> to vector<16xf32>
      %swap3A_151 = vector.shape_cast %broadcast_in_dim3A_0 : vector<16xf32> to vector<1x1x16xf32>
      tpu.vector_store %arg8[%swap3A_146, %swap3A_147, %swap3A_148], %swap3A_151 {strides = array<i32>} : memref<2x128x128xf32, #tpu.memory_space<vmem>>, vector<1x1x16xf32>,
      %swap3A_152 = arith.constant 0 : i32
      %swap3A_153 = arith.index_cast %swap3A_152 : i32 to index
      %swap3A_154 = arith.index_cast %scan3A_110 : i32 to index
      %swap3A_155 = arith.constant 96 : index
      %swap3A_156 = tpu.vector_load %arg8[%swap3A_153, %swap3A_154, %swap3A_155] {strides = array<i32>} : memref<2x128x128xf32, #tpu.memory_space<vmem>>, vector<1x1x16xf32>,
      %swap3A_157 = vector.shape_cast %swap3A_156 : vector<1x1x16xf32> to vector<16xf32>
      %swap3A_158 = vector.shape_cast %broadcast_in_dim3A_0 : vector<16xf32> to vector<1x1x16xf32>
      tpu.vector_store %arg8[%swap3A_153, %swap3A_154, %swap3A_155], %swap3A_158 {strides = array<i32>} : memref<2x128x128xf32, #tpu.memory_space<vmem>>, vector<1x1x16xf32>,
      %swap3A_159 = arith.constant 0 : i32
      %swap3A_160 = arith.index_cast %swap3A_159 : i32 to index
      %swap3A_161 = arith.index_cast %scan3A_110 : i32 to index
      %swap3A_162 = arith.constant 112 : index
      %swap3A_163 = tpu.vector_load %arg8[%swap3A_160, %swap3A_161, %swap3A_162] {strides = array<i32>} : memref<2x128x128xf32, #tpu.memory_space<vmem>>, vector<1x1x16xf32>,
      %swap3A_164 = vector.shape_cast %swap3A_163 : vector<1x1x16xf32> to vector<16xf32>
      %swap3A_165 = vector.shape_cast %broadcast_in_dim3A_0 : vector<16xf32> to vector<1x1x16xf32>
      tpu.vector_store %arg8[%swap3A_160, %swap3A_161, %swap3A_162], %swap3A_165 {strides = array<i32>} : memref<2x128x128xf32, #tpu.memory_space<vmem>>, vector<1x1x16xf32>,
    }
    %scan3A_62 = arith.constant 128 : i32
    %mul3A_63 = arith.constant 5 : i32
    %mul3A_64 = arith.muli %arg1, %mul3A_63 : i32
    %add3A_65 = arith.constant 0 : i32
    %add3A_66 = arith.addi %mul3A_64, %add3A_65 : i32
    %mul3A_67 = arith.constant 128 : i32
    %mul3A_68 = arith.muli %add3A_66, %mul3A_67 : i32
    %run_scoped3A_69 = arith.constant 0 : i32
    "tpu.region"() ({
      %run_scoped3A_110 = tpu.sem_alloc : memref<!tpu.dma_semaphore, #tpu.memory_space<semaphore_mem>>
      %dma_start3A = arith.constant 0 : i32
      %dma_start3A_111 = arith.constant 0 : i32
      %dma_start3A_112 = tpu.memref_slice %arg8[%run_scoped3A_69, %dma_start3A, %dma_start3A_111] : memref<2x128x128xf32, #tpu.memory_space<vmem>> -> memref<1x128x128xf32, #tpu.memory_space<vmem>>
      %dma_start3A_113 = tpu.memref_squeeze %dma_start3A_112 : memref<1x128x128xf32, #tpu.memory_space<vmem>> -> memref<128x128xf32, #tpu.memory_space<vmem>>
      %dma_start3A_114 = arith.constant 0 : i32
      %dma_start3A_115 = tpu.memref_slice %arg9[%mul3A_68, %dma_start3A_114] : memref<10240x128xf32, #tpu.memory_space<vmem_shared>> -> memref<128x128xf32, #tpu.memory_space<vmem_shared>>
      %dma_start3A_116 = arith.constant 0 : i32
      %dma_start3A_117 = tpu.memref_slice %arg9[%mul3A_68, %dma_start3A_116] : memref<10240x128xf32, #tpu.memory_space<vmem_shared>> -> memref<128x128xf32, #tpu.memory_space<vmem_shared>>
      %dma_start3A_118 = arith.constant 0 : i32
      %dma_start3A_119 = arith.constant 0 : i32
      %dma_start3A_120 = tpu.memref_slice %arg8[%run_scoped3A_69, %dma_start3A_118, %dma_start3A_119] : memref<2x128x128xf32, #tpu.memory_space<vmem>> -> memref<1x128x128xf32, #tpu.memory_space<vmem>>
      %dma_start3A_121 = tpu.memref_squeeze %dma_start3A_120 : memref<1x128x128xf32, #tpu.memory_space<vmem>> -> memref<128x128xf32, #tpu.memory_space<vmem>>
      tpu.enqueue_dma source(%dma_start3A_121 : memref<128x128xf32, #tpu.memory_space<vmem>>) target(%dma_start3A_117 : memref<128x128xf32, #tpu.memory_space<vmem_shared>>) target_semaphore(%run_scoped3A_110 : memref<!tpu.dma_semaphore, #tpu.memory_space<semaphore_mem>>)
      %dma_wait3A = arith.constant 0 : i32
      %dma_wait3A_122 = arith.constant 0 : i32
      %dma_wait3A_123 = tpu.memref_slice %arg8[%run_scoped3A_69, %dma_wait3A, %dma_wait3A_122] : memref<2x128x128xf32, #tpu.memory_space<vmem>> -> memref<1x128x128xf32, #tpu.memory_space<vmem>>
      %dma_wait3A_124 = tpu.memref_squeeze %dma_wait3A_123 : memref<1x128x128xf32, #tpu.memory_space<vmem>> -> memref<128x128xf32, #tpu.memory_space<vmem>>
      %dma_wait3A_125 = arith.constant 0 : i32
      %dma_wait3A_126 = tpu.memref_slice %arg9[%mul3A_68, %dma_wait3A_125] : memref<10240x128xf32, #tpu.memory_space<vmem_shared>> -> memref<128x128xf32, #tpu.memory_space<vmem_shared>>
      %dma_wait3A_127 = arith.constant 0 : i32
      %dma_wait3A_128 = tpu.memref_slice %arg9[%mul3A_68, %dma_wait3A_127] : memref<10240x128xf32, #tpu.memory_space<vmem_shared>> -> memref<128x128xf32, #tpu.memory_space<vmem_shared>>
      %dma_wait3A_129 = arith.constant 0 : i32
      %dma_wait3A_130 = arith.constant 0 : i32
      %dma_wait3A_131 = tpu.memref_slice %arg8[%run_scoped3A_69, %dma_wait3A_129, %dma_wait3A_130] : memref<2x128x128xf32, #tpu.memory_space<vmem>> -> memref<1x128x128xf32, #tpu.memory_space<vmem>>
      %dma_wait3A_132 = tpu.memref_squeeze %dma_wait3A_131 : memref<1x128x128xf32, #tpu.memory_space<vmem>> -> memref<128x128xf32, #tpu.memory_space<vmem>>
      tpu.wait_dma2 semaphore(%run_scoped3A_110 : memref<!tpu.dma_semaphore, #tpu.memory_space<semaphore_mem>>) src(%dma_wait3A_132 : memref<128x128xf32, #tpu.memory_space<vmem>>) dst(%dma_wait3A_128 : memref<128x128xf32, #tpu.memory_space<vmem_shared>>)
      tpu.yield
    }) : () -> ()
    %mul3A_70 = arith.constant 5 : i32
    %mul3A_71 = arith.muli %arg1, %mul3A_70 : i32
    %add3A_72 = arith.constant 1 : i32
    %add3A_73 = arith.addi %mul3A_71, %add3A_72 : i32
    %mul3A_74 = arith.constant 128 : i32
    %mul3A_75 = arith.muli %add3A_73, %mul3A_74 : i32
    %run_scoped3A_76 = arith.constant 0 : i32
    "tpu.region"() ({
      %run_scoped3A_110 = tpu.sem_alloc : memref<!tpu.dma_semaphore, #tpu.memory_space<semaphore_mem>>
      %dma_start3A = arith.constant 0 : i32
      %dma_start3A_111 = arith.constant 0 : i32
      %dma_start3A_112 = tpu.memref_slice %arg8[%run_scoped3A_76, %dma_start3A, %dma_start3A_111] : memref<2x128x128xf32, #tpu.memory_space<vmem>> -> memref<1x128x128xf32, #tpu.memory_space<vmem>>
      %dma_start3A_113 = tpu.memref_squeeze %dma_start3A_112 : memref<1x128x128xf32, #tpu.memory_space<vmem>> -> memref<128x128xf32, #tpu.memory_space<vmem>>
      %dma_start3A_114 = arith.constant 0 : i32
      %dma_start3A_115 = tpu.memref_slice %arg9[%mul3A_75, %dma_start3A_114] : memref<10240x128xf32, #tpu.memory_space<vmem_shared>> -> memref<128x128xf32, #tpu.memory_space<vmem_shared>>
      %dma_start3A_116 = arith.constant 0 : i32
      %dma_start3A_117 = tpu.memref_slice %arg9[%mul3A_75, %dma_start3A_116] : memref<10240x128xf32, #tpu.memory_space<vmem_shared>> -> memref<128x128xf32, #tpu.memory_space<vmem_shared>>
      %dma_start3A_118 = arith.constant 0 : i32
      %dma_start3A_119 = arith.constant 0 : i32
      %dma_start3A_120 = tpu.memref_slice %arg8[%run_scoped3A_76, %dma_start3A_118, %dma_start3A_119] : memref<2x128x128xf32, #tpu.memory_space<vmem>> -> memref<1x128x128xf32, #tpu.memory_space<vmem>>
      %dma_start3A_121 = tpu.memref_squeeze %dma_start3A_120 : memref<1x128x128xf32, #tpu.memory_space<vmem>> -> memref<128x128xf32, #tpu.memory_space<vmem>>
      tpu.enqueue_dma source(%dma_start3A_121 : memref<128x128xf32, #tpu.memory_space<vmem>>) target(%dma_start3A_117 : memref<128x128xf32, #tpu.memory_space<vmem_shared>>) target_semaphore(%run_scoped3A_110 : memref<!tpu.dma_semaphore, #tpu.memory_space<semaphore_mem>>)
      %dma_wait3A = arith.constant 0 : i32
      %dma_wait3A_122 = arith.constant 0 : i32
      %dma_wait3A_123 = tpu.memref_slice %arg8[%run_scoped3A_76, %dma_wait3A, %dma_wait3A_122] : memref<2x128x128xf32, #tpu.memory_space<vmem>> -> memref<1x128x128xf32, #tpu.memory_space<vmem>>
      %dma_wait3A_124 = tpu.memref_squeeze %dma_wait3A_123 : memref<1x128x128xf32, #tpu.memory_space<vmem>> -> memref<128x128xf32, #tpu.memory_space<vmem>>
      %dma_wait3A_125 = arith.constant 0 : i32
      %dma_wait3A_126 = tpu.memref_slice %arg9[%mul3A_75, %dma_wait3A_125] : memref<10240x128xf32, #tpu.memory_space<vmem_shared>> -> memref<128x128xf32, #tpu.memory_space<vmem_shared>>
      %dma_wait3A_127 = arith.constant 0 : i32
      %dma_wait3A_128 = tpu.memref_slice %arg9[%mul3A_75, %dma_wait3A_127] : memref<10240x128xf32, #tpu.memory_space<vmem_shared>> -> memref<128x128xf32, #tpu.memory_space<vmem_shared>>
      %dma_wait3A_129 = arith.constant 0 : i32
      %dma_wait3A_130 = arith.constant 0 : i32
      %dma_wait3A_131 = tpu.memref_slice %arg8[%run_scoped3A_76, %dma_wait3A_129, %dma_wait3A_130] : memref<2x128x128xf32, #tpu.memory_space<vmem>> -> memref<1x128x128xf32, #tpu.memory_space<vmem>>
      %dma_wait3A_132 = tpu.memref_squeeze %dma_wait3A_131 : memref<1x128x128xf32, #tpu.memory_space<vmem>> -> memref<128x128xf32, #tpu.memory_space<vmem>>
      tpu.wait_dma2 semaphore(%run_scoped3A_110 : memref<!tpu.dma_semaphore, #tpu.memory_space<semaphore_mem>>) src(%dma_wait3A_132 : memref<128x128xf32, #tpu.memory_space<vmem>>) dst(%dma_wait3A_128 : memref<128x128xf32, #tpu.memory_space<vmem_shared>>)
      tpu.yield
    }) : () -> ()
    %mul3A_77 = arith.constant 5 : i32
    %mul3A_78 = arith.muli %arg1, %mul3A_77 : i32
    %add3A_79 = arith.constant 2 : i32
    %add3A_80 = arith.addi %mul3A_78, %add3A_79 : i32
    %mul3A_81 = arith.constant 128 : i32
    %mul3A_82 = arith.muli %add3A_80, %mul3A_81 : i32
    %run_scoped3A_83 = arith.constant 0 : i32
    "tpu.region"() ({
      %run_scoped3A_110 = tpu.sem_alloc : memref<!tpu.dma_semaphore, #tpu.memory_space<semaphore_mem>>
      %dma_start3A = arith.constant 0 : i32
      %dma_start3A_111 = arith.constant 0 : i32
      %dma_start3A_112 = tpu.memref_slice %arg8[%run_scoped3A_83, %dma_start3A, %dma_start3A_111] : memref<2x128x128xf32, #tpu.memory_space<vmem>> -> memref<1x128x128xf32, #tpu.memory_space<vmem>>
      %dma_start3A_113 = tpu.memref_squeeze %dma_start3A_112 : memref<1x128x128xf32, #tpu.memory_space<vmem>> -> memref<128x128xf32, #tpu.memory_space<vmem>>
      %dma_start3A_114 = arith.constant 0 : i32
      %dma_start3A_115 = tpu.memref_slice %arg9[%mul3A_82, %dma_start3A_114] : memref<10240x128xf32, #tpu.memory_space<vmem_shared>> -> memref<128x128xf32, #tpu.memory_space<vmem_shared>>
      %dma_start3A_116 = arith.constant 0 : i32
      %dma_start3A_117 = tpu.memref_slice %arg9[%mul3A_82, %dma_start3A_116] : memref<10240x128xf32, #tpu.memory_space<vmem_shared>> -> memref<128x128xf32, #tpu.memory_space<vmem_shared>>
      %dma_start3A_118 = arith.constant 0 : i32
      %dma_start3A_119 = arith.constant 0 : i32
      %dma_start3A_120 = tpu.memref_slice %arg8[%run_scoped3A_83, %dma_start3A_118, %dma_start3A_119] : memref<2x128x128xf32, #tpu.memory_space<vmem>> -> memref<1x128x128xf32, #tpu.memory_space<vmem>>
      %dma_start3A_121 = tpu.memref_squeeze %dma_start3A_120 : memref<1x128x128xf32, #tpu.memory_space<vmem>> -> memref<128x128xf32, #tpu.memory_space<vmem>>
      tpu.enqueue_dma source(%dma_start3A_121 : memref<128x128xf32, #tpu.memory_space<vmem>>) target(%dma_start3A_117 : memref<128x128xf32, #tpu.memory_space<vmem_shared>>) target_semaphore(%run_scoped3A_110 : memref<!tpu.dma_semaphore, #tpu.memory_space<semaphore_mem>>)
      %dma_wait3A = arith.constant 0 : i32
      %dma_wait3A_122 = arith.constant 0 : i32
      %dma_wait3A_123 = tpu.memref_slice %arg8[%run_scoped3A_83, %dma_wait3A, %dma_wait3A_122] : memref<2x128x128xf32, #tpu.memory_space<vmem>> -> memref<1x128x128xf32, #tpu.memory_space<vmem>>
      %dma_wait3A_124 = tpu.memref_squeeze %dma_wait3A_123 : memref<1x128x128xf32, #tpu.memory_space<vmem>> -> memref<128x128xf32, #tpu.memory_space<vmem>>
      %dma_wait3A_125 = arith.constant 0 : i32
      %dma_wait3A_126 = tpu.memref_slice %arg9[%mul3A_82, %dma_wait3A_125] : memref<10240x128xf32, #tpu.memory_space<vmem_shared>> -> memref<128x128xf32, #tpu.memory_space<vmem_shared>>
      %dma_wait3A_127 = arith.constant 0 : i32
      %dma_wait3A_128 = tpu.memref_slice %arg9[%mul3A_82, %dma_wait3A_127] : memref<10240x128xf32, #tpu.memory_space<vmem_shared>> -> memref<128x128xf32, #tpu.memory_space<vmem_shared>>
      %dma_wait3A_129 = arith.constant 0 : i32
      %dma_wait3A_130 = arith.constant 0 : i32
      %dma_wait3A_131 = tpu.memref_slice %arg8[%run_scoped3A_83, %dma_wait3A_129, %dma_wait3A_130] : memref<2x128x128xf32, #tpu.memory_space<vmem>> -> memref<1x128x128xf32, #tpu.memory_space<vmem>>
      %dma_wait3A_132 = tpu.memref_squeeze %dma_wait3A_131 : memref<1x128x128xf32, #tpu.memory_space<vmem>> -> memref<128x128xf32, #tpu.memory_space<vmem>>
      tpu.wait_dma2 semaphore(%run_scoped3A_110 : memref<!tpu.dma_semaphore, #tpu.memory_space<semaphore_mem>>) src(%dma_wait3A_132 : memref<128x128xf32, #tpu.memory_space<vmem>>) dst(%dma_wait3A_128 : memref<128x128xf32, #tpu.memory_space<vmem_shared>>)
      tpu.yield
    }) : () -> ()
    %mul3A_84 = arith.constant 5 : i32
    %mul3A_85 = arith.muli %arg1, %mul3A_84 : i32
    %add3A_86 = arith.constant 3 : i32
    %add3A_87 = arith.addi %mul3A_85, %add3A_86 : i32
    %mul3A_88 = arith.constant 128 : i32
    %mul3A_89 = arith.muli %add3A_87, %mul3A_88 : i32
    %run_scoped3A_90 = arith.constant 0 : i32
    "tpu.region"() ({
      %run_scoped3A_110 = tpu.sem_alloc : memref<!tpu.dma_semaphore, #tpu.memory_space<semaphore_mem>>
      %dma_start3A = arith.constant 0 : i32
      %dma_start3A_111 = arith.constant 0 : i32
      %dma_start3A_112 = tpu.memref_slice %arg8[%run_scoped3A_90, %dma_start3A, %dma_start3A_111] : memref<2x128x128xf32, #tpu.memory_space<vmem>> -> memref<1x128x128xf32, #tpu.memory_space<vmem>>
      %dma_start3A_113 = tpu.memref_squeeze %dma_start3A_112 : memref<1x128x128xf32, #tpu.memory_space<vmem>> -> memref<128x128xf32, #tpu.memory_space<vmem>>
      %dma_start3A_114 = arith.constant 0 : i32
      %dma_start3A_115 = tpu.memref_slice %arg9[%mul3A_89, %dma_start3A_114] : memref<10240x128xf32, #tpu.memory_space<vmem_shared>> -> memref<128x128xf32, #tpu.memory_space<vmem_shared>>
      %dma_start3A_116 = arith.constant 0 : i32
      %dma_start3A_117 = tpu.memref_slice %arg9[%mul3A_89, %dma_start3A_116] : memref<10240x128xf32, #tpu.memory_space<vmem_shared>> -> memref<128x128xf32, #tpu.memory_space<vmem_shared>>
      %dma_start3A_118 = arith.constant 0 : i32
      %dma_start3A_119 = arith.constant 0 : i32
      %dma_start3A_120 = tpu.memref_slice %arg8[%run_scoped3A_90, %dma_start3A_118, %dma_start3A_119] : memref<2x128x128xf32, #tpu.memory_space<vmem>> -> memref<1x128x128xf32, #tpu.memory_space<vmem>>
      %dma_start3A_121 = tpu.memref_squeeze %dma_start3A_120 : memref<1x128x128xf32, #tpu.memory_space<vmem>> -> memref<128x128xf32, #tpu.memory_space<vmem>>
      tpu.enqueue_dma source(%dma_start3A_121 : memref<128x128xf32, #tpu.memory_space<vmem>>) target(%dma_start3A_117 : memref<128x128xf32, #tpu.memory_space<vmem_shared>>) target_semaphore(%run_scoped3A_110 : memref<!tpu.dma_semaphore, #tpu.memory_space<semaphore_mem>>)
      %dma_wait3A = arith.constant 0 : i32
      %dma_wait3A_122 = arith.constant 0 : i32
      %dma_wait3A_123 = tpu.memref_slice %arg8[%run_scoped3A_90, %dma_wait3A, %dma_wait3A_122] : memref<2x128x128xf32, #tpu.memory_space<vmem>> -> memref<1x128x128xf32, #tpu.memory_space<vmem>>
      %dma_wait3A_124 = tpu.memref_squeeze %dma_wait3A_123 : memref<1x128x128xf32, #tpu.memory_space<vmem>> -> memref<128x128xf32, #tpu.memory_space<vmem>>
      %dma_wait3A_125 = arith.constant 0 : i32
      %dma_wait3A_126 = tpu.memref_slice %arg9[%mul3A_89, %dma_wait3A_125] : memref<10240x128xf32, #tpu.memory_space<vmem_shared>> -> memref<128x128xf32, #tpu.memory_space<vmem_shared>>
      %dma_wait3A_127 = arith.constant 0 : i32
      %dma_wait3A_128 = tpu.memref_slice %arg9[%mul3A_89, %dma_wait3A_127] : memref<10240x128xf32, #tpu.memory_space<vmem_shared>> -> memref<128x128xf32, #tpu.memory_space<vmem_shared>>
      %dma_wait3A_129 = arith.constant 0 : i32
      %dma_wait3A_130 = arith.constant 0 : i32
      %dma_wait3A_131 = tpu.memref_slice %arg8[%run_scoped3A_90, %dma_wait3A_129, %dma_wait3A_130] : memref<2x128x128xf32, #tpu.memory_space<vmem>> -> memref<1x128x128xf32, #tpu.memory_space<vmem>>
      %dma_wait3A_132 = tpu.memref_squeeze %dma_wait3A_131 : memref<1x128x128xf32, #tpu.memory_space<vmem>> -> memref<128x128xf32, #tpu.memory_space<vmem>>
      tpu.wait_dma2 semaphore(%run_scoped3A_110 : memref<!tpu.dma_semaphore, #tpu.memory_space<semaphore_mem>>) src(%dma_wait3A_132 : memref<128x128xf32, #tpu.memory_space<vmem>>) dst(%dma_wait3A_128 : memref<128x128xf32, #tpu.memory_space<vmem_shared>>)
      tpu.yield
    }) : () -> ()
    %mul3A_91 = arith.constant 5 : i32
    %mul3A_92 = arith.muli %arg1, %mul3A_91 : i32
    %add3A_93 = arith.constant 4 : i32
    %add3A_94 = arith.addi %mul3A_92, %add3A_93 : i32
    %mul3A_95 = arith.constant 128 : i32
    %mul3A_96 = arith.muli %add3A_94, %mul3A_95 : i32
    %run_scoped3A_97 = arith.constant 0 : i32
    "tpu.region"() ({
      %run_scoped3A_110 = tpu.sem_alloc : memref<!tpu.dma_semaphore, #tpu.memory_space<semaphore_mem>>
      %dma_start3A = arith.constant 0 : i32
      %dma_start3A_111 = arith.constant 0 : i32
      %dma_start3A_112 = tpu.memref_slice %arg8[%run_scoped3A_97, %dma_start3A, %dma_start3A_111] : memref<2x128x128xf32, #tpu.memory_space<vmem>> -> memref<1x128x128xf32, #tpu.memory_space<vmem>>
      %dma_start3A_113 = tpu.memref_squeeze %dma_start3A_112 : memref<1x128x128xf32, #tpu.memory_space<vmem>> -> memref<128x128xf32, #tpu.memory_space<vmem>>
      %dma_start3A_114 = arith.constant 0 : i32
      %dma_start3A_115 = tpu.memref_slice %arg9[%mul3A_96, %dma_start3A_114] : memref<10240x128xf32, #tpu.memory_space<vmem_shared>> -> memref<128x128xf32, #tpu.memory_space<vmem_shared>>
      %dma_start3A_116 = arith.constant 0 : i32
      %dma_start3A_117 = tpu.memref_slice %arg9[%mul3A_96, %dma_start3A_116] : memref<10240x128xf32, #tpu.memory_space<vmem_shared>> -> memref<128x128xf32, #tpu.memory_space<vmem_shared>>
      %dma_start3A_118 = arith.constant 0 : i32
      %dma_start3A_119 = arith.constant 0 : i32
      %dma_start3A_120 = tpu.memref_slice %arg8[%run_scoped3A_97, %dma_start3A_118, %dma_start3A_119] : memref<2x128x128xf32, #tpu.memory_space<vmem>> -> memref<1x128x128xf32, #tpu.memory_space<vmem>>
      %dma_start3A_121 = tpu.memref_squeeze %dma_start3A_120 : memref<1x128x128xf32, #tpu.memory_space<vmem>> -> memref<128x128xf32, #tpu.memory_space<vmem>>
      tpu.enqueue_dma source(%dma_start3A_121 : memref<128x128xf32, #tpu.memory_space<vmem>>) target(%dma_start3A_117 : memref<128x128xf32, #tpu.memory_space<vmem_shared>>) target_semaphore(%run_scoped3A_110 : memref<!tpu.dma_semaphore, #tpu.memory_space<semaphore_mem>>)
      %dma_wait3A = arith.constant 0 : i32
      %dma_wait3A_122 = arith.constant 0 : i32
      %dma_wait3A_123 = tpu.memref_slice %arg8[%run_scoped3A_97, %dma_wait3A, %dma_wait3A_122] : memref<2x128x128xf32, #tpu.memory_space<vmem>> -> memref<1x128x128xf32, #tpu.memory_space<vmem>>
      %dma_wait3A_124 = tpu.memref_squeeze %dma_wait3A_123 : memref<1x128x128xf32, #tpu.memory_space<vmem>> -> memref<128x128xf32, #tpu.memory_space<vmem>>
      %dma_wait3A_125 = arith.constant 0 : i32
      %dma_wait3A_126 = tpu.memref_slice %arg9[%mul3A_96, %dma_wait3A_125] : memref<10240x128xf32, #tpu.memory_space<vmem_shared>> -> memref<128x128xf32, #tpu.memory_space<vmem_shared>>
      %dma_wait3A_127 = arith.constant 0 : i32
      %dma_wait3A_128 = tpu.memref_slice %arg9[%mul3A_96, %dma_wait3A_127] : memref<10240x128xf32, #tpu.memory_space<vmem_shared>> -> memref<128x128xf32, #tpu.memory_space<vmem_shared>>
      %dma_wait3A_129 = arith.constant 0 : i32
      %dma_wait3A_130 = arith.constant 0 : i32
      %dma_wait3A_131 = tpu.memref_slice %arg8[%run_scoped3A_97, %dma_wait3A_129, %dma_wait3A_130] : memref<2x128x128xf32, #tpu.memory_space<vmem>> -> memref<1x128x128xf32, #tpu.memory_space<vmem>>
      %dma_wait3A_132 = tpu.memref_squeeze %dma_wait3A_131 : memref<1x128x128xf32, #tpu.memory_space<vmem>> -> memref<128x128xf32, #tpu.memory_space<vmem>>
      tpu.wait_dma2 semaphore(%run_scoped3A_110 : memref<!tpu.dma_semaphore, #tpu.memory_space<semaphore_mem>>) src(%dma_wait3A_132 : memref<128x128xf32, #tpu.memory_space<vmem>>) dst(%dma_wait3A_128 : memref<128x128xf32, #tpu.memory_space<vmem_shared>>)
      tpu.yield
    }) : () -> ()
    %barrier3A_98 = arith.constant 0 : index
    tpu.barrier barrier_id(%barrier3A_98)
    %scan3A_99 = arith.constant 0 : i32
    %scan3A_100 = arith.constant 0 : i32
    %scan3A_101 = arith.constant 10 : i32
    %scan3A_102 = arith.addi %scan3A_100, %scan3A_101 : i32
    %scan3A_103 = arith.constant 1 : i32
    scf.for %scan3A_110 = %scan3A_100 to %scan3A_102 step %scan3A_103  : i32 {
      %mul3A_111 = arith.constant 8 : i32
      %mul3A_112 = arith.muli %scan3A_110, %mul3A_111 : i32
      "tpu.region"() ({
        %run_scoped3A_139 = tpu.sem_alloc : memref<!tpu.dma_semaphore, #tpu.memory_space<semaphore_mem>>
        %dma_start3A_140 = arith.constant 0 : i32
        %dma_start3A_141 = arith.constant 0 : i32
        %dma_start3A_142 = tpu.memref_slice %arg3[%arg1, %dma_start3A_140, %dma_start3A_141] : memref<16x80x128xi32, #tpu.memory_space<hbm>> -> memref<1x80x128xi32, #tpu.memory_space<hbm>>
        %dma_start3A_143 = tpu.memref_squeeze %dma_start3A_142 : memref<1x80x128xi32, #tpu.memory_space<hbm>> -> memref<80x128xi32, #tpu.memory_space<hbm>>
        %dma_start3A_144 = arith.constant 0 : i32
        %dma_start3A_145 = tpu.memref_slice %dma_start3A_143[%mul3A_112, %dma_start3A_144] : memref<80x128xi32, #tpu.memory_space<hbm>> -> memref<8x128xi32, #tpu.memory_space<hbm>>
        %dma_start3A_146 = arith.constant 0 : i32
        %dma_start3A_147 = arith.constant 0 : i32
        %dma_start3A_148 = tpu.memref_slice %arg3[%arg1, %dma_start3A_146, %dma_start3A_147] : memref<16x80x128xi32, #tpu.memory_space<hbm>> -> memref<1x80x128xi32, #tpu.memory_space<hbm>>
        %dma_start3A_149 = tpu.memref_squeeze %dma_start3A_148 : memref<1x80x128xi32, #tpu.memory_space<hbm>> -> memref<80x128xi32, #tpu.memory_space<hbm>>
        %dma_start3A_150 = arith.constant 0 : i32
        %dma_start3A_151 = tpu.memref_slice %dma_start3A_149[%mul3A_112, %dma_start3A_150] : memref<80x128xi32, #tpu.memory_space<hbm>> -> memref<8x128xi32, #tpu.memory_space<hbm>>
        tpu.enqueue_dma source(%dma_start3A_151 : memref<8x128xi32, #tpu.memory_space<hbm>>) target(%arg6 : memref<8x128xi32, #tpu.memory_space<vmem>>) target_semaphore(%run_scoped3A_139 : memref<!tpu.dma_semaphore, #tpu.memory_space<semaphore_mem>>)
        %dma_wait3A = arith.constant 0 : i32
        %dma_wait3A_152 = arith.constant 0 : i32
        %dma_wait3A_153 = tpu.memref_slice %arg3[%arg1, %dma_wait3A, %dma_wait3A_152] : memref<16x80x128xi32, #tpu.memory_space<hbm>> -> memref<1x80x128xi32, #tpu.memory_space<hbm>>
        %dma_wait3A_154 = tpu.memref_squeeze %dma_wait3A_153 : memref<1x80x128xi32, #tpu.memory_space<hbm>> -> memref<80x128xi32, #tpu.memory_space<hbm>>
        %dma_wait3A_155 = arith.constant 0 : i32
        %dma_wait3A_156 = tpu.memref_slice %dma_wait3A_154[%mul3A_112, %dma_wait3A_155] : memref<80x128xi32, #tpu.memory_space<hbm>> -> memref<8x128xi32, #tpu.memory_space<hbm>>
        %dma_wait3A_157 = arith.constant 0 : i32
        %dma_wait3A_158 = arith.constant 0 : i32
        %dma_wait3A_159 = tpu.memref_slice %arg3[%arg1, %dma_wait3A_157, %dma_wait3A_158] : memref<16x80x128xi32, #tpu.memory_space<hbm>> -> memref<1x80x128xi32, #tpu.memory_space<hbm>>
        %dma_wait3A_160 = tpu.memref_squeeze %dma_wait3A_159 : memref<1x80x128xi32, #tpu.memory_space<hbm>> -> memref<80x128xi32, #tpu.memory_space<hbm>>
        %dma_wait3A_161 = arith.constant 0 : i32
        %dma_wait3A_162 = tpu.memref_slice %dma_wait3A_160[%mul3A_112, %dma_wait3A_161] : memref<80x128xi32, #tpu.memory_space<hbm>> -> memref<8x128xi32, #tpu.memory_space<hbm>>
        tpu.wait_dma2 semaphore(%run_scoped3A_139 : memref<!tpu.dma_semaphore, #tpu.memory_space<semaphore_mem>>) src(%dma_wait3A_162 : memref<8x128xi32, #tpu.memory_space<hbm>>) dst(%arg6 : memref<8x128xi32, #tpu.memory_space<vmem>>)
        tpu.yield
      }) : () -> ()
      %mul3A_113 = arith.constant 8 : i32
      %mul3A_114 = arith.muli %scan3A_110, %mul3A_113 : i32
      "tpu.region"() ({
        %run_scoped3A_139 = tpu.sem_alloc : memref<!tpu.dma_semaphore, #tpu.memory_space<semaphore_mem>>
        %dma_start3A_140 = arith.constant 0 : i32
        %dma_start3A_141 = arith.constant 0 : i32
        %dma_start3A_142 = tpu.memref_slice %arg4[%arg1, %dma_start3A_140, %dma_start3A_141] : memref<16x80x128xi32, #tpu.memory_space<hbm>> -> memref<1x80x128xi32, #tpu.memory_space<hbm>>
        %dma_start3A_143 = tpu.memref_squeeze %dma_start3A_142 : memref<1x80x128xi32, #tpu.memory_space<hbm>> -> memref<80x128xi32, #tpu.memory_space<hbm>>
        %dma_start3A_144 = arith.constant 0 : i32
        %dma_start3A_145 = tpu.memref_slice %dma_start3A_143[%mul3A_114, %dma_start3A_144] : memref<80x128xi32, #tpu.memory_space<hbm>> -> memref<8x128xi32, #tpu.memory_space<hbm>>
        %dma_start3A_146 = arith.constant 0 : i32
        %dma_start3A_147 = arith.constant 0 : i32
        %dma_start3A_148 = tpu.memref_slice %arg4[%arg1, %dma_start3A_146, %dma_start3A_147] : memref<16x80x128xi32, #tpu.memory_space<hbm>> -> memref<1x80x128xi32, #tpu.memory_space<hbm>>
        %dma_start3A_149 = tpu.memref_squeeze %dma_start3A_148 : memref<1x80x128xi32, #tpu.memory_space<hbm>> -> memref<80x128xi32, #tpu.memory_space<hbm>>
        %dma_start3A_150 = arith.constant 0 : i32
        %dma_start3A_151 = tpu.memref_slice %dma_start3A_149[%mul3A_114, %dma_start3A_150] : memref<80x128xi32, #tpu.memory_space<hbm>> -> memref<8x128xi32, #tpu.memory_space<hbm>>
        tpu.enqueue_dma source(%dma_start3A_151 : memref<8x128xi32, #tpu.memory_space<hbm>>) target(%arg7 : memref<8x128xi32, #tpu.memory_space<vmem>>) target_semaphore(%run_scoped3A_139 : memref<!tpu.dma_semaphore, #tpu.memory_space<semaphore_mem>>)
        %dma_wait3A = arith.constant 0 : i32
        %dma_wait3A_152 = arith.constant 0 : i32
        %dma_wait3A_153 = tpu.memref_slice %arg4[%arg1, %dma_wait3A, %dma_wait3A_152] : memref<16x80x128xi32, #tpu.memory_space<hbm>> -> memref<1x80x128xi32, #tpu.memory_space<hbm>>
        %dma_wait3A_154 = tpu.memref_squeeze %dma_wait3A_153 : memref<1x80x128xi32, #tpu.memory_space<hbm>> -> memref<80x128xi32, #tpu.memory_space<hbm>>
        %dma_wait3A_155 = arith.constant 0 : i32
        %dma_wait3A_156 = tpu.memref_slice %dma_wait3A_154[%mul3A_114, %dma_wait3A_155] : memref<80x128xi32, #tpu.memory_space<hbm>> -> memref<8x128xi32, #tpu.memory_space<hbm>>
        %dma_wait3A_157 = arith.constant 0 : i32
        %dma_wait3A_158 = arith.constant 0 : i32
        %dma_wait3A_159 = tpu.memref_slice %arg4[%arg1, %dma_wait3A_157, %dma_wait3A_158] : memref<16x80x128xi32, #tpu.memory_space<hbm>> -> memref<1x80x128xi32, #tpu.memory_space<hbm>>
        %dma_wait3A_160 = tpu.memref_squeeze %dma_wait3A_159 : memref<1x80x128xi32, #tpu.memory_space<hbm>> -> memref<80x128xi32, #tpu.memory_space<hbm>>
        %dma_wait3A_161 = arith.constant 0 : i32
        %dma_wait3A_162 = tpu.memref_slice %dma_wait3A_160[%mul3A_114, %dma_wait3A_161] : memref<80x128xi32, #tpu.memory_space<hbm>> -> memref<8x128xi32, #tpu.memory_space<hbm>>
        tpu.wait_dma2 semaphore(%run_scoped3A_139 : memref<!tpu.dma_semaphore, #tpu.memory_space<semaphore_mem>>) src(%dma_wait3A_162 : memref<8x128xi32, #tpu.memory_space<hbm>>) dst(%arg7 : memref<8x128xi32, #tpu.memory_space<vmem>>)
        tpu.yield
      }) : () -> ()
      %dma_start3A = arith.constant 0 : i32
      %dma_start3A_115 = arith.constant 0 : i32
      %dma_start3A_116 = arith.constant 0 : i32
      %dma_start3A_117 = arith.constant 0 : i32
      %dma_start3A_118 = arith.constant 0 : i32
      %dma_start3A_119 = tpu.memref_slice %arg8[%dma_start3A_115, %dma_start3A_117, %dma_start3A_118] : memref<2x128x128xf32, #tpu.memory_space<vmem>> -> memref<1x128x128xf32, #tpu.memory_space<vmem>>
      %dma_start3A_120 = tpu.memref_squeeze %dma_start3A_119 : memref<1x128x128xf32, #tpu.memory_space<vmem>> -> memref<128x128xf32, #tpu.memory_space<vmem>>
      %dma_start3A_121 = arith.constant 0 : i32
      %dma_start3A_122 = tpu.memref_slice %arg6[%dma_start3A, %dma_start3A_121] : memref<8x128xi32, #tpu.memory_space<vmem>> -> memref<1x128xi32, #tpu.memory_space<vmem>>
      %dma_start3A_123 = tpu.memref_squeeze %dma_start3A_122 : memref<1x128xi32, #tpu.memory_space<vmem>> -> memref<128xi32, #tpu.memory_space<vmem>>
      %dma_start3A_124 = arith.constant 0 : i32
      %dma_start3A_125 = arith.constant 0 : i32
      %dma_start3A_126 = tpu.memref_slice %arg2[%add3A_56, %dma_start3A_124, %dma_start3A_125] : memref<4x10240x128xf32, #tpu.memory_space<hbm>> -> memref<1x10240x128xf32, #tpu.memory_space<hbm>>
      %dma_start3A_127 = tpu.memref_squeeze %dma_start3A_126 : memref<1x10240x128xf32, #tpu.memory_space<hbm>> -> memref<10240x128xf32, #tpu.memory_space<hbm>>
      %dma_start3A_128 = arith.constant 0 : i32
      %dma_start3A_129 = arith.constant 0 : i32
      %dma_start3A_130 = tpu.memref_slice %dma_start3A_127[%dma_start3A_128, %dma_start3A_129] : memref<10240x128xf32, #tpu.memory_space<hbm>> -> memref<10240x128xf32, #tpu.memory_space<hbm>>
      %dma_start3A_131 = tpu.memref_slice %arg10[%dma_start3A_116] : memref<2x!tpu.dma_semaphore, #tpu.memory_space<semaphore_mem>> -> memref<1x!tpu.dma_semaphore, #tpu.memory_space<semaphore_mem>>
      %dma_start3A_132 = tpu.memref_squeeze %dma_start3A_131 : memref<1x!tpu.dma_semaphore, #tpu.memory_space<semaphore_mem>> -> memref<!tpu.dma_semaphore, #tpu.memory_space<semaphore_mem>>
      tpu.enqueue_indirect_dma source(%dma_start3A_130 : memref<10240x128xf32, #tpu.memory_space<hbm>>) target(%dma_start3A_120 : memref<128x128xf32, #tpu.memory_space<vmem>>) offsets(%dma_start3A_123 : memref<128xi32, #tpu.memory_space<vmem>>) semaphore(%dma_start3A_132 : memref<!tpu.dma_semaphore, #tpu.memory_space<semaphore_mem>>)
      %scan3A_133 = arith.constant 0 : i32
      %scan3A_134 = arith.constant 0 : i32
      %scan3A_135 = arith.constant 8 : i32
      %scan3A_136 = arith.addi %scan3A_134, %scan3A_135 : i32
      %scan3A_137 = arith.constant 1 : i32
      scf.for %scan3A_139 = %scan3A_134 to %scan3A_136 step %scan3A_137  : i32 {
        %jit3A = arith.constant 2 : i32
        %eq3A = arith.constant 0 : i32
        %eq3A_140 = arith.cmpi eq, %jit3A, %eq3A : i32
        %jit3A_141 = arith.constant 1 : i32
        %select_n3A = arith.select %eq3A_140, %jit3A_141, %jit3A : i32
        %rem3A = arith.remsi %scan3A_139, %select_n3A : i32
        %ne3A = arith.constant 0 : i32
        %ne3A_142 = arith.cmpi ne, %rem3A, %ne3A : i32
        %lt3A = arith.constant 0 : i32
        %lt3A_143 = arith.cmpi slt, %rem3A, %lt3A : i32
        %lt3A_144 = arith.constant 0 : i32
        %lt3A_145 = arith.cmpi slt, %select_n3A, %lt3A_144 : i32
        %ne3A_146 = arith.xori %lt3A_143, %lt3A_145 : i1
        %and3A = arith.andi %ne3A_146, %ne3A_142 : i1
        %add3A_147 = arith.addi %rem3A, %select_n3A : i32
        %select_n3A_148 = arith.select %and3A, %add3A_147, %rem3A : i32
        %eq3A_149 = arith.constant 0 : i32
        %eq3A_150 = arith.cmpi eq, %select_n3A_148, %eq3A_149 : i32
        %convert_element_type3A = arith.extui %eq3A_150 : i1 to i32
        %cond3A = arith.constant 0 : i32
        %cond3A_151 = arith.cmpi ne, %convert_element_type3A, %cond3A : i32
        scf.if %cond3A_151 {
          %dma_wait3A = arith.constant 0 : i32
          %dma_wait3A_173 = arith.constant 0 : i32
          %dma_wait3A_174 = arith.constant 0 : i32
          %dma_wait3A_175 = arith.constant 0 : i32
          %dma_wait3A_176 = tpu.memref_slice %arg8[%dma_wait3A, %dma_wait3A_174, %dma_wait3A_175] : memref<2x128x128xf32, #tpu.memory_space<vmem>> -> memref<1x128x128xf32, #tpu.memory_space<vmem>>
          %dma_wait3A_177 = tpu.memref_squeeze %dma_wait3A_176 : memref<1x128x128xf32, #tpu.memory_space<vmem>> -> memref<128x128xf32, #tpu.memory_space<vmem>>
          %dma_wait3A_178 = arith.constant 0 : i32
          %dma_wait3A_179 = tpu.memref_slice %arg6[%scan3A_139, %dma_wait3A_178] : memref<8x128xi32, #tpu.memory_space<vmem>> -> memref<1x128xi32, #tpu.memory_space<vmem>>
          %dma_wait3A_180 = tpu.memref_squeeze %dma_wait3A_179 : memref<1x128xi32, #tpu.memory_space<vmem>> -> memref<128xi32, #tpu.memory_space<vmem>>
          %dma_wait3A_181 = arith.constant 0 : i32
          %dma_wait3A_182 = arith.constant 0 : i32
          %dma_wait3A_183 = tpu.memref_slice %arg2[%add3A_56, %dma_wait3A_181, %dma_wait3A_182] : memref<4x10240x128xf32, #tpu.memory_space<hbm>> -> memref<1x10240x128xf32, #tpu.memory_space<hbm>>
          %dma_wait3A_184 = tpu.memref_squeeze %dma_wait3A_183 : memref<1x10240x128xf32, #tpu.memory_space<hbm>> -> memref<10240x128xf32, #tpu.memory_space<hbm>>
          %dma_wait3A_185 = arith.constant 0 : i32
          %dma_wait3A_186 = arith.constant 0 : i32
          %dma_wait3A_187 = tpu.memref_slice %dma_wait3A_184[%dma_wait3A_185, %dma_wait3A_186] : memref<10240x128xf32, #tpu.memory_space<hbm>> -> memref<10240x128xf32, #tpu.memory_space<hbm>>
          %dma_wait3A_188 = tpu.memref_slice %arg10[%dma_wait3A_173] : memref<2x!tpu.dma_semaphore, #tpu.memory_space<semaphore_mem>> -> memref<1x!tpu.dma_semaphore, #tpu.memory_space<semaphore_mem>>
          %dma_wait3A_189 = tpu.memref_squeeze %dma_wait3A_188 : memref<1x!tpu.dma_semaphore, #tpu.memory_space<semaphore_mem>> -> memref<!tpu.dma_semaphore, #tpu.memory_space<semaphore_mem>>
          tpu.wait_indirect_dma semaphore(%dma_wait3A_189 : memref<!tpu.dma_semaphore, #tpu.memory_space<semaphore_mem>>) src(%dma_wait3A_187 : memref<10240x128xf32, #tpu.memory_space<hbm>>) dst(%dma_wait3A_177 : memref<128x128xf32, #tpu.memory_space<vmem>>)
          %add3A_190 = arith.constant 1 : i32
          %add3A_191 = arith.addi %scan3A_139, %add3A_190 : i32
          %lt3A_192 = arith.constant 8 : i32
          %lt3A_193 = arith.cmpi slt, %add3A_191, %lt3A_192 : i32
          %convert_element_type3A_194 = arith.extui %lt3A_193 : i1 to i32
          %cond3A_195 = arith.constant 0 : i32
          %cond3A_196 = arith.cmpi ne, %convert_element_type3A_194, %cond3A_195 : i32
          scf.if %cond3A_196 {
            %add3A_198 = arith.constant 1 : i32
            %add3A_199 = arith.addi %scan3A_139, %add3A_198 : i32
            %dma_start3A_200 = arith.constant 1 : i32
            %dma_start3A_201 = arith.constant 1 : i32
            %dma_start3A_202 = arith.constant 0 : i32
            %dma_start3A_203 = arith.constant 0 : i32
            %dma_start3A_204 = tpu.memref_slice %arg8[%dma_start3A_200, %dma_start3A_202, %dma_start3A_203] : memref<2x128x128xf32, #tpu.memory_space<vmem>> -> memref<1x128x128xf32, #tpu.memory_space<vmem>>
            %dma_start3A_205 = tpu.memref_squeeze %dma_start3A_204 : memref<1x128x128xf32, #tpu.memory_space<vmem>> -> memref<128x128xf32, #tpu.memory_space<vmem>>
            %dma_start3A_206 = arith.constant 0 : i32
            %dma_start3A_207 = tpu.memref_slice %arg6[%add3A_199, %dma_start3A_206] : memref<8x128xi32, #tpu.memory_space<vmem>> -> memref<1x128xi32, #tpu.memory_space<vmem>>
            %dma_start3A_208 = tpu.memref_squeeze %dma_start3A_207 : memref<1x128xi32, #tpu.memory_space<vmem>> -> memref<128xi32, #tpu.memory_space<vmem>>
            %dma_start3A_209 = arith.constant 0 : i32
            %dma_start3A_210 = arith.constant 0 : i32
            %dma_start3A_211 = tpu.memref_slice %arg2[%add3A_56, %dma_start3A_209, %dma_start3A_210] : memref<4x10240x128xf32, #tpu.memory_space<hbm>> -> memref<1x10240x128xf32, #tpu.memory_space<hbm>>
            %dma_start3A_212 = tpu.memref_squeeze %dma_start3A_211 : memref<1x10240x128xf32, #tpu.memory_space<hbm>> -> memref<10240x128xf32, #tpu.memory_space<hbm>>
            %dma_start3A_213 = arith.constant 0 : i32
            %dma_start3A_214 = arith.constant 0 : i32
            %dma_start3A_215 = tpu.memref_slice %dma_start3A_212[%dma_start3A_213, %dma_start3A_214] : memref<10240x128xf32, #tpu.memory_space<hbm>> -> memref<10240x128xf32, #tpu.memory_space<hbm>>
            %dma_start3A_216 = tpu.memref_slice %arg10[%dma_start3A_201] : memref<2x!tpu.dma_semaphore, #tpu.memory_space<semaphore_mem>> -> memref<1x!tpu.dma_semaphore, #tpu.memory_space<semaphore_mem>>
            %dma_start3A_217 = tpu.memref_squeeze %dma_start3A_216 : memref<1x!tpu.dma_semaphore, #tpu.memory_space<semaphore_mem>> -> memref<!tpu.dma_semaphore, #tpu.memory_space<semaphore_mem>>
            tpu.enqueue_indirect_dma source(%dma_start3A_215 : memref<10240x128xf32, #tpu.memory_space<hbm>>) target(%dma_start3A_205 : memref<128x128xf32, #tpu.memory_space<vmem>>) offsets(%dma_start3A_208 : memref<128xi32, #tpu.memory_space<vmem>>) semaphore(%dma_start3A_217 : memref<!tpu.dma_semaphore, #tpu.memory_space<semaphore_mem>>)
          } else {
          }
          %run_scoped3A_197 = arith.constant 0 : i32
          "tpu.region"() ({
            %run_scoped3A_198 = tpu.sem_alloc : memref<!tpu.dma_semaphore, #tpu.memory_space<semaphore_mem>>
            %dma_start3A_199 = arith.constant 0 : i32
            %dma_start3A_200 = arith.constant 0 : i32
            %dma_start3A_201 = tpu.memref_slice %arg8[%run_scoped3A_197, %dma_start3A_199, %dma_start3A_200] : memref<2x128x128xf32, #tpu.memory_space<vmem>> -> memref<1x128x128xf32, #tpu.memory_space<vmem>>
            %dma_start3A_202 = tpu.memref_squeeze %dma_start3A_201 : memref<1x128x128xf32, #tpu.memory_space<vmem>> -> memref<128x128xf32, #tpu.memory_space<vmem>>
            %dma_start3A_203 = arith.constant 0 : i32
            %dma_start3A_204 = tpu.memref_slice %arg7[%scan3A_139, %dma_start3A_203] : memref<8x128xi32, #tpu.memory_space<vmem>> -> memref<1x128xi32, #tpu.memory_space<vmem>>
            %dma_start3A_205 = tpu.memref_squeeze %dma_start3A_204 : memref<1x128xi32, #tpu.memory_space<vmem>> -> memref<128xi32, #tpu.memory_space<vmem>>
            %dma_start3A_206 = arith.constant 0 : i32
            %dma_start3A_207 = arith.constant 0 : i32
            %dma_start3A_208 = tpu.memref_slice %arg9[%dma_start3A_206, %dma_start3A_207] : memref<10240x128xf32, #tpu.memory_space<vmem_shared>> -> memref<10240x128xf32, #tpu.memory_space<vmem_shared>>
            tpu.enqueue_indirect_dma source(%dma_start3A_202 : memref<128x128xf32, #tpu.memory_space<vmem>>) target(%dma_start3A_208 : memref<10240x128xf32, #tpu.memory_space<vmem_shared>>) offsets(%dma_start3A_205 : memref<128xi32, #tpu.memory_space<vmem>>) semaphore(%run_scoped3A_198 : memref<!tpu.dma_semaphore, #tpu.memory_space<semaphore_mem>>) {add = true}
            %dma_wait3A_209 = arith.constant 0 : i32
            %dma_wait3A_210 = arith.constant 0 : i32
            %dma_wait3A_211 = tpu.memref_slice %arg8[%run_scoped3A_197, %dma_wait3A_209, %dma_wait3A_210] : memref<2x128x128xf32, #tpu.memory_space<vmem>> -> memref<1x128x128xf32, #tpu.memory_space<vmem>>
            %dma_wait3A_212 = tpu.memref_squeeze %dma_wait3A_211 : memref<1x128x128xf32, #tpu.memory_space<vmem>> -> memref<128x128xf32, #tpu.memory_space<vmem>>
            %dma_wait3A_213 = arith.constant 0 : i32
            %dma_wait3A_214 = tpu.memref_slice %arg7[%scan3A_139, %dma_wait3A_213] : memref<8x128xi32, #tpu.memory_space<vmem>> -> memref<1x128xi32, #tpu.memory_space<vmem>>
            %dma_wait3A_215 = tpu.memref_squeeze %dma_wait3A_214 : memref<1x128xi32, #tpu.memory_space<vmem>> -> memref<128xi32, #tpu.memory_space<vmem>>
            %dma_wait3A_216 = arith.constant 0 : i32
            %dma_wait3A_217 = arith.constant 0 : i32
            %dma_wait3A_218 = tpu.memref_slice %arg9[%dma_wait3A_216, %dma_wait3A_217] : memref<10240x128xf32, #tpu.memory_space<vmem_shared>> -> memref<10240x128xf32, #tpu.memory_space<vmem_shared>>
            tpu.wait_indirect_dma semaphore(%run_scoped3A_198 : memref<!tpu.dma_semaphore, #tpu.memory_space<semaphore_mem>>) src(%dma_wait3A_212 : memref<128x128xf32, #tpu.memory_space<vmem>>) dst(%dma_wait3A_218 : memref<10240x128xf32, #tpu.memory_space<vmem_shared>>)
            tpu.yield
          }) : () -> ()
        } else {
        }
        %jit3A_152 = arith.constant 2 : i32
        %eq3A_153 = arith.constant 0 : i32
        %eq3A_154 = arith.cmpi eq, %jit3A_152, %eq3A_153 : i32
        %jit3A_155 = arith.constant 1 : i32
        %select_n3A_156 = arith.select %eq3A_154, %jit3A_155, %jit3A_152 : i32
        %rem3A_157 = arith.remsi %scan3A_139, %select_n3A_156 : i32
        %ne3A_158 = arith.constant 0 : i32
        %ne3A_159 = arith.cmpi ne, %rem3A_157, %ne3A_158 : i32
        %lt3A_160 = arith.constant 0 : i32
        %lt3A_161 = arith.cmpi slt, %rem3A_157, %lt3A_160 : i32
        %lt3A_162 = arith.constant 0 : i32
        %lt3A_163 = arith.cmpi slt, %select_n3A_156, %lt3A_162 : i32
        %ne3A_164 = arith.xori %lt3A_161, %lt3A_163 : i1
        %and3A_165 = arith.andi %ne3A_164, %ne3A_159 : i1
        %add3A_166 = arith.addi %rem3A_157, %select_n3A_156 : i32
        %select_n3A_167 = arith.select %and3A_165, %add3A_166, %rem3A_157 : i32
        %eq3A_168 = arith.constant 1 : i32
        %eq3A_169 = arith.cmpi eq, %select_n3A_167, %eq3A_168 : i32
        %convert_element_type3A_170 = arith.extui %eq3A_169 : i1 to i32
        %cond3A_171 = arith.constant 0 : i32
        %cond3A_172 = arith.cmpi ne, %convert_element_type3A_170, %cond3A_171 : i32
        scf.if %cond3A_172 {
          %dma_wait3A = arith.constant 1 : i32
          %dma_wait3A_173 = arith.constant 1 : i32
          %dma_wait3A_174 = arith.constant 0 : i32
          %dma_wait3A_175 = arith.constant 0 : i32
          %dma_wait3A_176 = tpu.memref_slice %arg8[%dma_wait3A, %dma_wait3A_174, %dma_wait3A_175] : memref<2x128x128xf32, #tpu.memory_space<vmem>> -> memref<1x128x128xf32, #tpu.memory_space<vmem>>
          %dma_wait3A_177 = tpu.memref_squeeze %dma_wait3A_176 : memref<1x128x128xf32, #tpu.memory_space<vmem>> -> memref<128x128xf32, #tpu.memory_space<vmem>>
          %dma_wait3A_178 = arith.constant 0 : i32
          %dma_wait3A_179 = tpu.memref_slice %arg6[%scan3A_139, %dma_wait3A_178] : memref<8x128xi32, #tpu.memory_space<vmem>> -> memref<1x128xi32, #tpu.memory_space<vmem>>
          %dma_wait3A_180 = tpu.memref_squeeze %dma_wait3A_179 : memref<1x128xi32, #tpu.memory_space<vmem>> -> memref<128xi32, #tpu.memory_space<vmem>>
          %dma_wait3A_181 = arith.constant 0 : i32
          %dma_wait3A_182 = arith.constant 0 : i32
          %dma_wait3A_183 = tpu.memref_slice %arg2[%add3A_56, %dma_wait3A_181, %dma_wait3A_182] : memref<4x10240x128xf32, #tpu.memory_space<hbm>> -> memref<1x10240x128xf32, #tpu.memory_space<hbm>>
          %dma_wait3A_184 = tpu.memref_squeeze %dma_wait3A_183 : memref<1x10240x128xf32, #tpu.memory_space<hbm>> -> memref<10240x128xf32, #tpu.memory_space<hbm>>
          %dma_wait3A_185 = arith.constant 0 : i32
          %dma_wait3A_186 = arith.constant 0 : i32
          %dma_wait3A_187 = tpu.memref_slice %dma_wait3A_184[%dma_wait3A_185, %dma_wait3A_186] : memref<10240x128xf32, #tpu.memory_space<hbm>> -> memref<10240x128xf32, #tpu.memory_space<hbm>>
          %dma_wait3A_188 = tpu.memref_slice %arg10[%dma_wait3A_173] : memref<2x!tpu.dma_semaphore, #tpu.memory_space<semaphore_mem>> -> memref<1x!tpu.dma_semaphore, #tpu.memory_space<semaphore_mem>>
          %dma_wait3A_189 = tpu.memref_squeeze %dma_wait3A_188 : memref<1x!tpu.dma_semaphore, #tpu.memory_space<semaphore_mem>> -> memref<!tpu.dma_semaphore, #tpu.memory_space<semaphore_mem>>
          tpu.wait_indirect_dma semaphore(%dma_wait3A_189 : memref<!tpu.dma_semaphore, #tpu.memory_space<semaphore_mem>>) src(%dma_wait3A_187 : memref<10240x128xf32, #tpu.memory_space<hbm>>) dst(%dma_wait3A_177 : memref<128x128xf32, #tpu.memory_space<vmem>>)
          %add3A_190 = arith.constant 1 : i32
          %add3A_191 = arith.addi %scan3A_139, %add3A_190 : i32
          %lt3A_192 = arith.constant 8 : i32
          %lt3A_193 = arith.cmpi slt, %add3A_191, %lt3A_192 : i32
          %convert_element_type3A_194 = arith.extui %lt3A_193 : i1 to i32
          %cond3A_195 = arith.constant 0 : i32
          %cond3A_196 = arith.cmpi ne, %convert_element_type3A_194, %cond3A_195 : i32
          scf.if %cond3A_196 {
            %add3A_198 = arith.constant 1 : i32
            %add3A_199 = arith.addi %scan3A_139, %add3A_198 : i32
            %dma_start3A_200 = arith.constant 0 : i32
            %dma_start3A_201 = arith.constant 0 : i32
            %dma_start3A_202 = arith.constant 0 : i32
            %dma_start3A_203 = arith.constant 0 : i32
            %dma_start3A_204 = tpu.memref_slice %arg8[%dma_start3A_200, %dma_start3A_202, %dma_start3A_203] : memref<2x128x128xf32, #tpu.memory_space<vmem>> -> memref<1x128x128xf32, #tpu.memory_space<vmem>>
            %dma_start3A_205 = tpu.memref_squeeze %dma_start3A_204 : memref<1x128x128xf32, #tpu.memory_space<vmem>> -> memref<128x128xf32, #tpu.memory_space<vmem>>
            %dma_start3A_206 = arith.constant 0 : i32
            %dma_start3A_207 = tpu.memref_slice %arg6[%add3A_199, %dma_start3A_206] : memref<8x128xi32, #tpu.memory_space<vmem>> -> memref<1x128xi32, #tpu.memory_space<vmem>>
            %dma_start3A_208 = tpu.memref_squeeze %dma_start3A_207 : memref<1x128xi32, #tpu.memory_space<vmem>> -> memref<128xi32, #tpu.memory_space<vmem>>
            %dma_start3A_209 = arith.constant 0 : i32
            %dma_start3A_210 = arith.constant 0 : i32
            %dma_start3A_211 = tpu.memref_slice %arg2[%add3A_56, %dma_start3A_209, %dma_start3A_210] : memref<4x10240x128xf32, #tpu.memory_space<hbm>> -> memref<1x10240x128xf32, #tpu.memory_space<hbm>>
            %dma_start3A_212 = tpu.memref_squeeze %dma_start3A_211 : memref<1x10240x128xf32, #tpu.memory_space<hbm>> -> memref<10240x128xf32, #tpu.memory_space<hbm>>
            %dma_start3A_213 = arith.constant 0 : i32
            %dma_start3A_214 = arith.constant 0 : i32
            %dma_start3A_215 = tpu.memref_slice %dma_start3A_212[%dma_start3A_213, %dma_start3A_214] : memref<10240x128xf32, #tpu.memory_space<hbm>> -> memref<10240x128xf32, #tpu.memory_space<hbm>>
            %dma_start3A_216 = tpu.memref_slice %arg10[%dma_start3A_201] : memref<2x!tpu.dma_semaphore, #tpu.memory_space<semaphore_mem>> -> memref<1x!tpu.dma_semaphore, #tpu.memory_space<semaphore_mem>>
            %dma_start3A_217 = tpu.memref_squeeze %dma_start3A_216 : memref<1x!tpu.dma_semaphore, #tpu.memory_space<semaphore_mem>> -> memref<!tpu.dma_semaphore, #tpu.memory_space<semaphore_mem>>
            tpu.enqueue_indirect_dma source(%dma_start3A_215 : memref<10240x128xf32, #tpu.memory_space<hbm>>) target(%dma_start3A_205 : memref<128x128xf32, #tpu.memory_space<vmem>>) offsets(%dma_start3A_208 : memref<128xi32, #tpu.memory_space<vmem>>) semaphore(%dma_start3A_217 : memref<!tpu.dma_semaphore, #tpu.memory_space<semaphore_mem>>)
          } else {
          }
          %run_scoped3A_197 = arith.constant 1 : i32
          "tpu.region"() ({
            %run_scoped3A_198 = tpu.sem_alloc : memref<!tpu.dma_semaphore, #tpu.memory_space<semaphore_mem>>
            %dma_start3A_199 = arith.constant 0 : i32
            %dma_start3A_200 = arith.constant 0 : i32
            %dma_start3A_201 = tpu.memref_slice %arg8[%run_scoped3A_197, %dma_start3A_199, %dma_start3A_200] : memref<2x128x128xf32, #tpu.memory_space<vmem>> -> memref<1x128x128xf32, #tpu.memory_space<vmem>>
            %dma_start3A_202 = tpu.memref_squeeze %dma_start3A_201 : memref<1x128x128xf32, #tpu.memory_space<vmem>> -> memref<128x128xf32, #tpu.memory_space<vmem>>
            %dma_start3A_203 = arith.constant 0 : i32
            %dma_start3A_204 = tpu.memref_slice %arg7[%scan3A_139, %dma_start3A_203] : memref<8x128xi32, #tpu.memory_space<vmem>> -> memref<1x128xi32, #tpu.memory_space<vmem>>
            %dma_start3A_205 = tpu.memref_squeeze %dma_start3A_204 : memref<1x128xi32, #tpu.memory_space<vmem>> -> memref<128xi32, #tpu.memory_space<vmem>>
            %dma_start3A_206 = arith.constant 0 : i32
            %dma_start3A_207 = arith.constant 0 : i32
            %dma_start3A_208 = tpu.memref_slice %arg9[%dma_start3A_206, %dma_start3A_207] : memref<10240x128xf32, #tpu.memory_space<vmem_shared>> -> memref<10240x128xf32, #tpu.memory_space<vmem_shared>>
            tpu.enqueue_indirect_dma source(%dma_start3A_202 : memref<128x128xf32, #tpu.memory_space<vmem>>) target(%dma_start3A_208 : memref<10240x128xf32, #tpu.memory_space<vmem_shared>>) offsets(%dma_start3A_205 : memref<128xi32, #tpu.memory_space<vmem>>) semaphore(%run_scoped3A_198 : memref<!tpu.dma_semaphore, #tpu.memory_space<semaphore_mem>>) {add = true}
            %dma_wait3A_209 = arith.constant 0 : i32
            %dma_wait3A_210 = arith.constant 0 : i32
            %dma_wait3A_211 = tpu.memref_slice %arg8[%run_scoped3A_197, %dma_wait3A_209, %dma_wait3A_210] : memref<2x128x128xf32, #tpu.memory_space<vmem>> -> memref<1x128x128xf32, #tpu.memory_space<vmem>>
            %dma_wait3A_212 = tpu.memref_squeeze %dma_wait3A_211 : memref<1x128x128xf32, #tpu.memory_space<vmem>> -> memref<128x128xf32, #tpu.memory_space<vmem>>
            %dma_wait3A_213 = arith.constant 0 : i32
            %dma_wait3A_214 = tpu.memref_slice %arg7[%scan3A_139, %dma_wait3A_213] : memref<8x128xi32, #tpu.memory_space<vmem>> -> memref<1x128xi32, #tpu.memory_space<vmem>>
            %dma_wait3A_215 = tpu.memref_squeeze %dma_wait3A_214 : memref<1x128xi32, #tpu.memory_space<vmem>> -> memref<128xi32, #tpu.memory_space<vmem>>
            %dma_wait3A_216 = arith.constant 0 : i32
            %dma_wait3A_217 = arith.constant 0 : i32
            %dma_wait3A_218 = tpu.memref_slice %arg9[%dma_wait3A_216, %dma_wait3A_217] : memref<10240x128xf32, #tpu.memory_space<vmem_shared>> -> memref<10240x128xf32, #tpu.memory_space<vmem_shared>>
            tpu.wait_indirect_dma semaphore(%run_scoped3A_198 : memref<!tpu.dma_semaphore, #tpu.memory_space<semaphore_mem>>) src(%dma_wait3A_212 : memref<128x128xf32, #tpu.memory_space<vmem>>) dst(%dma_wait3A_218 : memref<10240x128xf32, #tpu.memory_space<vmem_shared>>)
            tpu.yield
          }) : () -> ()
        } else {
        }
      }
      %scan3A_138 = arith.constant 8 : i32
    }
    %scan3A_104 = arith.constant 10 : i32
    %barrier3A_105 = arith.constant 0 : index
    tpu.barrier barrier_id(%barrier3A_105)
    %mul3A_106 = arith.constant 640 : i32
    %mul3A_107 = arith.muli %arg1, %mul3A_106 : i32
    %mul3A_108 = arith.constant 640 : i32
    %mul3A_109 = arith.muli %arg1, %mul3A_108 : i32
    "tpu.region"() ({
      %run_scoped3A_110 = tpu.sem_alloc : memref<!tpu.dma_semaphore, #tpu.memory_space<semaphore_mem>>
      %dma_start3A = arith.constant 0 : i32
      %dma_start3A_111 = arith.constant 0 : i32
      %dma_start3A_112 = tpu.memref_slice %arg5[%add3A_56, %dma_start3A, %dma_start3A_111] : memref<4x10240x128xf32, #tpu.memory_space<hbm>> -> memref<1x10240x128xf32, #tpu.memory_space<hbm>>
      %dma_start3A_113 = tpu.memref_squeeze %dma_start3A_112 : memref<1x10240x128xf32, #tpu.memory_space<hbm>> -> memref<10240x128xf32, #tpu.memory_space<hbm>>
      %dma_start3A_114 = arith.constant 0 : i32
      %dma_start3A_115 = tpu.memref_slice %dma_start3A_113[%mul3A_109, %dma_start3A_114] : memref<10240x128xf32, #tpu.memory_space<hbm>> -> memref<640x128xf32, #tpu.memory_space<hbm>>
      %dma_start3A_116 = arith.constant 0 : i32
      %dma_start3A_117 = tpu.memref_slice %arg9[%mul3A_107, %dma_start3A_116] : memref<10240x128xf32, #tpu.memory_space<vmem_shared>> -> memref<640x128xf32, #tpu.memory_space<vmem_shared>>
      tpu.enqueue_dma source(%dma_start3A_117 : memref<640x128xf32, #tpu.memory_space<vmem_shared>>) target(%dma_start3A_115 : memref<640x128xf32, #tpu.memory_space<hbm>>) target_semaphore(%run_scoped3A_110 : memref<!tpu.dma_semaphore, #tpu.memory_space<semaphore_mem>>)
      %dma_wait3A = arith.constant 0 : i32
      %dma_wait3A_118 = arith.constant 0 : i32
      %dma_wait3A_119 = tpu.memref_slice %arg5[%add3A_56, %dma_wait3A, %dma_wait3A_118] : memref<4x10240x128xf32, #tpu.memory_space<hbm>> -> memref<1x10240x128xf32, #tpu.memory_space<hbm>>
      %dma_wait3A_120 = tpu.memref_squeeze %dma_wait3A_119 : memref<1x10240x128xf32, #tpu.memory_space<hbm>> -> memref<10240x128xf32, #tpu.memory_space<hbm>>
      %dma_wait3A_121 = arith.constant 0 : i32
      %dma_wait3A_122 = tpu.memref_slice %dma_wait3A_120[%mul3A_109, %dma_wait3A_121] : memref<10240x128xf32, #tpu.memory_space<hbm>> -> memref<640x128xf32, #tpu.memory_space<hbm>>
      %dma_wait3A_123 = arith.constant 0 : i32
      %dma_wait3A_124 = tpu.memref_slice %arg9[%mul3A_107, %dma_wait3A_123] : memref<10240x128xf32, #tpu.memory_space<vmem_shared>> -> memref<640x128xf32, #tpu.memory_space<vmem_shared>>
      tpu.wait_dma2 semaphore(%run_scoped3A_110 : memref<!tpu.dma_semaphore, #tpu.memory_space<semaphore_mem>>) src(%dma_wait3A_124 : memref<640x128xf32, #tpu.memory_space<vmem_shared>>) dst(%dma_wait3A_122 : memref<640x128xf32, #tpu.memory_space<hbm>>)
      tpu.yield
    }) : () -> ()
    return
  }
}

module attributes {stable_mosaic.version = 14 : i64} {
  func.func @_tca_body(%arg0: i32, %arg1: memref<1024x2xf32, #tpu.memory_space<vmem>>, %arg2: memref<1024x256xf32, #tpu.memory_space<vmem>>, %arg3: memref<256x512xf32, #tpu.memory_space<vmem>>, %arg4: memref<1024x1xf32, #tpu.memory_space<vmem>>, %arg5: memref<1024x512xf32, #tpu.memory_space<vmem>>, %arg6: memref<4x1024x128xf32, #tpu.memory_space<vmem>>) attributes {dimension_semantics = [#tpu.dimension_semantics<arbitrary>], iteration_bounds = array<i64: 10>, scalar_prefetch = 0 : i64, scratch_operands = 0 : i64, tpu.core_type = #tpu.core_type<tc>, window_params = [{transform_indices = @transform_0, window_bounds = array<i64: 1024, 2>}, {transform_indices = @transform_1, window_bounds = array<i64: 1024, 256>}, {pipeline_mode = #tpu.pipeline_mode<synchronous>, transform_indices = @transform_2, window_bounds = array<i64: 256, 512>}, {transform_indices = @transform_3, window_bounds = array<i64: 1024, 1>}, {transform_indices = @transform_4, window_bounds = array<i64: 1024, 512>}, {transform_indices = @transform_5, window_bounds = array<i64: 4, 1024, 128>}]} {
    %get3A = arith.constant 0 : index
    %get3A_0 = arith.constant 0 : index
    %get3A_1 = vector.load %arg1[%get3A, %get3A_0] : memref<1024x2xf32, #tpu.memory_space<vmem>>, vector<1024x1xf32>
    %get3A_2 = arith.constant 0 : index
    %get3A_3 = arith.constant 1 : index
    %get3A_4 = vector.load %arg1[%get3A_2, %get3A_3] : memref<1024x2xf32, #tpu.memory_space<vmem>>, vector<1024x1xf32>
    %add3A = arith.addf %get3A_1, %get3A_4 : vector<1024x1xf32>
    %add3A_5 = arith.constant 1.000000e+00 : f32
    %add3A_6 = vector.broadcast %add3A_5 : f32 to vector<1024x1xf32>
    %add3A_7 = arith.addf %add3A, %add3A_6 : vector<1024x1xf32>
    %rsqrt3A = math.rsqrt %add3A_7 : vector<1024x1xf32>
    %swap3A = arith.constant 0 : index
    %swap3A_8 = arith.constant 0 : index
    %swap3A_9 = vector.load %arg4[%swap3A, %swap3A_8] : memref<1024x1xf32, #tpu.memory_space<vmem>>, vector<1024x1xf32>
    tpu.vector_store %arg4[%swap3A, %swap3A_8], %rsqrt3A {strides = array<i32>} : memref<1024x1xf32, #tpu.memory_space<vmem>>, vector<1024x1xf32>,
    %get3A_10 = arith.constant 0 : index
    %get3A_11 = arith.constant 0 : index
    %get3A_12 = vector.load %arg2[%get3A_10, %get3A_11] : memref<1024x256xf32, #tpu.memory_space<vmem>>, vector<1024x256xf32>
    %get3A_13 = arith.constant 0 : index
    %get3A_14 = arith.constant 0 : index
    %get3A_15 = vector.load %arg3[%get3A_13, %get3A_14] : memref<256x512xf32, #tpu.memory_space<vmem>>, vector<256x512xf32>
    %dot_general3A = arith.constant dense<0.000000e+00> : vector<1024x512xf32>
    %dot_general3A_16 = tpu.matmul %get3A_12, %get3A_15, %dot_general3A {dimension_numbers = #tpu.dot_dimension_numbers<[1], [0], [0], [1], [0, 0, 1, 1], [], []>, transpose_lhs_hint = false} : vector<1024x256xf32>, vector<256x512xf32>, vector<1024x512xf32> -> vector<1024x512xf32>
    %swap3A_17 = arith.constant 0 : index
    %swap3A_18 = arith.constant 0 : index
    %swap3A_19 = vector.load %arg5[%swap3A_17, %swap3A_18] : memref<1024x512xf32, #tpu.memory_space<vmem>>, vector<1024x512xf32>
    tpu.vector_store %arg5[%swap3A_17, %swap3A_18], %dot_general3A_16 {strides = array<i32>} : memref<1024x512xf32, #tpu.memory_space<vmem>>, vector<1024x512xf32>,
    %mul3A = vector.broadcast %rsqrt3A : vector<1024x1xf32> to vector<1024x512xf32>
    %mul3A_20 = arith.mulf %mul3A, %dot_general3A_16 : vector<1024x512xf32>
    %slice3A = vector.extract_strided_slice %mul3A_20 {offsets = [0, 0], sizes = [1024, 128], strides = [1, 1]} : vector<1024x512xf32> to vector<1024x128xf32>
    %swap3A_21 = arith.constant 0 : index
    %swap3A_22 = arith.constant 0 : index
    %swap3A_23 = arith.constant 0 : index
    %swap3A_24 = vector.load %arg6[%swap3A_21, %swap3A_22, %swap3A_23] : memref<4x1024x128xf32, #tpu.memory_space<vmem>>, vector<1x1024x128xf32>
    %swap3A_25 = vector.shape_cast %swap3A_24 : vector<1x1024x128xf32> to vector<1024x128xf32>
    %swap3A_26 = vector.shape_cast %slice3A : vector<1024x128xf32> to vector<1x1024x128xf32>
    tpu.vector_store %arg6[%swap3A_21, %swap3A_22, %swap3A_23], %swap3A_26 {strides = array<i32>} : memref<4x1024x128xf32, #tpu.memory_space<vmem>>, vector<1x1024x128xf32>,
    %slice3A_27 = vector.extract_strided_slice %mul3A_20 {offsets = [0, 128], sizes = [1024, 128], strides = [1, 1]} : vector<1024x512xf32> to vector<1024x128xf32>
    %swap3A_28 = arith.constant 1 : index
    %swap3A_29 = arith.constant 0 : index
    %swap3A_30 = arith.constant 0 : index
    %swap3A_31 = vector.load %arg6[%swap3A_28, %swap3A_29, %swap3A_30] : memref<4x1024x128xf32, #tpu.memory_space<vmem>>, vector<1x1024x128xf32>
    %swap3A_32 = vector.shape_cast %swap3A_31 : vector<1x1024x128xf32> to vector<1024x128xf32>
    %swap3A_33 = vector.shape_cast %slice3A_27 : vector<1024x128xf32> to vector<1x1024x128xf32>
    tpu.vector_store %arg6[%swap3A_28, %swap3A_29, %swap3A_30], %swap3A_33 {strides = array<i32>} : memref<4x1024x128xf32, #tpu.memory_space<vmem>>, vector<1x1024x128xf32>,
    %slice3A_34 = vector.extract_strided_slice %mul3A_20 {offsets = [0, 256], sizes = [1024, 128], strides = [1, 1]} : vector<1024x512xf32> to vector<1024x128xf32>
    %swap3A_35 = arith.constant 2 : index
    %swap3A_36 = arith.constant 0 : index
    %swap3A_37 = arith.constant 0 : index
    %swap3A_38 = vector.load %arg6[%swap3A_35, %swap3A_36, %swap3A_37] : memref<4x1024x128xf32, #tpu.memory_space<vmem>>, vector<1x1024x128xf32>
    %swap3A_39 = vector.shape_cast %swap3A_38 : vector<1x1024x128xf32> to vector<1024x128xf32>
    %swap3A_40 = vector.shape_cast %slice3A_34 : vector<1024x128xf32> to vector<1x1024x128xf32>
    tpu.vector_store %arg6[%swap3A_35, %swap3A_36, %swap3A_37], %swap3A_40 {strides = array<i32>} : memref<4x1024x128xf32, #tpu.memory_space<vmem>>, vector<1x1024x128xf32>,
    %slice3A_41 = vector.extract_strided_slice %mul3A_20 {offsets = [0, 384], sizes = [1024, 128], strides = [1, 1]} : vector<1024x512xf32> to vector<1024x128xf32>
    %swap3A_42 = arith.constant 3 : index
    %swap3A_43 = arith.constant 0 : index
    %swap3A_44 = arith.constant 0 : index
    %swap3A_45 = vector.load %arg6[%swap3A_42, %swap3A_43, %swap3A_44] : memref<4x1024x128xf32, #tpu.memory_space<vmem>>, vector<1x1024x128xf32>
    %swap3A_46 = vector.shape_cast %swap3A_45 : vector<1x1024x128xf32> to vector<1024x128xf32>
    %swap3A_47 = vector.shape_cast %slice3A_41 : vector<1024x128xf32> to vector<1x1024x128xf32>
    tpu.vector_store %arg6[%swap3A_42, %swap3A_43, %swap3A_44], %swap3A_47 {strides = array<i32>} : memref<4x1024x128xf32, #tpu.memory_space<vmem>>, vector<1x1024x128xf32>,
    return
  }
  func.func @transform_0(%arg0: i32) -> (i32, i32) {
    %c0_i32 = arith.constant 0 : i32
    %c0_i32_0 = arith.constant 0 : i32
    return %arg0, %c0_i32 : i32, i32
  }
  func.func @transform_1(%arg0: i32) -> (i32, i32) {
    %c0_i32 = arith.constant 0 : i32
    %c0_i32_0 = arith.constant 0 : i32
    return %arg0, %c0_i32 : i32, i32
  }
  func.func @transform_2(%arg0: i32) -> (i32, i32) {
    %c0_i32 = arith.constant 0 : i32
    %c0_i32_0 = arith.constant 0 : i32
    %c0_i32_1 = arith.constant 0 : i32
    return %c0_i32, %c0_i32_0 : i32, i32
  }
  func.func @transform_3(%arg0: i32) -> (i32, i32) {
    %c0_i32 = arith.constant 0 : i32
    %c0_i32_0 = arith.constant 0 : i32
    return %arg0, %c0_i32 : i32, i32
  }
  func.func @transform_4(%arg0: i32) -> (i32, i32) {
    %c0_i32 = arith.constant 0 : i32
    %c0_i32_0 = arith.constant 0 : i32
    return %arg0, %c0_i32 : i32, i32
  }
  func.func @transform_5(%arg0: i32) -> (i32, i32, i32) {
    %c0_i32 = arith.constant 0 : i32
    %c0_i32_0 = arith.constant 0 : i32
    %c0_i32_1 = arith.constant 0 : i32
    return %c0_i32, %arg0, %c0_i32_0 : i32, i32, i32
  }
}

module attributes {stable_mosaic.version = 14 : i64} {
  func.func @_tcb_body(%arg0: i32, %arg1: memref<4x1024x128xf32, #tpu.memory_space<vmem>>, %arg2: memref<1024x512xf32, #tpu.memory_space<vmem>>, %arg3: memref<1024x1xf32, #tpu.memory_space<vmem>>, %arg4: memref<1x512xf32, #tpu.memory_space<vmem>>, %arg5: memref<512x128xf32, #tpu.memory_space<vmem>>, %arg6: memref<1024x128xf32, #tpu.memory_space<vmem>>, %arg7: memref<1024x128xf32, #tpu.memory_space<vmem>>) attributes {dimension_semantics = [#tpu.dimension_semantics<arbitrary>], iteration_bounds = array<i64: 10>, scalar_prefetch = 0 : i64, scratch_operands = 0 : i64, tpu.core_type = #tpu.core_type<tc>, window_params = [{transform_indices = @transform_0, window_bounds = array<i64: 4, 1024, 128>}, {transform_indices = @transform_1, window_bounds = array<i64: 1024, 512>}, {transform_indices = @transform_2, window_bounds = array<i64: 1024, 1>}, {pipeline_mode = #tpu.pipeline_mode<synchronous>, transform_indices = @transform_3, window_bounds = array<i64: 1, 512>}, {pipeline_mode = #tpu.pipeline_mode<synchronous>, transform_indices = @transform_4, window_bounds = array<i64: 512, 128>}, {transform_indices = @transform_5, window_bounds = array<i64: 1024, 128>}, {transform_indices = @transform_6, window_bounds = array<i64: 1024, 128>}]} {
    %get3A = arith.constant 0 : index
    %get3A_0 = arith.constant 0 : index
    %get3A_1 = vector.load %arg3[%get3A, %get3A_0] : memref<1024x1xf32, #tpu.memory_space<vmem>>, vector<1024x1xf32>
    %get3A_2 = arith.constant 0 : index
    %get3A_3 = arith.constant 0 : index
    %get3A_4 = arith.constant 0 : index
    %get3A_5 = vector.load %arg1[%get3A_2, %get3A_3, %get3A_4] : memref<4x1024x128xf32, #tpu.memory_space<vmem>>, vector<1x1024x128xf32>
    %get3A_6 = vector.shape_cast %get3A_5 : vector<1x1024x128xf32> to vector<1024x128xf32>
    %get3A_7 = arith.constant 1 : index
    %get3A_8 = arith.constant 0 : index
    %get3A_9 = arith.constant 0 : index
    %get3A_10 = vector.load %arg1[%get3A_7, %get3A_8, %get3A_9] : memref<4x1024x128xf32, #tpu.memory_space<vmem>>, vector<1x1024x128xf32>
    %get3A_11 = vector.shape_cast %get3A_10 : vector<1x1024x128xf32> to vector<1024x128xf32>
    %get3A_12 = arith.constant 2 : index
    %get3A_13 = arith.constant 0 : index
    %get3A_14 = arith.constant 0 : index
    %get3A_15 = vector.load %arg1[%get3A_12, %get3A_13, %get3A_14] : memref<4x1024x128xf32, #tpu.memory_space<vmem>>, vector<1x1024x128xf32>
    %get3A_16 = vector.shape_cast %get3A_15 : vector<1x1024x128xf32> to vector<1024x128xf32>
    %get3A_17 = arith.constant 3 : index
    %get3A_18 = arith.constant 0 : index
    %get3A_19 = arith.constant 0 : index
    %get3A_20 = vector.load %arg1[%get3A_17, %get3A_18, %get3A_19] : memref<4x1024x128xf32, #tpu.memory_space<vmem>>, vector<1x1024x128xf32>
    %get3A_21 = vector.shape_cast %get3A_20 : vector<1x1024x128xf32> to vector<1024x128xf32>
    %concatenate3A = tpu.concatenate %get3A_6, %get3A_11, %get3A_16, %get3A_21 in 1 : vector<1024x128xf32>, vector<1024x128xf32>, vector<1024x128xf32>, vector<1024x128xf32> -> vector<1024x512xf32>
    %mul3A = vector.broadcast %get3A_1 : vector<1024x1xf32> to vector<1024x512xf32>
    %mul3A_22 = arith.mulf %mul3A, %concatenate3A : vector<1024x512xf32>
    %mul3A_23 = arith.mulf %get3A_1, %get3A_1 : vector<1024x1xf32>
    %get3A_24 = arith.constant 0 : index
    %get3A_25 = arith.constant 0 : index
    %get3A_26 = vector.load %arg2[%get3A_24, %get3A_25] : memref<1024x512xf32, #tpu.memory_space<vmem>>, vector<1024x512xf32>
    %mul3A_27 = vector.broadcast %mul3A_23 : vector<1024x1xf32> to vector<1024x512xf32>
    %mul3A_28 = arith.mulf %mul3A_27, %get3A_26 : vector<1024x512xf32>
    %add3A = arith.addf %mul3A_22, %mul3A_28 : vector<1024x512xf32>
    %get3A_29 = arith.constant 0 : index
    %get3A_30 = arith.constant 0 : index
    %get3A_31 = vector.load %arg4[%get3A_29, %get3A_30] : memref<1x512xf32, #tpu.memory_space<vmem>>, vector<1x512xf32>
    %add3A_32 = vector.broadcast %get3A_31 : vector<1x512xf32> to vector<1024x512xf32>
    %add3A_33 = arith.addf %add3A, %add3A_32 : vector<1024x512xf32>
    %max3A = arith.constant 0.000000e+00 : f32
    %max3A_34 = vector.broadcast %max3A : f32 to vector<1024x512xf32>
    %max3A_35 = arith.maximumf %add3A_33, %max3A_34 : vector<1024x512xf32>
    %get3A_36 = arith.constant 0 : index
    %get3A_37 = arith.constant 0 : index
    %get3A_38 = vector.load %arg5[%get3A_36, %get3A_37] : memref<512x128xf32, #tpu.memory_space<vmem>>, vector<512x128xf32>
    %dot_general3A = arith.constant dense<0.000000e+00> : vector<1024x128xf32>
    %dot_general3A_39 = tpu.matmul %max3A_35, %get3A_38, %dot_general3A {dimension_numbers = #tpu.dot_dimension_numbers<[1], [0], [0], [1], [0, 0, 1, 1], [], []>, transpose_lhs_hint = false} : vector<1024x512xf32>, vector<512x128xf32>, vector<1024x128xf32> -> vector<1024x128xf32>
    %swap3A = arith.constant 0 : index
    %swap3A_40 = arith.constant 0 : index
    %swap3A_41 = vector.load %arg7[%swap3A, %swap3A_40] : memref<1024x128xf32, #tpu.memory_space<vmem>>, vector<1024x128xf32>
    tpu.vector_store %arg7[%swap3A, %swap3A_40], %dot_general3A_39 {strides = array<i32>} : memref<1024x128xf32, #tpu.memory_space<vmem>>, vector<1024x128xf32>,
    %mul3A_42 = vector.broadcast %get3A_1 : vector<1024x1xf32> to vector<1024x128xf32>
    %mul3A_43 = arith.mulf %mul3A_42, %dot_general3A_39 : vector<1024x128xf32>
    %swap3A_44 = arith.constant 0 : index
    %swap3A_45 = arith.constant 0 : index
    %swap3A_46 = vector.load %arg6[%swap3A_44, %swap3A_45] : memref<1024x128xf32, #tpu.memory_space<vmem>>, vector<1024x128xf32>
    tpu.vector_store %arg6[%swap3A_44, %swap3A_45], %mul3A_43 {strides = array<i32>} : memref<1024x128xf32, #tpu.memory_space<vmem>>, vector<1024x128xf32>,
    return
  }
  func.func @transform_0(%arg0: i32) -> (i32, i32, i32) {
    %c0_i32 = arith.constant 0 : i32
    %c0_i32_0 = arith.constant 0 : i32
    %c0_i32_1 = arith.constant 0 : i32
    return %c0_i32, %arg0, %c0_i32_0 : i32, i32, i32
  }
  func.func @transform_1(%arg0: i32) -> (i32, i32) {
    %c0_i32 = arith.constant 0 : i32
    %c0_i32_0 = arith.constant 0 : i32
    return %arg0, %c0_i32 : i32, i32
  }
  func.func @transform_2(%arg0: i32) -> (i32, i32) {
    %c0_i32 = arith.constant 0 : i32
    %c0_i32_0 = arith.constant 0 : i32
    return %arg0, %c0_i32 : i32, i32
  }
  func.func @transform_3(%arg0: i32) -> (i32, i32) {
    %c0_i32 = arith.constant 0 : i32
    %c0_i32_0 = arith.constant 0 : i32
    %c0_i32_1 = arith.constant 0 : i32
    return %c0_i32, %c0_i32_0 : i32, i32
  }
  func.func @transform_4(%arg0: i32) -> (i32, i32) {
    %c0_i32 = arith.constant 0 : i32
    %c0_i32_0 = arith.constant 0 : i32
    %c0_i32_1 = arith.constant 0 : i32
    return %c0_i32, %c0_i32_0 : i32, i32
  }
  func.func @transform_5(%arg0: i32) -> (i32, i32) {
    %c0_i32 = arith.constant 0 : i32
    %c0_i32_0 = arith.constant 0 : i32
    return %arg0, %c0_i32 : i32, i32
  }
  func.func @transform_6(%arg0: i32) -> (i32, i32) {
    %c0_i32 = arith.constant 0 : i32
    %c0_i32_0 = arith.constant 0 : i32
    return %arg0, %c0_i32 : i32, i32
  }
}

module attributes {stable_mosaic.version = 14 : i64} {
  func.func @_tcc0_body(%arg0: i32, %arg1: memref<2x2000x128xf32, #tpu.memory_space<vmem>>, %arg2: memref<2000x128xf32, #tpu.memory_space<vmem>>, %arg3: memref<2000x1xf32, #tpu.memory_space<vmem>>, %arg4: memref<1x128xf32, #tpu.memory_space<vmem>>, %arg5: memref<2000x128xf32, #tpu.memory_space<vmem>>) attributes {dimension_semantics = [#tpu.dimension_semantics<arbitrary>], iteration_bounds = array<i64: 5>, scalar_prefetch = 0 : i64, scratch_operands = 0 : i64, tpu.core_type = #tpu.core_type<tc>, window_params = [{transform_indices = @transform_0, window_bounds = array<i64: 2, 2000, 128>}, {transform_indices = @transform_1, window_bounds = array<i64: 2000, 128>}, {transform_indices = @transform_2, window_bounds = array<i64: 2000, 1>}, {pipeline_mode = #tpu.pipeline_mode<synchronous>, transform_indices = @transform_3, window_bounds = array<i64: 1, 128>}, {transform_indices = @transform_4, window_bounds = array<i64: 2000, 128>}]} {
    %get3A = arith.constant 0 : index
    %get3A_0 = arith.constant 0 : index
    %get3A_1 = vector.load %arg3[%get3A, %get3A_0] : memref<2000x1xf32, #tpu.memory_space<vmem>>, vector<2000x1xf32>
    %get3A_2 = arith.constant 0 : index
    %get3A_3 = arith.constant 0 : index
    %get3A_4 = arith.constant 0 : index
    %get3A_5 = vector.load %arg1[%get3A_2, %get3A_3, %get3A_4] : memref<2x2000x128xf32, #tpu.memory_space<vmem>>, vector<1x2000x128xf32>
    %get3A_6 = vector.shape_cast %get3A_5 : vector<1x2000x128xf32> to vector<2000x128xf32>
    %get3A_7 = arith.constant 1 : index
    %get3A_8 = arith.constant 0 : index
    %get3A_9 = arith.constant 0 : index
    %get3A_10 = vector.load %arg1[%get3A_7, %get3A_8, %get3A_9] : memref<2x2000x128xf32, #tpu.memory_space<vmem>>, vector<1x2000x128xf32>
    %get3A_11 = vector.shape_cast %get3A_10 : vector<1x2000x128xf32> to vector<2000x128xf32>
    %add3A = arith.addf %get3A_6, %get3A_11 : vector<2000x128xf32>
    %mul3A = vector.broadcast %get3A_1 : vector<2000x1xf32> to vector<2000x128xf32>
    %mul3A_12 = arith.mulf %mul3A, %add3A : vector<2000x128xf32>
    %mul3A_13 = arith.mulf %get3A_1, %get3A_1 : vector<2000x1xf32>
    %get3A_14 = arith.constant 0 : index
    %get3A_15 = arith.constant 0 : index
    %get3A_16 = vector.load %arg2[%get3A_14, %get3A_15] : memref<2000x128xf32, #tpu.memory_space<vmem>>, vector<2000x128xf32>
    %mul3A_17 = vector.broadcast %mul3A_13 : vector<2000x1xf32> to vector<2000x128xf32>
    %mul3A_18 = arith.mulf %mul3A_17, %get3A_16 : vector<2000x128xf32>
    %add3A_19 = arith.addf %mul3A_12, %mul3A_18 : vector<2000x128xf32>
    %get3A_20 = arith.constant 0 : index
    %get3A_21 = arith.constant 0 : index
    %get3A_22 = vector.load %arg4[%get3A_20, %get3A_21] : memref<1x128xf32, #tpu.memory_space<vmem>>, vector<1x128xf32>
    %add3A_23 = vector.broadcast %get3A_22 : vector<1x128xf32> to vector<2000x128xf32>
    %add3A_24 = arith.addf %add3A_19, %add3A_23 : vector<2000x128xf32>
    %swap3A = arith.constant 0 : index
    %swap3A_25 = arith.constant 0 : index
    %swap3A_26 = vector.load %arg5[%swap3A, %swap3A_25] : memref<2000x128xf32, #tpu.memory_space<vmem>>, vector<2000x128xf32>
    tpu.vector_store %arg5[%swap3A, %swap3A_25], %add3A_24 {strides = array<i32>} : memref<2000x128xf32, #tpu.memory_space<vmem>>, vector<2000x128xf32>,
    return
  }
  func.func @transform_0(%arg0: i32) -> (i32, i32, i32) {
    %c0_i32 = arith.constant 0 : i32
    %c0_i32_0 = arith.constant 0 : i32
    %c0_i32_1 = arith.constant 0 : i32
    return %c0_i32, %arg0, %c0_i32_0 : i32, i32, i32
  }
  func.func @transform_1(%arg0: i32) -> (i32, i32) {
    %c0_i32 = arith.constant 0 : i32
    %c0_i32_0 = arith.constant 0 : i32
    return %arg0, %c0_i32 : i32, i32
  }
  func.func @transform_2(%arg0: i32) -> (i32, i32) {
    %c0_i32 = arith.constant 0 : i32
    %c0_i32_0 = arith.constant 0 : i32
    return %arg0, %c0_i32 : i32, i32
  }
  func.func @transform_3(%arg0: i32) -> (i32, i32) {
    %c0_i32 = arith.constant 0 : i32
    %c0_i32_0 = arith.constant 0 : i32
    %c0_i32_1 = arith.constant 0 : i32
    return %c0_i32, %c0_i32_0 : i32, i32
  }
  func.func @transform_4(%arg0: i32) -> (i32, i32) {
    %c0_i32 = arith.constant 0 : i32
    %c0_i32_0 = arith.constant 0 : i32
    return %arg0, %c0_i32 : i32, i32
  }
}

module attributes {stable_mosaic.version = 14 : i64} {
  func.func @_tcc_body(%arg0: memref<1xi32, #tpu.memory_space<smem>>, %arg1: memref<10000x128xf32, #tpu.memory_space<vmem>>, %arg2: memref<50x128xf32, #tpu.memory_space<vmem>>, %arg3: memref<10000x50xf32, #tpu.memory_space<vmem>>, %arg4: memref<10000x50xf32, #tpu.memory_space<vmem>>) attributes {dimension_semantics = [], scalar_prefetch = 0 : i64, scratch_operands = 0 : i64, tpu.core_type = #tpu.core_type<tc>} {
    %get3A = arith.constant 0 : index
    %get3A_0 = arith.constant 0 : index
    %get3A_1 = vector.load %arg1[%get3A, %get3A_0] : memref<10000x128xf32, #tpu.memory_space<vmem>>, vector<10000x128xf32>
    %mul3A = arith.mulf %get3A_1, %get3A_1 : vector<10000x128xf32>
    %reduce_sum3A = arith.constant dense<0.000000e+00> : vector<10000xf32>
    %reduce_sum3A_2 = vector.multi_reduction <add>, %mul3A, %reduce_sum3A [1] : vector<10000x128xf32> to vector<10000xf32>
    %broadcast_in_dim3A = vector.shape_cast %reduce_sum3A_2 : vector<10000xf32> to vector<10000x1xf32>
    %sqrt3A = math.sqrt %broadcast_in_dim3A : vector<10000x1xf32>
    %div3A = vector.broadcast %sqrt3A : vector<10000x1xf32> to vector<10000x128xf32>
    %div3A_3 = arith.divf %get3A_1, %div3A : vector<10000x128xf32>
    %iota3A = tpu.iota {dimensions = array<i32: 0>} : vector<10000x1xi32>
    %iota3A_4 = tpu.iota {dimensions = array<i32: 0>} : vector<50x1xi32>
    %slice3A = vector.extract_strided_slice %div3A_3 {offsets = [0, 0], sizes = [1, 128], strides = [1, 1]} : vector<10000x128xf32> to vector<1x128xf32>
    %sub3A = vector.broadcast %slice3A : vector<1x128xf32> to vector<10000x128xf32>
    %sub3A_5 = arith.subf %div3A_3, %sub3A : vector<10000x128xf32>
    %mul3A_6 = arith.mulf %sub3A_5, %sub3A_5 : vector<10000x128xf32>
    %reduce_sum3A_7 = arith.constant dense<0.000000e+00> : vector<10000xf32>
    %reduce_sum3A_8 = vector.multi_reduction <add>, %mul3A_6, %reduce_sum3A_7 [1] : vector<10000x128xf32> to vector<10000xf32>
    %broadcast_in_dim3A_9 = vector.shape_cast %reduce_sum3A_8 : vector<10000xf32> to vector<10000x1xf32>
    %eq3A = arith.constant 0 : i32
    %eq3A_10 = vector.broadcast %eq3A : i32 to vector<50x1xi32>
    %eq3A_11 = arith.cmpi eq, %iota3A_4, %eq3A_10 : vector<50x1xi32>
    %broadcast_in_dim3A_12 = arith.constant 0.000000e+00 : f32
    %broadcast_in_dim3A_13 = vector.broadcast %broadcast_in_dim3A_12 : f32 to vector<50x128xf32>
    %broadcast_in_dim3A_14 = vector.shape_cast %eq3A_11 : vector<50x1xi1> to vector<50x1xi1>
    %broadcast_in_dim3A_15 = vector.broadcast %broadcast_in_dim3A_14 : vector<50x1xi1> to vector<50x128xi1>
    %broadcast_in_dim3A_16 = vector.shape_cast %slice3A : vector<1x128xf32> to vector<1x128xf32>
    %broadcast_in_dim3A_17 = vector.broadcast %broadcast_in_dim3A_16 : vector<1x128xf32> to vector<50x128xf32>
    %select_n3A = arith.select %broadcast_in_dim3A_15, %broadcast_in_dim3A_17, %broadcast_in_dim3A_13 : vector<50x128xi1>, vector<50x128xf32>
    %scan3A = arith.constant 1 : i32
    %scan3A_18 = arith.constant 49 : i32
    %scan3A_19 = arith.addi %scan3A, %scan3A_18 : i32
    %scan3A_20 = arith.constant 1 : i32
    %scan3A_21:2 = scf.for %scan3A_59 = %scan3A to %scan3A_19 step %scan3A_20 iter_args(%scan3A_60 = %select_n3A, %scan3A_61 = %broadcast_in_dim3A_9) -> (vector<50x128xf32>, vector<10000x1xf32>)  : i32 {
      %reduce_max3A_62 = vector.shape_cast %scan3A_61 : vector<10000x1xf32> to vector<1x10000x1xf32>
      %reduce_max3A_63 = arith.constant dense<0xFF800000> : vector<1xf32>
      %reduce_max3A_64 = vector.multi_reduction <maximumf>, %reduce_max3A_62, %reduce_max3A_63 [1, 2] : vector<1x10000x1xf32> to vector<1xf32>
      %reduce_max3A_65 = vector.shape_cast %reduce_max3A_64 : vector<1xf32> to vector<1x1x1xf32>
      %reduce_max3A_66 = vector.extract %reduce_max3A_65[0, 0, 0] : f32 from vector<1x1x1xf32>
      %eq3A_67 = vector.broadcast %reduce_max3A_66 : f32 to vector<10000x1xf32>
      %eq3A_68 = arith.cmpf oeq, %scan3A_61, %eq3A_67 : vector<10000x1xf32>
      %jit3A = arith.constant 10000 : i32
      %broadcast_in_dim3A_69 = vector.broadcast %jit3A : i32 to vector<10000x1xi32>
      %select_n3A_70 = arith.select %eq3A_68, %iota3A, %broadcast_in_dim3A_69 : vector<10000x1xi1>, vector<10000x1xi32>
      %reduce_min3A = vector.shape_cast %select_n3A_70 : vector<10000x1xi32> to vector<1x10000x1xi32>
      %reduce_min3A_71 = arith.constant dense<2147483647> : vector<1xi32>
      %reduce_min3A_72 = vector.multi_reduction <minsi>, %reduce_min3A, %reduce_min3A_71 [1, 2] : vector<1x10000x1xi32> to vector<1xi32>
      %reduce_min3A_73 = vector.shape_cast %reduce_min3A_72 : vector<1xi32> to vector<1x1x1xi32>
      %reduce_min3A_74 = vector.extract %reduce_min3A_73[0, 0, 0] : i32 from vector<1x1x1xi32>
      %eq3A_75 = vector.broadcast %reduce_min3A_74 : i32 to vector<10000x1xi32>
      %eq3A_76 = arith.cmpi eq, %iota3A, %eq3A_75 : vector<10000x1xi32>
      %convert_element_type3A = arith.extui %eq3A_76 : vector<10000x1xi1> to vector<10000x1xi32>
      %convert_element_type3A_77 = arith.sitofp %convert_element_type3A : vector<10000x1xi32> to vector<10000x1xf32>
      %mul3A_78 = vector.broadcast %convert_element_type3A_77 : vector<10000x1xf32> to vector<10000x128xf32>
      %mul3A_79 = arith.mulf %mul3A_78, %div3A_3 : vector<10000x128xf32>
      %reduce_sum3A_80 = arith.constant dense<0.000000e+00> : vector<128xf32>
      %reduce_sum3A_81 = vector.multi_reduction <add>, %mul3A_79, %reduce_sum3A_80 [0] : vector<10000x128xf32> to vector<128xf32>
      %broadcast_in_dim3A_82 = vector.shape_cast %reduce_sum3A_81 : vector<128xf32> to vector<1x128xf32>
      %eq3A_83 = vector.broadcast %scan3A_59 : i32 to vector<50x1xi32>
      %eq3A_84 = arith.cmpi eq, %iota3A_4, %eq3A_83 : vector<50x1xi32>
      %broadcast_in_dim3A_85 = vector.shape_cast %eq3A_84 : vector<50x1xi1> to vector<50x1xi1>
      %broadcast_in_dim3A_86 = vector.broadcast %broadcast_in_dim3A_85 : vector<50x1xi1> to vector<50x128xi1>
      %broadcast_in_dim3A_87 = vector.shape_cast %broadcast_in_dim3A_82 : vector<1x128xf32> to vector<1x128xf32>
      %broadcast_in_dim3A_88 = vector.broadcast %broadcast_in_dim3A_87 : vector<1x128xf32> to vector<50x128xf32>
      %select_n3A_89 = arith.select %broadcast_in_dim3A_86, %broadcast_in_dim3A_88, %scan3A_60 : vector<50x128xi1>, vector<50x128xf32>
      %sub3A_90 = vector.broadcast %broadcast_in_dim3A_82 : vector<1x128xf32> to vector<10000x128xf32>
      %sub3A_91 = arith.subf %div3A_3, %sub3A_90 : vector<10000x128xf32>
      %mul3A_92 = arith.mulf %sub3A_91, %sub3A_91 : vector<10000x128xf32>
      %reduce_sum3A_93 = arith.constant dense<0.000000e+00> : vector<10000xf32>
      %reduce_sum3A_94 = vector.multi_reduction <add>, %mul3A_92, %reduce_sum3A_93 [1] : vector<10000x128xf32> to vector<10000xf32>
      %broadcast_in_dim3A_95 = vector.shape_cast %reduce_sum3A_94 : vector<10000xf32> to vector<10000x1xf32>
      %min3A = arith.minimumf %scan3A_61, %broadcast_in_dim3A_95 : vector<10000x1xf32>
      scf.yield %select_n3A_89, %min3A : vector<50x128xf32>, vector<10000x1xf32>
    }
    %scan3A_22 = arith.constant 49 : i32
    %get3A_23 = arith.constant 0 : index
    %get3A_24 = memref.load %arg0[%get3A_23] : memref<1xi32, #tpu.memory_space<smem>>
    %while3A = arith.constant 0 : i32
    %while3A_25 = arith.subi %get3A_24, %while3A : i32
    %while3A_26 = arith.addi %while3A, %while3A_25 : i32
    %while3A_27 = arith.constant 1 : i32
    %while3A_28 = arith.divsi %while3A_25, %while3A_27 : i32
    %while3A_29 = arith.muli %while3A_28, %while3A_27 : i32
    %while3A_30 = arith.addi %while3A, %while3A_29 : i32
    %while3A_31 = arith.constant 1 : i32
    %while3A_32 = scf.for %while3A_59 = %while3A to %while3A_30 step %while3A_31 iter_args(%while3A_60 = %scan3A_21#0) -> (vector<50x128xf32>)  : i32 {
      %dot_general3A_61 = arith.constant dense<0.000000e+00> : vector<10000x50xf32>
      %dot_general3A_62 = tpu.matmul %div3A_3, %while3A_60, %dot_general3A_61 {dimension_numbers = #tpu.dot_dimension_numbers<[1], [1], [0], [0], [0, 0, 1, 0], [], []>, transpose_lhs_hint = false} : vector<10000x128xf32>, vector<50x128xf32>, vector<10000x50xf32> -> vector<10000x50xf32>
      %mul3A_63 = arith.constant 3.000000e+01 : f32
      %mul3A_64 = vector.broadcast %mul3A_63 : f32 to vector<10000x50xf32>
      %mul3A_65 = arith.mulf %mul3A_64, %dot_general3A_62 : vector<10000x50xf32>
      %reduce_max3A_66 = arith.constant dense<0xFF800000> : vector<10000xf32>
      %reduce_max3A_67 = vector.multi_reduction <maximumf>, %mul3A_65, %reduce_max3A_66 [1] : vector<10000x50xf32> to vector<10000xf32>
      %broadcast_in_dim3A_68 = vector.shape_cast %reduce_max3A_67 : vector<10000xf32> to vector<10000x1xf32>
      %mul3A_69 = arith.constant 3.000000e+01 : f32
      %mul3A_70 = vector.broadcast %mul3A_69 : f32 to vector<10000x50xf32>
      %mul3A_71 = arith.mulf %mul3A_70, %dot_general3A_62 : vector<10000x50xf32>
      %sub3A_72 = vector.broadcast %broadcast_in_dim3A_68 : vector<10000x1xf32> to vector<10000x50xf32>
      %sub3A_73 = arith.subf %mul3A_71, %sub3A_72 : vector<10000x50xf32>
      %exp3A_74 = math.exp %sub3A_73 : vector<10000x50xf32>
      %reduce_sum3A_75 = arith.constant dense<0.000000e+00> : vector<10000xf32>
      %reduce_sum3A_76 = vector.multi_reduction <add>, %exp3A_74, %reduce_sum3A_75 [1] : vector<10000x50xf32> to vector<10000xf32>
      %broadcast_in_dim3A_77 = vector.shape_cast %reduce_sum3A_76 : vector<10000xf32> to vector<10000x1xf32>
      %div3A_78 = vector.broadcast %broadcast_in_dim3A_77 : vector<10000x1xf32> to vector<10000x50xf32>
      %div3A_79 = arith.divf %exp3A_74, %div3A_78 : vector<10000x50xf32>
      %reduce_sum3A_80 = arith.constant dense<0.000000e+00> : vector<50xf32>
      %reduce_sum3A_81 = vector.multi_reduction <add>, %div3A_79, %reduce_sum3A_80 [0] : vector<10000x50xf32> to vector<50xf32>
      %broadcast_in_dim3A_82 = vector.shape_cast %reduce_sum3A_81 : vector<50xf32> to vector<1x50xf32>
      %dot_general3A_83 = arith.constant dense<0.000000e+00> : vector<50x128xf32>
      %dot_general3A_84 = tpu.matmul %div3A_79, %div3A_3, %dot_general3A_83 {dimension_numbers = #tpu.dot_dimension_numbers<[0], [0], [1], [1], [0, 1, 1, 1], [], []>, transpose_lhs_hint = false} : vector<10000x50xf32>, vector<10000x128xf32>, vector<50x128xf32> -> vector<50x128xf32>
      %transpose3A = tpu.transpose %broadcast_in_dim3A_82, [1, 0] : vector<1x50xf32> -> vector<50x1xf32>
      %div3A_85 = vector.broadcast %transpose3A : vector<50x1xf32> to vector<50x128xf32>
      %div3A_86 = arith.divf %dot_general3A_84, %div3A_85 : vector<50x128xf32>
      scf.yield %div3A_86 : vector<50x128xf32>
    }
    %while3A_33 = arith.constant 1 : i32
    %while3A_34 = scf.for %while3A_59 = %while3A_30 to %while3A_26 step %while3A_33 iter_args(%while3A_60 = %while3A_32) -> (vector<50x128xf32>)  : i32 {
      %dot_general3A_61 = arith.constant dense<0.000000e+00> : vector<10000x50xf32>
      %dot_general3A_62 = tpu.matmul %div3A_3, %while3A_60, %dot_general3A_61 {dimension_numbers = #tpu.dot_dimension_numbers<[1], [1], [0], [0], [0, 0, 1, 0], [], []>, transpose_lhs_hint = false} : vector<10000x128xf32>, vector<50x128xf32>, vector<10000x50xf32> -> vector<10000x50xf32>
      %mul3A_63 = arith.constant 3.000000e+01 : f32
      %mul3A_64 = vector.broadcast %mul3A_63 : f32 to vector<10000x50xf32>
      %mul3A_65 = arith.mulf %mul3A_64, %dot_general3A_62 : vector<10000x50xf32>
      %reduce_max3A_66 = arith.constant dense<0xFF800000> : vector<10000xf32>
      %reduce_max3A_67 = vector.multi_reduction <maximumf>, %mul3A_65, %reduce_max3A_66 [1] : vector<10000x50xf32> to vector<10000xf32>
      %broadcast_in_dim3A_68 = vector.shape_cast %reduce_max3A_67 : vector<10000xf32> to vector<10000x1xf32>
      %mul3A_69 = arith.constant 3.000000e+01 : f32
      %mul3A_70 = vector.broadcast %mul3A_69 : f32 to vector<10000x50xf32>
      %mul3A_71 = arith.mulf %mul3A_70, %dot_general3A_62 : vector<10000x50xf32>
      %sub3A_72 = vector.broadcast %broadcast_in_dim3A_68 : vector<10000x1xf32> to vector<10000x50xf32>
      %sub3A_73 = arith.subf %mul3A_71, %sub3A_72 : vector<10000x50xf32>
      %exp3A_74 = math.exp %sub3A_73 : vector<10000x50xf32>
      %reduce_sum3A_75 = arith.constant dense<0.000000e+00> : vector<10000xf32>
      %reduce_sum3A_76 = vector.multi_reduction <add>, %exp3A_74, %reduce_sum3A_75 [1] : vector<10000x50xf32> to vector<10000xf32>
      %broadcast_in_dim3A_77 = vector.shape_cast %reduce_sum3A_76 : vector<10000xf32> to vector<10000x1xf32>
      %div3A_78 = vector.broadcast %broadcast_in_dim3A_77 : vector<10000x1xf32> to vector<10000x50xf32>
      %div3A_79 = arith.divf %exp3A_74, %div3A_78 : vector<10000x50xf32>
      %reduce_sum3A_80 = arith.constant dense<0.000000e+00> : vector<50xf32>
      %reduce_sum3A_81 = vector.multi_reduction <add>, %div3A_79, %reduce_sum3A_80 [0] : vector<10000x50xf32> to vector<50xf32>
      %broadcast_in_dim3A_82 = vector.shape_cast %reduce_sum3A_81 : vector<50xf32> to vector<1x50xf32>
      %dot_general3A_83 = arith.constant dense<0.000000e+00> : vector<50x128xf32>
      %dot_general3A_84 = tpu.matmul %div3A_79, %div3A_3, %dot_general3A_83 {dimension_numbers = #tpu.dot_dimension_numbers<[0], [0], [1], [1], [0, 1, 1, 1], [], []>, transpose_lhs_hint = false} : vector<10000x50xf32>, vector<10000x128xf32>, vector<50x128xf32> -> vector<50x128xf32>
      %transpose3A = tpu.transpose %broadcast_in_dim3A_82, [1, 0] : vector<1x50xf32> -> vector<50x1xf32>
      %div3A_85 = vector.broadcast %transpose3A : vector<50x1xf32> to vector<50x128xf32>
      %div3A_86 = arith.divf %dot_general3A_84, %div3A_85 : vector<50x128xf32>
      scf.yield %div3A_86 : vector<50x128xf32>
    }
    %dot_general3A = arith.constant dense<0.000000e+00> : vector<10000x50xf32>
    %dot_general3A_35 = tpu.matmul %div3A_3, %while3A_34, %dot_general3A {dimension_numbers = #tpu.dot_dimension_numbers<[1], [1], [0], [0], [0, 0, 1, 0], [], []>, transpose_lhs_hint = false} : vector<10000x128xf32>, vector<50x128xf32>, vector<10000x50xf32> -> vector<10000x50xf32>
    %mul3A_36 = arith.constant 3.000000e+01 : f32
    %mul3A_37 = vector.broadcast %mul3A_36 : f32 to vector<10000x50xf32>
    %mul3A_38 = arith.mulf %mul3A_37, %dot_general3A_35 : vector<10000x50xf32>
    %reduce_max3A = arith.constant dense<0xFF800000> : vector<10000xf32>
    %reduce_max3A_39 = vector.multi_reduction <maximumf>, %mul3A_38, %reduce_max3A [1] : vector<10000x50xf32> to vector<10000xf32>
    %broadcast_in_dim3A_40 = vector.shape_cast %reduce_max3A_39 : vector<10000xf32> to vector<10000x1xf32>
    %mul3A_41 = arith.constant 3.000000e+01 : f32
    %mul3A_42 = vector.broadcast %mul3A_41 : f32 to vector<10000x50xf32>
    %mul3A_43 = arith.mulf %mul3A_42, %dot_general3A_35 : vector<10000x50xf32>
    %sub3A_44 = vector.broadcast %broadcast_in_dim3A_40 : vector<10000x1xf32> to vector<10000x50xf32>
    %sub3A_45 = arith.subf %mul3A_43, %sub3A_44 : vector<10000x50xf32>
    %exp3A = math.exp %sub3A_45 : vector<10000x50xf32>
    %reduce_sum3A_46 = arith.constant dense<0.000000e+00> : vector<10000xf32>
    %reduce_sum3A_47 = vector.multi_reduction <add>, %exp3A, %reduce_sum3A_46 [1] : vector<10000x50xf32> to vector<10000xf32>
    %broadcast_in_dim3A_48 = vector.shape_cast %reduce_sum3A_47 : vector<10000xf32> to vector<10000x1xf32>
    %div3A_49 = vector.broadcast %broadcast_in_dim3A_48 : vector<10000x1xf32> to vector<10000x50xf32>
    %div3A_50 = arith.divf %exp3A, %div3A_49 : vector<10000x50xf32>
    %swap3A = arith.constant 0 : index
    %swap3A_51 = arith.constant 0 : index
    %swap3A_52 = vector.load %arg2[%swap3A, %swap3A_51] : memref<50x128xf32, #tpu.memory_space<vmem>>, vector<50x128xf32>
    tpu.vector_store %arg2[%swap3A, %swap3A_51], %while3A_34 {strides = array<i32>} : memref<50x128xf32, #tpu.memory_space<vmem>>, vector<50x128xf32>,
    %swap3A_53 = arith.constant 0 : index
    %swap3A_54 = arith.constant 0 : index
    %swap3A_55 = vector.load %arg3[%swap3A_53, %swap3A_54] : memref<10000x50xf32, #tpu.memory_space<vmem>>, vector<10000x50xf32>
    tpu.vector_store %arg3[%swap3A_53, %swap3A_54], %div3A_50 {strides = array<i32>} : memref<10000x50xf32, #tpu.memory_space<vmem>>, vector<10000x50xf32>,
    %swap3A_56 = arith.constant 0 : index
    %swap3A_57 = arith.constant 0 : index
    %swap3A_58 = vector.load %arg4[%swap3A_56, %swap3A_57] : memref<10000x50xf32, #tpu.memory_space<vmem>>, vector<10000x50xf32>
    tpu.vector_store %arg4[%swap3A_56, %swap3A_57], %dot_general3A_35 {strides = array<i32>} : memref<10000x50xf32, #tpu.memory_space<vmem>>, vector<10000x50xf32>,
    return
  }
}

</mosaic_0001>

<sc_bundles>
// kernel: kernel.12.cloned.1.call-start
scs
__scs_entry_jumppad:
0x0: {  	(pc) =	sbr.rel $0x88, $3  }
0x1: {  	(tag) =	ssettag $0x0;
	lr =	simm.s32 $0x1  }
0x2: {  	[smem:$0x3F9A] =	sst lr;
	_ =	strace $0xD0000000  }
0x3: {  	_ = 	snop  }
0x4: {  	_ = 	snop  }
0x5: {  	_ = 	snop  }
0x6: {  	_ = 	snop  }
0x7: {  	_ = 	snop  }
__scs_overlays_trampoline_lowered:
0x8: {  	[smem:$0x3FA9] =	sst s0  }
0x9: {  	[smem:$0x3FAA] =	sst s1  }
0xa: {  	[smem:$0x3FAB] =	sst s2  }
0xb: {  	[smem:$0x3FAC] =	sst s3  }
0xc: {  	[smem:$0x3FAD] =	sst s4  }
0xd: {  	[smem:$0x3FAE] =	sst s5  }
0xe: {  	[smem:$0x3FAF] =	sst s6  }
0xf: {  	[smem:$0x3FB0] =	sst s7  }
0x10: {  	[smem:$0x3FB1] =	sst s8  }
0x11: {  	[smem:$0x3FB2] =	sst s9;
	s0 =	simm.s32 @!p0 $0x0  }
0x12: {  	s1 =	sld [smem:$0x3F98];
	s0 =	simm.s32 @p0 $0x1  }
0x13: {  	[smem:$0x3FB3] =	sst s0;
	s0 =	simm.s32 @!p1 $0x0  }
0x14: {  	s2 =	sld [smem:$0x3F97];
	s0 =	simm.s32 @p1 $0x1  }
0x15: {  	[smem:$0x3FB4] =	sst s0;
	s0 =	simm.s32 @!p2 $0x0  }
0x16: {  	s3 =	sld [smem:$0x3FDB];
	s0 =	simm.s32 @p2 $0x1  }
0x17: {  	s4 =	simm.s32 $0x1BF5;
	[smem:$0x3FB6] =	sst s0  }
0x18: {  	s0 =	sld [smem:$0x3F99];
	_ =	swait.ge [sflag:s4], $0x0  }
0x19: {  	s7 =	sld [smem:$0x3F9A]  }
0x1a: {  	s8 =	sadd.s32 $0xFFFFE003, lr  }
0x1b: {  	s9 =	sadd.s32 $0xFFFFFEF7, lr;
	s5 =	simm.s32 $0xFFFFFFFF;
	p2 =	slt.u32 s8, $0xFFFFF086  }
0x1c: {  	p1 =	slt.u32 s9, $0xF7A;
	s5 =	simm.s32 @!p2 $0x0  }
0x1d: {  	s5 =	simm.s32 @p1 $0x1;
	p0 =	seq.s32 s7, s2  }
0x1e: {  	s7 =	smul.u32 @!p0 $0xF7A, s2;
	p2 =	seq.s32 @!p0 s5, $0x0  }
0x1f: {  	s9 =	smul.u32 $0xF7A, s1;
	s8 =	simm.s32 @!p0 $0x1BF5;
	p2 =	por !p2, p0  }
0x20: {  	[sflag:s8] =	ssyncset.s32 @!p0 $0xFFFFF086;
	s6 =	sadd.s32 @!p0 s3, s7;
	s7 =	simm.s32 @!p0 $0x108  }
0x21: {  	s3 =	sadd.s32 s3, s9;
	s6 =	sadd.s32 @!p0 $0x88, s6;
	s7 =	simm.s32 @p2 $0x1082  }
0x22: {  	[simem:s7], [sflag:s8] =	dma.local @!p0 [hbm:s6], $0xF7A  }
0x23: {  	s9 =	sor.u32 $0xD0000000, s2;
	s6 =	simm.s32 $0x108;
	_ =	swait.ge @!p0 [sflag:s8], $0x0  }
0x24: {  	s3 =	sadd.s32 $0x88, s3;
	s6 =	simm.s32 @!p1 $0x1082;
	[sflag:s4] =	ssyncset.s32 $0xFFFFF086  }
0x25: {  	[simem:s6], [sflag:s4] =	dma.local [hbm:s3], $0xF7A  }
0x26: {  	[smem:$0x3F9A] =	sst s1;
	(tag) =	ssettag s2;
	_ =	strace s9  }
0x27: {  	s1 =	sld [smem:$0x3FAA]  }
0x28: {  	s2 =	sld [smem:$0x3FAB]  }
0x29: {  	s4 =	sld [smem:$0x3FAD]  }
0x2a: {  	p0 =	seq.s32 s5, $0x0;
	s5 =	sld [smem:$0x3FAE]  }
0x2b: {  	s6 =	sld [smem:$0x3FAF]  }
0x2c: {  	s7 =	sld [smem:$0x3FB0]  }
0x2d: {  	s3 =	simm.s32 $0x108;
	s8 =	sld [smem:$0x3FB1]  }
0x2e: {  	s3 =	simm.s32 @!p0 $0x1082;
	s9 =	sld [smem:$0x3FB2]  }
0x2f: {  	lr =	sadd.s32 s0, s3;
	s0 =	sld [smem:$0x3FA9]  }
0x30: {  	s3 =	sld [smem:$0x3FAC]  }
0x31: {  	[smem:$0x3FB5] =	sst s10  }
0x32: {  	s10 =	sld [smem:$0x3FB3];
	_ =	sdelay $0x3  }
0x33: {  	p0 =	seq.s32 s10, $0x1;
	s10 =	sld [smem:$0x3FB5];
	_ =	sdelay $0x3  }
0x34: {  	[smem:$0x3FB5] =	sst s10  }
0x35: {  	s10 =	sld [smem:$0x3FB4];
	_ =	sdelay $0x3  }
0x36: {  	p1 =	seq.s32 s10, $0x1;
	s10 =	sld [smem:$0x3FB5];
	_ =	sdelay $0x3  }
0x37: {  	[smem:$0x3FB5] =	sst s10  }
0x38: {  	s10 =	sld [smem:$0x3FB6]  }
0x39: {  	_ = 	snop;
	(pc) =	sbr.ind lr, $3  }
0x3a: {  	_ = 	snop  }
0x3b: {  	_ = 	snop  }
0x3c: {  	p2 =	seq.s32 s10, $0x1;
	s10 =	sld [smem:$0x3FB5]  }
0x3d: {  	_ =	shalt  }
0x3e: {  	_ =	shalt  }
0x3f: {  	_ =	shalt  }
0x40: {  	_ =	shalt  }
0x41: {  	_ =	shalt  }
0x42: {  	_ =	shalt  }
0x43: {  	_ =	shalt  }
0x44: {  	_ =	shalt  }
0x45: {  	_ =	shalt  }
0x46: {  	_ =	shalt  }
0x47: {  	_ =	shalt  }
0x48: {  	_ =	shalt  }
0x49: {  	_ =	shalt  }
0x4a: {  	_ =	shalt  }
0x4b: {  	_ =	shalt  }
0x4c: {  	_ =	shalt  }
0x4d: {  	_ =	shalt  }
0x4e: {  	_ =	shalt  }
0x4f: {  	_ =	shalt  }
0x50: {  	_ =	shalt  }
0x51: {  	_ =	shalt  }
0x52: {  	_ =	shalt  }
0x53: {  	_ =	shalt  }
0x54: {  	_ =	shalt  }
0x55: {  	_ =	shalt  }
0x56: {  	_ =	shalt  }
0x57: {  	_ =	shalt  }
0x58: {  	_ =	shalt  }
0x59: {  	_ =	shalt  }
0x5a: {  	_ =	shalt  }
0x5b: {  	_ =	shalt  }
0x5c: {  	_ =	shalt  }
0x5d: {  	_ =	shalt  }
0x5e: {  	_ =	shalt  }
0x5f: {  	_ =	shalt  }
0x60: {  	_ =	shalt  }
0x61: {  	_ =	shalt  }
0x62: {  	_ =	shalt  }
0x63: {  	_ =	shalt  }
0x64: {  	_ =	shalt  }
0x65: {  	_ =	shalt  }
0x66: {  	_ =	shalt  }
0x67: {  	_ =	shalt  }
0x68: {  	_ =	shalt  }
0x69: {  	_ =	shalt  }
0x6a: {  	_ =	shalt  }
0x6b: {  	_ =	shalt  }
0x6c: {  	_ =	shalt  }
0x6d: {  	_ =	shalt  }
0x6e: {  	_ =	shalt  }
0x6f: {  	_ =	shalt  }
0x70: {  	_ =	shalt  }
0x71: {  	_ =	shalt  }
0x72: {  	_ =	shalt  }
0x73: {  	_ =	shalt  }
0x74: {  	_ =	shalt  }
0x75: {  	_ =	shalt  }
0x76: {  	_ =	shalt  }
0x77: {  	_ =	shalt  }
0x78: {  	_ =	shalt  }
0x79: {  	_ =	shalt  }
0x7a: {  	_ =	shalt  }
0x7b: {  	_ =	shalt  }
0x7c: {  	_ =	shalt  }
0x7d: {  	_ =	shalt  }
0x7e: {  	_ =	shalt  }
0x7f: {  	_ =	shalt  }
0x80: {  	_ =	shalt  }
0x81: {  	_ =	shalt  }
0x82: {  	_ =	shalt  }
0x83: {  	_ =	shalt  }
0x84: {  	_ =	shalt  }
0x85: {  	_ =	shalt  }
0x86: {  	_ =	shalt  }
0x87: {  	_ =	shalt  }
.Lfunc_end0:
.L_simem_size_0:
called_computation.1_lowered:
.L_overlay_start_0:
0x88: {  	s2 =	sld [smem:$0x3FD9]  }
0x89: {  	s3 =	sld [smem:$0x3FFE];
	_ =	sdelay $0x1  }
0x8a: {  	s1 =	srdreg.scid  }
0x8b: {  	s0 =	sand.u32 $0x1, s1  }
0x8c: {  	s14 =	sshll.u32 s0, $0xA;
	s2 =	sadd.s32 s3, s2  }
0x8d: {  	s2 =	sadd.s32 s2, s14  }
0x8e: {  	[smem:$0x3FC1] =	sst s2  }
0x8f: {  	_ = 	snop  }
0x90: {  	s2 =	sld [smem:$0x3FD0];
	_ =	sdelay $0x2  }
0x91: {  	s15 =	simm.s32 $0xA;
	s4 =	simm.s32 $0x10  }
0x92: {  	[smem:s4], [sflag:s15] =	dma.local [hbm:s2], $0x1  }
0x93: {  	_ =	swait.eq [sflag:s15], $0x1  }
0x94: {  	[sflag:s15] =	ssyncset.done $0x0  }
0x95: {  	s16 =	sld [smem:$0x11];
	[sflag:s15] =	ssyncadd.s32 $0xFFFFFFFF  }
0x96: {  	s17 =	sld [smem:$0x13];
	(tm) =	ssettm $0x1  }
0x97: {  	s18 =	sld [smem:$0x3FFB];
	_ =	sdelay $0x3  }
0x98: {  	_ =	strace s18  }
0x99: {  	s4 =	sld [smem:$0x3FFC];
	_ =	sdelay $0x3  }
0x9a: {  	_ =	strace s4  }
0x9b: {  	s4 =	sld [smem:$0x3FFD];
	_ =	sdelay $0x3  }
0x9c: {  	_ =	strace s4  }
0x9d: {  	_ =	strace $0x8FFFFFFF  }
0x9e: {  	s19 =	sld [smem:$0x3FDB];
	_ =	sdelay $0x1  }
0x9f: {  	s5 =	simm.s32 $_scs_section_size  }
0xa0: {  	s6 =	simm.s32 $_size__tile_overlayer_lowered;
	s7 =	simm.s32 $_tile_overlayer_lowered  }
0xa1: {  	s22 =	simm.s32 $0x1BFF;
	s21 =	sshll.u32 s7, $0x1;
	s4 =	sadd.s32 s5, s19  }
0xa2: {  	s8 =	simm.s32 $0x0;
	s20 =	sshll.u32 s6, $0x1;
	s6 =	sadd.s32 s21, s4  }
0xa3: {  	[timem:s8], [sflag:s22] =	dma.local [hbm:s6], s20  }
0xa4: {  	_ =	swait.ge [sflag:s22], s20  }
0xa5: {  	s5 =	ssub.s32 $0x0, s20;
	[sflag:s22] =	ssyncset.done $0x0  }
0xa6: {  	[sflag:s22] =	ssyncadd.s32 s5;
	_ =	sdelay $0x1  }
0xa7: {  	s23 =	simm.s32 $0x1B8B  }
0xa8: {  	_ =	swait.ge [sflag:s23], $0x1  }
0xa9: {  	[sflag:s23] =	ssyncset.done $0x0  }
0xaa: {  	s25 =	simm.s32 $0x1B8E;
	s24 =	sld [smem:$0x3FFE];
	[sflag:s23] =	ssyncadd.s32 $0xFFFFFFFF  }
0xab: {  	s26 =	simm.s32 $execute0_lowered;
	[smem:$0x3FD2] =	sst s25  }
0xac: {  	s6 =	sshll.u32 s26, $0x1;
	_ =	strace $0x80000049;
	[dreg:$0x1] =	wrdreg $0xFFFFFFFF  }
0xad: {  	s28 =	simm.s32 $_size_execute0_lowered;
	s4 =	sadd.s32 s4, s6;
	[dreg:$0x0] =	wrdreg $0x0  }
0xae: {  	s6 =	sshll.u32 s28, $0x1;
	[dreg:$0x2] =	wrdreg s4  }
0xaf: {  	[dreg:$0x3] =	wrdreg s6  }
0xb0: {  	[dreg:$0x4] =	wrdreg $0xC0  }
0xb1: {  	_ =	task [dreg:s8], $0x5FFFF  }
0xb2: {  	[dreg:$0x1] =	wrdreg $0xFFFFFFFF  }
0xb3: {  	[dreg:$0x0] =	wrdreg $0x60  }
0xb4: {  	[dreg:$0x2] =	wrdreg s24  }
0xb5: {  	[dreg:$0x3] =	wrdreg s16  }
0xb6: {  	[dreg:$0x4] =	wrdreg s17  }
0xb7: {  	[dreg:$0x5] =	wrdreg $0x88000  }
0xb8: {  	[dreg:$0x6] =	wrdreg $0x9  }
0xb9: {  	_ =	task.clear_ibuf [dreg:s8], $0x7FFFF;
	_ =	strace $0x90000049  }
0xba: {  	s29 =	simm.s32 $0x9;
	_ =	strace $0x8000004B  }
0xbb: {  	_ =	swait.ge [sflag:s29], $0x1  }
0xbc: {  	[sflag:s29] =	ssyncadd.s32 $0xFFFFFFFF  }
0xbd: {  	_ =	strace $0x9000004B  }
0xbe: {  	_ =	sfence  }
0xbf: {  	s30 =	sld [smem:$0x0];
	_ =	sdelay $0x2  }
0xc0: {  	s31 =	sshll.u32 s1, $0xD;
	s1 =	sshrl.u32 s1, $0x2  }
0xc1: {  	s3 =	sand.u32 $0x4000, s31;
	s1 =	sadd.s32 s1, s30  }
0xc2: {  	s0 =	sor.u32 s3, s0;
	s1 =	sshll.u32 s1, $0x11  }
0xc3: {  	s0 =	sor.u32 s1, s0  }
0xc4: {  	s0 =	sadd.s32 $0x8F2B, s0  }
0xc5: {  	[sflag:s0] =	ssyncadd.remote.s32 $0x1  }
0xc6: {  	_ =	sfence.sel $0xFFFF  }
0xc7: {  	[dreg:$0x0] =	wrdreg $0xFFFFFFFF;
	(pc) =	sbr.abs _section_cstart, $3  }
0xc8: {  	[dreg:$0x1] =	wrdreg $0xFFFFFFFF  }
0xc9: {  	_ =	task.clear_ibuf [dreg:s8], $0x2FFFF;
	_ =	strace $0x9FFFFFFF  }
0xca: {  	(tm) =	ssettm $0x7FFFFFFF  }
0xcb: {  	_ =	shalt  }
tec
execute0_lowered:
.L_overlay_start_1:
0x0: {  	(tag) =	ssettag $0x1  }
0x1: {  	s0 =	rddreg [dreg:$0x0]  }
0x2: {  	s1 =	rddreg [dreg:$0x1]  }
0x3: {  	s4 =	rddreg [dreg:$0x2]  }
0x4: {  	s2 =	rddreg [dreg:$0x3];
	s3 =	simm.s32 $0x0  }
0x5: {  	s12 =	stileid.u32;
	s5 =	srdreg.scid;
	s14 =	simm.s32 $0x800  }
0x6: {  	s15 =	simm.s32 $0x3;
	s16 =	simm.s32 $0x400;
	s17 =	simm.s32 $0x80  }
0x7: {  	s18 =	simm.s32 $0x1;
	s28 =	simm.s32 $0x500;
	s29 =	simm.s32 $0x200  }
0x8: {  	s30 =	simm.s32 $0x580;
	s31 =	simm.s32 $0x280;
	s13 =	simm.s32 $0x680  }
0x9: {  	[smem:$0x7FF] =	sst s3;
	s6 =	smul.u32 $0x50000, s12;
	s7 =	sadd.s32 $0x1600, s0  }
0xa: {  	s5 =	sand.u32 $0x1, s5;
	s0 =	sadd.s32 $0x141600, s0;
	s19 =	smul.u32 $0x500, s12  }
0xb: {  	s25 =	smul.u32 $0x2800, s12;
	_ =	strace $0x8000004A;
	s8 =	ssub.s32 $0x2, s5  }
0xc: {  	s5 =	smul.u32 $0x50000, s5;
	s6 =	sshrl.u32 s6, $0x2;
	s9 =	sshrl.u32 s8, $0x1  }
0xd: {  	s10 =	sadd.s32 s6, s2;
	s8 =	ssub.s32 s8, s9;
	s9 =	sadd.s32 s1, s19  }
0xe: {  	s11 =	sadd.s32 s7, s5;
	s24 =	sadd.s32 s0, s5;
	s5 =	sadd.s32 $0x28000, s5  }
0xf: {  	s6 =	simm.s32 $0x0;
	s20 =	sadd.s32 $0x4000, s10;
	s21 =	sadd.s32 $0x8000, s10  }
0x10: {  	s22 =	sadd.s32 $0xC000, s10;
	[dreg:$0x5] =	wrdreg s10;
	s23 =	sadd.s32 $0x10000, s10  }
0x11: {  	s10 =	sadd.s32 s4, s19;
	s12 =	sadd.s32 s7, s5;
	[dreg:$0x6] =	wrdreg s20  }
0x12: {  	s0 =	sadd.s32 s0, s5;
	s26 =	smax.u32 s8, $0x1;
	[dreg:$0x7] =	wrdreg s21  }
0x13: {  	s19 =	simm.s32 $0x4800;
	s1 =	sadd.s32 s25, s24;
	[dreg:$0x8] =	wrdreg s22  }
0x14: {  	s24 =	simm.s32 $0x700;
	s5 =	simm.s32 $0x780;
	[dreg:$0x9] =	wrdreg s23  }
0x15: {  	[dreg:$0xa] =	wrdreg s26;
	s20 =	simm.s32 $0x4;
	s21 =	simm.s32 $0x2  }
0x16: {  	s22 =	simm.s32 $0x100;
	[dreg:$0xb] =	wrdreg s1;
	s0 =	sadd.s32 s25, s0  }
0x17: {  	s25 =	simm.s32 $0x480;
	s26 =	simm.s32 $0x180;
	s1 =	simm.s32 $0x300  }
0x18: {  	v0 =	vimm.f32 $0.0e+00;
	s23 =	simm.s32 $0x380;
	[dreg:$0xc] =	wrdreg s0;
	s0 =	simm.s32 $0x600  }
.LBB2_1:
0x19: {  	[dreg:$0xd] =	wrdreg s6;
	s4 =	simm.s32 $0x0;
	s7 =	simm.s32 $0x200  }
.LBB2_2:
0x1a: {  	p0 =	sne.s32 s7, $0xFE00;
	[tilespmem:s4+$0x870] =	vst v0  }
0x1b: {  	[tilespmem:s4+$0x800] =	vst v0  }
0x1c: {  	[tilespmem:s4+$0x810] =	vst v0  }
.Ltmp0:
0x1d: {  	[tilespmem:s4+$0x820] =	vst v0;
	(pc) =	sbr.rel @p0 .LBB2_2-.Ltmp0, $4  }
0x1e: {  	[tilespmem:s4+$0x830] =	vst v0  }
0x1f: {  	[tilespmem:s4+$0x840] =	vst v0  }
0x20: {  	[tilespmem:s4+$0x850] =	vst v0  }
0x21: {  	[tilespmem:s4+$0x860] =	vst v0;
	s4 =	sshra.s32 s7, $0x2;
	s7 =	sadd.s32 $0x200, s7  }
0x22: {  	[tilespmem:s4+$0x870] =	vst v0  }
0x23: {  	[tilespmem:s4+$0x800] =	vst v0  }
0x24: {  	[tilespmem:s4+$0x810] =	vst v0  }
0x25: {  	[tilespmem:s4+$0x820] =	vst v0  }
0x26: {  	[tilespmem:s4+$0x830] =	vst v0  }
0x27: {  	[tilespmem:s4+$0x840] =	vst v0  }
0x28: {  	[tilespmem:s4+$0x850] =	vst v0  }
0x29: {  	[tilespmem:s4+$0x860] =	vst v0;
	s8 =	rddreg [dreg:$0x5]  }
0x2a: {  	[spmem:s8] =	stream.linear.scatter [tilespmem:s14], [sflag:$0x3], $0x4000, $0x38;
	[tilespmem:$0x1C800] =	vst v63  }
0x2b: {  	_ =	swait.ge [sflag:s15], $0x4000  }
0x2c: {  	[sflag:s15] =	ssyncset.done $0x0  }
0x2d: {  	s6 =	rddreg [dreg:$0x6];
	[sflag:s15] =	ssyncadd.s32 $0xFFFFC000  }
0x2e: {  	[spmem:s6] =	stream.linear.scatter [tilespmem:s14], [sflag:$0x3], $0x4000, $0x38;
	[tilespmem:$0x1C800] =	vst v63  }
0x2f: {  	_ =	swait.ge [sflag:s15], $0x4000  }
0x30: {  	[sflag:s15] =	ssyncset.done $0x0  }
0x31: {  	s7 =	rddreg [dreg:$0x7];
	[sflag:s15] =	ssyncadd.s32 $0xFFFFC000  }
0x32: {  	[spmem:s7] =	stream.linear.scatter [tilespmem:s14], [sflag:$0x3], $0x4000, $0x38;
	[tilespmem:$0x1C800] =	vst v63  }
0x33: {  	_ =	swait.ge [sflag:s15], $0x4000  }
0x34: {  	[sflag:s15] =	ssyncset.done $0x0  }
0x35: {  	s8 =	rddreg [dreg:$0x8];
	[sflag:s15] =	ssyncadd.s32 $0xFFFFC000  }
0x36: {  	[spmem:s8] =	stream.linear.scatter [tilespmem:s14], [sflag:$0x3], $0x4000, $0x38;
	[tilespmem:$0x1C800] =	vst v63  }
0x37: {  	_ =	swait.ge [sflag:s15], $0x4000  }
0x38: {  	[sflag:s15] =	ssyncset.done $0x0  }
0x39: {  	s6 =	rddreg [dreg:$0x9];
	[sflag:s15] =	ssyncadd.s32 $0xFFFFC000  }
0x3a: {  	[spmem:s6] =	stream.linear.scatter [tilespmem:s14], [sflag:$0x3], $0x4000, $0x38;
	[tilespmem:$0x1C800] =	vst v63  }
0x3b: {  	_ =	swait.ge [sflag:s15], $0x4000  }
0x3c: {  	[sflag:s15] =	ssyncset.done $0x0  }
0x3d: {  	[sflag:s15] =	ssyncadd.s32 $0xFFFFC000  }
0x3e: {  	s7 =	sadd.s32 $0x0, s9;
	[bflag:$0x0] =	sbarrier.arrive $0xFFFF  }
0x3f: {  	[tilespmem:s3], [sflag:$0x3] =	stream.linear.gather [hbm4b:s7+s3], $0x400, $0x38;
	[tilespmem:$0x1C800] =	vst v63  }
0x40: {  	_ =	swait.ge [sflag:s15], $0x400  }
0x41: {  	[sflag:s15] =	ssyncset.done $0x0  }
0x42: {  	s8 =	sadd.s32 $0x0, s10;
	[sflag:s15] =	ssyncadd.s32 $0xFFFFFC00  }
0x43: {  	[tilespmem:s16], [sflag:$0x3] =	stream.linear.gather [hbm4b:s8+s3], $0x400, $0x38;
	[tilespmem:$0x1C800] =	vst v63  }
0x44: {  	_ =	swait.ge [sflag:s15], $0x400  }
0x45: {  	[sflag:s15] =	ssyncset.done $0x0  }
0x46: {  	[sflag:s15] =	ssyncadd.s32 $0xFFFFFC00  }
0x47: {  	[tilespmem:s14], [sflag:$0x1] =	stream.indirect.gather [hbm4b:s11+s17], $0x80, s3, s17, $0xb8;
	[tilespmem:$0x1C800] =	vst v63  }
0x48: {  	_ =	swait.ge [sflag:s18], $0x4000  }
0x49: {  	[sflag:s18] =	ssyncset.done $0x0  }
0x4a: {  	[sflag:s18] =	ssyncadd.s32 $0xFFFFC000  }
0x4b: {  	[tilespmem:s19], [sflag:$0x2] =	stream.indirect.gather [hbm4b:s11+s17], $0x80, s17, s17, $0xb8;
	[tilespmem:$0x1C800] =	vst v63  }
0x4c: {  	_ = 	snop  }
0x4d: {  	[spmem:s2] =	stream.indirect.scatter.add.f32 [tilespmem:s14], [sflag:$0x4], $0x80, s16, s17, $0xb8;
	[tilespmem:$0x1C800] =	vst v63  }
0x4e: {  	_ =	swait.ge [sflag:s20], $0x4000  }
0x4f: {  	[sflag:s20] =	ssyncset.done $0x0  }
0x50: {  	[sflag:s20] =	ssyncadd.s32 $0xFFFFC000  }
0x51: {  	_ =	swait.ge [sflag:s21], $0x4000  }
0x52: {  	[sflag:s21] =	ssyncset.done $0x0  }
0x53: {  	[sflag:s21] =	ssyncadd.s32 $0xFFFFC000  }
0x54: {  	[tilespmem:s14], [sflag:$0x1] =	stream.indirect.gather [hbm4b:s11+s17], $0x80, s22, s17, $0xb8;
	[tilespmem:$0x1C800] =	vst v63  }
0x55: {  	_ = 	snop  }
0x56: {  	[spmem:s2] =	stream.indirect.scatter.add.f32 [tilespmem:s19], [sflag:$0x3], $0x80, s25, s17, $0xb8;
	[tilespmem:$0x1C800] =	vst v63  }
0x57: {  	_ =	swait.ge [sflag:s15], $0x4000  }
0x58: {  	[sflag:s15] =	ssyncset.done $0x0  }
0x59: {  	[sflag:s15] =	ssyncadd.s32 $0xFFFFC000  }
0x5a: {  	_ =	swait.ge [sflag:s18], $0x4000  }
0x5b: {  	[sflag:s18] =	ssyncset.done $0x0  }
0x5c: {  	[sflag:s18] =	ssyncadd.s32 $0xFFFFC000  }
0x5d: {  	[tilespmem:s19], [sflag:$0x2] =	stream.indirect.gather [hbm4b:s11+s17], $0x80, s26, s17, $0xb8;
	[tilespmem:$0x1C800] =	vst v63  }
0x5e: {  	_ = 	snop  }
0x5f: {  	[spmem:s2] =	stream.indirect.scatter.add.f32 [tilespmem:s14], [sflag:$0x4], $0x80, s28, s17, $0xb8;
	[tilespmem:$0x1C800] =	vst v63  }
0x60: {  	_ =	swait.ge [sflag:s20], $0x4000  }
0x61: {  	[sflag:s20] =	ssyncset.done $0x0  }
0x62: {  	[sflag:s20] =	ssyncadd.s32 $0xFFFFC000  }
0x63: {  	_ =	swait.ge [sflag:s21], $0x4000  }
0x64: {  	[sflag:s21] =	ssyncset.done $0x0  }
0x65: {  	[sflag:s21] =	ssyncadd.s32 $0xFFFFC000  }
0x66: {  	[tilespmem:s14], [sflag:$0x1] =	stream.indirect.gather [hbm4b:s11+s17], $0x80, s29, s17, $0xb8;
	[tilespmem:$0x1C800] =	vst v63  }
0x67: {  	_ = 	snop  }
0x68: {  	[spmem:s2] =	stream.indirect.scatter.add.f32 [tilespmem:s19], [sflag:$0x3], $0x80, s30, s17, $0xb8;
	[tilespmem:$0x1C800] =	vst v63  }
0x69: {  	_ =	swait.ge [sflag:s15], $0x4000  }
0x6a: {  	[sflag:s15] =	ssyncset.done $0x0  }
0x6b: {  	[sflag:s15] =	ssyncadd.s32 $0xFFFFC000  }
0x6c: {  	_ =	swait.ge [sflag:s18], $0x4000  }
0x6d: {  	[sflag:s18] =	ssyncset.done $0x0  }
0x6e: {  	[sflag:s18] =	ssyncadd.s32 $0xFFFFC000  }
0x6f: {  	[tilespmem:s19], [sflag:$0x2] =	stream.indirect.gather [hbm4b:s11+s17], $0x80, s31, s17, $0xb8;
	[tilespmem:$0x1C800] =	vst v63  }
0x70: {  	_ = 	snop  }
0x71: {  	[spmem:s2] =	stream.indirect.scatter.add.f32 [tilespmem:s14], [sflag:$0x4], $0x80, s0, s17, $0xb8;
	[tilespmem:$0x1C800] =	vst v63  }
0x72: {  	_ =	swait.ge [sflag:s20], $0x4000  }
0x73: {  	[sflag:s20] =	ssyncset.done $0x0  }
0x74: {  	[sflag:s20] =	ssyncadd.s32 $0xFFFFC000  }
0x75: {  	_ =	swait.ge [sflag:s21], $0x4000  }
0x76: {  	[sflag:s21] =	ssyncset.done $0x0  }
0x77: {  	[sflag:s21] =	ssyncadd.s32 $0xFFFFC000  }
0x78: {  	[tilespmem:s14], [sflag:$0x1] =	stream.indirect.gather [hbm4b:s11+s17], $0x80, s1, s17, $0xb8;
	[tilespmem:$0x1C800] =	vst v63  }
0x79: {  	_ = 	snop  }
0x7a: {  	[spmem:s2] =	stream.indirect.scatter.add.f32 [tilespmem:s19], [sflag:$0x3], $0x80, s13, s17, $0xb8;
	[tilespmem:$0x1C800] =	vst v63  }
0x7b: {  	_ =	swait.ge [sflag:s15], $0x4000  }
0x7c: {  	[sflag:s15] =	ssyncset.done $0x0  }
0x7d: {  	[sflag:s15] =	ssyncadd.s32 $0xFFFFC000  }
0x7e: {  	_ =	swait.ge [sflag:s18], $0x4000  }
0x7f: {  	[sflag:s18] =	ssyncset.done $0x0  }
0x80: {  	[sflag:s18] =	ssyncadd.s32 $0xFFFFC000  }
0x81: {  	[tilespmem:s19], [sflag:$0x2] =	stream.indirect.gather [hbm4b:s11+s17], $0x80, s23, s17, $0xb8;
	[tilespmem:$0x1C800] =	vst v63  }
0x82: {  	_ = 	snop  }
0x83: {  	[spmem:s2] =	stream.indirect.scatter.add.f32 [tilespmem:s14], [sflag:$0x4], $0x80, s24, s17, $0xb8;
	[tilespmem:$0x1C800] =	vst v63  }
0x84: {  	_ =	swait.ge [sflag:s20], $0x4000  }
0x85: {  	[sflag:s20] =	ssyncset.done $0x0  }
0x86: {  	[sflag:s20] =	ssyncadd.s32 $0xFFFFC000  }
0x87: {  	_ =	swait.ge [sflag:s21], $0x4000  }
0x88: {  	[sflag:s21] =	ssyncset.done $0x0  }
0x89: {  	[sflag:s21] =	ssyncadd.s32 $0xFFFFC000  }
0x8a: {  	[spmem:s2] =	stream.indirect.scatter.add.f32 [tilespmem:s19], [sflag:$0x3], $0x80, s5, s17, $0xb8;
	[tilespmem:$0x1C800] =	vst v63  }
0x8b: {  	_ =	swait.ge [sflag:s15], $0x4000  }
0x8c: {  	s7 =	simm.s32 $0x80;
	s8 =	simm.s32 $0x100;
	[sflag:s15] =	ssyncset.done $0x0  }
.LBB2_4:
0x8d: {  	s6 =	sadd.s32 s7, s9  }
0x8e: {  	[sflag:s15] =	ssyncadd.s32 $0xFFFFC000;
	s22 =	smov.u32 s8;
	s4 =	sadd.s32 $0x80, s8  }
0x8f: {  	[tilespmem:s3], [sflag:$0x3] =	stream.linear.gather [hbm4b:s6+s3], $0x400, $0x38;
	[tilespmem:$0x1C800] =	vst v63  }
0x90: {  	p0 =	sne.s32 s8, $0x480;
	_ =	swait.ge [sflag:s15], $0x400  }
0x91: {  	s6 =	sadd.s32 s7, s10;
	[sflag:s15] =	ssyncset.done $0x0  }
0x92: {  	s7 =	smov.u32 s22;
	s22 =	simm.s32 $0x100;
	[sflag:s15] =	ssyncadd.s32 $0xFFFFFC00  }
0x93: {  	[tilespmem:s16], [sflag:$0x3] =	stream.linear.gather [hbm4b:s6+s3], $0x400, $0x38;
	[tilespmem:$0x1C800] =	vst v63  }
0x94: {  	_ =	swait.ge [sflag:s15], $0x400  }
0x95: {  	[sflag:s15] =	ssyncset.done $0x0  }
0x96: {  	[sflag:s15] =	ssyncadd.s32 $0xFFFFFC00  }
0x97: {  	[tilespmem:s14], [sflag:$0x1] =	stream.indirect.gather [hbm4b:s11+s17], $0x80, s3, s17, $0xb8;
	[tilespmem:$0x1C800] =	vst v63  }
0x98: {  	_ =	swait.ge [sflag:s18], $0x4000  }
0x99: {  	[sflag:s18] =	ssyncset.done $0x0  }
0x9a: {  	[sflag:s18] =	ssyncadd.s32 $0xFFFFC000  }
0x9b: {  	[tilespmem:s19], [sflag:$0x2] =	stream.indirect.gather [hbm4b:s11+s17], $0x80, s17, s17, $0xb8;
	[tilespmem:$0x1C800] =	vst v63  }
0x9c: {  	_ = 	snop  }
0x9d: {  	[spmem:s2] =	stream.indirect.scatter.add.f32 [tilespmem:s14], [sflag:$0x4], $0x80, s16, s17, $0xb8;
	[tilespmem:$0x1C800] =	vst v63  }
0x9e: {  	_ =	swait.ge [sflag:s20], $0x4000  }
0x9f: {  	[sflag:s20] =	ssyncset.done $0x0  }
0xa0: {  	[sflag:s20] =	ssyncadd.s32 $0xFFFFC000  }
0xa1: {  	_ =	swait.ge [sflag:s21], $0x4000  }
0xa2: {  	[sflag:s21] =	ssyncset.done $0x0  }
0xa3: {  	[sflag:s21] =	ssyncadd.s32 $0xFFFFC000  }
0xa4: {  	[tilespmem:s14], [sflag:$0x1] =	stream.indirect.gather [hbm4b:s11+s17], $0x80, s22, s17, $0xb8;
	[tilespmem:$0x1C800] =	vst v63  }
0xa5: {  	_ = 	snop  }
0xa6: {  	[spmem:s2] =	stream.indirect.scatter.add.f32 [tilespmem:s19], [sflag:$0x3], $0x80, s25, s17, $0xb8;
	[tilespmem:$0x1C800] =	vst v63  }
0xa7: {  	_ =	swait.ge [sflag:s15], $0x4000  }
0xa8: {  	[sflag:s15] =	ssyncset.done $0x0  }
0xa9: {  	[sflag:s15] =	ssyncadd.s32 $0xFFFFC000  }
0xaa: {  	_ =	swait.ge [sflag:s18], $0x4000  }
0xab: {  	[sflag:s18] =	ssyncset.done $0x0  }
0xac: {  	[sflag:s18] =	ssyncadd.s32 $0xFFFFC000  }
0xad: {  	[tilespmem:s19], [sflag:$0x2] =	stream.indirect.gather [hbm4b:s11+s17], $0x80, s26, s17, $0xb8;
	[tilespmem:$0x1C800] =	vst v63  }
0xae: {  	_ = 	snop  }
0xaf: {  	[spmem:s2] =	stream.indirect.scatter.add.f32 [tilespmem:s14], [sflag:$0x4], $0x80, s28, s17, $0xb8;
	[tilespmem:$0x1C800] =	vst v63  }
0xb0: {  	_ =	swait.ge [sflag:s20], $0x4000  }
0xb1: {  	[sflag:s20] =	ssyncset.done $0x0  }
0xb2: {  	[sflag:s20] =	ssyncadd.s32 $0xFFFFC000  }
0xb3: {  	_ =	swait.ge [sflag:s21], $0x4000  }
0xb4: {  	[sflag:s21] =	ssyncset.done $0x0  }
0xb5: {  	[sflag:s21] =	ssyncadd.s32 $0xFFFFC000  }
0xb6: {  	[tilespmem:s14], [sflag:$0x1] =	stream.indirect.gather [hbm4b:s11+s17], $0x80, s29, s17, $0xb8;
	[tilespmem:$0x1C800] =	vst v63  }
0xb7: {  	_ = 	snop  }
0xb8: {  	[spmem:s2] =	stream.indirect.scatter.add.f32 [tilespmem:s19], [sflag:$0x3], $0x80, s30, s17, $0xb8;
	[tilespmem:$0x1C800] =	vst v63  }
0xb9: {  	_ =	swait.ge [sflag:s15], $0x4000  }
0xba: {  	[sflag:s15] =	ssyncset.done $0x0  }
0xbb: {  	[sflag:s15] =	ssyncadd.s32 $0xFFFFC000  }
0xbc: {  	_ =	swait.ge [sflag:s18], $0x4000  }
0xbd: {  	[sflag:s18] =	ssyncset.done $0x0  }
0xbe: {  	[sflag:s18] =	ssyncadd.s32 $0xFFFFC000  }
0xbf: {  	[tilespmem:s19], [sflag:$0x2] =	stream.indirect.gather [hbm4b:s11+s17], $0x80, s31, s17, $0xb8;
	[tilespmem:$0x1C800] =	vst v63  }
0xc0: {  	_ = 	snop  }
0xc1: {  	[spmem:s2] =	stream.indirect.scatter.add.f32 [tilespmem:s14], [sflag:$0x4], $0x80, s0, s17, $0xb8;
	[tilespmem:$0x1C800] =	vst v63  }
0xc2: {  	_ =	swait.ge [sflag:s20], $0x4000  }
0xc3: {  	[sflag:s20] =	ssyncset.done $0x0  }
0xc4: {  	[sflag:s20] =	ssyncadd.s32 $0xFFFFC000  }
0xc5: {  	_ =	swait.ge [sflag:s21], $0x4000  }
0xc6: {  	[sflag:s21] =	ssyncset.done $0x0  }
0xc7: {  	[sflag:s21] =	ssyncadd.s32 $0xFFFFC000  }
0xc8: {  	[tilespmem:s14], [sflag:$0x1] =	stream.indirect.gather [hbm4b:s11+s17], $0x80, s1, s17, $0xb8;
	[tilespmem:$0x1C800] =	vst v63  }
0xc9: {  	_ = 	snop  }
0xca: {  	[spmem:s2] =	stream.indirect.scatter.add.f32 [tilespmem:s19], [sflag:$0x3], $0x80, s13, s17, $0xb8;
	[tilespmem:$0x1C800] =	vst v63  }
0xcb: {  	_ =	swait.ge [sflag:s15], $0x4000  }
0xcc: {  	[sflag:s15] =	ssyncset.done $0x0  }
0xcd: {  	[sflag:s15] =	ssyncadd.s32 $0xFFFFC000  }
0xce: {  	_ =	swait.ge [sflag:s18], $0x4000  }
0xcf: {  	[sflag:s18] =	ssyncset.done $0x0  }
0xd0: {  	[sflag:s18] =	ssyncadd.s32 $0xFFFFC000  }
0xd1: {  	[tilespmem:s19], [sflag:$0x2] =	stream.indirect.gather [hbm4b:s11+s17], $0x80, s23, s17, $0xb8;
	[tilespmem:$0x1C800] =	vst v63  }
0xd2: {  	_ = 	snop  }
0xd3: {  	[spmem:s2] =	stream.indirect.scatter.add.f32 [tilespmem:s14], [sflag:$0x4], $0x80, s24, s17, $0xb8;
	[tilespmem:$0x1C800] =	vst v63  }
0xd4: {  	_ =	swait.ge [sflag:s20], $0x4000  }
0xd5: {  	[sflag:s20] =	ssyncset.done $0x0  }
0xd6: {  	[sflag:s20] =	ssyncadd.s32 $0xFFFFC000  }
0xd7: {  	_ =	swait.ge [sflag:s21], $0x4000  }
.Ltmp1:
0xd8: {  	[sflag:s21] =	ssyncset.done $0x0;
	(pc) =	sbr.rel @p0 .LBB2_4-.Ltmp1, $4  }
0xd9: {  	[sflag:s21] =	ssyncadd.s32 $0xFFFFC000  }
0xda: {  	[spmem:s2] =	stream.indirect.scatter.add.f32 [tilespmem:s19], [sflag:$0x3], $0x80, s5, s17, $0xb8;
	[tilespmem:$0x1C800] =	vst v63  }
0xdb: {  	_ =	swait.ge [sflag:s15], $0x4000  }
0xdc: {  	s8 =	smov.u32 s4;
	[sflag:s15] =	ssyncset.done $0x0  }
0xdd: {  	s4 =	sadd.s32 s7, s9;
	[sflag:s15] =	ssyncadd.s32 $0xFFFFC000  }
0xde: {  	[tilespmem:s3], [sflag:$0x3] =	stream.linear.gather [hbm4b:s4+s3], $0x400, $0x38;
	[tilespmem:$0x1C800] =	vst v63  }
0xdf: {  	_ =	swait.ge [sflag:s15], $0x400  }
0xe0: {  	[sflag:s15] =	ssyncset.done $0x0  }
0xe1: {  	s6 =	sadd.s32 s7, s10;
	[sflag:s15] =	ssyncadd.s32 $0xFFFFFC00  }
0xe2: {  	[tilespmem:s16], [sflag:$0x3] =	stream.linear.gather [hbm4b:s6+s3], $0x400, $0x38;
	[tilespmem:$0x1C800] =	vst v63  }
0xe3: {  	_ =	swait.ge [sflag:s15], $0x400  }
0xe4: {  	[sflag:s15] =	ssyncset.done $0x0  }
0xe5: {  	[sflag:s15] =	ssyncadd.s32 $0xFFFFFC00  }
0xe6: {  	[tilespmem:s14], [sflag:$0x1] =	stream.indirect.gather [hbm4b:s11+s17], $0x80, s3, s17, $0xb8;
	[tilespmem:$0x1C800] =	vst v63  }
0xe7: {  	_ =	swait.ge [sflag:s18], $0x4000  }
0xe8: {  	[sflag:s18] =	ssyncset.done $0x0  }
0xe9: {  	[sflag:s18] =	ssyncadd.s32 $0xFFFFC000  }
0xea: {  	[tilespmem:s19], [sflag:$0x2] =	stream.indirect.gather [hbm4b:s11+s17], $0x80, s17, s17, $0xb8;
	[tilespmem:$0x1C800] =	vst v63  }
0xeb: {  	_ = 	snop  }
0xec: {  	[spmem:s2] =	stream.indirect.scatter.add.f32 [tilespmem:s14], [sflag:$0x4], $0x80, s16, s17, $0xb8;
	[tilespmem:$0x1C800] =	vst v63  }
0xed: {  	_ =	swait.ge [sflag:s20], $0x4000  }
0xee: {  	[sflag:s20] =	ssyncset.done $0x0  }
0xef: {  	[sflag:s20] =	ssyncadd.s32 $0xFFFFC000  }
0xf0: {  	_ =	swait.ge [sflag:s21], $0x4000  }
0xf1: {  	[sflag:s21] =	ssyncset.done $0x0  }
0xf2: {  	[sflag:s21] =	ssyncadd.s32 $0xFFFFC000  }
0xf3: {  	[tilespmem:s14], [sflag:$0x1] =	stream.indirect.gather [hbm4b:s11+s17], $0x80, s22, s17, $0xb8;
	[tilespmem:$0x1C800] =	vst v63  }
0xf4: {  	_ = 	snop  }
0xf5: {  	[spmem:s2] =	stream.indirect.scatter.add.f32 [tilespmem:s19], [sflag:$0x3], $0x80, s25, s17, $0xb8;
	[tilespmem:$0x1C800] =	vst v63  }
0xf6: {  	_ =	swait.ge [sflag:s15], $0x4000  }
0xf7: {  	[sflag:s15] =	ssyncset.done $0x0  }
0xf8: {  	[sflag:s15] =	ssyncadd.s32 $0xFFFFC000  }
0xf9: {  	_ =	swait.ge [sflag:s18], $0x4000  }
0xfa: {  	[sflag:s18] =	ssyncset.done $0x0  }
0xfb: {  	[sflag:s18] =	ssyncadd.s32 $0xFFFFC000  }
0xfc: {  	[tilespmem:s19], [sflag:$0x2] =	stream.indirect.gather [hbm4b:s11+s17], $0x80, s26, s17, $0xb8;
	[tilespmem:$0x1C800] =	vst v63  }
0xfd: {  	_ = 	snop  }
0xfe: {  	[spmem:s2] =	stream.indirect.scatter.add.f32 [tilespmem:s14], [sflag:$0x4], $0x80, s28, s17, $0xb8;
	[tilespmem:$0x1C800] =	vst v63  }
0xff: {  	_ =	swait.ge [sflag:s20], $0x4000  }
0x100: {  	[sflag:s20] =	ssyncset.done $0x0  }
0x101: {  	[sflag:s20] =	ssyncadd.s32 $0xFFFFC000  }
0x102: {  	_ =	swait.ge [sflag:s21], $0x4000  }
0x103: {  	[sflag:s21] =	ssyncset.done $0x0  }
0x104: {  	[sflag:s21] =	ssyncadd.s32 $0xFFFFC000  }
0x105: {  	[tilespmem:s14], [sflag:$0x1] =	stream.indirect.gather [hbm4b:s11+s17], $0x80, s29, s17, $0xb8;
	[tilespmem:$0x1C800] =	vst v63  }
0x106: {  	_ = 	snop  }
0x107: {  	[spmem:s2] =	stream.indirect.scatter.add.f32 [tilespmem:s19], [sflag:$0x3], $0x80, s30, s17, $0xb8;
	[tilespmem:$0x1C800] =	vst v63  }
0x108: {  	_ =	swait.ge [sflag:s15], $0x4000  }
0x109: {  	[sflag:s15] =	ssyncset.done $0x0  }
0x10a: {  	[sflag:s15] =	ssyncadd.s32 $0xFFFFC000  }
0x10b: {  	_ =	swait.ge [sflag:s18], $0x4000  }
0x10c: {  	[sflag:s18] =	ssyncset.done $0x0  }
0x10d: {  	[sflag:s18] =	ssyncadd.s32 $0xFFFFC000  }
0x10e: {  	[tilespmem:s19], [sflag:$0x2] =	stream.indirect.gather [hbm4b:s11+s17], $0x80, s31, s17, $0xb8;
	[tilespmem:$0x1C800] =	vst v63  }
0x10f: {  	_ = 	snop  }
0x110: {  	[spmem:s2] =	stream.indirect.scatter.add.f32 [tilespmem:s14], [sflag:$0x4], $0x80, s0, s17, $0xb8;
	[tilespmem:$0x1C800] =	vst v63  }
0x111: {  	_ =	swait.ge [sflag:s20], $0x4000  }
0x112: {  	[sflag:s20] =	ssyncset.done $0x0  }
0x113: {  	[sflag:s20] =	ssyncadd.s32 $0xFFFFC000  }
0x114: {  	_ =	swait.ge [sflag:s21], $0x4000  }
0x115: {  	[sflag:s21] =	ssyncset.done $0x0  }
0x116: {  	[sflag:s21] =	ssyncadd.s32 $0xFFFFC000  }
0x117: {  	[tilespmem:s14], [sflag:$0x1] =	stream.indirect.gather [hbm4b:s11+s17], $0x80, s1, s17, $0xb8;
	[tilespmem:$0x1C800] =	vst v63  }
0x118: {  	_ = 	snop  }
0x119: {  	[spmem:s2] =	stream.indirect.scatter.add.f32 [tilespmem:s19], [sflag:$0x3], $0x80, s13, s17, $0xb8;
	[tilespmem:$0x1C800] =	vst v63  }
0x11a: {  	_ =	swait.ge [sflag:s15], $0x4000  }
0x11b: {  	[sflag:s15] =	ssyncset.done $0x0  }
0x11c: {  	[sflag:s15] =	ssyncadd.s32 $0xFFFFC000  }
0x11d: {  	_ =	swait.ge [sflag:s18], $0x4000  }
0x11e: {  	[sflag:s18] =	ssyncset.done $0x0  }
0x11f: {  	[sflag:s18] =	ssyncadd.s32 $0xFFFFC000  }
0x120: {  	[tilespmem:s19], [sflag:$0x2] =	stream.indirect.gather [hbm4b:s11+s17], $0x80, s23, s17, $0xb8;
	[tilespmem:$0x1C800] =	vst v63  }
0x121: {  	_ = 	snop  }
0x122: {  	[spmem:s2] =	stream.indirect.scatter.add.f32 [tilespmem:s14], [sflag:$0x4], $0x80, s24, s17, $0xb8;
	[tilespmem:$0x1C800] =	vst v63  }
0x123: {  	_ =	swait.ge [sflag:s20], $0x4000  }
0x124: {  	[sflag:s20] =	ssyncset.done $0x0  }
0x125: {  	[sflag:s20] =	ssyncadd.s32 $0xFFFFC000  }
0x126: {  	_ =	swait.ge [sflag:s21], $0x4000  }
0x127: {  	[sflag:s21] =	ssyncset.done $0x0  }
0x128: {  	[sflag:s21] =	ssyncadd.s32 $0xFFFFC000  }
0x129: {  	[spmem:s2] =	stream.indirect.scatter.add.f32 [tilespmem:s19], [sflag:$0x3], $0x80, s5, s17, $0xb8;
	[tilespmem:$0x1C800] =	vst v63  }
0x12a: {  	_ =	swait.ge [sflag:s15], $0x4000  }
0x12b: {  	[sflag:s15] =	ssyncset.done $0x0  }
0x12c: {  	s7 =	stileid.u32;
	[sflag:s15] =	ssyncadd.s32 $0xFFFFC000  }
0x12d: {  	s4 =	sshll.u32 s7, $0x6;
	[bflag:$0x0] =	sbarrier.arrive $0xFFFF  }
0x12e: {  	s6 =	sor.u32 $0x1C03, s4;
	s8 =	rddreg [dreg:$0x5]  }
0x12f: {  	[dreg:$0xe] =	wrdreg s6  }
0x130: {  	s4 =	sshrl.u32 s8, $0x3;
	s8 =	rddreg [dreg:$0xb]  }
0x131: {  	[dreg:$0xf] =	wrdreg s4  }
0x132: {  	[hbm:s8], [sflag:s6] =	dma.local [spmem:s4], $0x2800  }
0x133: {  	_ =	swait.ge [sflag:s15], $0x2800  }
0x134: {  	[sflag:s15] =	ssyncset.done $0x0  }
0x135: {  	s7 =	simm.s32 $0x200;
	s4 =	simm.s32 $0x0;
	[sflag:s15] =	ssyncadd.s32 $0xFFFFD800  }
.LBB2_6:
0x136: {  	p0 =	sne.s32 s7, $0xFE00;
	[tilespmem:s4+$0x870] =	vst v0  }
0x137: {  	[tilespmem:s4+$0x800] =	vst v0  }
0x138: {  	[tilespmem:s4+$0x810] =	vst v0  }
.Ltmp2:
0x139: {  	[tilespmem:s4+$0x820] =	vst v0;
	(pc) =	sbr.rel @p0 .LBB2_6-.Ltmp2, $4  }
0x13a: {  	[tilespmem:s4+$0x830] =	vst v0  }
0x13b: {  	[tilespmem:s4+$0x840] =	vst v0  }
0x13c: {  	[tilespmem:s4+$0x850] =	vst v0  }
0x13d: {  	[tilespmem:s4+$0x860] =	vst v0;
	s4 =	sshra.s32 s7, $0x2;
	s7 =	sadd.s32 $0x200, s7  }
0x13e: {  	[tilespmem:s4+$0x870] =	vst v0  }
0x13f: {  	[tilespmem:s4+$0x800] =	vst v0  }
0x140: {  	[tilespmem:s4+$0x810] =	vst v0  }
0x141: {  	[tilespmem:s4+$0x820] =	vst v0  }
0x142: {  	[tilespmem:s4+$0x830] =	vst v0  }
0x143: {  	[tilespmem:s4+$0x840] =	vst v0  }
0x144: {  	[tilespmem:s4+$0x850] =	vst v0  }
0x145: {  	[tilespmem:s4+$0x860] =	vst v0;
	s8 =	rddreg [dreg:$0x5]  }
0x146: {  	[spmem:s8] =	stream.linear.scatter [tilespmem:s14], [sflag:$0x3], $0x4000, $0x38;
	[tilespmem:$0x1C800] =	vst v63  }
0x147: {  	_ =	swait.ge [sflag:s15], $0x4000  }
0x148: {  	[sflag:s15] =	ssyncset.done $0x0  }
0x149: {  	s6 =	rddreg [dreg:$0x6];
	[sflag:s15] =	ssyncadd.s32 $0xFFFFC000  }
0x14a: {  	[spmem:s6] =	stream.linear.scatter [tilespmem:s14], [sflag:$0x3], $0x4000, $0x38;
	[tilespmem:$0x1C800] =	vst v63  }
0x14b: {  	_ =	swait.ge [sflag:s15], $0x4000  }
0x14c: {  	[sflag:s15] =	ssyncset.done $0x0  }
0x14d: {  	s7 =	rddreg [dreg:$0x7];
	[sflag:s15] =	ssyncadd.s32 $0xFFFFC000  }
0x14e: {  	[spmem:s7] =	stream.linear.scatter [tilespmem:s14], [sflag:$0x3], $0x4000, $0x38;
	[tilespmem:$0x1C800] =	vst v63  }
0x14f: {  	_ =	swait.ge [sflag:s15], $0x4000  }
0x150: {  	[sflag:s15] =	ssyncset.done $0x0  }
0x151: {  	s8 =	rddreg [dreg:$0x8];
	[sflag:s15] =	ssyncadd.s32 $0xFFFFC000  }
0x152: {  	[spmem:s8] =	stream.linear.scatter [tilespmem:s14], [sflag:$0x3], $0x4000, $0x38;
	[tilespmem:$0x1C800] =	vst v63  }
0x153: {  	_ =	swait.ge [sflag:s15], $0x4000  }
0x154: {  	[sflag:s15] =	ssyncset.done $0x0  }
0x155: {  	s6 =	rddreg [dreg:$0x9];
	[sflag:s15] =	ssyncadd.s32 $0xFFFFC000  }
0x156: {  	[spmem:s6] =	stream.linear.scatter [tilespmem:s14], [sflag:$0x3], $0x4000, $0x38;
	[tilespmem:$0x1C800] =	vst v63  }
0x157: {  	_ =	swait.ge [sflag:s15], $0x4000  }
0x158: {  	[sflag:s15] =	ssyncset.done $0x0  }
0x159: {  	[sflag:s15] =	ssyncadd.s32 $0xFFFFC000  }
0x15a: {  	s7 =	sadd.s32 $0x0, s9;
	[bflag:$0x0] =	sbarrier.arrive $0xFFFF  }
0x15b: {  	[tilespmem:s3], [sflag:$0x3] =	stream.linear.gather [hbm4b:s7+s3], $0x400, $0x38;
	[tilespmem:$0x1C800] =	vst v63  }
0x15c: {  	_ =	swait.ge [sflag:s15], $0x400  }
0x15d: {  	[sflag:s15] =	ssyncset.done $0x0  }
0x15e: {  	s8 =	sadd.s32 $0x0, s10;
	[sflag:s15] =	ssyncadd.s32 $0xFFFFFC00  }
0x15f: {  	[tilespmem:s16], [sflag:$0x3] =	stream.linear.gather [hbm4b:s8+s3], $0x400, $0x38;
	[tilespmem:$0x1C800] =	vst v63  }
0x160: {  	_ =	swait.ge [sflag:s15], $0x400  }
0x161: {  	[sflag:s15] =	ssyncset.done $0x0  }
0x162: {  	[sflag:s15] =	ssyncadd.s32 $0xFFFFFC00  }
0x163: {  	[tilespmem:s14], [sflag:$0x1] =	stream.indirect.gather [hbm4b:s12+s17], $0x80, s3, s17, $0xb8;
	[tilespmem:$0x1C800] =	vst v63  }
0x164: {  	_ =	swait.ge [sflag:s18], $0x4000  }
0x165: {  	[sflag:s18] =	ssyncset.done $0x0  }
0x166: {  	[sflag:s18] =	ssyncadd.s32 $0xFFFFC000  }
0x167: {  	[tilespmem:s19], [sflag:$0x2] =	stream.indirect.gather [hbm4b:s12+s17], $0x80, s17, s17, $0xb8;
	[tilespmem:$0x1C800] =	vst v63  }
0x168: {  	_ = 	snop  }
0x169: {  	[spmem:s2] =	stream.indirect.scatter.add.f32 [tilespmem:s14], [sflag:$0x4], $0x80, s16, s17, $0xb8;
	[tilespmem:$0x1C800] =	vst v63  }
0x16a: {  	_ =	swait.ge [sflag:s20], $0x4000  }
0x16b: {  	[sflag:s20] =	ssyncset.done $0x0  }
0x16c: {  	[sflag:s20] =	ssyncadd.s32 $0xFFFFC000  }
0x16d: {  	_ =	swait.ge [sflag:s21], $0x4000  }
0x16e: {  	[sflag:s21] =	ssyncset.done $0x0  }
0x16f: {  	[sflag:s21] =	ssyncadd.s32 $0xFFFFC000  }
0x170: {  	[tilespmem:s14], [sflag:$0x1] =	stream.indirect.gather [hbm4b:s12+s17], $0x80, s22, s17, $0xb8;
	[tilespmem:$0x1C800] =	vst v63  }
0x171: {  	_ = 	snop  }
0x172: {  	[spmem:s2] =	stream.indirect.scatter.add.f32 [tilespmem:s19], [sflag:$0x3], $0x80, s25, s17, $0xb8;
	[tilespmem:$0x1C800] =	vst v63  }
0x173: {  	_ =	swait.ge [sflag:s15], $0x4000  }
0x174: {  	[sflag:s15] =	ssyncset.done $0x0  }
0x175: {  	[sflag:s15] =	ssyncadd.s32 $0xFFFFC000  }
0x176: {  	_ =	swait.ge [sflag:s18], $0x4000  }
0x177: {  	[sflag:s18] =	ssyncset.done $0x0  }
0x178: {  	[sflag:s18] =	ssyncadd.s32 $0xFFFFC000  }
0x179: {  	[tilespmem:s19], [sflag:$0x2] =	stream.indirect.gather [hbm4b:s12+s17], $0x80, s26, s17, $0xb8;
	[tilespmem:$0x1C800] =	vst v63  }
0x17a: {  	_ = 	snop  }
0x17b: {  	[spmem:s2] =	stream.indirect.scatter.add.f32 [tilespmem:s14], [sflag:$0x4], $0x80, s28, s17, $0xb8;
	[tilespmem:$0x1C800] =	vst v63  }
0x17c: {  	_ =	swait.ge [sflag:s20], $0x4000  }
0x17d: {  	[sflag:s20] =	ssyncset.done $0x0  }
0x17e: {  	[sflag:s20] =	ssyncadd.s32 $0xFFFFC000  }
0x17f: {  	_ =	swait.ge [sflag:s21], $0x4000  }
0x180: {  	[sflag:s21] =	ssyncset.done $0x0  }
0x181: {  	[sflag:s21] =	ssyncadd.s32 $0xFFFFC000  }
0x182: {  	[tilespmem:s14], [sflag:$0x1] =	stream.indirect.gather [hbm4b:s12+s17], $0x80, s29, s17, $0xb8;
	[tilespmem:$0x1C800] =	vst v63  }
0x183: {  	_ = 	snop  }
0x184: {  	[spmem:s2] =	stream.indirect.scatter.add.f32 [tilespmem:s19], [sflag:$0x3], $0x80, s30, s17, $0xb8;
	[tilespmem:$0x1C800] =	vst v63  }
0x185: {  	_ =	swait.ge [sflag:s15], $0x4000  }
0x186: {  	[sflag:s15] =	ssyncset.done $0x0  }
0x187: {  	[sflag:s15] =	ssyncadd.s32 $0xFFFFC000  }
0x188: {  	_ =	swait.ge [sflag:s18], $0x4000  }
0x189: {  	[sflag:s18] =	ssyncset.done $0x0  }
0x18a: {  	[sflag:s18] =	ssyncadd.s32 $0xFFFFC000  }
0x18b: {  	[tilespmem:s19], [sflag:$0x2] =	stream.indirect.gather [hbm4b:s12+s17], $0x80, s31, s17, $0xb8;
	[tilespmem:$0x1C800] =	vst v63  }
0x18c: {  	_ = 	snop  }
0x18d: {  	[spmem:s2] =	stream.indirect.scatter.add.f32 [tilespmem:s14], [sflag:$0x4], $0x80, s0, s17, $0xb8;
	[tilespmem:$0x1C800] =	vst v63  }
0x18e: {  	_ =	swait.ge [sflag:s20], $0x4000  }
0x18f: {  	[sflag:s20] =	ssyncset.done $0x0  }
0x190: {  	[sflag:s20] =	ssyncadd.s32 $0xFFFFC000  }
0x191: {  	_ =	swait.ge [sflag:s21], $0x4000  }
0x192: {  	[sflag:s21] =	ssyncset.done $0x0  }
0x193: {  	[sflag:s21] =	ssyncadd.s32 $0xFFFFC000  }
0x194: {  	[tilespmem:s14], [sflag:$0x1] =	stream.indirect.gather [hbm4b:s12+s17], $0x80, s1, s17, $0xb8;
	[tilespmem:$0x1C800] =	vst v63  }
0x195: {  	_ = 	snop  }
0x196: {  	[spmem:s2] =	stream.indirect.scatter.add.f32 [tilespmem:s19], [sflag:$0x3], $0x80, s13, s17, $0xb8;
	[tilespmem:$0x1C800] =	vst v63  }
0x197: {  	_ =	swait.ge [sflag:s15], $0x4000  }
0x198: {  	[sflag:s15] =	ssyncset.done $0x0  }
0x199: {  	[sflag:s15] =	ssyncadd.s32 $0xFFFFC000  }
0x19a: {  	_ =	swait.ge [sflag:s18], $0x4000  }
0x19b: {  	[sflag:s18] =	ssyncset.done $0x0  }
0x19c: {  	[sflag:s18] =	ssyncadd.s32 $0xFFFFC000  }
0x19d: {  	[tilespmem:s19], [sflag:$0x2] =	stream.indirect.gather [hbm4b:s12+s17], $0x80, s23, s17, $0xb8;
	[tilespmem:$0x1C800] =	vst v63  }
0x19e: {  	_ = 	snop  }
0x19f: {  	[spmem:s2] =	stream.indirect.scatter.add.f32 [tilespmem:s14], [sflag:$0x4], $0x80, s24, s17, $0xb8;
	[tilespmem:$0x1C800] =	vst v63  }
0x1a0: {  	_ =	swait.ge [sflag:s20], $0x4000  }
0x1a1: {  	[sflag:s20] =	ssyncset.done $0x0  }
0x1a2: {  	[sflag:s20] =	ssyncadd.s32 $0xFFFFC000  }
0x1a3: {  	_ =	swait.ge [sflag:s21], $0x4000  }
0x1a4: {  	[sflag:s21] =	ssyncset.done $0x0  }
0x1a5: {  	[sflag:s21] =	ssyncadd.s32 $0xFFFFC000  }
0x1a6: {  	[spmem:s2] =	stream.indirect.scatter.add.f32 [tilespmem:s19], [sflag:$0x3], $0x80, s5, s17, $0xb8;
	[tilespmem:$0x1C800] =	vst v63  }
0x1a7: {  	_ =	swait.ge [sflag:s15], $0x4000  }
0x1a8: {  	s4 =	simm.s32 $0x80;
	s7 =	simm.s32 $0x100;
	[sflag:s15] =	ssyncset.done $0x0  }
.LBB2_8:
0x1a9: {  	s6 =	sadd.s32 s4, s9  }
0x1aa: {  	[sflag:s15] =	ssyncadd.s32 $0xFFFFC000;
	s22 =	smov.u32 s7;
	s8 =	sadd.s32 $0x80, s7  }
0x1ab: {  	[tilespmem:s3], [sflag:$0x3] =	stream.linear.gather [hbm4b:s6+s3], $0x400, $0x38;
	[tilespmem:$0x1C800] =	vst v63  }
0x1ac: {  	p0 =	sne.s32 s7, $0x480;
	_ =	swait.ge [sflag:s15], $0x400  }
0x1ad: {  	s6 =	sadd.s32 s4, s10;
	[sflag:s15] =	ssyncset.done $0x0  }
0x1ae: {  	s4 =	smov.u32 s22;
	s22 =	simm.s32 $0x100;
	[sflag:s15] =	ssyncadd.s32 $0xFFFFFC00  }
0x1af: {  	[tilespmem:s16], [sflag:$0x3] =	stream.linear.gather [hbm4b:s6+s3], $0x400, $0x38;
	[tilespmem:$0x1C800] =	vst v63  }
0x1b0: {  	_ =	swait.ge [sflag:s15], $0x400  }
0x1b1: {  	[sflag:s15] =	ssyncset.done $0x0  }
0x1b2: {  	[sflag:s15] =	ssyncadd.s32 $0xFFFFFC00  }
0x1b3: {  	[tilespmem:s14], [sflag:$0x1] =	stream.indirect.gather [hbm4b:s12+s17], $0x80, s3, s17, $0xb8;
	[tilespmem:$0x1C800] =	vst v63  }
0x1b4: {  	_ =	swait.ge [sflag:s18], $0x4000  }
0x1b5: {  	[sflag:s18] =	ssyncset.done $0x0  }
0x1b6: {  	[sflag:s18] =	ssyncadd.s32 $0xFFFFC000  }
0x1b7: {  	[tilespmem:s19], [sflag:$0x2] =	stream.indirect.gather [hbm4b:s12+s17], $0x80, s17, s17, $0xb8;
	[tilespmem:$0x1C800] =	vst v63  }
0x1b8: {  	_ = 	snop  }
0x1b9: {  	[spmem:s2] =	stream.indirect.scatter.add.f32 [tilespmem:s14], [sflag:$0x4], $0x80, s16, s17, $0xb8;
	[tilespmem:$0x1C800] =	vst v63  }
0x1ba: {  	_ =	swait.ge [sflag:s20], $0x4000  }
0x1bb: {  	[sflag:s20] =	ssyncset.done $0x0  }
0x1bc: {  	[sflag:s20] =	ssyncadd.s32 $0xFFFFC000  }
0x1bd: {  	_ =	swait.ge [sflag:s21], $0x4000  }
0x1be: {  	[sflag:s21] =	ssyncset.done $0x0  }
0x1bf: {  	[sflag:s21] =	ssyncadd.s32 $0xFFFFC000  }
0x1c0: {  	[tilespmem:s14], [sflag:$0x1] =	stream.indirect.gather [hbm4b:s12+s17], $0x80, s22, s17, $0xb8;
	[tilespmem:$0x1C800] =	vst v63  }
0x1c1: {  	_ = 	snop  }
0x1c2: {  	[spmem:s2] =	stream.indirect.scatter.add.f32 [tilespmem:s19], [sflag:$0x3], $0x80, s25, s17, $0xb8;
	[tilespmem:$0x1C800] =	vst v63  }
0x1c3: {  	_ =	swait.ge [sflag:s15], $0x4000  }
0x1c4: {  	[sflag:s15] =	ssyncset.done $0x0  }
0x1c5: {  	[sflag:s15] =	ssyncadd.s32 $0xFFFFC000  }
0x1c6: {  	_ =	swait.ge [sflag:s18], $0x4000  }
0x1c7: {  	[sflag:s18] =	ssyncset.done $0x0  }
0x1c8: {  	[sflag:s18] =	ssyncadd.s32 $0xFFFFC000  }
0x1c9: {  	[tilespmem:s19], [sflag:$0x2] =	stream.indirect.gather [hbm4b:s12+s17], $0x80, s26, s17, $0xb8;
	[tilespmem:$0x1C800] =	vst v63  }
0x1ca: {  	_ = 	snop  }
0x1cb: {  	[spmem:s2] =	stream.indirect.scatter.add.f32 [tilespmem:s14], [sflag:$0x4], $0x80, s28, s17, $0xb8;
	[tilespmem:$0x1C800] =	vst v63  }
0x1cc: {  	_ =	swait.ge [sflag:s20], $0x4000  }
0x1cd: {  	[sflag:s20] =	ssyncset.done $0x0  }
0x1ce: {  	[sflag:s20] =	ssyncadd.s32 $0xFFFFC000  }
0x1cf: {  	_ =	swait.ge [sflag:s21], $0x4000  }
0x1d0: {  	[sflag:s21] =	ssyncset.done $0x0  }
0x1d1: {  	[sflag:s21] =	ssyncadd.s32 $0xFFFFC000  }
0x1d2: {  	[tilespmem:s14], [sflag:$0x1] =	stream.indirect.gather [hbm4b:s12+s17], $0x80, s29, s17, $0xb8;
	[tilespmem:$0x1C800] =	vst v63  }
0x1d3: {  	_ = 	snop  }
0x1d4: {  	[spmem:s2] =	stream.indirect.scatter.add.f32 [tilespmem:s19], [sflag:$0x3], $0x80, s30, s17, $0xb8;
	[tilespmem:$0x1C800] =	vst v63  }
0x1d5: {  	_ =	swait.ge [sflag:s15], $0x4000  }
0x1d6: {  	[sflag:s15] =	ssyncset.done $0x0  }
0x1d7: {  	[sflag:s15] =	ssyncadd.s32 $0xFFFFC000  }
0x1d8: {  	_ =	swait.ge [sflag:s18], $0x4000  }
0x1d9: {  	[sflag:s18] =	ssyncset.done $0x0  }
0x1da: {  	[sflag:s18] =	ssyncadd.s32 $0xFFFFC000  }
0x1db: {  	[tilespmem:s19], [sflag:$0x2] =	stream.indirect.gather [hbm4b:s12+s17], $0x80, s31, s17, $0xb8;
	[tilespmem:$0x1C800] =	vst v63  }
0x1dc: {  	_ = 	snop  }
0x1dd: {  	[spmem:s2] =	stream.indirect.scatter.add.f32 [tilespmem:s14], [sflag:$0x4], $0x80, s0, s17, $0xb8;
	[tilespmem:$0x1C800] =	vst v63  }
0x1de: {  	_ =	swait.ge [sflag:s20], $0x4000  }
0x1df: {  	[sflag:s20] =	ssyncset.done $0x0  }
0x1e0: {  	[sflag:s20] =	ssyncadd.s32 $0xFFFFC000  }
0x1e1: {  	_ =	swait.ge [sflag:s21], $0x4000  }
0x1e2: {  	[sflag:s21] =	ssyncset.done $0x0  }
0x1e3: {  	[sflag:s21] =	ssyncadd.s32 $0xFFFFC000  }
0x1e4: {  	[tilespmem:s14], [sflag:$0x1] =	stream.indirect.gather [hbm4b:s12+s17], $0x80, s1, s17, $0xb8;
	[tilespmem:$0x1C800] =	vst v63  }
0x1e5: {  	_ = 	snop  }
0x1e6: {  	[spmem:s2] =	stream.indirect.scatter.add.f32 [tilespmem:s19], [sflag:$0x3], $0x80, s13, s17, $0xb8;
	[tilespmem:$0x1C800] =	vst v63  }
0x1e7: {  	_ =	swait.ge [sflag:s15], $0x4000  }
0x1e8: {  	[sflag:s15] =	ssyncset.done $0x0  }
0x1e9: {  	[sflag:s15] =	ssyncadd.s32 $0xFFFFC000  }
0x1ea: {  	_ =	swait.ge [sflag:s18], $0x4000  }
0x1eb: {  	[sflag:s18] =	ssyncset.done $0x0  }
0x1ec: {  	[sflag:s18] =	ssyncadd.s32 $0xFFFFC000  }
0x1ed: {  	[tilespmem:s19], [sflag:$0x2] =	stream.indirect.gather [hbm4b:s12+s17], $0x80, s23, s17, $0xb8;
	[tilespmem:$0x1C800] =	vst v63  }
0x1ee: {  	_ = 	snop  }
0x1ef: {  	[spmem:s2] =	stream.indirect.scatter.add.f32 [tilespmem:s14], [sflag:$0x4], $0x80, s24, s17, $0xb8;
	[tilespmem:$0x1C800] =	vst v63  }
0x1f0: {  	_ =	swait.ge [sflag:s20], $0x4000  }
0x1f1: {  	[sflag:s20] =	ssyncset.done $0x0  }
0x1f2: {  	[sflag:s20] =	ssyncadd.s32 $0xFFFFC000  }
0x1f3: {  	_ =	swait.ge [sflag:s21], $0x4000  }
.Ltmp3:
0x1f4: {  	[sflag:s21] =	ssyncset.done $0x0;
	(pc) =	sbr.rel @p0 .LBB2_8-.Ltmp3, $4  }
0x1f5: {  	[sflag:s21] =	ssyncadd.s32 $0xFFFFC000  }
0x1f6: {  	[spmem:s2] =	stream.indirect.scatter.add.f32 [tilespmem:s19], [sflag:$0x3], $0x80, s5, s17, $0xb8;
	[tilespmem:$0x1C800] =	vst v63  }
0x1f7: {  	_ =	swait.ge [sflag:s15], $0x4000  }
0x1f8: {  	s7 =	smov.u32 s8;
	[sflag:s15] =	ssyncset.done $0x0  }
0x1f9: {  	s6 =	sadd.s32 s4, s9;
	[sflag:s15] =	ssyncadd.s32 $0xFFFFC000  }
0x1fa: {  	[tilespmem:s3], [sflag:$0x3] =	stream.linear.gather [hbm4b:s6+s3], $0x400, $0x38;
	[tilespmem:$0x1C800] =	vst v63  }
0x1fb: {  	_ =	swait.ge [sflag:s15], $0x400  }
0x1fc: {  	[sflag:s15] =	ssyncset.done $0x0  }
0x1fd: {  	s8 =	sadd.s32 s4, s10;
	[sflag:s15] =	ssyncadd.s32 $0xFFFFFC00  }
0x1fe: {  	[tilespmem:s16], [sflag:$0x3] =	stream.linear.gather [hbm4b:s8+s3], $0x400, $0x38;
	[tilespmem:$0x1C800] =	vst v63  }
0x1ff: {  	_ =	swait.ge [sflag:s15], $0x400  }
0x200: {  	[sflag:s15] =	ssyncset.done $0x0  }
0x201: {  	[sflag:s15] =	ssyncadd.s32 $0xFFFFFC00  }
0x202: {  	[tilespmem:s14], [sflag:$0x1] =	stream.indirect.gather [hbm4b:s12+s17], $0x80, s3, s17, $0xb8;
	[tilespmem:$0x1C800] =	vst v63  }
0x203: {  	_ =	swait.ge [sflag:s18], $0x4000  }
0x204: {  	[sflag:s18] =	ssyncset.done $0x0  }
0x205: {  	[sflag:s18] =	ssyncadd.s32 $0xFFFFC000  }
0x206: {  	[tilespmem:s19], [sflag:$0x2] =	stream.indirect.gather [hbm4b:s12+s17], $0x80, s17, s17, $0xb8;
	[tilespmem:$0x1C800] =	vst v63  }
0x207: {  	_ = 	snop  }
0x208: {  	[spmem:s2] =	stream.indirect.scatter.add.f32 [tilespmem:s14], [sflag:$0x4], $0x80, s16, s17, $0xb8;
	[tilespmem:$0x1C800] =	vst v63  }
0x209: {  	_ =	swait.ge [sflag:s20], $0x4000  }
0x20a: {  	[sflag:s20] =	ssyncset.done $0x0  }
0x20b: {  	[sflag:s20] =	ssyncadd.s32 $0xFFFFC000  }
0x20c: {  	_ =	swait.ge [sflag:s21], $0x4000  }
0x20d: {  	[sflag:s21] =	ssyncset.done $0x0  }
0x20e: {  	[sflag:s21] =	ssyncadd.s32 $0xFFFFC000  }
0x20f: {  	[tilespmem:s14], [sflag:$0x1] =	stream.indirect.gather [hbm4b:s12+s17], $0x80, s22, s17, $0xb8;
	[tilespmem:$0x1C800] =	vst v63  }
0x210: {  	_ = 	snop  }
0x211: {  	[spmem:s2] =	stream.indirect.scatter.add.f32 [tilespmem:s19], [sflag:$0x3], $0x80, s25, s17, $0xb8;
	[tilespmem:$0x1C800] =	vst v63  }
0x212: {  	_ =	swait.ge [sflag:s15], $0x4000  }
0x213: {  	[sflag:s15] =	ssyncset.done $0x0  }
0x214: {  	[sflag:s15] =	ssyncadd.s32 $0xFFFFC000  }
0x215: {  	_ =	swait.ge [sflag:s18], $0x4000  }
0x216: {  	[sflag:s18] =	ssyncset.done $0x0  }
0x217: {  	[sflag:s18] =	ssyncadd.s32 $0xFFFFC000  }
0x218: {  	[tilespmem:s19], [sflag:$0x2] =	stream.indirect.gather [hbm4b:s12+s17], $0x80, s26, s17, $0xb8;
	[tilespmem:$0x1C800] =	vst v63  }
0x219: {  	_ = 	snop  }
0x21a: {  	[spmem:s2] =	stream.indirect.scatter.add.f32 [tilespmem:s14], [sflag:$0x4], $0x80, s28, s17, $0xb8;
	[tilespmem:$0x1C800] =	vst v63  }
0x21b: {  	_ =	swait.ge [sflag:s20], $0x4000  }
0x21c: {  	[sflag:s20] =	ssyncset.done $0x0  }
0x21d: {  	[sflag:s20] =	ssyncadd.s32 $0xFFFFC000  }
0x21e: {  	_ =	swait.ge [sflag:s21], $0x4000  }
0x21f: {  	[sflag:s21] =	ssyncset.done $0x0  }
0x220: {  	[sflag:s21] =	ssyncadd.s32 $0xFFFFC000  }
0x221: {  	[tilespmem:s14], [sflag:$0x1] =	stream.indirect.gather [hbm4b:s12+s17], $0x80, s29, s17, $0xb8;
	[tilespmem:$0x1C800] =	vst v63  }
0x222: {  	_ = 	snop  }
0x223: {  	[spmem:s2] =	stream.indirect.scatter.add.f32 [tilespmem:s19], [sflag:$0x3], $0x80, s30, s17, $0xb8;
	[tilespmem:$0x1C800] =	vst v63  }
0x224: {  	_ =	swait.ge [sflag:s15], $0x4000  }
0x225: {  	[sflag:s15] =	ssyncset.done $0x0  }
0x226: {  	[sflag:s15] =	ssyncadd.s32 $0xFFFFC000  }
0x227: {  	_ =	swait.ge [sflag:s18], $0x4000  }
0x228: {  	[sflag:s18] =	ssyncset.done $0x0  }
0x229: {  	[sflag:s18] =	ssyncadd.s32 $0xFFFFC000  }
0x22a: {  	[tilespmem:s19], [sflag:$0x2] =	stream.indirect.gather [hbm4b:s12+s17], $0x80, s31, s17, $0xb8;
	[tilespmem:$0x1C800] =	vst v63  }
0x22b: {  	_ = 	snop  }
0x22c: {  	[spmem:s2] =	stream.indirect.scatter.add.f32 [tilespmem:s14], [sflag:$0x4], $0x80, s0, s17, $0xb8;
	[tilespmem:$0x1C800] =	vst v63  }
0x22d: {  	_ =	swait.ge [sflag:s20], $0x4000  }
0x22e: {  	[sflag:s20] =	ssyncset.done $0x0  }
0x22f: {  	[sflag:s20] =	ssyncadd.s32 $0xFFFFC000  }
0x230: {  	_ =	swait.ge [sflag:s21], $0x4000  }
0x231: {  	[sflag:s21] =	ssyncset.done $0x0  }
0x232: {  	[sflag:s21] =	ssyncadd.s32 $0xFFFFC000  }
0x233: {  	[tilespmem:s14], [sflag:$0x1] =	stream.indirect.gather [hbm4b:s12+s17], $0x80, s1, s17, $0xb8;
	[tilespmem:$0x1C800] =	vst v63  }
0x234: {  	_ = 	snop  }
0x235: {  	[spmem:s2] =	stream.indirect.scatter.add.f32 [tilespmem:s19], [sflag:$0x3], $0x80, s13, s17, $0xb8;
	[tilespmem:$0x1C800] =	vst v63  }
0x236: {  	_ =	swait.ge [sflag:s15], $0x4000  }
0x237: {  	[sflag:s15] =	ssyncset.done $0x0  }
0x238: {  	[sflag:s15] =	ssyncadd.s32 $0xFFFFC000  }
0x239: {  	_ =	swait.ge [sflag:s18], $0x4000  }
0x23a: {  	[sflag:s18] =	ssyncset.done $0x0  }
0x23b: {  	[sflag:s18] =	ssyncadd.s32 $0xFFFFC000  }
0x23c: {  	[tilespmem:s19], [sflag:$0x2] =	stream.indirect.gather [hbm4b:s12+s17], $0x80, s23, s17, $0xb8;
	[tilespmem:$0x1C800] =	vst v63  }
0x23d: {  	_ = 	snop  }
0x23e: {  	[spmem:s2] =	stream.indirect.scatter.add.f32 [tilespmem:s14], [sflag:$0x4], $0x80, s24, s17, $0xb8;
	[tilespmem:$0x1C800] =	vst v63  }
0x23f: {  	_ =	swait.ge [sflag:s20], $0x4000  }
0x240: {  	[sflag:s20] =	ssyncset.done $0x0  }
0x241: {  	[sflag:s20] =	ssyncadd.s32 $0xFFFFC000  }
0x242: {  	_ =	swait.ge [sflag:s21], $0x4000  }
0x243: {  	[sflag:s21] =	ssyncset.done $0x0  }
0x244: {  	[sflag:s21] =	ssyncadd.s32 $0xFFFFC000  }
0x245: {  	[spmem:s2] =	stream.indirect.scatter.add.f32 [tilespmem:s19], [sflag:$0x3], $0x80, s5, s17, $0xb8;
	[tilespmem:$0x1C800] =	vst v63  }
0x246: {  	_ =	swait.ge [sflag:s15], $0x4000  }
0x247: {  	[sflag:s15] =	ssyncset.done $0x0  }
0x248: {  	[sflag:s15] =	ssyncadd.s32 $0xFFFFC000  }
0x249: {  	[bflag:$0x0] =	sbarrier.arrive $0xFFFF  }
0x24a: {  	s6 =	rddreg [dreg:$0xc]  }
0x24b: {  	s8 =	rddreg [dreg:$0xe]  }
0x24c: {  	s7 =	rddreg [dreg:$0xf]  }
0x24d: {  	[hbm:s6], [sflag:s8] =	dma.local [spmem:s7], $0x2800  }
0x24e: {  	_ =	swait.ge [sflag:s15], $0x2800  }
0x24f: {  	s7 =	rddreg [dreg:$0xd]  }
0x250: {  	s8 =	rddreg [dreg:$0xa];
	s6 =	sadd.s32 $0x1, s7  }
0x251: {  	p0 =	sne.s32 s6, s8  }
.Ltmp4:
0x252: {  	_ = 	snop;
	(pc) =	sbr.rel @p0 .LBB2_1-.Ltmp4, $3  }
0x253: {  	_ =	sdelay $0x1  }
0x254: {  	[sflag:s15] =	ssyncset.done $0x0  }
0x255: {  	[sflag:s15] =	ssyncadd.s32 $0xFFFFD800  }
0x256: {  	_ =	sfence.sel $0x180000  }
0x257: {  	[bflag:$0x0] =	sbarrier.arrive $0xFFFF  }
0x258: {  	_ =	strace $0x9000004A  }
0x259: {  	s0 =	stileid.u32;
	[bflag:$0x2] =	sbarrier.arrive $0xFFFF  }
0x25a: {  	p0 =	sne.s32 s0, $0x0;
	s0 =	rddreg [dreg:$0x4]  }
0x25b: {  	s0 =	sadd.s32 @!p0 $0x100000, s0  }
0x25c: {  	[sflag:s0] =	ssyncadd.tile.s32 @!p0 $0x1;
	_ =	shalt  }
.Lfunc_end2:
_tile_overlayer_lowered:
.L_overlay_start_2:
0x25d: {  	(tag) =	ssettag $0x2  }
0x25e: {  	s0 =	rddreg [dreg:$0x0];
	s2 =	stileid.u32  }
0x25f: {  	s1 =	rddreg [dreg:$0x1];
	p0 =	sne.s32 s2, $0x0  }
0x260: {  	s3 =	rddreg [dreg:$0x2];
	[bflag:$0x3] =	sbarrier.arrive $0xFFFF;
	s2 =	simm.s32 @!p0 $0x1C03  }
0x261: {  	[timem:s3], [sflag:s2] =	dma.local @!p0 [hbm:s0], s1  }
0x262: {  	s0 =	simm.s32 @!p0 $0x3  }
0x263: {  	_ =	swait.ge @!p0 [sflag:s0], s1  }
0x264: {  	s1 =	ssub.s32 @!p0 $0x0, s1;
	[sflag:s0] =	ssyncset.done @!p0 $0x0  }
0x265: {  	[sflag:s0] =	ssyncadd.s32 @!p0 s1  }
0x266: {  	[bflag:$0x3] =	sbarrier.arrive $0xFFFF  }
0x267: {  	_ =	shalt  }

// kernel: kernel.15.cloned.1.call-start
scs
__scs_entry_jumppad:
0x0: {  	(pc) =	sbr.rel $0x88, $3  }
0x1: {  	(tag) =	ssettag $0x0;
	lr =	simm.s32 $0x1  }
0x2: {  	[smem:$0x3F9A] =	sst lr;
	_ =	strace $0xD0000000  }
0x3: {  	_ = 	snop  }
0x4: {  	_ = 	snop  }
0x5: {  	_ = 	snop  }
0x6: {  	_ = 	snop  }
0x7: {  	_ = 	snop  }
__scs_overlays_trampoline_lowered:
0x8: {  	[smem:$0x3FA9] =	sst s0  }
0x9: {  	[smem:$0x3FAA] =	sst s1  }
0xa: {  	[smem:$0x3FAB] =	sst s2  }
0xb: {  	[smem:$0x3FAC] =	sst s3  }
0xc: {  	[smem:$0x3FAD] =	sst s4  }
0xd: {  	[smem:$0x3FAE] =	sst s5  }
0xe: {  	[smem:$0x3FAF] =	sst s6  }
0xf: {  	[smem:$0x3FB0] =	sst s7  }
0x10: {  	[smem:$0x3FB1] =	sst s8  }
0x11: {  	[smem:$0x3FB2] =	sst s9;
	s0 =	simm.s32 @!p0 $0x0  }
0x12: {  	s1 =	sld [smem:$0x3F98];
	s0 =	simm.s32 @p0 $0x1  }
0x13: {  	[smem:$0x3FB3] =	sst s0;
	s0 =	simm.s32 @!p1 $0x0  }
0x14: {  	s2 =	sld [smem:$0x3F97];
	s0 =	simm.s32 @p1 $0x1  }
0x15: {  	[smem:$0x3FB4] =	sst s0;
	s0 =	simm.s32 @!p2 $0x0  }
0x16: {  	s3 =	sld [smem:$0x3FDB];
	s0 =	simm.s32 @p2 $0x1  }
0x17: {  	s4 =	simm.s32 $0x1BF5;
	[smem:$0x3FB6] =	sst s0  }
0x18: {  	s0 =	sld [smem:$0x3F99];
	_ =	swait.ge [sflag:s4], $0x0  }
0x19: {  	s7 =	sld [smem:$0x3F9A]  }
0x1a: {  	s8 =	sadd.s32 $0xFFFFE003, lr  }
0x1b: {  	s9 =	sadd.s32 $0xFFFFFEF7, lr;
	s5 =	simm.s32 $0xFFFFFFFF;
	p2 =	slt.u32 s8, $0xFFFFF086  }
0x1c: {  	p1 =	slt.u32 s9, $0xF7A;
	s5 =	simm.s32 @!p2 $0x0  }
0x1d: {  	s5 =	simm.s32 @p1 $0x1;
	p0 =	seq.s32 s7, s2  }
0x1e: {  	s7 =	smul.u32 @!p0 $0xF7A, s2;
	p2 =	seq.s32 @!p0 s5, $0x0  }
0x1f: {  	s9 =	smul.u32 $0xF7A, s1;
	s8 =	simm.s32 @!p0 $0x1BF5;
	p2 =	por !p2, p0  }
0x20: {  	[sflag:s8] =	ssyncset.s32 @!p0 $0xFFFFF086;
	s6 =	sadd.s32 @!p0 s3, s7;
	s7 =	simm.s32 @!p0 $0x108  }
0x21: {  	s3 =	sadd.s32 s3, s9;
	s6 =	sadd.s32 @!p0 $0x88, s6;
	s7 =	simm.s32 @p2 $0x1082  }
0x22: {  	[simem:s7], [sflag:s8] =	dma.local @!p0 [hbm:s6], $0xF7A  }
0x23: {  	s9 =	sor.u32 $0xD0000000, s2;
	s6 =	simm.s32 $0x108;
	_ =	swait.ge @!p0 [sflag:s8], $0x0  }
0x24: {  	s3 =	sadd.s32 $0x88, s3;
	s6 =	simm.s32 @!p1 $0x1082;
	[sflag:s4] =	ssyncset.s32 $0xFFFFF086  }
0x25: {  	[simem:s6], [sflag:s4] =	dma.local [hbm:s3], $0xF7A  }
0x26: {  	[smem:$0x3F9A] =	sst s1;
	(tag) =	ssettag s2;
	_ =	strace s9  }
0x27: {  	s1 =	sld [smem:$0x3FAA]  }
0x28: {  	s2 =	sld [smem:$0x3FAB]  }
0x29: {  	s4 =	sld [smem:$0x3FAD]  }
0x2a: {  	p0 =	seq.s32 s5, $0x0;
	s5 =	sld [smem:$0x3FAE]  }
0x2b: {  	s6 =	sld [smem:$0x3FAF]  }
0x2c: {  	s7 =	sld [smem:$0x3FB0]  }
0x2d: {  	s3 =	simm.s32 $0x108;
	s8 =	sld [smem:$0x3FB1]  }
0x2e: {  	s3 =	simm.s32 @!p0 $0x1082;
	s9 =	sld [smem:$0x3FB2]  }
0x2f: {  	lr =	sadd.s32 s0, s3;
	s0 =	sld [smem:$0x3FA9]  }
0x30: {  	s3 =	sld [smem:$0x3FAC]  }
0x31: {  	[smem:$0x3FB5] =	sst s10  }
0x32: {  	s10 =	sld [smem:$0x3FB3];
	_ =	sdelay $0x3  }
0x33: {  	p0 =	seq.s32 s10, $0x1;
	s10 =	sld [smem:$0x3FB5];
	_ =	sdelay $0x3  }
0x34: {  	[smem:$0x3FB5] =	sst s10  }
0x35: {  	s10 =	sld [smem:$0x3FB4];
	_ =	sdelay $0x3  }
0x36: {  	p1 =	seq.s32 s10, $0x1;
	s10 =	sld [smem:$0x3FB5];
	_ =	sdelay $0x3  }
0x37: {  	[smem:$0x3FB5] =	sst s10  }
0x38: {  	s10 =	sld [smem:$0x3FB6]  }
0x39: {  	_ = 	snop;
	(pc) =	sbr.ind lr, $3  }
0x3a: {  	_ = 	snop  }
0x3b: {  	_ = 	snop  }
0x3c: {  	p2 =	seq.s32 s10, $0x1;
	s10 =	sld [smem:$0x3FB5]  }
0x3d: {  	_ =	shalt  }
0x3e: {  	_ =	shalt  }
0x3f: {  	_ =	shalt  }
0x40: {  	_ =	shalt  }
0x41: {  	_ =	shalt  }
0x42: {  	_ =	shalt  }
0x43: {  	_ =	shalt  }
0x44: {  	_ =	shalt  }
0x45: {  	_ =	shalt  }
0x46: {  	_ =	shalt  }
0x47: {  	_ =	shalt  }
0x48: {  	_ =	shalt  }
0x49: {  	_ =	shalt  }
0x4a: {  	_ =	shalt  }
0x4b: {  	_ =	shalt  }
0x4c: {  	_ =	shalt  }
0x4d: {  	_ =	shalt  }
0x4e: {  	_ =	shalt  }
0x4f: {  	_ =	shalt  }
0x50: {  	_ =	shalt  }
0x51: {  	_ =	shalt  }
0x52: {  	_ =	shalt  }
0x53: {  	_ =	shalt  }
0x54: {  	_ =	shalt  }
0x55: {  	_ =	shalt  }
0x56: {  	_ =	shalt  }
0x57: {  	_ =	shalt  }
0x58: {  	_ =	shalt  }
0x59: {  	_ =	shalt  }
0x5a: {  	_ =	shalt  }
0x5b: {  	_ =	shalt  }
0x5c: {  	_ =	shalt  }
0x5d: {  	_ =	shalt  }
0x5e: {  	_ =	shalt  }
0x5f: {  	_ =	shalt  }
0x60: {  	_ =	shalt  }
0x61: {  	_ =	shalt  }
0x62: {  	_ =	shalt  }
0x63: {  	_ =	shalt  }
0x64: {  	_ =	shalt  }
0x65: {  	_ =	shalt  }
0x66: {  	_ =	shalt  }
0x67: {  	_ =	shalt  }
0x68: {  	_ =	shalt  }
0x69: {  	_ =	shalt  }
0x6a: {  	_ =	shalt  }
0x6b: {  	_ =	shalt  }
0x6c: {  	_ =	shalt  }
0x6d: {  	_ =	shalt  }
0x6e: {  	_ =	shalt  }
0x6f: {  	_ =	shalt  }
0x70: {  	_ =	shalt  }
0x71: {  	_ =	shalt  }
0x72: {  	_ =	shalt  }
0x73: {  	_ =	shalt  }
0x74: {  	_ =	shalt  }
0x75: {  	_ =	shalt  }
0x76: {  	_ =	shalt  }
0x77: {  	_ =	shalt  }
0x78: {  	_ =	shalt  }
0x79: {  	_ =	shalt  }
0x7a: {  	_ =	shalt  }
0x7b: {  	_ =	shalt  }
0x7c: {  	_ =	shalt  }
0x7d: {  	_ =	shalt  }
0x7e: {  	_ =	shalt  }
0x7f: {  	_ =	shalt  }
0x80: {  	_ =	shalt  }
0x81: {  	_ =	shalt  }
0x82: {  	_ =	shalt  }
0x83: {  	_ =	shalt  }
0x84: {  	_ =	shalt  }
0x85: {  	_ =	shalt  }
0x86: {  	_ =	shalt  }
0x87: {  	_ =	shalt  }
.Lfunc_end0:
.L_simem_size_0:
called_computation.2_lowered:
.L_overlay_start_0:
0x88: {  	s2 =	sld [smem:$0x3FD9]  }
0x89: {  	s3 =	sld [smem:$0x3FFE];
	_ =	sdelay $0x1  }
0x8a: {  	s1 =	srdreg.scid  }
0x8b: {  	s0 =	sand.u32 $0x1, s1  }
0x8c: {  	s14 =	sshll.u32 s0, $0xA;
	s2 =	sadd.s32 s3, s2  }
0x8d: {  	s2 =	sadd.s32 s2, s14  }
0x8e: {  	[smem:$0x3FC1] =	sst s2  }
0x8f: {  	_ = 	snop  }
0x90: {  	s2 =	sld [smem:$0x3FD0];
	_ =	sdelay $0x2  }
0x91: {  	s15 =	simm.s32 $0xA;
	s4 =	simm.s32 $0x10  }
0x92: {  	[smem:s4], [sflag:s15] =	dma.local [hbm:s2], $0x1  }
0x93: {  	_ =	swait.eq [sflag:s15], $0x1  }
0x94: {  	[sflag:s15] =	ssyncset.done $0x0  }
0x95: {  	s16 =	sld [smem:$0x11];
	[sflag:s15] =	ssyncadd.s32 $0xFFFFFFFF  }
0x96: {  	s17 =	sld [smem:$0x13];
	(tm) =	ssettm $0x1  }
0x97: {  	s18 =	sld [smem:$0x3FFB];
	_ =	sdelay $0x3  }
0x98: {  	_ =	strace s18  }
0x99: {  	s4 =	sld [smem:$0x3FFC];
	_ =	sdelay $0x3  }
0x9a: {  	_ =	strace s4  }
0x9b: {  	s4 =	sld [smem:$0x3FFD];
	_ =	sdelay $0x3  }
0x9c: {  	_ =	strace s4  }
0x9d: {  	_ =	strace $0x8FFFFFFF  }
0x9e: {  	s19 =	sld [smem:$0x3FDB];
	_ =	sdelay $0x1  }
0x9f: {  	s5 =	simm.s32 $_scs_section_size  }
0xa0: {  	s6 =	simm.s32 $_size__tile_overlayer_lowered;
	s7 =	simm.s32 $_tile_overlayer_lowered  }
0xa1: {  	s22 =	simm.s32 $0x1BFF;
	s21 =	sshll.u32 s7, $0x1;
	s4 =	sadd.s32 s5, s19  }
0xa2: {  	s8 =	simm.s32 $0x0;
	s20 =	sshll.u32 s6, $0x1;
	s6 =	sadd.s32 s21, s4  }
0xa3: {  	[timem:s8], [sflag:s22] =	dma.local [hbm:s6], s20  }
0xa4: {  	_ =	swait.ge [sflag:s22], s20  }
0xa5: {  	s5 =	ssub.s32 $0x0, s20;
	[sflag:s22] =	ssyncset.done $0x0  }
0xa6: {  	[sflag:s22] =	ssyncadd.s32 s5;
	_ =	sdelay $0x1  }
0xa7: {  	s23 =	simm.s32 $0x1B8B  }
0xa8: {  	_ =	swait.ge [sflag:s23], $0x1  }
0xa9: {  	[sflag:s23] =	ssyncset.done $0x0  }
0xaa: {  	s25 =	simm.s32 $0x1B8E;
	s24 =	sld [smem:$0x3FFE];
	[sflag:s23] =	ssyncadd.s32 $0xFFFFFFFF  }
0xab: {  	s26 =	simm.s32 $execute0_lowered;
	[smem:$0x3FD2] =	sst s25  }
0xac: {  	s6 =	sshll.u32 s26, $0x1;
	_ =	strace $0x8000004C;
	[dreg:$0x1] =	wrdreg $0xFFFFFFFF  }
0xad: {  	s28 =	simm.s32 $_size_execute0_lowered;
	s4 =	sadd.s32 s4, s6;
	[dreg:$0x0] =	wrdreg $0x0  }
0xae: {  	s6 =	sshll.u32 s28, $0x1;
	[dreg:$0x2] =	wrdreg s4  }
0xaf: {  	[dreg:$0x3] =	wrdreg s6  }
0xb0: {  	[dreg:$0x4] =	wrdreg $0xC0  }
0xb1: {  	_ =	task [dreg:s8], $0x5FFFF  }
0xb2: {  	[dreg:$0x1] =	wrdreg $0xFFFFFFFF  }
0xb3: {  	[dreg:$0x0] =	wrdreg $0x60  }
0xb4: {  	[dreg:$0x2] =	wrdreg s24  }
0xb5: {  	[dreg:$0x3] =	wrdreg s16  }
0xb6: {  	[dreg:$0x4] =	wrdreg s17  }
0xb7: {  	[dreg:$0x5] =	wrdreg $0x88000  }
0xb8: {  	[dreg:$0x6] =	wrdreg $0x9  }
0xb9: {  	_ =	task.clear_ibuf [dreg:s8], $0x7FFFF;
	_ =	strace $0x9000004C  }
0xba: {  	s29 =	simm.s32 $0x9;
	_ =	strace $0x8000004E  }
0xbb: {  	_ =	swait.ge [sflag:s29], $0x1  }
0xbc: {  	[sflag:s29] =	ssyncadd.s32 $0xFFFFFFFF  }
0xbd: {  	_ =	strace $0x9000004E  }
0xbe: {  	_ =	sfence  }
0xbf: {  	s30 =	sld [smem:$0x0];
	_ =	sdelay $0x2  }
0xc0: {  	s31 =	sshll.u32 s1, $0xD;
	s1 =	sshrl.u32 s1, $0x2  }
0xc1: {  	s3 =	sand.u32 $0x4000, s31;
	s1 =	sadd.s32 s1, s30  }
0xc2: {  	s0 =	sor.u32 s3, s0;
	s1 =	sshll.u32 s1, $0x11  }
0xc3: {  	s0 =	sor.u32 s1, s0  }
0xc4: {  	s0 =	sadd.s32 $0x8F2B, s0  }
0xc5: {  	[sflag:s0] =	ssyncadd.remote.s32 $0x1  }
0xc6: {  	_ =	sfence.sel $0xFFFF  }
0xc7: {  	[dreg:$0x0] =	wrdreg $0xFFFFFFFF;
	(pc) =	sbr.abs _section_cstart, $3  }
0xc8: {  	[dreg:$0x1] =	wrdreg $0xFFFFFFFF  }
0xc9: {  	_ =	task.clear_ibuf [dreg:s8], $0x2FFFF;
	_ =	strace $0x9FFFFFFF  }
0xca: {  	(tm) =	ssettm $0x7FFFFFFF  }
0xcb: {  	_ =	shalt  }
tec
execute0_lowered:
.L_overlay_start_1:
0x0: {  	(tag) =	ssettag $0x1  }
0x1: {  	s0 =	rddreg [dreg:$0x0]  }
0x2: {  	s3 =	rddreg [dreg:$0x1]  }
0x3: {  	s6 =	rddreg [dreg:$0x2]  }
0x4: {  	s1 =	rddreg [dreg:$0x3]  }
0x5: {  	s2 =	simm.s32 $0x0;
	s4 =	srdreg.scid;
	s12 =	stileid.u32  }
0x6: {  	s13 =	simm.s32 $0x800;
	s14 =	simm.s32 $0x3;
	s15 =	simm.s32 $0x400  }
0x7: {  	s16 =	simm.s32 $0x80;
	s17 =	simm.s32 $0x1;
	s28 =	simm.s32 $0x580  }
0x8: {  	s29 =	simm.s32 $0x280;
	s30 =	simm.s32 $0x600;
	s8 =	smul.u32 $0x50000, s12  }
0x9: {  	s31 =	simm.s32 $0x300;
	s5 =	sand.u32 $0x1, s4;
	s25 =	smul.u32 $0x2800, s12  }
0xa: {  	[smem:$0x7FF] =	sst s2;
	s4 =	sadd.s32 $0x1600, s0;
	s7 =	smul.u32 $0x28000, s5  }
0xb: {  	_ =	strace $0x8000004D;
	s18 =	sshll.u32 s5, $0x4;
	s9 =	ssub.s32 $0x2, s5  }
0xc: {  	s19 =	sshrl.u32 s8, $0x2;
	s20 =	sshrl.u32 s9, $0x1;
	s0 =	sadd.s32 s7, s0  }
0xd: {  	s7 =	sor.u32 s12, s18;
	s24 =	sadd.s32 s19, s1;
	s8 =	ssub.s32 s9, s20  }
0xe: {  	s18 =	simm.s32 $0x4800;
	s5 =	sadd.s32 $0x4000, s24;
	[dreg:$0x5] =	wrdreg s24  }
0xf: {  	s19 =	simm.s32 $0x4;
	s21 =	sadd.s32 $0x8000, s24;
	[dreg:$0x6] =	wrdreg s5  }
0x10: {  	s20 =	simm.s32 $0x2;
	s22 =	sadd.s32 $0xC000, s24;
	[dreg:$0x7] =	wrdreg s21  }
0x11: {  	s7 =	smul.u32 $0x280, s7;
	s23 =	sadd.s32 $0x10000, s24;
	[dreg:$0x8] =	wrdreg s22  }
0x12: {  	s0 =	sadd.s32 $0x29600, s0;
	s26 =	smax.u32 s8, $0x1;
	[dreg:$0x9] =	wrdreg s23  }
0x13: {  	s8 =	simm.s32 $0x0;
	[dreg:$0xa] =	wrdreg s26;
	s21 =	simm.s32 $0x100  }
0x14: {  	s22 =	simm.s32 $0x480;
	s23 =	simm.s32 $0x180;
	s0 =	sadd.s32 s25, s0  }
0x15: {  	s25 =	simm.s32 $0x500;
	s26 =	simm.s32 $0x200;
	s10 =	sadd.s32 s3, s7  }
0x16: {  	s11 =	sadd.s32 s6, s7;
	[dreg:$0xb] =	wrdreg s0;
	s0 =	simm.s32 $0x680  }
0x17: {  	v0 =	vimm.f32 $0.0e+00;
	s3 =	simm.s32 $0x380;
	s6 =	simm.s32 $0x700;
	s7 =	simm.s32 $0x780  }
.LBB2_1:
0x18: {  	s9 =	simm.s32 $0x0;
	s12 =	simm.s32 $0x200  }
.LBB2_2:
0x19: {  	p0 =	sne.s32 s12, $0xFE00;
	[tilespmem:s9+$0x870] =	vst v0  }
0x1a: {  	[tilespmem:s9+$0x800] =	vst v0  }
0x1b: {  	[tilespmem:s9+$0x810] =	vst v0  }
.Ltmp0:
0x1c: {  	[tilespmem:s9+$0x820] =	vst v0;
	(pc) =	sbr.rel @p0 .LBB2_2-.Ltmp0, $4  }
0x1d: {  	[tilespmem:s9+$0x830] =	vst v0  }
0x1e: {  	[tilespmem:s9+$0x840] =	vst v0  }
0x1f: {  	[tilespmem:s9+$0x850] =	vst v0  }
0x20: {  	[tilespmem:s9+$0x860] =	vst v0;
	s9 =	sshra.s32 s12, $0x2;
	s12 =	sadd.s32 $0x200, s12  }
0x21: {  	[tilespmem:s9+$0x870] =	vst v0  }
0x22: {  	[tilespmem:s9+$0x800] =	vst v0  }
0x23: {  	[tilespmem:s9+$0x810] =	vst v0  }
0x24: {  	[tilespmem:s9+$0x820] =	vst v0  }
0x25: {  	[tilespmem:s9+$0x830] =	vst v0  }
0x26: {  	[tilespmem:s9+$0x840] =	vst v0  }
0x27: {  	[tilespmem:s9+$0x850] =	vst v0  }
0x28: {  	[dreg:$0xc] =	wrdreg s8;
	[tilespmem:s9+$0x860] =	vst v0  }
0x29: {  	[spmem:s24] =	stream.linear.scatter [tilespmem:s13], [sflag:$0x3], $0x4000, $0x38;
	[tilespmem:$0x1C800] =	vst v63  }
0x2a: {  	_ =	swait.ge [sflag:s14], $0x4000  }
0x2b: {  	[sflag:s14] =	ssyncset.done $0x0  }
0x2c: {  	s5 =	rddreg [dreg:$0x6];
	[sflag:s14] =	ssyncadd.s32 $0xFFFFC000  }
0x2d: {  	[spmem:s5] =	stream.linear.scatter [tilespmem:s13], [sflag:$0x3], $0x4000, $0x38;
	[tilespmem:$0x1C800] =	vst v63  }
0x2e: {  	_ =	swait.ge [sflag:s14], $0x4000  }
0x2f: {  	[sflag:s14] =	ssyncset.done $0x0  }
0x30: {  	s24 =	rddreg [dreg:$0x7];
	[sflag:s14] =	ssyncadd.s32 $0xFFFFC000  }
0x31: {  	[spmem:s24] =	stream.linear.scatter [tilespmem:s13], [sflag:$0x3], $0x4000, $0x38;
	[tilespmem:$0x1C800] =	vst v63  }
0x32: {  	_ =	swait.ge [sflag:s14], $0x4000  }
0x33: {  	[sflag:s14] =	ssyncset.done $0x0  }
0x34: {  	s8 =	rddreg [dreg:$0x8];
	[sflag:s14] =	ssyncadd.s32 $0xFFFFC000  }
0x35: {  	[spmem:s8] =	stream.linear.scatter [tilespmem:s13], [sflag:$0x3], $0x4000, $0x38;
	[tilespmem:$0x1C800] =	vst v63  }
0x36: {  	_ =	swait.ge [sflag:s14], $0x4000  }
0x37: {  	[sflag:s14] =	ssyncset.done $0x0  }
0x38: {  	s9 =	rddreg [dreg:$0x9];
	[sflag:s14] =	ssyncadd.s32 $0xFFFFC000  }
0x39: {  	[spmem:s9] =	stream.linear.scatter [tilespmem:s13], [sflag:$0x3], $0x4000, $0x38;
	[tilespmem:$0x1C800] =	vst v63  }
0x3a: {  	_ =	swait.ge [sflag:s14], $0x4000  }
0x3b: {  	[sflag:s14] =	ssyncset.done $0x0  }
0x3c: {  	[sflag:s14] =	ssyncadd.s32 $0xFFFFC000  }
0x3d: {  	s12 =	sadd.s32 $0x0, s10;
	[bflag:$0x0] =	sbarrier.arrive $0xFFFF  }
0x3e: {  	[tilespmem:s2], [sflag:$0x3] =	stream.linear.gather [hbm4b:s12+s2], $0x400, $0x38;
	[tilespmem:$0x1C800] =	vst v63  }
0x3f: {  	_ =	swait.ge [sflag:s14], $0x400  }
0x40: {  	[sflag:s14] =	ssyncset.done $0x0  }
0x41: {  	s24 =	sadd.s32 $0x0, s11;
	[sflag:s14] =	ssyncadd.s32 $0xFFFFFC00  }
0x42: {  	[tilespmem:s15], [sflag:$0x3] =	stream.linear.gather [hbm4b:s24+s2], $0x400, $0x38;
	[tilespmem:$0x1C800] =	vst v63  }
0x43: {  	_ =	swait.ge [sflag:s14], $0x400  }
0x44: {  	[sflag:s14] =	ssyncset.done $0x0  }
0x45: {  	[sflag:s14] =	ssyncadd.s32 $0xFFFFFC00  }
0x46: {  	[tilespmem:s13], [sflag:$0x1] =	stream.indirect.gather [hbm4b:s4+s16], $0x80, s2, s16, $0xb8;
	[tilespmem:$0x1C800] =	vst v63  }
0x47: {  	_ =	swait.ge [sflag:s17], $0x4000  }
0x48: {  	[sflag:s17] =	ssyncset.done $0x0  }
0x49: {  	[sflag:s17] =	ssyncadd.s32 $0xFFFFC000  }
0x4a: {  	[tilespmem:s18], [sflag:$0x2] =	stream.indirect.gather [hbm4b:s4+s16], $0x80, s16, s16, $0xb8;
	[tilespmem:$0x1C800] =	vst v63  }
0x4b: {  	_ = 	snop  }
0x4c: {  	[spmem:s1] =	stream.indirect.scatter.add.f32 [tilespmem:s13], [sflag:$0x4], $0x80, s15, s16, $0xb8;
	[tilespmem:$0x1C800] =	vst v63  }
0x4d: {  	_ =	swait.ge [sflag:s19], $0x4000  }
0x4e: {  	[sflag:s19] =	ssyncset.done $0x0  }
0x4f: {  	[sflag:s19] =	ssyncadd.s32 $0xFFFFC000  }
0x50: {  	_ =	swait.ge [sflag:s20], $0x4000  }
0x51: {  	[sflag:s20] =	ssyncset.done $0x0  }
0x52: {  	[sflag:s20] =	ssyncadd.s32 $0xFFFFC000  }
0x53: {  	[tilespmem:s13], [sflag:$0x1] =	stream.indirect.gather [hbm4b:s4+s16], $0x80, s21, s16, $0xb8;
	[tilespmem:$0x1C800] =	vst v63  }
0x54: {  	_ = 	snop  }
0x55: {  	[spmem:s1] =	stream.indirect.scatter.add.f32 [tilespmem:s18], [sflag:$0x3], $0x80, s22, s16, $0xb8;
	[tilespmem:$0x1C800] =	vst v63  }
0x56: {  	_ =	swait.ge [sflag:s14], $0x4000  }
0x57: {  	[sflag:s14] =	ssyncset.done $0x0  }
0x58: {  	[sflag:s14] =	ssyncadd.s32 $0xFFFFC000  }
0x59: {  	_ =	swait.ge [sflag:s17], $0x4000  }
0x5a: {  	[sflag:s17] =	ssyncset.done $0x0  }
0x5b: {  	[sflag:s17] =	ssyncadd.s32 $0xFFFFC000  }
0x5c: {  	[tilespmem:s18], [sflag:$0x2] =	stream.indirect.gather [hbm4b:s4+s16], $0x80, s23, s16, $0xb8;
	[tilespmem:$0x1C800] =	vst v63  }
0x5d: {  	_ = 	snop  }
0x5e: {  	[spmem:s1] =	stream.indirect.scatter.add.f32 [tilespmem:s13], [sflag:$0x4], $0x80, s25, s16, $0xb8;
	[tilespmem:$0x1C800] =	vst v63  }
0x5f: {  	_ =	swait.ge [sflag:s19], $0x4000  }
0x60: {  	[sflag:s19] =	ssyncset.done $0x0  }
0x61: {  	[sflag:s19] =	ssyncadd.s32 $0xFFFFC000  }
0x62: {  	_ =	swait.ge [sflag:s20], $0x4000  }
0x63: {  	[sflag:s20] =	ssyncset.done $0x0  }
0x64: {  	[sflag:s20] =	ssyncadd.s32 $0xFFFFC000  }
0x65: {  	[tilespmem:s13], [sflag:$0x1] =	stream.indirect.gather [hbm4b:s4+s16], $0x80, s26, s16, $0xb8;
	[tilespmem:$0x1C800] =	vst v63  }
0x66: {  	_ = 	snop  }
0x67: {  	[spmem:s1] =	stream.indirect.scatter.add.f32 [tilespmem:s18], [sflag:$0x3], $0x80, s28, s16, $0xb8;
	[tilespmem:$0x1C800] =	vst v63  }
0x68: {  	_ =	swait.ge [sflag:s14], $0x4000  }
0x69: {  	[sflag:s14] =	ssyncset.done $0x0  }
0x6a: {  	[sflag:s14] =	ssyncadd.s32 $0xFFFFC000  }
0x6b: {  	_ =	swait.ge [sflag:s17], $0x4000  }
0x6c: {  	[sflag:s17] =	ssyncset.done $0x0  }
0x6d: {  	[sflag:s17] =	ssyncadd.s32 $0xFFFFC000  }
0x6e: {  	[tilespmem:s18], [sflag:$0x2] =	stream.indirect.gather [hbm4b:s4+s16], $0x80, s29, s16, $0xb8;
	[tilespmem:$0x1C800] =	vst v63  }
0x6f: {  	_ = 	snop  }
0x70: {  	[spmem:s1] =	stream.indirect.scatter.add.f32 [tilespmem:s13], [sflag:$0x4], $0x80, s30, s16, $0xb8;
	[tilespmem:$0x1C800] =	vst v63  }
0x71: {  	_ =	swait.ge [sflag:s19], $0x4000  }
0x72: {  	[sflag:s19] =	ssyncset.done $0x0  }
0x73: {  	[sflag:s19] =	ssyncadd.s32 $0xFFFFC000  }
0x74: {  	_ =	swait.ge [sflag:s20], $0x4000  }
0x75: {  	[sflag:s20] =	ssyncset.done $0x0  }
0x76: {  	[sflag:s20] =	ssyncadd.s32 $0xFFFFC000  }
0x77: {  	[tilespmem:s13], [sflag:$0x1] =	stream.indirect.gather [hbm4b:s4+s16], $0x80, s31, s16, $0xb8;
	[tilespmem:$0x1C800] =	vst v63  }
0x78: {  	_ = 	snop  }
0x79: {  	[spmem:s1] =	stream.indirect.scatter.add.f32 [tilespmem:s18], [sflag:$0x3], $0x80, s0, s16, $0xb8;
	[tilespmem:$0x1C800] =	vst v63  }
0x7a: {  	_ =	swait.ge [sflag:s14], $0x4000  }
0x7b: {  	[sflag:s14] =	ssyncset.done $0x0  }
0x7c: {  	[sflag:s14] =	ssyncadd.s32 $0xFFFFC000  }
0x7d: {  	_ =	swait.ge [sflag:s17], $0x4000  }
0x7e: {  	[sflag:s17] =	ssyncset.done $0x0  }
0x7f: {  	[sflag:s17] =	ssyncadd.s32 $0xFFFFC000  }
0x80: {  	[tilespmem:s18], [sflag:$0x2] =	stream.indirect.gather [hbm4b:s4+s16], $0x80, s3, s16, $0xb8;
	[tilespmem:$0x1C800] =	vst v63  }
0x81: {  	_ = 	snop  }
0x82: {  	[spmem:s1] =	stream.indirect.scatter.add.f32 [tilespmem:s13], [sflag:$0x4], $0x80, s6, s16, $0xb8;
	[tilespmem:$0x1C800] =	vst v63  }
0x83: {  	_ =	swait.ge [sflag:s19], $0x4000  }
0x84: {  	[sflag:s19] =	ssyncset.done $0x0  }
0x85: {  	[sflag:s19] =	ssyncadd.s32 $0xFFFFC000  }
0x86: {  	_ =	swait.ge [sflag:s20], $0x4000  }
0x87: {  	[sflag:s20] =	ssyncset.done $0x0  }
0x88: {  	[sflag:s20] =	ssyncadd.s32 $0xFFFFC000  }
0x89: {  	[spmem:s1] =	stream.indirect.scatter.add.f32 [tilespmem:s18], [sflag:$0x3], $0x80, s7, s16, $0xb8;
	[tilespmem:$0x1C800] =	vst v63  }
0x8a: {  	_ =	swait.ge [sflag:s14], $0x4000  }
0x8b: {  	s9 =	simm.s32 $0x80;
	s12 =	simm.s32 $0x100;
	[sflag:s14] =	ssyncset.done $0x0  }
.LBB2_4:
0x8c: {  	s5 =	sadd.s32 s9, s10  }
0x8d: {  	[sflag:s14] =	ssyncadd.s32 $0xFFFFC000;
	s8 =	smov.u32 s12;
	s24 =	sadd.s32 $0x80, s12  }
0x8e: {  	[tilespmem:s2], [sflag:$0x3] =	stream.linear.gather [hbm4b:s5+s2], $0x400, $0x38;
	[tilespmem:$0x1C800] =	vst v63  }
0x8f: {  	p0 =	sne.s32 s12, $0x200;
	_ =	swait.ge [sflag:s14], $0x400  }
0x90: {  	[sflag:s14] =	ssyncset.done $0x0  }
0x91: {  	s5 =	sadd.s32 s9, s11;
	s9 =	smov.u32 s8;
	[sflag:s14] =	ssyncadd.s32 $0xFFFFFC00  }
0x92: {  	[tilespmem:s15], [sflag:$0x3] =	stream.linear.gather [hbm4b:s5+s2], $0x400, $0x38;
	[tilespmem:$0x1C800] =	vst v63  }
0x93: {  	_ =	swait.ge [sflag:s14], $0x400  }
0x94: {  	[sflag:s14] =	ssyncset.done $0x0  }
0x95: {  	[sflag:s14] =	ssyncadd.s32 $0xFFFFFC00  }
0x96: {  	[tilespmem:s13], [sflag:$0x1] =	stream.indirect.gather [hbm4b:s4+s16], $0x80, s2, s16, $0xb8;
	[tilespmem:$0x1C800] =	vst v63  }
0x97: {  	_ =	swait.ge [sflag:s17], $0x4000  }
0x98: {  	[sflag:s17] =	ssyncset.done $0x0  }
0x99: {  	[sflag:s17] =	ssyncadd.s32 $0xFFFFC000  }
0x9a: {  	[tilespmem:s18], [sflag:$0x2] =	stream.indirect.gather [hbm4b:s4+s16], $0x80, s16, s16, $0xb8;
	[tilespmem:$0x1C800] =	vst v63  }
0x9b: {  	_ = 	snop  }
0x9c: {  	[spmem:s1] =	stream.indirect.scatter.add.f32 [tilespmem:s13], [sflag:$0x4], $0x80, s15, s16, $0xb8;
	[tilespmem:$0x1C800] =	vst v63  }
0x9d: {  	_ =	swait.ge [sflag:s19], $0x4000  }
0x9e: {  	[sflag:s19] =	ssyncset.done $0x0  }
0x9f: {  	[sflag:s19] =	ssyncadd.s32 $0xFFFFC000  }
0xa0: {  	_ =	swait.ge [sflag:s20], $0x4000  }
0xa1: {  	[sflag:s20] =	ssyncset.done $0x0  }
0xa2: {  	[sflag:s20] =	ssyncadd.s32 $0xFFFFC000  }
0xa3: {  	[tilespmem:s13], [sflag:$0x1] =	stream.indirect.gather [hbm4b:s4+s16], $0x80, s21, s16, $0xb8;
	[tilespmem:$0x1C800] =	vst v63  }
0xa4: {  	_ = 	snop  }
0xa5: {  	[spmem:s1] =	stream.indirect.scatter.add.f32 [tilespmem:s18], [sflag:$0x3], $0x80, s22, s16, $0xb8;
	[tilespmem:$0x1C800] =	vst v63  }
0xa6: {  	_ =	swait.ge [sflag:s14], $0x4000  }
0xa7: {  	[sflag:s14] =	ssyncset.done $0x0  }
0xa8: {  	[sflag:s14] =	ssyncadd.s32 $0xFFFFC000  }
0xa9: {  	_ =	swait.ge [sflag:s17], $0x4000  }
0xaa: {  	[sflag:s17] =	ssyncset.done $0x0  }
0xab: {  	[sflag:s17] =	ssyncadd.s32 $0xFFFFC000  }
0xac: {  	[tilespmem:s18], [sflag:$0x2] =	stream.indirect.gather [hbm4b:s4+s16], $0x80, s23, s16, $0xb8;
	[tilespmem:$0x1C800] =	vst v63  }
0xad: {  	_ = 	snop  }
0xae: {  	[spmem:s1] =	stream.indirect.scatter.add.f32 [tilespmem:s13], [sflag:$0x4], $0x80, s25, s16, $0xb8;
	[tilespmem:$0x1C800] =	vst v63  }
0xaf: {  	_ =	swait.ge [sflag:s19], $0x4000  }
0xb0: {  	[sflag:s19] =	ssyncset.done $0x0  }
0xb1: {  	[sflag:s19] =	ssyncadd.s32 $0xFFFFC000  }
0xb2: {  	_ =	swait.ge [sflag:s20], $0x4000  }
0xb3: {  	[sflag:s20] =	ssyncset.done $0x0  }
0xb4: {  	[sflag:s20] =	ssyncadd.s32 $0xFFFFC000  }
0xb5: {  	[tilespmem:s13], [sflag:$0x1] =	stream.indirect.gather [hbm4b:s4+s16], $0x80, s26, s16, $0xb8;
	[tilespmem:$0x1C800] =	vst v63  }
0xb6: {  	_ = 	snop  }
0xb7: {  	[spmem:s1] =	stream.indirect.scatter.add.f32 [tilespmem:s18], [sflag:$0x3], $0x80, s28, s16, $0xb8;
	[tilespmem:$0x1C800] =	vst v63  }
0xb8: {  	_ =	swait.ge [sflag:s14], $0x4000  }
0xb9: {  	[sflag:s14] =	ssyncset.done $0x0  }
0xba: {  	[sflag:s14] =	ssyncadd.s32 $0xFFFFC000  }
0xbb: {  	_ =	swait.ge [sflag:s17], $0x4000  }
0xbc: {  	[sflag:s17] =	ssyncset.done $0x0  }
0xbd: {  	[sflag:s17] =	ssyncadd.s32 $0xFFFFC000  }
0xbe: {  	[tilespmem:s18], [sflag:$0x2] =	stream.indirect.gather [hbm4b:s4+s16], $0x80, s29, s16, $0xb8;
	[tilespmem:$0x1C800] =	vst v63  }
0xbf: {  	_ = 	snop  }
0xc0: {  	[spmem:s1] =	stream.indirect.scatter.add.f32 [tilespmem:s13], [sflag:$0x4], $0x80, s30, s16, $0xb8;
	[tilespmem:$0x1C800] =	vst v63  }
0xc1: {  	_ =	swait.ge [sflag:s19], $0x4000  }
0xc2: {  	[sflag:s19] =	ssyncset.done $0x0  }
0xc3: {  	[sflag:s19] =	ssyncadd.s32 $0xFFFFC000  }
0xc4: {  	_ =	swait.ge [sflag:s20], $0x4000  }
0xc5: {  	[sflag:s20] =	ssyncset.done $0x0  }
0xc6: {  	[sflag:s20] =	ssyncadd.s32 $0xFFFFC000  }
0xc7: {  	[tilespmem:s13], [sflag:$0x1] =	stream.indirect.gather [hbm4b:s4+s16], $0x80, s31, s16, $0xb8;
	[tilespmem:$0x1C800] =	vst v63  }
0xc8: {  	_ = 	snop  }
0xc9: {  	[spmem:s1] =	stream.indirect.scatter.add.f32 [tilespmem:s18], [sflag:$0x3], $0x80, s0, s16, $0xb8;
	[tilespmem:$0x1C800] =	vst v63  }
0xca: {  	_ =	swait.ge [sflag:s14], $0x4000  }
0xcb: {  	[sflag:s14] =	ssyncset.done $0x0  }
0xcc: {  	[sflag:s14] =	ssyncadd.s32 $0xFFFFC000  }
0xcd: {  	_ =	swait.ge [sflag:s17], $0x4000  }
0xce: {  	[sflag:s17] =	ssyncset.done $0x0  }
0xcf: {  	[sflag:s17] =	ssyncadd.s32 $0xFFFFC000  }
0xd0: {  	[tilespmem:s18], [sflag:$0x2] =	stream.indirect.gather [hbm4b:s4+s16], $0x80, s3, s16, $0xb8;
	[tilespmem:$0x1C800] =	vst v63  }
0xd1: {  	_ = 	snop  }
0xd2: {  	[spmem:s1] =	stream.indirect.scatter.add.f32 [tilespmem:s13], [sflag:$0x4], $0x80, s6, s16, $0xb8;
	[tilespmem:$0x1C800] =	vst v63  }
0xd3: {  	_ =	swait.ge [sflag:s19], $0x4000  }
0xd4: {  	[sflag:s19] =	ssyncset.done $0x0  }
0xd5: {  	[sflag:s19] =	ssyncadd.s32 $0xFFFFC000  }
0xd6: {  	_ =	swait.ge [sflag:s20], $0x4000  }
.Ltmp1:
0xd7: {  	[sflag:s20] =	ssyncset.done $0x0;
	(pc) =	sbr.rel @p0 .LBB2_4-.Ltmp1, $4  }
0xd8: {  	[sflag:s20] =	ssyncadd.s32 $0xFFFFC000  }
0xd9: {  	[spmem:s1] =	stream.indirect.scatter.add.f32 [tilespmem:s18], [sflag:$0x3], $0x80, s7, s16, $0xb8;
	[tilespmem:$0x1C800] =	vst v63  }
0xda: {  	_ =	swait.ge [sflag:s14], $0x4000  }
0xdb: {  	s12 =	smov.u32 s24;
	[sflag:s14] =	ssyncset.done $0x0  }
0xdc: {  	s5 =	sadd.s32 s9, s10;
	[sflag:s14] =	ssyncadd.s32 $0xFFFFC000  }
0xdd: {  	[tilespmem:s2], [sflag:$0x3] =	stream.linear.gather [hbm4b:s5+s2], $0x400, $0x38;
	[tilespmem:$0x1C800] =	vst v63  }
0xde: {  	_ =	swait.ge [sflag:s14], $0x400  }
0xdf: {  	[sflag:s14] =	ssyncset.done $0x0  }
0xe0: {  	s8 =	sadd.s32 s9, s11;
	[sflag:s14] =	ssyncadd.s32 $0xFFFFFC00  }
0xe1: {  	[tilespmem:s15], [sflag:$0x3] =	stream.linear.gather [hbm4b:s8+s2], $0x400, $0x38;
	[tilespmem:$0x1C800] =	vst v63  }
0xe2: {  	_ =	swait.ge [sflag:s14], $0x400  }
0xe3: {  	[sflag:s14] =	ssyncset.done $0x0  }
0xe4: {  	[sflag:s14] =	ssyncadd.s32 $0xFFFFFC00  }
0xe5: {  	[tilespmem:s13], [sflag:$0x1] =	stream.indirect.gather [hbm4b:s4+s16], $0x80, s2, s16, $0xb8;
	[tilespmem:$0x1C800] =	vst v63  }
0xe6: {  	_ =	swait.ge [sflag:s17], $0x4000  }
0xe7: {  	[sflag:s17] =	ssyncset.done $0x0  }
0xe8: {  	[sflag:s17] =	ssyncadd.s32 $0xFFFFC000  }
0xe9: {  	[tilespmem:s18], [sflag:$0x2] =	stream.indirect.gather [hbm4b:s4+s16], $0x80, s16, s16, $0xb8;
	[tilespmem:$0x1C800] =	vst v63  }
0xea: {  	_ = 	snop  }
0xeb: {  	[spmem:s1] =	stream.indirect.scatter.add.f32 [tilespmem:s13], [sflag:$0x4], $0x80, s15, s16, $0xb8;
	[tilespmem:$0x1C800] =	vst v63  }
0xec: {  	_ =	swait.ge [sflag:s19], $0x4000  }
0xed: {  	[sflag:s19] =	ssyncset.done $0x0  }
0xee: {  	[sflag:s19] =	ssyncadd.s32 $0xFFFFC000  }
0xef: {  	_ =	swait.ge [sflag:s20], $0x4000  }
0xf0: {  	[sflag:s20] =	ssyncset.done $0x0  }
0xf1: {  	[sflag:s20] =	ssyncadd.s32 $0xFFFFC000  }
0xf2: {  	[tilespmem:s13], [sflag:$0x1] =	stream.indirect.gather [hbm4b:s4+s16], $0x80, s21, s16, $0xb8;
	[tilespmem:$0x1C800] =	vst v63  }
0xf3: {  	_ = 	snop  }
0xf4: {  	[spmem:s1] =	stream.indirect.scatter.add.f32 [tilespmem:s18], [sflag:$0x3], $0x80, s22, s16, $0xb8;
	[tilespmem:$0x1C800] =	vst v63  }
0xf5: {  	_ =	swait.ge [sflag:s14], $0x4000  }
0xf6: {  	[sflag:s14] =	ssyncset.done $0x0  }
0xf7: {  	[sflag:s14] =	ssyncadd.s32 $0xFFFFC000  }
0xf8: {  	_ =	swait.ge [sflag:s17], $0x4000  }
0xf9: {  	[sflag:s17] =	ssyncset.done $0x0  }
0xfa: {  	[sflag:s17] =	ssyncadd.s32 $0xFFFFC000  }
0xfb: {  	[tilespmem:s18], [sflag:$0x2] =	stream.indirect.gather [hbm4b:s4+s16], $0x80, s23, s16, $0xb8;
	[tilespmem:$0x1C800] =	vst v63  }
0xfc: {  	_ = 	snop  }
0xfd: {  	[spmem:s1] =	stream.indirect.scatter.add.f32 [tilespmem:s13], [sflag:$0x4], $0x80, s25, s16, $0xb8;
	[tilespmem:$0x1C800] =	vst v63  }
0xfe: {  	_ =	swait.ge [sflag:s19], $0x4000  }
0xff: {  	[sflag:s19] =	ssyncset.done $0x0  }
0x100: {  	[sflag:s19] =	ssyncadd.s32 $0xFFFFC000  }
0x101: {  	_ =	swait.ge [sflag:s20], $0x4000  }
0x102: {  	[sflag:s20] =	ssyncset.done $0x0  }
0x103: {  	[sflag:s20] =	ssyncadd.s32 $0xFFFFC000  }
0x104: {  	[tilespmem:s13], [sflag:$0x1] =	stream.indirect.gather [hbm4b:s4+s16], $0x80, s26, s16, $0xb8;
	[tilespmem:$0x1C800] =	vst v63  }
0x105: {  	_ = 	snop  }
0x106: {  	[spmem:s1] =	stream.indirect.scatter.add.f32 [tilespmem:s18], [sflag:$0x3], $0x80, s28, s16, $0xb8;
	[tilespmem:$0x1C800] =	vst v63  }
0x107: {  	_ =	swait.ge [sflag:s14], $0x4000  }
0x108: {  	[sflag:s14] =	ssyncset.done $0x0  }
0x109: {  	[sflag:s14] =	ssyncadd.s32 $0xFFFFC000  }
0x10a: {  	_ =	swait.ge [sflag:s17], $0x4000  }
0x10b: {  	[sflag:s17] =	ssyncset.done $0x0  }
0x10c: {  	[sflag:s17] =	ssyncadd.s32 $0xFFFFC000  }
0x10d: {  	[tilespmem:s18], [sflag:$0x2] =	stream.indirect.gather [hbm4b:s4+s16], $0x80, s29, s16, $0xb8;
	[tilespmem:$0x1C800] =	vst v63  }
0x10e: {  	_ = 	snop  }
0x10f: {  	[spmem:s1] =	stream.indirect.scatter.add.f32 [tilespmem:s13], [sflag:$0x4], $0x80, s30, s16, $0xb8;
	[tilespmem:$0x1C800] =	vst v63  }
0x110: {  	_ =	swait.ge [sflag:s19], $0x4000  }
0x111: {  	[sflag:s19] =	ssyncset.done $0x0  }
0x112: {  	[sflag:s19] =	ssyncadd.s32 $0xFFFFC000  }
0x113: {  	_ =	swait.ge [sflag:s20], $0x4000  }
0x114: {  	[sflag:s20] =	ssyncset.done $0x0  }
0x115: {  	[sflag:s20] =	ssyncadd.s32 $0xFFFFC000  }
0x116: {  	[tilespmem:s13], [sflag:$0x1] =	stream.indirect.gather [hbm4b:s4+s16], $0x80, s31, s16, $0xb8;
	[tilespmem:$0x1C800] =	vst v63  }
0x117: {  	_ = 	snop  }
0x118: {  	[spmem:s1] =	stream.indirect.scatter.add.f32 [tilespmem:s18], [sflag:$0x3], $0x80, s0, s16, $0xb8;
	[tilespmem:$0x1C800] =	vst v63  }
0x119: {  	_ =	swait.ge [sflag:s14], $0x4000  }
0x11a: {  	[sflag:s14] =	ssyncset.done $0x0  }
0x11b: {  	[sflag:s14] =	ssyncadd.s32 $0xFFFFC000  }
0x11c: {  	_ =	swait.ge [sflag:s17], $0x4000  }
0x11d: {  	[sflag:s17] =	ssyncset.done $0x0  }
0x11e: {  	[sflag:s17] =	ssyncadd.s32 $0xFFFFC000  }
0x11f: {  	[tilespmem:s18], [sflag:$0x2] =	stream.indirect.gather [hbm4b:s4+s16], $0x80, s3, s16, $0xb8;
	[tilespmem:$0x1C800] =	vst v63  }
0x120: {  	_ = 	snop  }
0x121: {  	[spmem:s1] =	stream.indirect.scatter.add.f32 [tilespmem:s13], [sflag:$0x4], $0x80, s6, s16, $0xb8;
	[tilespmem:$0x1C800] =	vst v63  }
0x122: {  	_ =	swait.ge [sflag:s19], $0x4000  }
0x123: {  	[sflag:s19] =	ssyncset.done $0x0  }
0x124: {  	[sflag:s19] =	ssyncadd.s32 $0xFFFFC000  }
0x125: {  	_ =	swait.ge [sflag:s20], $0x4000  }
0x126: {  	[sflag:s20] =	ssyncset.done $0x0  }
0x127: {  	[sflag:s20] =	ssyncadd.s32 $0xFFFFC000  }
0x128: {  	[spmem:s1] =	stream.indirect.scatter.add.f32 [tilespmem:s18], [sflag:$0x3], $0x80, s7, s16, $0xb8;
	[tilespmem:$0x1C800] =	vst v63  }
0x129: {  	_ =	swait.ge [sflag:s14], $0x4000  }
0x12a: {  	[sflag:s14] =	ssyncset.done $0x0  }
0x12b: {  	[sflag:s14] =	ssyncadd.s32 $0xFFFFC000  }
0x12c: {  	s9 =	stileid.u32;
	[bflag:$0x0] =	sbarrier.arrive $0xFFFF  }
0x12d: {  	s5 =	sshll.u32 s9, $0x6;
	s24 =	rddreg [dreg:$0x5]  }
0x12e: {  	s5 =	sor.u32 $0x1C03, s5;
	s12 =	rddreg [dreg:$0xb];
	s8 =	sshrl.u32 s24, $0x3  }
0x12f: {  	[hbm:s12], [sflag:s5] =	dma.local [spmem:s8], $0x2800  }
0x130: {  	_ =	swait.ge [sflag:s14], $0x2800  }
0x131: {  	s9 =	rddreg [dreg:$0xc]  }
0x132: {  	s12 =	rddreg [dreg:$0xa];
	s8 =	sadd.s32 $0x1, s9  }
0x133: {  	p0 =	sne.s32 s8, s12  }
.Ltmp2:
0x134: {  	_ = 	snop;
	(pc) =	sbr.rel @p0 .LBB2_1-.Ltmp2, $3  }
0x135: {  	_ =	sdelay $0x1  }
0x136: {  	[sflag:s14] =	ssyncset.done $0x0  }
0x137: {  	[sflag:s14] =	ssyncadd.s32 $0xFFFFD800  }
0x138: {  	_ =	sfence.sel $0x180000  }
0x139: {  	[bflag:$0x0] =	sbarrier.arrive $0xFFFF  }
0x13a: {  	_ =	strace $0x9000004D  }
0x13b: {  	s0 =	stileid.u32;
	[bflag:$0x2] =	sbarrier.arrive $0xFFFF  }
0x13c: {  	p0 =	sne.s32 s0, $0x0;
	s0 =	rddreg [dreg:$0x4]  }
0x13d: {  	s0 =	sadd.s32 @!p0 $0x100000, s0  }
0x13e: {  	[sflag:s0] =	ssyncadd.tile.s32 @!p0 $0x1;
	_ =	shalt  }
.Lfunc_end2:
_tile_overlayer_lowered:
.L_overlay_start_2:
0x13f: {  	(tag) =	ssettag $0x2  }
0x140: {  	s0 =	rddreg [dreg:$0x0];
	s2 =	stileid.u32  }
0x141: {  	s1 =	rddreg [dreg:$0x1];
	p0 =	sne.s32 s2, $0x0  }
0x142: {  	s3 =	rddreg [dreg:$0x2];
	[bflag:$0x3] =	sbarrier.arrive $0xFFFF;
	s2 =	simm.s32 @!p0 $0x1C03  }
0x143: {  	[timem:s3], [sflag:s2] =	dma.local @!p0 [hbm:s0], s1  }
0x144: {  	s0 =	simm.s32 @!p0 $0x3  }
0x145: {  	_ =	swait.ge @!p0 [sflag:s0], s1  }
0x146: {  	s1 =	ssub.s32 @!p0 $0x0, s1;
	[sflag:s0] =	ssyncset.done @!p0 $0x0  }
0x147: {  	[sflag:s0] =	ssyncadd.s32 @!p0 s1  }
0x148: {  	[bflag:$0x3] =	sbarrier.arrive $0xFFFF  }
0x149: {  	_ =	shalt  }

// kernel: kernel.9.cloned.1.call-start
scs
__scs_entry_jumppad:
0x0: {  	(pc) =	sbr.rel $0x88, $3  }
0x1: {  	(tag) =	ssettag $0x0;
	lr =	simm.s32 $0x1  }
0x2: {  	[smem:$0x3F9A] =	sst lr;
	_ =	strace $0xD0000000  }
0x3: {  	_ = 	snop  }
0x4: {  	_ = 	snop  }
0x5: {  	_ = 	snop  }
0x6: {  	_ = 	snop  }
0x7: {  	_ = 	snop  }
__scs_overlays_trampoline_lowered:
0x8: {  	[smem:$0x3FA9] =	sst s0  }
0x9: {  	[smem:$0x3FAA] =	sst s1  }
0xa: {  	[smem:$0x3FAB] =	sst s2  }
0xb: {  	[smem:$0x3FAC] =	sst s3  }
0xc: {  	[smem:$0x3FAD] =	sst s4  }
0xd: {  	[smem:$0x3FAE] =	sst s5  }
0xe: {  	[smem:$0x3FAF] =	sst s6  }
0xf: {  	[smem:$0x3FB0] =	sst s7  }
0x10: {  	[smem:$0x3FB1] =	sst s8  }
0x11: {  	[smem:$0x3FB2] =	sst s9;
	s0 =	simm.s32 @!p0 $0x0  }
0x12: {  	s1 =	sld [smem:$0x3F98];
	s0 =	simm.s32 @p0 $0x1  }
0x13: {  	[smem:$0x3FB3] =	sst s0;
	s0 =	simm.s32 @!p1 $0x0  }
0x14: {  	s2 =	sld [smem:$0x3F97];
	s0 =	simm.s32 @p1 $0x1  }
0x15: {  	[smem:$0x3FB4] =	sst s0;
	s0 =	simm.s32 @!p2 $0x0  }
0x16: {  	s3 =	sld [smem:$0x3FDB];
	s0 =	simm.s32 @p2 $0x1  }
0x17: {  	s4 =	simm.s32 $0x1BF5;
	[smem:$0x3FB6] =	sst s0  }
0x18: {  	s0 =	sld [smem:$0x3F99];
	_ =	swait.ge [sflag:s4], $0x0  }
0x19: {  	s7 =	sld [smem:$0x3F9A]  }
0x1a: {  	s8 =	sadd.s32 $0xFFFFE003, lr  }
0x1b: {  	s9 =	sadd.s32 $0xFFFFFEF7, lr;
	s5 =	simm.s32 $0xFFFFFFFF;
	p2 =	slt.u32 s8, $0xFFFFF086  }
0x1c: {  	p1 =	slt.u32 s9, $0xF7A;
	s5 =	simm.s32 @!p2 $0x0  }
0x1d: {  	s5 =	simm.s32 @p1 $0x1;
	p0 =	seq.s32 s7, s2  }
0x1e: {  	s7 =	smul.u32 @!p0 $0xF7A, s2;
	p2 =	seq.s32 @!p0 s5, $0x0  }
0x1f: {  	s9 =	smul.u32 $0xF7A, s1;
	s8 =	simm.s32 @!p0 $0x1BF5;
	p2 =	por !p2, p0  }
0x20: {  	[sflag:s8] =	ssyncset.s32 @!p0 $0xFFFFF086;
	s6 =	sadd.s32 @!p0 s3, s7;
	s7 =	simm.s32 @!p0 $0x108  }
0x21: {  	s3 =	sadd.s32 s3, s9;
	s6 =	sadd.s32 @!p0 $0x88, s6;
	s7 =	simm.s32 @p2 $0x1082  }
0x22: {  	[simem:s7], [sflag:s8] =	dma.local @!p0 [hbm:s6], $0xF7A  }
0x23: {  	s9 =	sor.u32 $0xD0000000, s2;
	s6 =	simm.s32 $0x108;
	_ =	swait.ge @!p0 [sflag:s8], $0x0  }
0x24: {  	s3 =	sadd.s32 $0x88, s3;
	s6 =	simm.s32 @!p1 $0x1082;
	[sflag:s4] =	ssyncset.s32 $0xFFFFF086  }
0x25: {  	[simem:s6], [sflag:s4] =	dma.local [hbm:s3], $0xF7A  }
0x26: {  	[smem:$0x3F9A] =	sst s1;
	(tag) =	ssettag s2;
	_ =	strace s9  }
0x27: {  	s1 =	sld [smem:$0x3FAA]  }
0x28: {  	s2 =	sld [smem:$0x3FAB]  }
0x29: {  	s4 =	sld [smem:$0x3FAD]  }
0x2a: {  	p0 =	seq.s32 s5, $0x0;
	s5 =	sld [smem:$0x3FAE]  }
0x2b: {  	s6 =	sld [smem:$0x3FAF]  }
0x2c: {  	s7 =	sld [smem:$0x3FB0]  }
0x2d: {  	s3 =	simm.s32 $0x108;
	s8 =	sld [smem:$0x3FB1]  }
0x2e: {  	s3 =	simm.s32 @!p0 $0x1082;
	s9 =	sld [smem:$0x3FB2]  }
0x2f: {  	lr =	sadd.s32 s0, s3;
	s0 =	sld [smem:$0x3FA9]  }
0x30: {  	s3 =	sld [smem:$0x3FAC]  }
0x31: {  	[smem:$0x3FB5] =	sst s10  }
0x32: {  	s10 =	sld [smem:$0x3FB3];
	_ =	sdelay $0x3  }
0x33: {  	p0 =	seq.s32 s10, $0x1;
	s10 =	sld [smem:$0x3FB5];
	_ =	sdelay $0x3  }
0x34: {  	[smem:$0x3FB5] =	sst s10  }
0x35: {  	s10 =	sld [smem:$0x3FB4];
	_ =	sdelay $0x3  }
0x36: {  	p1 =	seq.s32 s10, $0x1;
	s10 =	sld [smem:$0x3FB5];
	_ =	sdelay $0x3  }
0x37: {  	[smem:$0x3FB5] =	sst s10  }
0x38: {  	s10 =	sld [smem:$0x3FB6]  }
0x39: {  	_ = 	snop;
	(pc) =	sbr.ind lr, $3  }
0x3a: {  	_ = 	snop  }
0x3b: {  	_ = 	snop  }
0x3c: {  	p2 =	seq.s32 s10, $0x1;
	s10 =	sld [smem:$0x3FB5]  }
0x3d: {  	_ =	shalt  }
0x3e: {  	_ =	shalt  }
0x3f: {  	_ =	shalt  }
0x40: {  	_ =	shalt  }
0x41: {  	_ =	shalt  }
0x42: {  	_ =	shalt  }
0x43: {  	_ =	shalt  }
0x44: {  	_ =	shalt  }
0x45: {  	_ =	shalt  }
0x46: {  	_ =	shalt  }
0x47: {  	_ =	shalt  }
0x48: {  	_ =	shalt  }
0x49: {  	_ =	shalt  }
0x4a: {  	_ =	shalt  }
0x4b: {  	_ =	shalt  }
0x4c: {  	_ =	shalt  }
0x4d: {  	_ =	shalt  }
0x4e: {  	_ =	shalt  }
0x4f: {  	_ =	shalt  }
0x50: {  	_ =	shalt  }
0x51: {  	_ =	shalt  }
0x52: {  	_ =	shalt  }
0x53: {  	_ =	shalt  }
0x54: {  	_ =	shalt  }
0x55: {  	_ =	shalt  }
0x56: {  	_ =	shalt  }
0x57: {  	_ =	shalt  }
0x58: {  	_ =	shalt  }
0x59: {  	_ =	shalt  }
0x5a: {  	_ =	shalt  }
0x5b: {  	_ =	shalt  }
0x5c: {  	_ =	shalt  }
0x5d: {  	_ =	shalt  }
0x5e: {  	_ =	shalt  }
0x5f: {  	_ =	shalt  }
0x60: {  	_ =	shalt  }
0x61: {  	_ =	shalt  }
0x62: {  	_ =	shalt  }
0x63: {  	_ =	shalt  }
0x64: {  	_ =	shalt  }
0x65: {  	_ =	shalt  }
0x66: {  	_ =	shalt  }
0x67: {  	_ =	shalt  }
0x68: {  	_ =	shalt  }
0x69: {  	_ =	shalt  }
0x6a: {  	_ =	shalt  }
0x6b: {  	_ =	shalt  }
0x6c: {  	_ =	shalt  }
0x6d: {  	_ =	shalt  }
0x6e: {  	_ =	shalt  }
0x6f: {  	_ =	shalt  }
0x70: {  	_ =	shalt  }
0x71: {  	_ =	shalt  }
0x72: {  	_ =	shalt  }
0x73: {  	_ =	shalt  }
0x74: {  	_ =	shalt  }
0x75: {  	_ =	shalt  }
0x76: {  	_ =	shalt  }
0x77: {  	_ =	shalt  }
0x78: {  	_ =	shalt  }
0x79: {  	_ =	shalt  }
0x7a: {  	_ =	shalt  }
0x7b: {  	_ =	shalt  }
0x7c: {  	_ =	shalt  }
0x7d: {  	_ =	shalt  }
0x7e: {  	_ =	shalt  }
0x7f: {  	_ =	shalt  }
0x80: {  	_ =	shalt  }
0x81: {  	_ =	shalt  }
0x82: {  	_ =	shalt  }
0x83: {  	_ =	shalt  }
0x84: {  	_ =	shalt  }
0x85: {  	_ =	shalt  }
0x86: {  	_ =	shalt  }
0x87: {  	_ =	shalt  }
.Lfunc_end0:
.L_simem_size_0:
called_computation_lowered:
.L_overlay_start_0:
0x88: {  	s2 =	sld [smem:$0x3FD9]  }
0x89: {  	s3 =	sld [smem:$0x3FFE];
	_ =	sdelay $0x1  }
0x8a: {  	s1 =	srdreg.scid  }
0x8b: {  	s0 =	sand.u32 $0x1, s1  }
0x8c: {  	s15 =	sshll.u32 s0, $0xA;
	s2 =	sadd.s32 s3, s2  }
0x8d: {  	s2 =	sadd.s32 s2, s15  }
0x8e: {  	[smem:$0x3FC1] =	sst s2  }
0x8f: {  	_ = 	snop  }
0x90: {  	s2 =	sld [smem:$0x3FD0];
	_ =	sdelay $0x2  }
0x91: {  	s16 =	simm.s32 $0xA;
	s4 =	simm.s32 $0x10  }
0x92: {  	[smem:s4], [sflag:s16] =	dma.local [hbm:s2], $0x1  }
0x93: {  	_ =	swait.eq [sflag:s16], $0x1  }
0x94: {  	[sflag:s16] =	ssyncset.done $0x0  }
0x95: {  	s17 =	sld [smem:$0x12];
	[sflag:s16] =	ssyncadd.s32 $0xFFFFFFFF  }
0x96: {  	s18 =	sld [smem:$0x13];
	(tm) =	ssettm $0x1  }
0x97: {  	s19 =	sld [smem:$0x3FFB];
	_ =	sdelay $0x3  }
0x98: {  	_ =	strace s19  }
0x99: {  	s4 =	sld [smem:$0x3FFC];
	_ =	sdelay $0x3  }
0x9a: {  	_ =	strace s4  }
0x9b: {  	s4 =	sld [smem:$0x3FFD];
	_ =	sdelay $0x3  }
0x9c: {  	_ =	strace s4  }
0x9d: {  	_ =	strace $0x8FFFFFFF  }
0x9e: {  	s20 =	sld [smem:$0x3FDB];
	_ =	sdelay $0x1  }
0x9f: {  	s5 =	simm.s32 $_scs_section_size  }
0xa0: {  	s6 =	simm.s32 $_size__tile_overlayer_lowered;
	s7 =	simm.s32 $_tile_overlayer_lowered  }
0xa1: {  	s23 =	simm.s32 $0x1BFF;
	s22 =	sshll.u32 s7, $0x1;
	s4 =	sadd.s32 s5, s20  }
0xa2: {  	s8 =	simm.s32 $0x0;
	s21 =	sshll.u32 s6, $0x1;
	s6 =	sadd.s32 s22, s4  }
0xa3: {  	[timem:s8], [sflag:s23] =	dma.local [hbm:s6], s21  }
0xa4: {  	_ =	swait.ge [sflag:s23], s21  }
0xa5: {  	s5 =	ssub.s32 $0x0, s21;
	[sflag:s23] =	ssyncset.done $0x0  }
0xa6: {  	[sflag:s23] =	ssyncadd.s32 s5;
	_ =	sdelay $0x1  }
0xa7: {  	s24 =	simm.s32 $0x1B8B  }
0xa8: {  	_ =	swait.ge [sflag:s24], $0x1  }
0xa9: {  	[sflag:s24] =	ssyncset.done $0x0  }
0xaa: {  	s25 =	simm.s32 $0x1B8E;
	[sflag:s24] =	ssyncadd.s32 $0xFFFFFFFF  }
0xab: {  	s26 =	simm.s32 $execute0_lowered;
	[smem:$0x3FD2] =	sst s25  }
0xac: {  	s5 =	sshll.u32 s26, $0x1;
	_ =	strace $0x80000046;
	[dreg:$0x1] =	wrdreg $0xFFFFFFFF  }
0xad: {  	s28 =	simm.s32 $_size_execute0_lowered;
	s4 =	sadd.s32 s4, s5;
	[dreg:$0x0] =	wrdreg $0x0  }
0xae: {  	s5 =	sshll.u32 s28, $0x1;
	[dreg:$0x2] =	wrdreg s4  }
0xaf: {  	[dreg:$0x3] =	wrdreg s5  }
0xb0: {  	[dreg:$0x4] =	wrdreg $0xC0  }
0xb1: {  	_ =	task [dreg:s8], $0x5FFFF  }
0xb2: {  	[dreg:$0x1] =	wrdreg $0xFFFFFFFF  }
0xb3: {  	[dreg:$0x0] =	wrdreg $0x60  }
0xb4: {  	[dreg:$0x2] =	wrdreg s18  }
0xb5: {  	[dreg:$0x3] =	wrdreg s17  }
0xb6: {  	[dreg:$0x4] =	wrdreg $0x17000  }
0xb7: {  	[dreg:$0x5] =	wrdreg $0x9  }
0xb8: {  	_ =	task.clear_ibuf [dreg:s8], $0x6FFFF;
	_ =	strace $0x90000046  }
0xb9: {  	s29 =	simm.s32 $0x9;
	_ =	strace $0x80000048  }
0xba: {  	_ =	swait.ge [sflag:s29], $0x1  }
0xbb: {  	[sflag:s29] =	ssyncadd.s32 $0xFFFFFFFF  }
0xbc: {  	_ =	strace $0x90000048  }
0xbd: {  	_ =	sfence  }
0xbe: {  	s30 =	sld [smem:$0x0];
	_ =	sdelay $0x2  }
0xbf: {  	s31 =	sshll.u32 s1, $0xD;
	s1 =	sshrl.u32 s1, $0x2  }
0xc0: {  	s3 =	sand.u32 $0x4000, s31;
	s1 =	sadd.s32 s1, s30  }
0xc1: {  	s0 =	sor.u32 s3, s0;
	s1 =	sshll.u32 s1, $0x11  }
0xc2: {  	s0 =	sor.u32 s1, s0  }
0xc3: {  	s0 =	sadd.s32 $0x8F2B, s0  }
0xc4: {  	[sflag:s0] =	ssyncadd.remote.s32 $0x1  }
0xc5: {  	_ =	sfence.sel $0xFFFF  }
0xc6: {  	[dreg:$0x0] =	wrdreg $0xFFFFFFFF;
	(pc) =	sbr.abs _section_cstart, $3  }
0xc7: {  	[dreg:$0x1] =	wrdreg $0xFFFFFFFF  }
0xc8: {  	_ =	task.clear_ibuf [dreg:s8], $0x2FFFF;
	_ =	strace $0x9FFFFFFF  }
0xc9: {  	(tm) =	ssettm $0x7FFFFFFF  }
tec
execute0_lowered:
.L_overlay_start_1:
0x0: {  	(tag) =	ssettag $0x1  }
0x1: {  	s4 =	rddreg [dreg:$0x0]  }
0x2: {  	s6 =	rddreg [dreg:$0x1]  }
0x3: {  	s0 =	srdreg.scid;
	s2 =	rddreg [dreg:$0x2]  }
0x4: {  	s1 =	rddreg [dreg:$0x3];
	s3 =	simm.s32 $0x0;
	s14 =	simm.s32 $0x20  }
0x5: {  	s15 =	simm.s32 $0x10;
	s16 =	simm.s32 $0x0;
	s5 =	sand.u32 $0x1, s0  }
0x6: {  	s0 =	stileid.u32;
	[smem:$0x7FF] =	sst s3;
	s7 =	sshll.u32 s5, $0x4  }
0x7: {  	s5 =	ssub.s32 $0x2, s5;
	s9 =	smul.u32 $0xA00, s0;
	_ =	strace $0x80000047  }
0x8: {  	s12 =	smul.u32 $0xA0, s0;
	s13 =	sshll.u32 s0, $0x6;
	s8 =	sor.u32 s0, s7  }
0x9: {  	s10 =	sshrl.u32 s5, $0x1;
	s11 =	sadd.s32 s6, s7;
	s7 =	simm.s32 $0x1  }
0xa: {  	s8 =	smul.u32 $0x280, s8;
	s10 =	ssub.s32 s5, s10;
	s31 =	sshrl.u32 s9, $0x2  }
0xb: {  	s9 =	simm.s32 $0x80;
	s11 =	sadd.s32 s12, s11;
	s12 =	sor.u32 $0x1C01, s13  }
0xc: {  	s5 =	sadd.s32 s31, s2;
	s6 =	smax.u32 s10, $0x1;
	s10 =	simm.s32 $0x1400  }
0xd: {  	v0 =	vimm.f32 $1.000000000e+00;
	v1 =	vimm.f32 $0.0e+00;
	s4 =	sadd.s32 s4, s8;
	s8 =	simm.s32 $0x1480;
	s13 =	sshrl.u32 s5, $0x3  }
.LBB2_1:
0xe: {  	[tilespmem:s3], [sflag:$0x1] =	stream.linear.gather [hbm4b:s4+s3], $0x1400, $0x38;
	[tilespmem:$0x1980] =	vst v63  }
0xf: {  	_ =	swait.ge [sflag:s7], $0x1400  }
0x10: {  	[sflag:s7] =	ssyncset.done $0x0  }
0x11: {  	[sflag:s7] =	ssyncadd.s32 $0xFFFFEC00  }
0x12: {  	[tilespmem:$0x1400] =	vst v0  }
0x13: {  	[tilespmem:$0x1410] =	vst v0  }
0x14: {  	[tilespmem:$0x1420] =	vst v0  }
0x15: {  	[tilespmem:$0x1430] =	vst v0  }
0x16: {  	[tilespmem:$0x1440] =	vst v0  }
0x17: {  	[tilespmem:$0x1450] =	vst v0  }
0x18: {  	[tilespmem:$0x1460] =	vst v0  }
0x19: {  	[tilespmem:$0x1470] =	vst v0  }
0x1a: {  	[tilespmem:$0x1480] =	vst v1  }
0x1b: {  	[tilespmem:$0x1490] =	vst v1  }
0x1c: {  	[tilespmem:$0x14A0] =	vst v1  }
0x1d: {  	[tilespmem:$0x14B0] =	vst v1  }
0x1e: {  	[tilespmem:$0x14C0] =	vst v1  }
0x1f: {  	[tilespmem:$0x14D0] =	vst v1  }
0x20: {  	[tilespmem:$0x14E0] =	vst v1  }
0x21: {  	[tilespmem:$0x14F0] =	vst v1  }
0x22: {  	[tilespmem:$0x1500] =	vst v1  }
0x23: {  	[tilespmem:$0x1510] =	vst v1  }
0x24: {  	[tilespmem:$0x1520] =	vst v1  }
0x25: {  	[tilespmem:$0x1530] =	vst v1  }
0x26: {  	[tilespmem:$0x1540] =	vst v1  }
0x27: {  	[tilespmem:$0x1550] =	vst v1  }
0x28: {  	[tilespmem:$0x1560] =	vst v1  }
0x29: {  	[tilespmem:$0x1570] =	vst v1  }
0x2a: {  	[tilespmem:$0x1580] =	vst v1  }
0x2b: {  	[tilespmem:$0x1590] =	vst v1  }
0x2c: {  	[tilespmem:$0x15A0] =	vst v1  }
0x2d: {  	[tilespmem:$0x15B0] =	vst v1  }
0x2e: {  	[tilespmem:$0x15C0] =	vst v1  }
0x2f: {  	[tilespmem:$0x15D0] =	vst v1  }
0x30: {  	[tilespmem:$0x15E0] =	vst v1  }
0x31: {  	[tilespmem:$0x15F0] =	vst v1  }
0x32: {  	[tilespmem:$0x1600] =	vst v1  }
0x33: {  	[tilespmem:$0x1610] =	vst v1  }
0x34: {  	[tilespmem:$0x1620] =	vst v1  }
0x35: {  	[tilespmem:$0x1630] =	vst v1  }
0x36: {  	[tilespmem:$0x1640] =	vst v1  }
0x37: {  	[tilespmem:$0x1650] =	vst v1  }
0x38: {  	[tilespmem:$0x1660] =	vst v1  }
0x39: {  	[tilespmem:$0x1670] =	vst v1  }
0x3a: {  	[tilespmem:$0x1680] =	vst v1  }
0x3b: {  	[tilespmem:$0x1690] =	vst v1  }
0x3c: {  	[tilespmem:$0x16A0] =	vst v1  }
0x3d: {  	[tilespmem:$0x16B0] =	vst v1  }
0x3e: {  	[tilespmem:$0x16C0] =	vst v1  }
0x3f: {  	[tilespmem:$0x16D0] =	vst v1  }
0x40: {  	[tilespmem:$0x16E0] =	vst v1  }
0x41: {  	[tilespmem:$0x16F0] =	vst v1  }
0x42: {  	[spmem:s5] =	stream.linear.scatter [tilespmem:s8], [sflag:$0x1], $0x280, $0x38;
	[tilespmem:$0x1980] =	vst v63  }
0x43: {  	_ =	swait.ge [sflag:s7], $0x280  }
0x44: {  	[sflag:s7] =	ssyncset.done $0x0  }
0x45: {  	[sflag:s7] =	ssyncadd.s32 $0xFFFFFD80  }
0x46: {  	s17 =	simm.s32 $0x0;
	[bflag:$0x0] =	sbarrier.arrive $0xFFFF  }
0x47: {  	[spmem:s2] =	stream.indirect.scatter.add.f32 [tilespmem:s10], [sflag:$0x1], $0x1, s17, s9, $0xb8;
	[tilespmem:$0x1980] =	vst v63  }
0x48: {  	_ =	swait.ge [sflag:s7], $0x80  }
0x49: {  	s17 =	simm.s32 $0x200;
	[sflag:s7] =	ssyncset.done $0x0  }
.LBB2_2:
0x4a: {  	s18 =	sshra.s32 s17, $0x2;
	[sflag:s7] =	ssyncadd.s32 $0xFFFFFF80;
	p0 =	sne.s32 s17, $0x4E00  }
0x4b: {  	[spmem:s2] =	stream.indirect.scatter.add.f32 [tilespmem:s10], [sflag:$0x1], $0x1, s18, s9, $0xb8;
	[tilespmem:$0x1980] =	vst v63  }
.Ltmp0:
0x4c: {  	_ = 	snop;
	(pc) =	sbr.rel @p0 .LBB2_2-.Ltmp0, $4  }
0x4d: {  	_ = 	snop  }
0x4e: {  	s17 =	sadd.s32 $0x200, s17  }
0x4f: {  	_ =	swait.ge [sflag:s7], $0x80  }
0x50: {  	[sflag:s7] =	ssyncset.done $0x0  }
0x51: {  	s16 =	sadd.s32 $0x1, s16  }
0x52: {  	[sflag:s7] =	ssyncadd.s32 $0xFFFFFF80;
	p0 =	sne.s32 s16, s6  }
.Ltmp1:
0x53: {  	[bflag:$0x0] =	sbarrier.arrive $0xFFFF;
	(pc) =	sbr.rel @p0 .LBB2_1-.Ltmp1, $4  }
0x54: {  	[hbm:s11@s14], [sflag:s12] =	dma.strided [spmem:s13@s15], $0x50, s7, $0x10   }
0x55: {  	_ =	swait.ge [sflag:s7], $0x50  }
0x56: {  	[sflag:s7] =	ssyncset.done $0x0  }
0x57: {  	[sflag:s7] =	ssyncadd.s32 $0xFFFFFFB0  }
0x58: {  	_ =	sfence.sel $0x180000  }
0x59: {  	[bflag:$0x0] =	sbarrier.arrive $0xFFFF  }
0x5a: {  	p0 =	sne.s32 s0, $0x0;
	_ =	strace $0x90000047  }
0x5b: {  	s0 =	sadd.s32 @!p0 $0x100000, s1;
	[bflag:$0x2] =	sbarrier.arrive $0xFFFF  }
0x5c: {  	[sflag:s0] =	ssyncadd.tile.s32 @!p0 $0x1;
	_ =	shalt  }
.Lfunc_end2:
_tile_overlayer_lowered:
.L_overlay_start_2:
0x5d: {  	(tag) =	ssettag $0x2  }
0x5e: {  	s0 =	rddreg [dreg:$0x0];
	s2 =	stileid.u32  }
0x5f: {  	s1 =	rddreg [dreg:$0x1];
	p0 =	sne.s32 s2, $0x0  }
0x60: {  	s3 =	rddreg [dreg:$0x2];
	[bflag:$0x3] =	sbarrier.arrive $0xFFFF;
	s2 =	simm.s32 @!p0 $0x1C01  }
0x61: {  	[timem:s3], [sflag:s2] =	dma.local @!p0 [hbm:s0], s1  }
0x62: {  	s0 =	simm.s32 @!p0 $0x1  }
0x63: {  	_ =	swait.ge @!p0 [sflag:s0], s1  }
0x64: {  	s1 =	ssub.s32 @!p0 $0x0, s1;
	[sflag:s0] =	ssyncset.done @!p0 $0x0  }
0x65: {  	[sflag:s0] =	ssyncadd.s32 @!p0 s1  }
0x66: {  	[bflag:$0x3] =	sbarrier.arrive $0xFFFF  }
0x67: {  	_ =	shalt  }

</sc_bundles>
